<compile_context>
chip_gen: v7x
topology: tpu7x:2x2x1
jax: 0.10.2.dev20260603
libtpu: 0.0.44.dev20260713+nightly
codegen_flags: <defaults>
</compile_context>

<pallas_src>
import jax
import jax.numpy as jnp
from jax import lax
from jax.experimental import pallas as pl
from jax.experimental.pallas import tpu as pltpu
from jax.experimental.pallas import tpu_sc as plsc

H = 8
C = 16
NEG_SLOPE = 0.2

NC = 2
NS = 16
NW = NC * NS
K = 40
NBUF = 5


def _mm_body(x_ref, w_ref, s_ref, h_ref, a4_ref):
    hb = jnp.dot(x_ref[...], w_ref[...], preferred_element_type=jnp.float32)
    h_ref[...] = hb
    a4_ref[...] = jnp.dot(hb, s_ref[...], preferred_element_type=jnp.float32)


def _epi_body(r0_ref, r1_ref, d0_ref, d1_ref, p_ref, b_ref, o_ref):
    d = d0_ref[0] + d1_ref[0]
    den = jnp.dot(d, p_ref[...], preferred_element_type=jnp.float32) + 1e-16
    v = (r0_ref[0] + r1_ref[0]) / den + b_ref[...]
    o_ref[...] = jnp.where(v > 0, v, jnp.exp(jnp.minimum(v, 0.0)) - 1.0)


def _rowcopy_split(s, n_rows, copy_fn):
    n0 = (n_rows // NS) & ~7
    rem = n_rows - n0 * NS
    copy_fn(s * n0, n0)
    if rem:
        @pl.when(s == NS - 1)
        def _():
            copy_fn(NS * n0, rem)


def _edge_body(as_hbm, ad_hbm, h_hbm, src2_hbm, dst2_hbm,
               dpart, raw,
               srcv, dstv, rs, rd, hr, denom_sh, out_sh, isem, gsem, ssem):
    c = lax.axis_index("c")
    s = lax.axis_index("s")
    wid = c * NS + s
    nch = src2_hbm.shape[1]

    def zrow(i, acc):
        rs[0][i, :] = jnp.zeros((16,), jnp.float32)
        for q in range(H):
            hr[0][i, pl.ds(q * 16, 16)] = jnp.zeros((16,), jnp.float32)
        return acc
    lax.fori_loop(0, K, zrow, 0)

    def zero_acc(zbuf, acc_sh, r0, n):
        for q in range(0, n, K):
            m = min(K, n - q)
            pltpu.async_copy(zbuf.at[pl.ds(0, m)],
                             acc_sh.at[pl.ds(r0 + q, m)], isem[0])
    def zero16(r0, n):
        zero_acc(rs[0], denom_sh, r0, n)

    def zero128(r0, n):
        zero_acc(hr[0], out_sh, r0, n)

    def drain16(r0, n):
        for q in range(0, n, K):
            m = min(K, n - q)
            pltpu.make_async_copy(rs[0].at[pl.ds(0, m)],
                                  denom_sh.at[pl.ds(r0 + q, m)], isem[0]).wait()

    def drain128(r0, n):
        for q in range(0, n, K):
            m = min(K, n - q)
            pltpu.make_async_copy(hr[0].at[pl.ds(0, m)],
                                  out_sh.at[pl.ds(r0 + q, m)], isem[0]).wait()

    _rowcopy_split(s, denom_sh.shape[0], zero16)
    _rowcopy_split(s, out_sh.shape[0], zero128)
    _rowcopy_split(s, denom_sh.shape[0], drain16)
    _rowcopy_split(s, out_sh.shape[0], drain128)
    plsc.subcore_barrier()

    def issue_idx(j, b):
        pltpu.async_copy(src2_hbm.at[wid, j], srcv[b], isem[b])
        pltpu.async_copy(dst2_hbm.at[wid, j], dstv[b], isem[b])

    def wait_idx(j, b):
        pltpu.make_async_copy(src2_hbm.at[wid, j], srcv[b], isem[b]).wait()
        pltpu.make_async_copy(dst2_hbm.at[wid, j], dstv[b], isem[b]).wait()

    def issue_gathers(b):
        pltpu.async_copy(as_hbm.at[srcv[b]], rs[b], gsem[b])
        pltpu.async_copy(ad_hbm.at[dstv[b]], rd[b], gsem[b])
        pltpu.async_copy(h_hbm.at[srcv[b]], hr[b], gsem[b])

    def wait_gathers(b):
        pltpu.make_async_copy(as_hbm.at[srcv[b]], rs[b], gsem[b]).wait()
        pltpu.make_async_copy(ad_hbm.at[dstv[b]], rd[b], gsem[b]).wait()
        pltpu.make_async_copy(h_hbm.at[srcv[b]], hr[b], gsem[b]).wait()

    def issue_scatters(b):
        pltpu.async_copy(rs[b], denom_sh.at[dstv[b]], ssem[b], add=True)
        pltpu.async_copy(hr[b], out_sh.at[dstv[b]], ssem[b], add=True)

    def wait_scatters(b):
        pltpu.make_async_copy(rs[b], denom_sh.at[dstv[b]], ssem[b]).wait()
        pltpu.make_async_copy(hr[b], out_sh.at[dstv[b]], ssem[b]).wait()

    def compute(b):
        def edge_m(i, acc):
            a = rs[b][i, :] + rd[b][i, :]
            se = jnp.exp(jnp.maximum(a, NEG_SLOPE * a))
            rs[b][i, :] = se
            for hd in range(H):
                coefv = lax.gather(
                    se, jnp.full((16, 1), hd, dtype=jnp.int32),
                    lax.GatherDimensionNumbers(offset_dims=(),
                                               collapsed_slice_dims=(0,),
                                               start_index_map=(0,)),
                    slice_sizes=(1,),
                    mode=lax.GatherScatterMode.PROMISE_IN_BOUNDS)
                hr[b][i, pl.ds(hd * 16, 16)] = hr[b][i, pl.ds(hd * 16, 16)] * coefv
            return acc
        lax.fori_loop(0, K, edge_m, 0)

    IXL = 3
    GL = 2
    for j in range(IXL):
        issue_idx(j, j % NBUF)
    for j in range(GL):
        wait_idx(j, j % NBUF)
        issue_gathers(j % NBUF)

    def group(i, acc):
        for b in range(NBUF):
            j = i * NBUF + b
            if b >= GL:
                wait_scatters(b - GL)
            else:
                @pl.when(i >= 1)
                def _():
                    wait_scatters((b - GL) % NBUF)

            @pl.when(j + IXL < nch)
            def _():
                issue_idx(j + IXL, (b + IXL) % NBUF)

            @pl.when(j + GL < nch)
            def _():
                wait_idx(j + GL, (b + GL) % NBUF)
                issue_gathers((b + GL) % NBUF)
            wait_gathers(b)
            compute(b)
            issue_scatters(b)
        return acc
    lax.fori_loop(0, nch // NBUF, group, 0)

    for j in range(nch - GL, nch):
        wait_scatters(j % NBUF)

    plsc.subcore_barrier()
    _rowcopy_split(s, denom_sh.shape[0], lambda r0, n: pltpu.sync_copy(
        denom_sh.at[pl.ds(r0, n)], dpart.at[c, pl.ds(r0, n)]))
    _rowcopy_split(s, out_sh.shape[0], lambda r0, n: pltpu.sync_copy(
        out_sh.at[pl.ds(r0, n)], raw.at[c, pl.ds(r0, n)]))


def kernel(x, edge_index, W, att_src, att_dst, bias):
    N, D = x.shape
    E = edge_index.shape[1]
    HC = H * C
    nch = E // (NW * K)
    src2 = edge_index[0].astype(jnp.int32).reshape(NW, nch, K)
    dst2 = edge_index[1].astype(jnp.int32).reshape(NW, nch, K)

    asf = att_src.reshape(HC)
    adf = att_dst.reshape(HC)
    head_of = (jnp.arange(HC, dtype=jnp.int32) // C)
    M = (head_of[:, None] == jnp.arange(H, dtype=jnp.int32)[None, :]).astype(jnp.float32)
    S = jnp.concatenate([M * asf[:, None], M * adf[:, None],
                         M * adf[:, None], M * asf[:, None]], axis=1)
    P = jnp.concatenate([M.T, jnp.zeros((H, HC), jnp.float32)], axis=0)

    BLK = 1000
    grid = (N // BLK,)

    h, a4 = pl.pallas_call(
        _mm_body,
        grid=grid,
        in_specs=[pl.BlockSpec((BLK, D), lambda i: (i, 0)),
                  pl.BlockSpec((D, HC), lambda i: (0, 0)),
                  pl.BlockSpec((D, 2 * C), lambda i: (0, 0))],
        out_specs=[pl.BlockSpec((BLK, HC), lambda i: (i, 0)),
                   pl.BlockSpec((BLK, 2 * C), lambda i: (i, 0))],
        out_shape=[jax.ShapeDtypeStruct((N, HC), jnp.float32),
                   jax.ShapeDtypeStruct((N, 2 * C), jnp.float32)],
    )(x, W, S)

    a_sd = a4[:, :16]
    a_ds = a4[:, 16:]

    mesh = plsc.VectorSubcoreMesh(core_axis_name="c", subcore_axis_name="s",
                                  num_cores=NC, num_subcores=NS)

    dpart, raw = pl.kernel(
        _edge_body,
        out_type=(jax.ShapeDtypeStruct((NC, N, 16), jnp.float32),
                  jax.ShapeDtypeStruct((NC, N, HC), jnp.float32)),
        mesh=mesh,
        compiler_params=pltpu.CompilerParams(use_tc_tiling_on_sc=False),
        scratch_types=[
            [pltpu.VMEM((K,), jnp.int32)] * NBUF,
            [pltpu.VMEM((K,), jnp.int32)] * NBUF,
            [pltpu.VMEM((K, 16), jnp.float32)] * NBUF,
            [pltpu.VMEM((K, 16), jnp.float32)] * NBUF,
            [pltpu.VMEM((K, HC), jnp.float32)] * NBUF,
            pltpu.VMEM_SHARED((N, 16), jnp.float32),
            pltpu.VMEM_SHARED((N, HC), jnp.float32),
            [pltpu.SemaphoreType.DMA] * NBUF,
            [pltpu.SemaphoreType.DMA] * NBUF,
            [pltpu.SemaphoreType.DMA] * NBUF,
        ],
    )(a_sd, a_ds, h, src2, dst2)

    bias2d = bias.reshape(1, HC)
    out = pl.pallas_call(
        _epi_body,
        grid=grid,
        in_specs=[pl.BlockSpec((1, BLK, HC), lambda i: (0, i, 0)),
                  pl.BlockSpec((1, BLK, HC), lambda i: (1, i, 0)),
                  pl.BlockSpec((1, BLK, C), lambda i: (0, i, 0)),
                  pl.BlockSpec((1, BLK, C), lambda i: (1, i, 0)),
                  pl.BlockSpec((C, HC), lambda i: (0, 0)),
                  pl.BlockSpec((1, HC), lambda i: (0, 0))],
        out_specs=pl.BlockSpec((BLK, HC), lambda i: (i, 0)),
        out_shape=jax.ShapeDtypeStruct((N, HC), jnp.float32),
    )(raw, raw, dpart, dpart, P, bias2d)
    return out

# --- scband reference (transcript-rebuilt; emitter-appended) ---
"""Pipeline reference for scband-gatlayer-21655225106563 (READ-ONLY COPY).

The authoritative reference and input builder live on the scoring server;
editing this copy changes nothing except your own understanding.
"""

import jax, jax.numpy as jnp
import numpy as np

H = 8
C = 16  # output_dim // heads = 128 // 8
NEG_SLOPE = 0.2

def setup_inputs(seed: int = 0) -> dict:
    key = jax.random.key(seed)
    ks = jax.random.split(key, 6)
    N, E, D = 10000, 320000, 128
    x = jax.random.normal(ks[0], (N, D), dtype=jnp.float32)
    edge_index = jax.random.randint(ks[1], (2, E), 0, N)
    W = jax.random.normal(ks[2], (D, H * C), dtype=jnp.float32) * (1.0 / np.sqrt(D))
    att_src = jax.random.normal(ks[3], (1, H, C), dtype=jnp.float32) * 0.1
    att_dst = jax.random.normal(ks[4], (1, H, C), dtype=jnp.float32) * 0.1
    bias = jnp.zeros((H * C,), dtype=jnp.float32)
    return {"x": x, "edge_index": edge_index, "W": W, "att_src": att_src, "att_dst": att_dst, "bias": bias}

def reference(x, edge_index, W, att_src, att_dst, bias):
    # GATConv (PyG semantics, add_self_loops=False, dropout=0) followed by ELU
    N = x.shape[0]
    h = (x @ W).reshape(N, H, C)                      # [N, H, C]
    a_src = jnp.sum(h * att_src, axis=-1)             # [N, H]
    a_dst = jnp.sum(h * att_dst, axis=-1)             # [N, H]
    src = edge_index[0]
    dst = edge_index[1]
    alpha = a_src[src] + a_dst[dst]                   # [E, H]
    alpha = jax.nn.leaky_relu(alpha, NEG_SLOPE)
    # softmax over incoming edges per destination node
    amax = jax.ops.segment_max(alpha, dst, num_segments=N)
    amax = jnp.where(jnp.isfinite(amax), amax, 0.0)
    amax = jax.lax.stop_gradient(amax)
    ex = jnp.exp(alpha - amax[dst])                   # [E, H]
    denom = jax.ops.segment_sum(ex, dst, num_segments=N)  # [N, H]
    coef = ex / (denom[dst] + 1e-16)                  # [E, H]
    msg = h[src] * coef[:, :, None]                   # [E, H, C]
    out = jax.ops.segment_sum(msg, dst, num_segments=N)   # [N, H, C]
    out = out.reshape(N, H * C) + bias                # concat heads + bias
    return jax.nn.elu(out)

if __name__ == "__main__":
    import jax
    _d = setup_inputs()
    print(jax.jit(kernel)(*tuple(_d.values())))

</pallas_src>

<mosaic_0001>
#map = affine_map<(d0, d1) -> (0, 0)>
#map1 = affine_map<(d0, d1) -> (0, 0, 0)>
module attributes {stable_mosaic.version = 14 : i64} {
  func.func @_edge_body(%arg0: i32, %arg1: i32, %arg2: memref<10000x16xf32, #tpu.memory_space<hbm>>, %arg3: memref<10000x16xf32, #tpu.memory_space<hbm>>, %arg4: memref<10000x128xf32, #tpu.memory_space<hbm>>, %arg5: memref<32x250x40xi32, #tpu.memory_space<hbm>>, %arg6: memref<32x250x40xi32, #tpu.memory_space<hbm>>, %arg7: memref<2x10000x16xf32, #tpu.memory_space<hbm>>, %arg8: memref<2x10000x128xf32, #tpu.memory_space<hbm>>, %arg9: memref<40xi32, #tpu.memory_space<vmem>>, %arg10: memref<40xi32, #tpu.memory_space<vmem>>, %arg11: memref<40xi32, #tpu.memory_space<vmem>>, %arg12: memref<40xi32, #tpu.memory_space<vmem>>, %arg13: memref<40xi32, #tpu.memory_space<vmem>>, %arg14: memref<40xi32, #tpu.memory_space<vmem>>, %arg15: memref<40xi32, #tpu.memory_space<vmem>>, %arg16: memref<40xi32, #tpu.memory_space<vmem>>, %arg17: memref<40xi32, #tpu.memory_space<vmem>>, %arg18: memref<40xi32, #tpu.memory_space<vmem>>, %arg19: memref<40x16xf32, #tpu.memory_space<vmem>>, %arg20: memref<40x16xf32, #tpu.memory_space<vmem>>, %arg21: memref<40x16xf32, #tpu.memory_space<vmem>>, %arg22: memref<40x16xf32, #tpu.memory_space<vmem>>, %arg23: memref<40x16xf32, #tpu.memory_space<vmem>>, %arg24: memref<40x16xf32, #tpu.memory_space<vmem>>, %arg25: memref<40x16xf32, #tpu.memory_space<vmem>>, %arg26: memref<40x16xf32, #tpu.memory_space<vmem>>, %arg27: memref<40x16xf32, #tpu.memory_space<vmem>>, %arg28: memref<40x16xf32, #tpu.memory_space<vmem>>, %arg29: memref<40x128xf32, #tpu.memory_space<vmem>>, %arg30: memref<40x128xf32, #tpu.memory_space<vmem>>, %arg31: memref<40x128xf32, #tpu.memory_space<vmem>>, %arg32: memref<40x128xf32, #tpu.memory_space<vmem>>, %arg33: memref<40x128xf32, #tpu.memory_space<vmem>>, %arg34: memref<10000x16xf32, #tpu.memory_space<vmem_shared>>, %arg35: memref<10000x128xf32, #tpu.memory_space<vmem_shared>>, %arg36: memref<!tpu.dma_semaphore, #tpu.memory_space<semaphore_mem>>, %arg37: memref<!tpu.dma_semaphore, #tpu.memory_space<semaphore_mem>>, %arg38: memref<!tpu.dma_semaphore, #tpu.memory_space<semaphore_mem>>, %arg39: memref<!tpu.dma_semaphore, #tpu.memory_space<semaphore_mem>>, %arg40: memref<!tpu.dma_semaphore, #tpu.memory_space<semaphore_mem>>, %arg41: memref<!tpu.dma_semaphore, #tpu.memory_space<semaphore_mem>>, %arg42: memref<!tpu.dma_semaphore, #tpu.memory_space<semaphore_mem>>, %arg43: memref<!tpu.dma_semaphore, #tpu.memory_space<semaphore_mem>>, %arg44: memref<!tpu.dma_semaphore, #tpu.memory_space<semaphore_mem>>, %arg45: memref<!tpu.dma_semaphore, #tpu.memory_space<semaphore_mem>>, %arg46: memref<!tpu.dma_semaphore, #tpu.memory_space<semaphore_mem>>, %arg47: memref<!tpu.dma_semaphore, #tpu.memory_space<semaphore_mem>>, %arg48: memref<!tpu.dma_semaphore, #tpu.memory_space<semaphore_mem>>, %arg49: memref<!tpu.dma_semaphore, #tpu.memory_space<semaphore_mem>>, %arg50: memref<!tpu.dma_semaphore, #tpu.memory_space<semaphore_mem>>) attributes {dimension_semantics = [#tpu.dimension_semantics<core_parallel>, #tpu.dimension_semantics<subcore_parallel>], iteration_bounds = array<i64: 2, 16>, scalar_prefetch = 0 : i64, scratch_operands = 42 : i64, tpu.core_type = #tpu.core_type<sc_vector_subcore>, window_params = [{transform_indices = #map}, {transform_indices = #map}, {transform_indices = #map}, {transform_indices = #map1}, {transform_indices = #map1}, {transform_indices = #map1}, {transform_indices = #map1}]} {
    %mul3A = arith.constant 16 : i32
    %mul3A_0 = arith.muli %arg0, %mul3A : i32
    %add3A = arith.addi %mul3A_0, %arg1 : i32
    %scan3A = arith.constant 0 : i32
    %scan3A_1 = arith.constant 0 : i32
    %scan3A_2 = arith.constant 40 : i32
    %scan3A_3 = arith.addi %scan3A_1, %scan3A_2 : i32
    %scan3A_4 = arith.constant 1 : i32
    scf.for %scan3A_918 = %scan3A_1 to %scan3A_3 step %scan3A_4  : i32 {
      %broadcast_in_dim3A = arith.constant 0.000000e+00 : f32
      %broadcast_in_dim3A_919 = vector.broadcast %broadcast_in_dim3A : f32 to vector<16xf32>
      %swap3A = arith.index_cast %scan3A_918 : i32 to index
      %swap3A_920 = arith.constant 0 : index
      %swap3A_921 = tpu.vector_load %arg19[%swap3A, %swap3A_920] {strides = array<i32>} : memref<40x16xf32, #tpu.memory_space<vmem>>, vector<1x16xf32>,
      %swap3A_922 = vector.shape_cast %swap3A_921 : vector<1x16xf32> to vector<16xf32>
      %swap3A_923 = vector.shape_cast %broadcast_in_dim3A_919 : vector<16xf32> to vector<1x16xf32>
      tpu.vector_store %arg19[%swap3A, %swap3A_920], %swap3A_923 {strides = array<i32>} : memref<40x16xf32, #tpu.memory_space<vmem>>, vector<1x16xf32>,
      %broadcast_in_dim3A_924 = arith.constant 0.000000e+00 : f32
      %broadcast_in_dim3A_925 = vector.broadcast %broadcast_in_dim3A_924 : f32 to vector<16xf32>
      %swap3A_926 = arith.index_cast %scan3A_918 : i32 to index
      %swap3A_927 = arith.constant 0 : index
      %swap3A_928 = tpu.vector_load %arg29[%swap3A_926, %swap3A_927] {strides = array<i32>} : memref<40x128xf32, #tpu.memory_space<vmem>>, vector<1x16xf32>,
      %swap3A_929 = vector.shape_cast %swap3A_928 : vector<1x16xf32> to vector<16xf32>
      %swap3A_930 = vector.shape_cast %broadcast_in_dim3A_925 : vector<16xf32> to vector<1x16xf32>
      tpu.vector_store %arg29[%swap3A_926, %swap3A_927], %swap3A_930 {strides = array<i32>} : memref<40x128xf32, #tpu.memory_space<vmem>>, vector<1x16xf32>,
      %broadcast_in_dim3A_931 = arith.constant 0.000000e+00 : f32
      %broadcast_in_dim3A_932 = vector.broadcast %broadcast_in_dim3A_931 : f32 to vector<16xf32>
      %swap3A_933 = arith.index_cast %scan3A_918 : i32 to index
      %swap3A_934 = arith.constant 16 : index
      %swap3A_935 = tpu.vector_load %arg29[%swap3A_933, %swap3A_934] {strides = array<i32>} : memref<40x128xf32, #tpu.memory_space<vmem>>, vector<1x16xf32>,
      %swap3A_936 = vector.shape_cast %swap3A_935 : vector<1x16xf32> to vector<16xf32>
      %swap3A_937 = vector.shape_cast %broadcast_in_dim3A_932 : vector<16xf32> to vector<1x16xf32>
      tpu.vector_store %arg29[%swap3A_933, %swap3A_934], %swap3A_937 {strides = array<i32>} : memref<40x128xf32, #tpu.memory_space<vmem>>, vector<1x16xf32>,
      %broadcast_in_dim3A_938 = arith.constant 0.000000e+00 : f32
      %broadcast_in_dim3A_939 = vector.broadcast %broadcast_in_dim3A_938 : f32 to vector<16xf32>
      %swap3A_940 = arith.index_cast %scan3A_918 : i32 to index
      %swap3A_941 = arith.constant 32 : index
      %swap3A_942 = tpu.vector_load %arg29[%swap3A_940, %swap3A_941] {strides = array<i32>} : memref<40x128xf32, #tpu.memory_space<vmem>>, vector<1x16xf32>,
      %swap3A_943 = vector.shape_cast %swap3A_942 : vector<1x16xf32> to vector<16xf32>
      %swap3A_944 = vector.shape_cast %broadcast_in_dim3A_939 : vector<16xf32> to vector<1x16xf32>
      tpu.vector_store %arg29[%swap3A_940, %swap3A_941], %swap3A_944 {strides = array<i32>} : memref<40x128xf32, #tpu.memory_space<vmem>>, vector<1x16xf32>,
      %broadcast_in_dim3A_945 = arith.constant 0.000000e+00 : f32
      %broadcast_in_dim3A_946 = vector.broadcast %broadcast_in_dim3A_945 : f32 to vector<16xf32>
      %swap3A_947 = arith.index_cast %scan3A_918 : i32 to index
      %swap3A_948 = arith.constant 48 : index
      %swap3A_949 = tpu.vector_load %arg29[%swap3A_947, %swap3A_948] {strides = array<i32>} : memref<40x128xf32, #tpu.memory_space<vmem>>, vector<1x16xf32>,
      %swap3A_950 = vector.shape_cast %swap3A_949 : vector<1x16xf32> to vector<16xf32>
      %swap3A_951 = vector.shape_cast %broadcast_in_dim3A_946 : vector<16xf32> to vector<1x16xf32>
      tpu.vector_store %arg29[%swap3A_947, %swap3A_948], %swap3A_951 {strides = array<i32>} : memref<40x128xf32, #tpu.memory_space<vmem>>, vector<1x16xf32>,
      %broadcast_in_dim3A_952 = arith.constant 0.000000e+00 : f32
      %broadcast_in_dim3A_953 = vector.broadcast %broadcast_in_dim3A_952 : f32 to vector<16xf32>
      %swap3A_954 = arith.index_cast %scan3A_918 : i32 to index
      %swap3A_955 = arith.constant 64 : index
      %swap3A_956 = tpu.vector_load %arg29[%swap3A_954, %swap3A_955] {strides = array<i32>} : memref<40x128xf32, #tpu.memory_space<vmem>>, vector<1x16xf32>,
      %swap3A_957 = vector.shape_cast %swap3A_956 : vector<1x16xf32> to vector<16xf32>
      %swap3A_958 = vector.shape_cast %broadcast_in_dim3A_953 : vector<16xf32> to vector<1x16xf32>
      tpu.vector_store %arg29[%swap3A_954, %swap3A_955], %swap3A_958 {strides = array<i32>} : memref<40x128xf32, #tpu.memory_space<vmem>>, vector<1x16xf32>,
      %broadcast_in_dim3A_959 = arith.constant 0.000000e+00 : f32
      %broadcast_in_dim3A_960 = vector.broadcast %broadcast_in_dim3A_959 : f32 to vector<16xf32>
      %swap3A_961 = arith.index_cast %scan3A_918 : i32 to index
      %swap3A_962 = arith.constant 80 : index
      %swap3A_963 = tpu.vector_load %arg29[%swap3A_961, %swap3A_962] {strides = array<i32>} : memref<40x128xf32, #tpu.memory_space<vmem>>, vector<1x16xf32>,
      %swap3A_964 = vector.shape_cast %swap3A_963 : vector<1x16xf32> to vector<16xf32>
      %swap3A_965 = vector.shape_cast %broadcast_in_dim3A_960 : vector<16xf32> to vector<1x16xf32>
      tpu.vector_store %arg29[%swap3A_961, %swap3A_962], %swap3A_965 {strides = array<i32>} : memref<40x128xf32, #tpu.memory_space<vmem>>, vector<1x16xf32>,
      %broadcast_in_dim3A_966 = arith.constant 0.000000e+00 : f32
      %broadcast_in_dim3A_967 = vector.broadcast %broadcast_in_dim3A_966 : f32 to vector<16xf32>
      %swap3A_968 = arith.index_cast %scan3A_918 : i32 to index
      %swap3A_969 = arith.constant 96 : index
      %swap3A_970 = tpu.vector_load %arg29[%swap3A_968, %swap3A_969] {strides = array<i32>} : memref<40x128xf32, #tpu.memory_space<vmem>>, vector<1x16xf32>,
      %swap3A_971 = vector.shape_cast %swap3A_970 : vector<1x16xf32> to vector<16xf32>
      %swap3A_972 = vector.shape_cast %broadcast_in_dim3A_967 : vector<16xf32> to vector<1x16xf32>
      tpu.vector_store %arg29[%swap3A_968, %swap3A_969], %swap3A_972 {strides = array<i32>} : memref<40x128xf32, #tpu.memory_space<vmem>>, vector<1x16xf32>,
      %broadcast_in_dim3A_973 = arith.constant 0.000000e+00 : f32
      %broadcast_in_dim3A_974 = vector.broadcast %broadcast_in_dim3A_973 : f32 to vector<16xf32>
      %swap3A_975 = arith.index_cast %scan3A_918 : i32 to index
      %swap3A_976 = arith.constant 112 : index
      %swap3A_977 = tpu.vector_load %arg29[%swap3A_975, %swap3A_976] {strides = array<i32>} : memref<40x128xf32, #tpu.memory_space<vmem>>, vector<1x16xf32>,
      %swap3A_978 = vector.shape_cast %swap3A_977 : vector<1x16xf32> to vector<16xf32>
      %swap3A_979 = vector.shape_cast %broadcast_in_dim3A_974 : vector<16xf32> to vector<1x16xf32>
      tpu.vector_store %arg29[%swap3A_975, %swap3A_976], %swap3A_979 {strides = array<i32>} : memref<40x128xf32, #tpu.memory_space<vmem>>, vector<1x16xf32>,
    }
    %scan3A_5 = arith.constant 40 : i32
    %mul3A_6 = arith.constant 624 : i32
    %mul3A_7 = arith.muli %arg1, %mul3A_6 : i32
    %add3A_8 = arith.constant 0 : i32
    %add3A_9 = arith.addi %mul3A_7, %add3A_8 : i32
    %dma_start3A = arith.constant 0 : i32
    %dma_start3A_10 = arith.constant 0 : i32
    %dma_start3A_11 = tpu.memref_slice %arg19[%dma_start3A, %dma_start3A_10] : memref<40x16xf32, #tpu.memory_space<vmem>> -> memref<40x16xf32, #tpu.memory_space<vmem>>
    %dma_start3A_12 = arith.constant 0 : i32
    %dma_start3A_13 = tpu.memref_slice %arg34[%add3A_9, %dma_start3A_12] : memref<10000x16xf32, #tpu.memory_space<vmem_shared>> -> memref<40x16xf32, #tpu.memory_space<vmem_shared>>
    %dma_start3A_14 = arith.constant 0 : i32
    %dma_start3A_15 = tpu.memref_slice %arg34[%add3A_9, %dma_start3A_14] : memref<10000x16xf32, #tpu.memory_space<vmem_shared>> -> memref<40x16xf32, #tpu.memory_space<vmem_shared>>
    %dma_start3A_16 = arith.constant 0 : i32
    %dma_start3A_17 = arith.constant 0 : i32
    %dma_start3A_18 = tpu.memref_slice %arg19[%dma_start3A_16, %dma_start3A_17] : memref<40x16xf32, #tpu.memory_space<vmem>> -> memref<40x16xf32, #tpu.memory_space<vmem>>
    tpu.enqueue_dma source(%dma_start3A_18 : memref<40x16xf32, #tpu.memory_space<vmem>>) target(%dma_start3A_15 : memref<40x16xf32, #tpu.memory_space<vmem_shared>>) target_semaphore(%arg36 : memref<!tpu.dma_semaphore, #tpu.memory_space<semaphore_mem>>)
    %add3A_19 = arith.constant 40 : i32
    %add3A_20 = arith.addi %mul3A_7, %add3A_19 : i32
    %dma_start3A_21 = arith.constant 0 : i32
    %dma_start3A_22 = arith.constant 0 : i32
    %dma_start3A_23 = tpu.memref_slice %arg19[%dma_start3A_21, %dma_start3A_22] : memref<40x16xf32, #tpu.memory_space<vmem>> -> memref<40x16xf32, #tpu.memory_space<vmem>>
    %dma_start3A_24 = arith.constant 0 : i32
    %dma_start3A_25 = tpu.memref_slice %arg34[%add3A_20, %dma_start3A_24] : memref<10000x16xf32, #tpu.memory_space<vmem_shared>> -> memref<40x16xf32, #tpu.memory_space<vmem_shared>>
    %dma_start3A_26 = arith.constant 0 : i32
    %dma_start3A_27 = tpu.memref_slice %arg34[%add3A_20, %dma_start3A_26] : memref<10000x16xf32, #tpu.memory_space<vmem_shared>> -> memref<40x16xf32, #tpu.memory_space<vmem_shared>>
    %dma_start3A_28 = arith.constant 0 : i32
    %dma_start3A_29 = arith.constant 0 : i32
    %dma_start3A_30 = tpu.memref_slice %arg19[%dma_start3A_28, %dma_start3A_29] : memref<40x16xf32, #tpu.memory_space<vmem>> -> memref<40x16xf32, #tpu.memory_space<vmem>>
    tpu.enqueue_dma source(%dma_start3A_30 : memref<40x16xf32, #tpu.memory_space<vmem>>) target(%dma_start3A_27 : memref<40x16xf32, #tpu.memory_space<vmem_shared>>) target_semaphore(%arg36 : memref<!tpu.dma_semaphore, #tpu.memory_space<semaphore_mem>>)
    %add3A_31 = arith.constant 80 : i32
    %add3A_32 = arith.addi %mul3A_7, %add3A_31 : i32
    %dma_start3A_33 = arith.constant 0 : i32
    %dma_start3A_34 = arith.constant 0 : i32
    %dma_start3A_35 = tpu.memref_slice %arg19[%dma_start3A_33, %dma_start3A_34] : memref<40x16xf32, #tpu.memory_space<vmem>> -> memref<40x16xf32, #tpu.memory_space<vmem>>
    %dma_start3A_36 = arith.constant 0 : i32
    %dma_start3A_37 = tpu.memref_slice %arg34[%add3A_32, %dma_start3A_36] : memref<10000x16xf32, #tpu.memory_space<vmem_shared>> -> memref<40x16xf32, #tpu.memory_space<vmem_shared>>
    %dma_start3A_38 = arith.constant 0 : i32
    %dma_start3A_39 = tpu.memref_slice %arg34[%add3A_32, %dma_start3A_38] : memref<10000x16xf32, #tpu.memory_space<vmem_shared>> -> memref<40x16xf32, #tpu.memory_space<vmem_shared>>
    %dma_start3A_40 = arith.constant 0 : i32
    %dma_start3A_41 = arith.constant 0 : i32
    %dma_start3A_42 = tpu.memref_slice %arg19[%dma_start3A_40, %dma_start3A_41] : memref<40x16xf32, #tpu.memory_space<vmem>> -> memref<40x16xf32, #tpu.memory_space<vmem>>
    tpu.enqueue_dma source(%dma_start3A_42 : memref<40x16xf32, #tpu.memory_space<vmem>>) target(%dma_start3A_39 : memref<40x16xf32, #tpu.memory_space<vmem_shared>>) target_semaphore(%arg36 : memref<!tpu.dma_semaphore, #tpu.memory_space<semaphore_mem>>)
    %add3A_43 = arith.constant 120 : i32
    %add3A_44 = arith.addi %mul3A_7, %add3A_43 : i32
    %dma_start3A_45 = arith.constant 0 : i32
    %dma_start3A_46 = arith.constant 0 : i32
    %dma_start3A_47 = tpu.memref_slice %arg19[%dma_start3A_45, %dma_start3A_46] : memref<40x16xf32, #tpu.memory_space<vmem>> -> memref<40x16xf32, #tpu.memory_space<vmem>>
    %dma_start3A_48 = arith.constant 0 : i32
    %dma_start3A_49 = tpu.memref_slice %arg34[%add3A_44, %dma_start3A_48] : memref<10000x16xf32, #tpu.memory_space<vmem_shared>> -> memref<40x16xf32, #tpu.memory_space<vmem_shared>>
    %dma_start3A_50 = arith.constant 0 : i32
    %dma_start3A_51 = tpu.memref_slice %arg34[%add3A_44, %dma_start3A_50] : memref<10000x16xf32, #tpu.memory_space<vmem_shared>> -> memref<40x16xf32, #tpu.memory_space<vmem_shared>>
    %dma_start3A_52 = arith.constant 0 : i32
    %dma_start3A_53 = arith.constant 0 : i32
    %dma_start3A_54 = tpu.memref_slice %arg19[%dma_start3A_52, %dma_start3A_53] : memref<40x16xf32, #tpu.memory_space<vmem>> -> memref<40x16xf32, #tpu.memory_space<vmem>>
    tpu.enqueue_dma source(%dma_start3A_54 : memref<40x16xf32, #tpu.memory_space<vmem>>) target(%dma_start3A_51 : memref<40x16xf32, #tpu.memory_space<vmem_shared>>) target_semaphore(%arg36 : memref<!tpu.dma_semaphore, #tpu.memory_space<semaphore_mem>>)
    %add3A_55 = arith.constant 160 : i32
    %add3A_56 = arith.addi %mul3A_7, %add3A_55 : i32
    %dma_start3A_57 = arith.constant 0 : i32
    %dma_start3A_58 = arith.constant 0 : i32
    %dma_start3A_59 = tpu.memref_slice %arg19[%dma_start3A_57, %dma_start3A_58] : memref<40x16xf32, #tpu.memory_space<vmem>> -> memref<40x16xf32, #tpu.memory_space<vmem>>
    %dma_start3A_60 = arith.constant 0 : i32
    %dma_start3A_61 = tpu.memref_slice %arg34[%add3A_56, %dma_start3A_60] : memref<10000x16xf32, #tpu.memory_space<vmem_shared>> -> memref<40x16xf32, #tpu.memory_space<vmem_shared>>
    %dma_start3A_62 = arith.constant 0 : i32
    %dma_start3A_63 = tpu.memref_slice %arg34[%add3A_56, %dma_start3A_62] : memref<10000x16xf32, #tpu.memory_space<vmem_shared>> -> memref<40x16xf32, #tpu.memory_space<vmem_shared>>
    %dma_start3A_64 = arith.constant 0 : i32
    %dma_start3A_65 = arith.constant 0 : i32
    %dma_start3A_66 = tpu.memref_slice %arg19[%dma_start3A_64, %dma_start3A_65] : memref<40x16xf32, #tpu.memory_space<vmem>> -> memref<40x16xf32, #tpu.memory_space<vmem>>
    tpu.enqueue_dma source(%dma_start3A_66 : memref<40x16xf32, #tpu.memory_space<vmem>>) target(%dma_start3A_63 : memref<40x16xf32, #tpu.memory_space<vmem_shared>>) target_semaphore(%arg36 : memref<!tpu.dma_semaphore, #tpu.memory_space<semaphore_mem>>)
    %add3A_67 = arith.constant 200 : i32
    %add3A_68 = arith.addi %mul3A_7, %add3A_67 : i32
    %dma_start3A_69 = arith.constant 0 : i32
    %dma_start3A_70 = arith.constant 0 : i32
    %dma_start3A_71 = tpu.memref_slice %arg19[%dma_start3A_69, %dma_start3A_70] : memref<40x16xf32, #tpu.memory_space<vmem>> -> memref<40x16xf32, #tpu.memory_space<vmem>>
    %dma_start3A_72 = arith.constant 0 : i32
    %dma_start3A_73 = tpu.memref_slice %arg34[%add3A_68, %dma_start3A_72] : memref<10000x16xf32, #tpu.memory_space<vmem_shared>> -> memref<40x16xf32, #tpu.memory_space<vmem_shared>>
    %dma_start3A_74 = arith.constant 0 : i32
    %dma_start3A_75 = tpu.memref_slice %arg34[%add3A_68, %dma_start3A_74] : memref<10000x16xf32, #tpu.memory_space<vmem_shared>> -> memref<40x16xf32, #tpu.memory_space<vmem_shared>>
    %dma_start3A_76 = arith.constant 0 : i32
    %dma_start3A_77 = arith.constant 0 : i32
    %dma_start3A_78 = tpu.memref_slice %arg19[%dma_start3A_76, %dma_start3A_77] : memref<40x16xf32, #tpu.memory_space<vmem>> -> memref<40x16xf32, #tpu.memory_space<vmem>>
    tpu.enqueue_dma source(%dma_start3A_78 : memref<40x16xf32, #tpu.memory_space<vmem>>) target(%dma_start3A_75 : memref<40x16xf32, #tpu.memory_space<vmem_shared>>) target_semaphore(%arg36 : memref<!tpu.dma_semaphore, #tpu.memory_space<semaphore_mem>>)
    %add3A_79 = arith.constant 240 : i32
    %add3A_80 = arith.addi %mul3A_7, %add3A_79 : i32
    %dma_start3A_81 = arith.constant 0 : i32
    %dma_start3A_82 = arith.constant 0 : i32
    %dma_start3A_83 = tpu.memref_slice %arg19[%dma_start3A_81, %dma_start3A_82] : memref<40x16xf32, #tpu.memory_space<vmem>> -> memref<40x16xf32, #tpu.memory_space<vmem>>
    %dma_start3A_84 = arith.constant 0 : i32
    %dma_start3A_85 = tpu.memref_slice %arg34[%add3A_80, %dma_start3A_84] : memref<10000x16xf32, #tpu.memory_space<vmem_shared>> -> memref<40x16xf32, #tpu.memory_space<vmem_shared>>
    %dma_start3A_86 = arith.constant 0 : i32
    %dma_start3A_87 = tpu.memref_slice %arg34[%add3A_80, %dma_start3A_86] : memref<10000x16xf32, #tpu.memory_space<vmem_shared>> -> memref<40x16xf32, #tpu.memory_space<vmem_shared>>
    %dma_start3A_88 = arith.constant 0 : i32
    %dma_start3A_89 = arith.constant 0 : i32
    %dma_start3A_90 = tpu.memref_slice %arg19[%dma_start3A_88, %dma_start3A_89] : memref<40x16xf32, #tpu.memory_space<vmem>> -> memref<40x16xf32, #tpu.memory_space<vmem>>
    tpu.enqueue_dma source(%dma_start3A_90 : memref<40x16xf32, #tpu.memory_space<vmem>>) target(%dma_start3A_87 : memref<40x16xf32, #tpu.memory_space<vmem_shared>>) target_semaphore(%arg36 : memref<!tpu.dma_semaphore, #tpu.memory_space<semaphore_mem>>)
    %add3A_91 = arith.constant 280 : i32
    %add3A_92 = arith.addi %mul3A_7, %add3A_91 : i32
    %dma_start3A_93 = arith.constant 0 : i32
    %dma_start3A_94 = arith.constant 0 : i32
    %dma_start3A_95 = tpu.memref_slice %arg19[%dma_start3A_93, %dma_start3A_94] : memref<40x16xf32, #tpu.memory_space<vmem>> -> memref<40x16xf32, #tpu.memory_space<vmem>>
    %dma_start3A_96 = arith.constant 0 : i32
    %dma_start3A_97 = tpu.memref_slice %arg34[%add3A_92, %dma_start3A_96] : memref<10000x16xf32, #tpu.memory_space<vmem_shared>> -> memref<40x16xf32, #tpu.memory_space<vmem_shared>>
    %dma_start3A_98 = arith.constant 0 : i32
    %dma_start3A_99 = tpu.memref_slice %arg34[%add3A_92, %dma_start3A_98] : memref<10000x16xf32, #tpu.memory_space<vmem_shared>> -> memref<40x16xf32, #tpu.memory_space<vmem_shared>>
    %dma_start3A_100 = arith.constant 0 : i32
    %dma_start3A_101 = arith.constant 0 : i32
    %dma_start3A_102 = tpu.memref_slice %arg19[%dma_start3A_100, %dma_start3A_101] : memref<40x16xf32, #tpu.memory_space<vmem>> -> memref<40x16xf32, #tpu.memory_space<vmem>>
    tpu.enqueue_dma source(%dma_start3A_102 : memref<40x16xf32, #tpu.memory_space<vmem>>) target(%dma_start3A_99 : memref<40x16xf32, #tpu.memory_space<vmem_shared>>) target_semaphore(%arg36 : memref<!tpu.dma_semaphore, #tpu.memory_space<semaphore_mem>>)
    %add3A_103 = arith.constant 320 : i32
    %add3A_104 = arith.addi %mul3A_7, %add3A_103 : i32
    %dma_start3A_105 = arith.constant 0 : i32
    %dma_start3A_106 = arith.constant 0 : i32
    %dma_start3A_107 = tpu.memref_slice %arg19[%dma_start3A_105, %dma_start3A_106] : memref<40x16xf32, #tpu.memory_space<vmem>> -> memref<40x16xf32, #tpu.memory_space<vmem>>
    %dma_start3A_108 = arith.constant 0 : i32
    %dma_start3A_109 = tpu.memref_slice %arg34[%add3A_104, %dma_start3A_108] : memref<10000x16xf32, #tpu.memory_space<vmem_shared>> -> memref<40x16xf32, #tpu.memory_space<vmem_shared>>
    %dma_start3A_110 = arith.constant 0 : i32
    %dma_start3A_111 = tpu.memref_slice %arg34[%add3A_104, %dma_start3A_110] : memref<10000x16xf32, #tpu.memory_space<vmem_shared>> -> memref<40x16xf32, #tpu.memory_space<vmem_shared>>
    %dma_start3A_112 = arith.constant 0 : i32
    %dma_start3A_113 = arith.constant 0 : i32
    %dma_start3A_114 = tpu.memref_slice %arg19[%dma_start3A_112, %dma_start3A_113] : memref<40x16xf32, #tpu.memory_space<vmem>> -> memref<40x16xf32, #tpu.memory_space<vmem>>
    tpu.enqueue_dma source(%dma_start3A_114 : memref<40x16xf32, #tpu.memory_space<vmem>>) target(%dma_start3A_111 : memref<40x16xf32, #tpu.memory_space<vmem_shared>>) target_semaphore(%arg36 : memref<!tpu.dma_semaphore, #tpu.memory_space<semaphore_mem>>)
    %add3A_115 = arith.constant 360 : i32
    %add3A_116 = arith.addi %mul3A_7, %add3A_115 : i32
    %dma_start3A_117 = arith.constant 0 : i32
    %dma_start3A_118 = arith.constant 0 : i32
    %dma_start3A_119 = tpu.memref_slice %arg19[%dma_start3A_117, %dma_start3A_118] : memref<40x16xf32, #tpu.memory_space<vmem>> -> memref<40x16xf32, #tpu.memory_space<vmem>>
    %dma_start3A_120 = arith.constant 0 : i32
    %dma_start3A_121 = tpu.memref_slice %arg34[%add3A_116, %dma_start3A_120] : memref<10000x16xf32, #tpu.memory_space<vmem_shared>> -> memref<40x16xf32, #tpu.memory_space<vmem_shared>>
    %dma_start3A_122 = arith.constant 0 : i32
    %dma_start3A_123 = tpu.memref_slice %arg34[%add3A_116, %dma_start3A_122] : memref<10000x16xf32, #tpu.memory_space<vmem_shared>> -> memref<40x16xf32, #tpu.memory_space<vmem_shared>>
    %dma_start3A_124 = arith.constant 0 : i32
    %dma_start3A_125 = arith.constant 0 : i32
    %dma_start3A_126 = tpu.memref_slice %arg19[%dma_start3A_124, %dma_start3A_125] : memref<40x16xf32, #tpu.memory_space<vmem>> -> memref<40x16xf32, #tpu.memory_space<vmem>>
    tpu.enqueue_dma source(%dma_start3A_126 : memref<40x16xf32, #tpu.memory_space<vmem>>) target(%dma_start3A_123 : memref<40x16xf32, #tpu.memory_space<vmem_shared>>) target_semaphore(%arg36 : memref<!tpu.dma_semaphore, #tpu.memory_space<semaphore_mem>>)
    %add3A_127 = arith.constant 400 : i32
    %add3A_128 = arith.addi %mul3A_7, %add3A_127 : i32
    %dma_start3A_129 = arith.constant 0 : i32
    %dma_start3A_130 = arith.constant 0 : i32
    %dma_start3A_131 = tpu.memref_slice %arg19[%dma_start3A_129, %dma_start3A_130] : memref<40x16xf32, #tpu.memory_space<vmem>> -> memref<40x16xf32, #tpu.memory_space<vmem>>
    %dma_start3A_132 = arith.constant 0 : i32
    %dma_start3A_133 = tpu.memref_slice %arg34[%add3A_128, %dma_start3A_132] : memref<10000x16xf32, #tpu.memory_space<vmem_shared>> -> memref<40x16xf32, #tpu.memory_space<vmem_shared>>
    %dma_start3A_134 = arith.constant 0 : i32
    %dma_start3A_135 = tpu.memref_slice %arg34[%add3A_128, %dma_start3A_134] : memref<10000x16xf32, #tpu.memory_space<vmem_shared>> -> memref<40x16xf32, #tpu.memory_space<vmem_shared>>
    %dma_start3A_136 = arith.constant 0 : i32
    %dma_start3A_137 = arith.constant 0 : i32
    %dma_start3A_138 = tpu.memref_slice %arg19[%dma_start3A_136, %dma_start3A_137] : memref<40x16xf32, #tpu.memory_space<vmem>> -> memref<40x16xf32, #tpu.memory_space<vmem>>
    tpu.enqueue_dma source(%dma_start3A_138 : memref<40x16xf32, #tpu.memory_space<vmem>>) target(%dma_start3A_135 : memref<40x16xf32, #tpu.memory_space<vmem_shared>>) target_semaphore(%arg36 : memref<!tpu.dma_semaphore, #tpu.memory_space<semaphore_mem>>)
    %add3A_139 = arith.constant 440 : i32
    %add3A_140 = arith.addi %mul3A_7, %add3A_139 : i32
    %dma_start3A_141 = arith.constant 0 : i32
    %dma_start3A_142 = arith.constant 0 : i32
    %dma_start3A_143 = tpu.memref_slice %arg19[%dma_start3A_141, %dma_start3A_142] : memref<40x16xf32, #tpu.memory_space<vmem>> -> memref<40x16xf32, #tpu.memory_space<vmem>>
    %dma_start3A_144 = arith.constant 0 : i32
    %dma_start3A_145 = tpu.memref_slice %arg34[%add3A_140, %dma_start3A_144] : memref<10000x16xf32, #tpu.memory_space<vmem_shared>> -> memref<40x16xf32, #tpu.memory_space<vmem_shared>>
    %dma_start3A_146 = arith.constant 0 : i32
    %dma_start3A_147 = tpu.memref_slice %arg34[%add3A_140, %dma_start3A_146] : memref<10000x16xf32, #tpu.memory_space<vmem_shared>> -> memref<40x16xf32, #tpu.memory_space<vmem_shared>>
    %dma_start3A_148 = arith.constant 0 : i32
    %dma_start3A_149 = arith.constant 0 : i32
    %dma_start3A_150 = tpu.memref_slice %arg19[%dma_start3A_148, %dma_start3A_149] : memref<40x16xf32, #tpu.memory_space<vmem>> -> memref<40x16xf32, #tpu.memory_space<vmem>>
    tpu.enqueue_dma source(%dma_start3A_150 : memref<40x16xf32, #tpu.memory_space<vmem>>) target(%dma_start3A_147 : memref<40x16xf32, #tpu.memory_space<vmem_shared>>) target_semaphore(%arg36 : memref<!tpu.dma_semaphore, #tpu.memory_space<semaphore_mem>>)
    %add3A_151 = arith.constant 480 : i32
    %add3A_152 = arith.addi %mul3A_7, %add3A_151 : i32
    %dma_start3A_153 = arith.constant 0 : i32
    %dma_start3A_154 = arith.constant 0 : i32
    %dma_start3A_155 = tpu.memref_slice %arg19[%dma_start3A_153, %dma_start3A_154] : memref<40x16xf32, #tpu.memory_space<vmem>> -> memref<40x16xf32, #tpu.memory_space<vmem>>
    %dma_start3A_156 = arith.constant 0 : i32
    %dma_start3A_157 = tpu.memref_slice %arg34[%add3A_152, %dma_start3A_156] : memref<10000x16xf32, #tpu.memory_space<vmem_shared>> -> memref<40x16xf32, #tpu.memory_space<vmem_shared>>
    %dma_start3A_158 = arith.constant 0 : i32
    %dma_start3A_159 = tpu.memref_slice %arg34[%add3A_152, %dma_start3A_158] : memref<10000x16xf32, #tpu.memory_space<vmem_shared>> -> memref<40x16xf32, #tpu.memory_space<vmem_shared>>
    %dma_start3A_160 = arith.constant 0 : i32
    %dma_start3A_161 = arith.constant 0 : i32
    %dma_start3A_162 = tpu.memref_slice %arg19[%dma_start3A_160, %dma_start3A_161] : memref<40x16xf32, #tpu.memory_space<vmem>> -> memref<40x16xf32, #tpu.memory_space<vmem>>
    tpu.enqueue_dma source(%dma_start3A_162 : memref<40x16xf32, #tpu.memory_space<vmem>>) target(%dma_start3A_159 : memref<40x16xf32, #tpu.memory_space<vmem_shared>>) target_semaphore(%arg36 : memref<!tpu.dma_semaphore, #tpu.memory_space<semaphore_mem>>)
    %add3A_163 = arith.constant 520 : i32
    %add3A_164 = arith.addi %mul3A_7, %add3A_163 : i32
    %dma_start3A_165 = arith.constant 0 : i32
    %dma_start3A_166 = arith.constant 0 : i32
    %dma_start3A_167 = tpu.memref_slice %arg19[%dma_start3A_165, %dma_start3A_166] : memref<40x16xf32, #tpu.memory_space<vmem>> -> memref<40x16xf32, #tpu.memory_space<vmem>>
    %dma_start3A_168 = arith.constant 0 : i32
    %dma_start3A_169 = tpu.memref_slice %arg34[%add3A_164, %dma_start3A_168] : memref<10000x16xf32, #tpu.memory_space<vmem_shared>> -> memref<40x16xf32, #tpu.memory_space<vmem_shared>>
    %dma_start3A_170 = arith.constant 0 : i32
    %dma_start3A_171 = tpu.memref_slice %arg34[%add3A_164, %dma_start3A_170] : memref<10000x16xf32, #tpu.memory_space<vmem_shared>> -> memref<40x16xf32, #tpu.memory_space<vmem_shared>>
    %dma_start3A_172 = arith.constant 0 : i32
    %dma_start3A_173 = arith.constant 0 : i32
    %dma_start3A_174 = tpu.memref_slice %arg19[%dma_start3A_172, %dma_start3A_173] : memref<40x16xf32, #tpu.memory_space<vmem>> -> memref<40x16xf32, #tpu.memory_space<vmem>>
    tpu.enqueue_dma source(%dma_start3A_174 : memref<40x16xf32, #tpu.memory_space<vmem>>) target(%dma_start3A_171 : memref<40x16xf32, #tpu.memory_space<vmem_shared>>) target_semaphore(%arg36 : memref<!tpu.dma_semaphore, #tpu.memory_space<semaphore_mem>>)
    %add3A_175 = arith.constant 560 : i32
    %add3A_176 = arith.addi %mul3A_7, %add3A_175 : i32
    %dma_start3A_177 = arith.constant 0 : i32
    %dma_start3A_178 = arith.constant 0 : i32
    %dma_start3A_179 = tpu.memref_slice %arg19[%dma_start3A_177, %dma_start3A_178] : memref<40x16xf32, #tpu.memory_space<vmem>> -> memref<40x16xf32, #tpu.memory_space<vmem>>
    %dma_start3A_180 = arith.constant 0 : i32
    %dma_start3A_181 = tpu.memref_slice %arg34[%add3A_176, %dma_start3A_180] : memref<10000x16xf32, #tpu.memory_space<vmem_shared>> -> memref<40x16xf32, #tpu.memory_space<vmem_shared>>
    %dma_start3A_182 = arith.constant 0 : i32
    %dma_start3A_183 = tpu.memref_slice %arg34[%add3A_176, %dma_start3A_182] : memref<10000x16xf32, #tpu.memory_space<vmem_shared>> -> memref<40x16xf32, #tpu.memory_space<vmem_shared>>
    %dma_start3A_184 = arith.constant 0 : i32
    %dma_start3A_185 = arith.constant 0 : i32
    %dma_start3A_186 = tpu.memref_slice %arg19[%dma_start3A_184, %dma_start3A_185] : memref<40x16xf32, #tpu.memory_space<vmem>> -> memref<40x16xf32, #tpu.memory_space<vmem>>
    tpu.enqueue_dma source(%dma_start3A_186 : memref<40x16xf32, #tpu.memory_space<vmem>>) target(%dma_start3A_183 : memref<40x16xf32, #tpu.memory_space<vmem_shared>>) target_semaphore(%arg36 : memref<!tpu.dma_semaphore, #tpu.memory_space<semaphore_mem>>)
    %add3A_187 = arith.constant 600 : i32
    %add3A_188 = arith.addi %mul3A_7, %add3A_187 : i32
    %dma_start3A_189 = arith.constant 0 : i32
    %dma_start3A_190 = arith.constant 0 : i32
    %dma_start3A_191 = tpu.memref_slice %arg19[%dma_start3A_189, %dma_start3A_190] : memref<40x16xf32, #tpu.memory_space<vmem>> -> memref<24x16xf32, #tpu.memory_space<vmem>>
    %dma_start3A_192 = arith.constant 0 : i32
    %dma_start3A_193 = tpu.memref_slice %arg34[%add3A_188, %dma_start3A_192] : memref<10000x16xf32, #tpu.memory_space<vmem_shared>> -> memref<24x16xf32, #tpu.memory_space<vmem_shared>>
    %dma_start3A_194 = arith.constant 0 : i32
    %dma_start3A_195 = tpu.memref_slice %arg34[%add3A_188, %dma_start3A_194] : memref<10000x16xf32, #tpu.memory_space<vmem_shared>> -> memref<24x16xf32, #tpu.memory_space<vmem_shared>>
    %dma_start3A_196 = arith.constant 0 : i32
    %dma_start3A_197 = arith.constant 0 : i32
    %dma_start3A_198 = tpu.memref_slice %arg19[%dma_start3A_196, %dma_start3A_197] : memref<40x16xf32, #tpu.memory_space<vmem>> -> memref<24x16xf32, #tpu.memory_space<vmem>>
    tpu.enqueue_dma source(%dma_start3A_198 : memref<24x16xf32, #tpu.memory_space<vmem>>) target(%dma_start3A_195 : memref<24x16xf32, #tpu.memory_space<vmem_shared>>) target_semaphore(%arg36 : memref<!tpu.dma_semaphore, #tpu.memory_space<semaphore_mem>>)
    %eq3A = arith.constant 15 : i32
    %eq3A_199 = arith.cmpi eq, %arg1, %eq3A : i32
    %convert_element_type3A = arith.extui %eq3A_199 : i1 to i32
    %cond3A = arith.constant 0 : i32
    %cond3A_200 = arith.cmpi ne, %convert_element_type3A, %cond3A : i32
    scf.if %cond3A_200 {
      %dma_start3A_918 = arith.constant 0 : i32
      %dma_start3A_919 = arith.constant 0 : i32
      %dma_start3A_920 = tpu.memref_slice %arg19[%dma_start3A_918, %dma_start3A_919] : memref<40x16xf32, #tpu.memory_space<vmem>> -> memref<16x16xf32, #tpu.memory_space<vmem>>
      %dma_start3A_921 = arith.constant 9984 : i32
      %dma_start3A_922 = arith.constant 0 : i32
      %dma_start3A_923 = tpu.memref_slice %arg34[%dma_start3A_921, %dma_start3A_922] : memref<10000x16xf32, #tpu.memory_space<vmem_shared>> -> memref<16x16xf32, #tpu.memory_space<vmem_shared>>
      %dma_start3A_924 = arith.constant 9984 : i32
      %dma_start3A_925 = arith.constant 0 : i32
      %dma_start3A_926 = tpu.memref_slice %arg34[%dma_start3A_924, %dma_start3A_925] : memref<10000x16xf32, #tpu.memory_space<vmem_shared>> -> memref<16x16xf32, #tpu.memory_space<vmem_shared>>
      %dma_start3A_927 = arith.constant 0 : i32
      %dma_start3A_928 = arith.constant 0 : i32
      %dma_start3A_929 = tpu.memref_slice %arg19[%dma_start3A_927, %dma_start3A_928] : memref<40x16xf32, #tpu.memory_space<vmem>> -> memref<16x16xf32, #tpu.memory_space<vmem>>
      tpu.enqueue_dma source(%dma_start3A_929 : memref<16x16xf32, #tpu.memory_space<vmem>>) target(%dma_start3A_926 : memref<16x16xf32, #tpu.memory_space<vmem_shared>>) target_semaphore(%arg36 : memref<!tpu.dma_semaphore, #tpu.memory_space<semaphore_mem>>)
    } else {
    }
    %mul3A_201 = arith.constant 624 : i32
    %mul3A_202 = arith.muli %arg1, %mul3A_201 : i32
    %add3A_203 = arith.constant 0 : i32
    %add3A_204 = arith.addi %mul3A_202, %add3A_203 : i32
    %dma_start3A_205 = arith.constant 0 : i32
    %dma_start3A_206 = arith.constant 0 : i32
    %dma_start3A_207 = tpu.memref_slice %arg29[%dma_start3A_205, %dma_start3A_206] : memref<40x128xf32, #tpu.memory_space<vmem>> -> memref<40x128xf32, #tpu.memory_space<vmem>>
    %dma_start3A_208 = arith.constant 0 : i32
    %dma_start3A_209 = tpu.memref_slice %arg35[%add3A_204, %dma_start3A_208] : memref<10000x128xf32, #tpu.memory_space<vmem_shared>> -> memref<40x128xf32, #tpu.memory_space<vmem_shared>>
    %dma_start3A_210 = arith.constant 0 : i32
    %dma_start3A_211 = tpu.memref_slice %arg35[%add3A_204, %dma_start3A_210] : memref<10000x128xf32, #tpu.memory_space<vmem_shared>> -> memref<40x128xf32, #tpu.memory_space<vmem_shared>>
    %dma_start3A_212 = arith.constant 0 : i32
    %dma_start3A_213 = arith.constant 0 : i32
    %dma_start3A_214 = tpu.memref_slice %arg29[%dma_start3A_212, %dma_start3A_213] : memref<40x128xf32, #tpu.memory_space<vmem>> -> memref<40x128xf32, #tpu.memory_space<vmem>>
    tpu.enqueue_dma source(%dma_start3A_214 : memref<40x128xf32, #tpu.memory_space<vmem>>) target(%dma_start3A_211 : memref<40x128xf32, #tpu.memory_space<vmem_shared>>) target_semaphore(%arg36 : memref<!tpu.dma_semaphore, #tpu.memory_space<semaphore_mem>>)
    %add3A_215 = arith.constant 40 : i32
    %add3A_216 = arith.addi %mul3A_202, %add3A_215 : i32
    %dma_start3A_217 = arith.constant 0 : i32
    %dma_start3A_218 = arith.constant 0 : i32
    %dma_start3A_219 = tpu.memref_slice %arg29[%dma_start3A_217, %dma_start3A_218] : memref<40x128xf32, #tpu.memory_space<vmem>> -> memref<40x128xf32, #tpu.memory_space<vmem>>
    %dma_start3A_220 = arith.constant 0 : i32
    %dma_start3A_221 = tpu.memref_slice %arg35[%add3A_216, %dma_start3A_220] : memref<10000x128xf32, #tpu.memory_space<vmem_shared>> -> memref<40x128xf32, #tpu.memory_space<vmem_shared>>
    %dma_start3A_222 = arith.constant 0 : i32
    %dma_start3A_223 = tpu.memref_slice %arg35[%add3A_216, %dma_start3A_222] : memref<10000x128xf32, #tpu.memory_space<vmem_shared>> -> memref<40x128xf32, #tpu.memory_space<vmem_shared>>
    %dma_start3A_224 = arith.constant 0 : i32
    %dma_start3A_225 = arith.constant 0 : i32
    %dma_start3A_226 = tpu.memref_slice %arg29[%dma_start3A_224, %dma_start3A_225] : memref<40x128xf32, #tpu.memory_space<vmem>> -> memref<40x128xf32, #tpu.memory_space<vmem>>
    tpu.enqueue_dma source(%dma_start3A_226 : memref<40x128xf32, #tpu.memory_space<vmem>>) target(%dma_start3A_223 : memref<40x128xf32, #tpu.memory_space<vmem_shared>>) target_semaphore(%arg36 : memref<!tpu.dma_semaphore, #tpu.memory_space<semaphore_mem>>)
    %add3A_227 = arith.constant 80 : i32
    %add3A_228 = arith.addi %mul3A_202, %add3A_227 : i32
    %dma_start3A_229 = arith.constant 0 : i32
    %dma_start3A_230 = arith.constant 0 : i32
    %dma_start3A_231 = tpu.memref_slice %arg29[%dma_start3A_229, %dma_start3A_230] : memref<40x128xf32, #tpu.memory_space<vmem>> -> memref<40x128xf32, #tpu.memory_space<vmem>>
    %dma_start3A_232 = arith.constant 0 : i32
    %dma_start3A_233 = tpu.memref_slice %arg35[%add3A_228, %dma_start3A_232] : memref<10000x128xf32, #tpu.memory_space<vmem_shared>> -> memref<40x128xf32, #tpu.memory_space<vmem_shared>>
    %dma_start3A_234 = arith.constant 0 : i32
    %dma_start3A_235 = tpu.memref_slice %arg35[%add3A_228, %dma_start3A_234] : memref<10000x128xf32, #tpu.memory_space<vmem_shared>> -> memref<40x128xf32, #tpu.memory_space<vmem_shared>>
    %dma_start3A_236 = arith.constant 0 : i32
    %dma_start3A_237 = arith.constant 0 : i32
    %dma_start3A_238 = tpu.memref_slice %arg29[%dma_start3A_236, %dma_start3A_237] : memref<40x128xf32, #tpu.memory_space<vmem>> -> memref<40x128xf32, #tpu.memory_space<vmem>>
    tpu.enqueue_dma source(%dma_start3A_238 : memref<40x128xf32, #tpu.memory_space<vmem>>) target(%dma_start3A_235 : memref<40x128xf32, #tpu.memory_space<vmem_shared>>) target_semaphore(%arg36 : memref<!tpu.dma_semaphore, #tpu.memory_space<semaphore_mem>>)
    %add3A_239 = arith.constant 120 : i32
    %add3A_240 = arith.addi %mul3A_202, %add3A_239 : i32
    %dma_start3A_241 = arith.constant 0 : i32
    %dma_start3A_242 = arith.constant 0 : i32
    %dma_start3A_243 = tpu.memref_slice %arg29[%dma_start3A_241, %dma_start3A_242] : memref<40x128xf32, #tpu.memory_space<vmem>> -> memref<40x128xf32, #tpu.memory_space<vmem>>
    %dma_start3A_244 = arith.constant 0 : i32
    %dma_start3A_245 = tpu.memref_slice %arg35[%add3A_240, %dma_start3A_244] : memref<10000x128xf32, #tpu.memory_space<vmem_shared>> -> memref<40x128xf32, #tpu.memory_space<vmem_shared>>
    %dma_start3A_246 = arith.constant 0 : i32
    %dma_start3A_247 = tpu.memref_slice %arg35[%add3A_240, %dma_start3A_246] : memref<10000x128xf32, #tpu.memory_space<vmem_shared>> -> memref<40x128xf32, #tpu.memory_space<vmem_shared>>
    %dma_start3A_248 = arith.constant 0 : i32
    %dma_start3A_249 = arith.constant 0 : i32
    %dma_start3A_250 = tpu.memref_slice %arg29[%dma_start3A_248, %dma_start3A_249] : memref<40x128xf32, #tpu.memory_space<vmem>> -> memref<40x128xf32, #tpu.memory_space<vmem>>
    tpu.enqueue_dma source(%dma_start3A_250 : memref<40x128xf32, #tpu.memory_space<vmem>>) target(%dma_start3A_247 : memref<40x128xf32, #tpu.memory_space<vmem_shared>>) target_semaphore(%arg36 : memref<!tpu.dma_semaphore, #tpu.memory_space<semaphore_mem>>)
    %add3A_251 = arith.constant 160 : i32
    %add3A_252 = arith.addi %mul3A_202, %add3A_251 : i32
    %dma_start3A_253 = arith.constant 0 : i32
    %dma_start3A_254 = arith.constant 0 : i32
    %dma_start3A_255 = tpu.memref_slice %arg29[%dma_start3A_253, %dma_start3A_254] : memref<40x128xf32, #tpu.memory_space<vmem>> -> memref<40x128xf32, #tpu.memory_space<vmem>>
    %dma_start3A_256 = arith.constant 0 : i32
    %dma_start3A_257 = tpu.memref_slice %arg35[%add3A_252, %dma_start3A_256] : memref<10000x128xf32, #tpu.memory_space<vmem_shared>> -> memref<40x128xf32, #tpu.memory_space<vmem_shared>>
    %dma_start3A_258 = arith.constant 0 : i32
    %dma_start3A_259 = tpu.memref_slice %arg35[%add3A_252, %dma_start3A_258] : memref<10000x128xf32, #tpu.memory_space<vmem_shared>> -> memref<40x128xf32, #tpu.memory_space<vmem_shared>>
    %dma_start3A_260 = arith.constant 0 : i32
    %dma_start3A_261 = arith.constant 0 : i32
    %dma_start3A_262 = tpu.memref_slice %arg29[%dma_start3A_260, %dma_start3A_261] : memref<40x128xf32, #tpu.memory_space<vmem>> -> memref<40x128xf32, #tpu.memory_space<vmem>>
    tpu.enqueue_dma source(%dma_start3A_262 : memref<40x128xf32, #tpu.memory_space<vmem>>) target(%dma_start3A_259 : memref<40x128xf32, #tpu.memory_space<vmem_shared>>) target_semaphore(%arg36 : memref<!tpu.dma_semaphore, #tpu.memory_space<semaphore_mem>>)
    %add3A_263 = arith.constant 200 : i32
    %add3A_264 = arith.addi %mul3A_202, %add3A_263 : i32
    %dma_start3A_265 = arith.constant 0 : i32
    %dma_start3A_266 = arith.constant 0 : i32
    %dma_start3A_267 = tpu.memref_slice %arg29[%dma_start3A_265, %dma_start3A_266] : memref<40x128xf32, #tpu.memory_space<vmem>> -> memref<40x128xf32, #tpu.memory_space<vmem>>
    %dma_start3A_268 = arith.constant 0 : i32
    %dma_start3A_269 = tpu.memref_slice %arg35[%add3A_264, %dma_start3A_268] : memref<10000x128xf32, #tpu.memory_space<vmem_shared>> -> memref<40x128xf32, #tpu.memory_space<vmem_shared>>
    %dma_start3A_270 = arith.constant 0 : i32
    %dma_start3A_271 = tpu.memref_slice %arg35[%add3A_264, %dma_start3A_270] : memref<10000x128xf32, #tpu.memory_space<vmem_shared>> -> memref<40x128xf32, #tpu.memory_space<vmem_shared>>
    %dma_start3A_272 = arith.constant 0 : i32
    %dma_start3A_273 = arith.constant 0 : i32
    %dma_start3A_274 = tpu.memref_slice %arg29[%dma_start3A_272, %dma_start3A_273] : memref<40x128xf32, #tpu.memory_space<vmem>> -> memref<40x128xf32, #tpu.memory_space<vmem>>
    tpu.enqueue_dma source(%dma_start3A_274 : memref<40x128xf32, #tpu.memory_space<vmem>>) target(%dma_start3A_271 : memref<40x128xf32, #tpu.memory_space<vmem_shared>>) target_semaphore(%arg36 : memref<!tpu.dma_semaphore, #tpu.memory_space<semaphore_mem>>)
    %add3A_275 = arith.constant 240 : i32
    %add3A_276 = arith.addi %mul3A_202, %add3A_275 : i32
    %dma_start3A_277 = arith.constant 0 : i32
    %dma_start3A_278 = arith.constant 0 : i32
    %dma_start3A_279 = tpu.memref_slice %arg29[%dma_start3A_277, %dma_start3A_278] : memref<40x128xf32, #tpu.memory_space<vmem>> -> memref<40x128xf32, #tpu.memory_space<vmem>>
    %dma_start3A_280 = arith.constant 0 : i32
    %dma_start3A_281 = tpu.memref_slice %arg35[%add3A_276, %dma_start3A_280] : memref<10000x128xf32, #tpu.memory_space<vmem_shared>> -> memref<40x128xf32, #tpu.memory_space<vmem_shared>>
    %dma_start3A_282 = arith.constant 0 : i32
    %dma_start3A_283 = tpu.memref_slice %arg35[%add3A_276, %dma_start3A_282] : memref<10000x128xf32, #tpu.memory_space<vmem_shared>> -> memref<40x128xf32, #tpu.memory_space<vmem_shared>>
    %dma_start3A_284 = arith.constant 0 : i32
    %dma_start3A_285 = arith.constant 0 : i32
    %dma_start3A_286 = tpu.memref_slice %arg29[%dma_start3A_284, %dma_start3A_285] : memref<40x128xf32, #tpu.memory_space<vmem>> -> memref<40x128xf32, #tpu.memory_space<vmem>>
    tpu.enqueue_dma source(%dma_start3A_286 : memref<40x128xf32, #tpu.memory_space<vmem>>) target(%dma_start3A_283 : memref<40x128xf32, #tpu.memory_space<vmem_shared>>) target_semaphore(%arg36 : memref<!tpu.dma_semaphore, #tpu.memory_space<semaphore_mem>>)
    %add3A_287 = arith.constant 280 : i32
    %add3A_288 = arith.addi %mul3A_202, %add3A_287 : i32
    %dma_start3A_289 = arith.constant 0 : i32
    %dma_start3A_290 = arith.constant 0 : i32
    %dma_start3A_291 = tpu.memref_slice %arg29[%dma_start3A_289, %dma_start3A_290] : memref<40x128xf32, #tpu.memory_space<vmem>> -> memref<40x128xf32, #tpu.memory_space<vmem>>
    %dma_start3A_292 = arith.constant 0 : i32
    %dma_start3A_293 = tpu.memref_slice %arg35[%add3A_288, %dma_start3A_292] : memref<10000x128xf32, #tpu.memory_space<vmem_shared>> -> memref<40x128xf32, #tpu.memory_space<vmem_shared>>
    %dma_start3A_294 = arith.constant 0 : i32
    %dma_start3A_295 = tpu.memref_slice %arg35[%add3A_288, %dma_start3A_294] : memref<10000x128xf32, #tpu.memory_space<vmem_shared>> -> memref<40x128xf32, #tpu.memory_space<vmem_shared>>
    %dma_start3A_296 = arith.constant 0 : i32
    %dma_start3A_297 = arith.constant 0 : i32
    %dma_start3A_298 = tpu.memref_slice %arg29[%dma_start3A_296, %dma_start3A_297] : memref<40x128xf32, #tpu.memory_space<vmem>> -> memref<40x128xf32, #tpu.memory_space<vmem>>
    tpu.enqueue_dma source(%dma_start3A_298 : memref<40x128xf32, #tpu.memory_space<vmem>>) target(%dma_start3A_295 : memref<40x128xf32, #tpu.memory_space<vmem_shared>>) target_semaphore(%arg36 : memref<!tpu.dma_semaphore, #tpu.memory_space<semaphore_mem>>)
    %add3A_299 = arith.constant 320 : i32
    %add3A_300 = arith.addi %mul3A_202, %add3A_299 : i32
    %dma_start3A_301 = arith.constant 0 : i32
    %dma_start3A_302 = arith.constant 0 : i32
    %dma_start3A_303 = tpu.memref_slice %arg29[%dma_start3A_301, %dma_start3A_302] : memref<40x128xf32, #tpu.memory_space<vmem>> -> memref<40x128xf32, #tpu.memory_space<vmem>>
    %dma_start3A_304 = arith.constant 0 : i32
    %dma_start3A_305 = tpu.memref_slice %arg35[%add3A_300, %dma_start3A_304] : memref<10000x128xf32, #tpu.memory_space<vmem_shared>> -> memref<40x128xf32, #tpu.memory_space<vmem_shared>>
    %dma_start3A_306 = arith.constant 0 : i32
    %dma_start3A_307 = tpu.memref_slice %arg35[%add3A_300, %dma_start3A_306] : memref<10000x128xf32, #tpu.memory_space<vmem_shared>> -> memref<40x128xf32, #tpu.memory_space<vmem_shared>>
    %dma_start3A_308 = arith.constant 0 : i32
    %dma_start3A_309 = arith.constant 0 : i32
    %dma_start3A_310 = tpu.memref_slice %arg29[%dma_start3A_308, %dma_start3A_309] : memref<40x128xf32, #tpu.memory_space<vmem>> -> memref<40x128xf32, #tpu.memory_space<vmem>>
    tpu.enqueue_dma source(%dma_start3A_310 : memref<40x128xf32, #tpu.memory_space<vmem>>) target(%dma_start3A_307 : memref<40x128xf32, #tpu.memory_space<vmem_shared>>) target_semaphore(%arg36 : memref<!tpu.dma_semaphore, #tpu.memory_space<semaphore_mem>>)
    %add3A_311 = arith.constant 360 : i32
    %add3A_312 = arith.addi %mul3A_202, %add3A_311 : i32
    %dma_start3A_313 = arith.constant 0 : i32
    %dma_start3A_314 = arith.constant 0 : i32
    %dma_start3A_315 = tpu.memref_slice %arg29[%dma_start3A_313, %dma_start3A_314] : memref<40x128xf32, #tpu.memory_space<vmem>> -> memref<40x128xf32, #tpu.memory_space<vmem>>
    %dma_start3A_316 = arith.constant 0 : i32
    %dma_start3A_317 = tpu.memref_slice %arg35[%add3A_312, %dma_start3A_316] : memref<10000x128xf32, #tpu.memory_space<vmem_shared>> -> memref<40x128xf32, #tpu.memory_space<vmem_shared>>
    %dma_start3A_318 = arith.constant 0 : i32
    %dma_start3A_319 = tpu.memref_slice %arg35[%add3A_312, %dma_start3A_318] : memref<10000x128xf32, #tpu.memory_space<vmem_shared>> -> memref<40x128xf32, #tpu.memory_space<vmem_shared>>
    %dma_start3A_320 = arith.constant 0 : i32
    %dma_start3A_321 = arith.constant 0 : i32
    %dma_start3A_322 = tpu.memref_slice %arg29[%dma_start3A_320, %dma_start3A_321] : memref<40x128xf32, #tpu.memory_space<vmem>> -> memref<40x128xf32, #tpu.memory_space<vmem>>
    tpu.enqueue_dma source(%dma_start3A_322 : memref<40x128xf32, #tpu.memory_space<vmem>>) target(%dma_start3A_319 : memref<40x128xf32, #tpu.memory_space<vmem_shared>>) target_semaphore(%arg36 : memref<!tpu.dma_semaphore, #tpu.memory_space<semaphore_mem>>)
    %add3A_323 = arith.constant 400 : i32
    %add3A_324 = arith.addi %mul3A_202, %add3A_323 : i32
    %dma_start3A_325 = arith.constant 0 : i32
    %dma_start3A_326 = arith.constant 0 : i32
    %dma_start3A_327 = tpu.memref_slice %arg29[%dma_start3A_325, %dma_start3A_326] : memref<40x128xf32, #tpu.memory_space<vmem>> -> memref<40x128xf32, #tpu.memory_space<vmem>>
    %dma_start3A_328 = arith.constant 0 : i32
    %dma_start3A_329 = tpu.memref_slice %arg35[%add3A_324, %dma_start3A_328] : memref<10000x128xf32, #tpu.memory_space<vmem_shared>> -> memref<40x128xf32, #tpu.memory_space<vmem_shared>>
    %dma_start3A_330 = arith.constant 0 : i32
    %dma_start3A_331 = tpu.memref_slice %arg35[%add3A_324, %dma_start3A_330] : memref<10000x128xf32, #tpu.memory_space<vmem_shared>> -> memref<40x128xf32, #tpu.memory_space<vmem_shared>>
    %dma_start3A_332 = arith.constant 0 : i32
    %dma_start3A_333 = arith.constant 0 : i32
    %dma_start3A_334 = tpu.memref_slice %arg29[%dma_start3A_332, %dma_start3A_333] : memref<40x128xf32, #tpu.memory_space<vmem>> -> memref<40x128xf32, #tpu.memory_space<vmem>>
    tpu.enqueue_dma source(%dma_start3A_334 : memref<40x128xf32, #tpu.memory_space<vmem>>) target(%dma_start3A_331 : memref<40x128xf32, #tpu.memory_space<vmem_shared>>) target_semaphore(%arg36 : memref<!tpu.dma_semaphore, #tpu.memory_space<semaphore_mem>>)
    %add3A_335 = arith.constant 440 : i32
    %add3A_336 = arith.addi %mul3A_202, %add3A_335 : i32
    %dma_start3A_337 = arith.constant 0 : i32
    %dma_start3A_338 = arith.constant 0 : i32
    %dma_start3A_339 = tpu.memref_slice %arg29[%dma_start3A_337, %dma_start3A_338] : memref<40x128xf32, #tpu.memory_space<vmem>> -> memref<40x128xf32, #tpu.memory_space<vmem>>
    %dma_start3A_340 = arith.constant 0 : i32
    %dma_start3A_341 = tpu.memref_slice %arg35[%add3A_336, %dma_start3A_340] : memref<10000x128xf32, #tpu.memory_space<vmem_shared>> -> memref<40x128xf32, #tpu.memory_space<vmem_shared>>
    %dma_start3A_342 = arith.constant 0 : i32
    %dma_start3A_343 = tpu.memref_slice %arg35[%add3A_336, %dma_start3A_342] : memref<10000x128xf32, #tpu.memory_space<vmem_shared>> -> memref<40x128xf32, #tpu.memory_space<vmem_shared>>
    %dma_start3A_344 = arith.constant 0 : i32
    %dma_start3A_345 = arith.constant 0 : i32
    %dma_start3A_346 = tpu.memref_slice %arg29[%dma_start3A_344, %dma_start3A_345] : memref<40x128xf32, #tpu.memory_space<vmem>> -> memref<40x128xf32, #tpu.memory_space<vmem>>
    tpu.enqueue_dma source(%dma_start3A_346 : memref<40x128xf32, #tpu.memory_space<vmem>>) target(%dma_start3A_343 : memref<40x128xf32, #tpu.memory_space<vmem_shared>>) target_semaphore(%arg36 : memref<!tpu.dma_semaphore, #tpu.memory_space<semaphore_mem>>)
    %add3A_347 = arith.constant 480 : i32
    %add3A_348 = arith.addi %mul3A_202, %add3A_347 : i32
    %dma_start3A_349 = arith.constant 0 : i32
    %dma_start3A_350 = arith.constant 0 : i32
    %dma_start3A_351 = tpu.memref_slice %arg29[%dma_start3A_349, %dma_start3A_350] : memref<40x128xf32, #tpu.memory_space<vmem>> -> memref<40x128xf32, #tpu.memory_space<vmem>>
    %dma_start3A_352 = arith.constant 0 : i32
    %dma_start3A_353 = tpu.memref_slice %arg35[%add3A_348, %dma_start3A_352] : memref<10000x128xf32, #tpu.memory_space<vmem_shared>> -> memref<40x128xf32, #tpu.memory_space<vmem_shared>>
    %dma_start3A_354 = arith.constant 0 : i32
    %dma_start3A_355 = tpu.memref_slice %arg35[%add3A_348, %dma_start3A_354] : memref<10000x128xf32, #tpu.memory_space<vmem_shared>> -> memref<40x128xf32, #tpu.memory_space<vmem_shared>>
    %dma_start3A_356 = arith.constant 0 : i32
    %dma_start3A_357 = arith.constant 0 : i32
    %dma_start3A_358 = tpu.memref_slice %arg29[%dma_start3A_356, %dma_start3A_357] : memref<40x128xf32, #tpu.memory_space<vmem>> -> memref<40x128xf32, #tpu.memory_space<vmem>>
    tpu.enqueue_dma source(%dma_start3A_358 : memref<40x128xf32, #tpu.memory_space<vmem>>) target(%dma_start3A_355 : memref<40x128xf32, #tpu.memory_space<vmem_shared>>) target_semaphore(%arg36 : memref<!tpu.dma_semaphore, #tpu.memory_space<semaphore_mem>>)
    %add3A_359 = arith.constant 520 : i32
    %add3A_360 = arith.addi %mul3A_202, %add3A_359 : i32
    %dma_start3A_361 = arith.constant 0 : i32
    %dma_start3A_362 = arith.constant 0 : i32
    %dma_start3A_363 = tpu.memref_slice %arg29[%dma_start3A_361, %dma_start3A_362] : memref<40x128xf32, #tpu.memory_space<vmem>> -> memref<40x128xf32, #tpu.memory_space<vmem>>
    %dma_start3A_364 = arith.constant 0 : i32
    %dma_start3A_365 = tpu.memref_slice %arg35[%add3A_360, %dma_start3A_364] : memref<10000x128xf32, #tpu.memory_space<vmem_shared>> -> memref<40x128xf32, #tpu.memory_space<vmem_shared>>
    %dma_start3A_366 = arith.constant 0 : i32
    %dma_start3A_367 = tpu.memref_slice %arg35[%add3A_360, %dma_start3A_366] : memref<10000x128xf32, #tpu.memory_space<vmem_shared>> -> memref<40x128xf32, #tpu.memory_space<vmem_shared>>
    %dma_start3A_368 = arith.constant 0 : i32
    %dma_start3A_369 = arith.constant 0 : i32
    %dma_start3A_370 = tpu.memref_slice %arg29[%dma_start3A_368, %dma_start3A_369] : memref<40x128xf32, #tpu.memory_space<vmem>> -> memref<40x128xf32, #tpu.memory_space<vmem>>
    tpu.enqueue_dma source(%dma_start3A_370 : memref<40x128xf32, #tpu.memory_space<vmem>>) target(%dma_start3A_367 : memref<40x128xf32, #tpu.memory_space<vmem_shared>>) target_semaphore(%arg36 : memref<!tpu.dma_semaphore, #tpu.memory_space<semaphore_mem>>)
    %add3A_371 = arith.constant 560 : i32
    %add3A_372 = arith.addi %mul3A_202, %add3A_371 : i32
    %dma_start3A_373 = arith.constant 0 : i32
    %dma_start3A_374 = arith.constant 0 : i32
    %dma_start3A_375 = tpu.memref_slice %arg29[%dma_start3A_373, %dma_start3A_374] : memref<40x128xf32, #tpu.memory_space<vmem>> -> memref<40x128xf32, #tpu.memory_space<vmem>>
    %dma_start3A_376 = arith.constant 0 : i32
    %dma_start3A_377 = tpu.memref_slice %arg35[%add3A_372, %dma_start3A_376] : memref<10000x128xf32, #tpu.memory_space<vmem_shared>> -> memref<40x128xf32, #tpu.memory_space<vmem_shared>>
    %dma_start3A_378 = arith.constant 0 : i32
    %dma_start3A_379 = tpu.memref_slice %arg35[%add3A_372, %dma_start3A_378] : memref<10000x128xf32, #tpu.memory_space<vmem_shared>> -> memref<40x128xf32, #tpu.memory_space<vmem_shared>>
    %dma_start3A_380 = arith.constant 0 : i32
    %dma_start3A_381 = arith.constant 0 : i32
    %dma_start3A_382 = tpu.memref_slice %arg29[%dma_start3A_380, %dma_start3A_381] : memref<40x128xf32, #tpu.memory_space<vmem>> -> memref<40x128xf32, #tpu.memory_space<vmem>>
    tpu.enqueue_dma source(%dma_start3A_382 : memref<40x128xf32, #tpu.memory_space<vmem>>) target(%dma_start3A_379 : memref<40x128xf32, #tpu.memory_space<vmem_shared>>) target_semaphore(%arg36 : memref<!tpu.dma_semaphore, #tpu.memory_space<semaphore_mem>>)
    %add3A_383 = arith.constant 600 : i32
    %add3A_384 = arith.addi %mul3A_202, %add3A_383 : i32
    %dma_start3A_385 = arith.constant 0 : i32
    %dma_start3A_386 = arith.constant 0 : i32
    %dma_start3A_387 = tpu.memref_slice %arg29[%dma_start3A_385, %dma_start3A_386] : memref<40x128xf32, #tpu.memory_space<vmem>> -> memref<24x128xf32, #tpu.memory_space<vmem>>
    %dma_start3A_388 = arith.constant 0 : i32
    %dma_start3A_389 = tpu.memref_slice %arg35[%add3A_384, %dma_start3A_388] : memref<10000x128xf32, #tpu.memory_space<vmem_shared>> -> memref<24x128xf32, #tpu.memory_space<vmem_shared>>
    %dma_start3A_390 = arith.constant 0 : i32
    %dma_start3A_391 = tpu.memref_slice %arg35[%add3A_384, %dma_start3A_390] : memref<10000x128xf32, #tpu.memory_space<vmem_shared>> -> memref<24x128xf32, #tpu.memory_space<vmem_shared>>
    %dma_start3A_392 = arith.constant 0 : i32
    %dma_start3A_393 = arith.constant 0 : i32
    %dma_start3A_394 = tpu.memref_slice %arg29[%dma_start3A_392, %dma_start3A_393] : memref<40x128xf32, #tpu.memory_space<vmem>> -> memref<24x128xf32, #tpu.memory_space<vmem>>
    tpu.enqueue_dma source(%dma_start3A_394 : memref<24x128xf32, #tpu.memory_space<vmem>>) target(%dma_start3A_391 : memref<24x128xf32, #tpu.memory_space<vmem_shared>>) target_semaphore(%arg36 : memref<!tpu.dma_semaphore, #tpu.memory_space<semaphore_mem>>)
    %eq3A_395 = arith.constant 15 : i32
    %eq3A_396 = arith.cmpi eq, %arg1, %eq3A_395 : i32
    %convert_element_type3A_397 = arith.extui %eq3A_396 : i1 to i32
    %cond3A_398 = arith.constant 0 : i32
    %cond3A_399 = arith.cmpi ne, %convert_element_type3A_397, %cond3A_398 : i32
    scf.if %cond3A_399 {
      %dma_start3A_918 = arith.constant 0 : i32
      %dma_start3A_919 = arith.constant 0 : i32
      %dma_start3A_920 = tpu.memref_slice %arg29[%dma_start3A_918, %dma_start3A_919] : memref<40x128xf32, #tpu.memory_space<vmem>> -> memref<16x128xf32, #tpu.memory_space<vmem>>
      %dma_start3A_921 = arith.constant 9984 : i32
      %dma_start3A_922 = arith.constant 0 : i32
      %dma_start3A_923 = tpu.memref_slice %arg35[%dma_start3A_921, %dma_start3A_922] : memref<10000x128xf32, #tpu.memory_space<vmem_shared>> -> memref<16x128xf32, #tpu.memory_space<vmem_shared>>
      %dma_start3A_924 = arith.constant 9984 : i32
      %dma_start3A_925 = arith.constant 0 : i32
      %dma_start3A_926 = tpu.memref_slice %arg35[%dma_start3A_924, %dma_start3A_925] : memref<10000x128xf32, #tpu.memory_space<vmem_shared>> -> memref<16x128xf32, #tpu.memory_space<vmem_shared>>
      %dma_start3A_927 = arith.constant 0 : i32
      %dma_start3A_928 = arith.constant 0 : i32
      %dma_start3A_929 = tpu.memref_slice %arg29[%dma_start3A_927, %dma_start3A_928] : memref<40x128xf32, #tpu.memory_space<vmem>> -> memref<16x128xf32, #tpu.memory_space<vmem>>
      tpu.enqueue_dma source(%dma_start3A_929 : memref<16x128xf32, #tpu.memory_space<vmem>>) target(%dma_start3A_926 : memref<16x128xf32, #tpu.memory_space<vmem_shared>>) target_semaphore(%arg36 : memref<!tpu.dma_semaphore, #tpu.memory_space<semaphore_mem>>)
    } else {
    }
    %mul3A_400 = arith.constant 624 : i32
    %mul3A_401 = arith.muli %arg1, %mul3A_400 : i32
    %add3A_402 = arith.constant 0 : i32
    %add3A_403 = arith.addi %mul3A_401, %add3A_402 : i32
    %dma_wait3A = arith.constant 0 : i32
    %dma_wait3A_404 = arith.constant 0 : i32
    %dma_wait3A_405 = tpu.memref_slice %arg19[%dma_wait3A, %dma_wait3A_404] : memref<40x16xf32, #tpu.memory_space<vmem>> -> memref<40x16xf32, #tpu.memory_space<vmem>>
    %dma_wait3A_406 = arith.constant 0 : i32
    %dma_wait3A_407 = tpu.memref_slice %arg34[%add3A_403, %dma_wait3A_406] : memref<10000x16xf32, #tpu.memory_space<vmem_shared>> -> memref<40x16xf32, #tpu.memory_space<vmem_shared>>
    %dma_wait3A_408 = arith.constant 0 : i32
    %dma_wait3A_409 = tpu.memref_slice %arg34[%add3A_403, %dma_wait3A_408] : memref<10000x16xf32, #tpu.memory_space<vmem_shared>> -> memref<40x16xf32, #tpu.memory_space<vmem_shared>>
    %dma_wait3A_410 = arith.constant 0 : i32
    %dma_wait3A_411 = arith.constant 0 : i32
    %dma_wait3A_412 = tpu.memref_slice %arg19[%dma_wait3A_410, %dma_wait3A_411] : memref<40x16xf32, #tpu.memory_space<vmem>> -> memref<40x16xf32, #tpu.memory_space<vmem>>
    tpu.wait_dma2 semaphore(%arg36 : memref<!tpu.dma_semaphore, #tpu.memory_space<semaphore_mem>>) src(%dma_wait3A_412 : memref<40x16xf32, #tpu.memory_space<vmem>>) dst(%dma_wait3A_409 : memref<40x16xf32, #tpu.memory_space<vmem_shared>>)
    %add3A_413 = arith.constant 40 : i32
    %add3A_414 = arith.addi %mul3A_401, %add3A_413 : i32
    %dma_wait3A_415 = arith.constant 0 : i32
    %dma_wait3A_416 = arith.constant 0 : i32
    %dma_wait3A_417 = tpu.memref_slice %arg19[%dma_wait3A_415, %dma_wait3A_416] : memref<40x16xf32, #tpu.memory_space<vmem>> -> memref<40x16xf32, #tpu.memory_space<vmem>>
    %dma_wait3A_418 = arith.constant 0 : i32
    %dma_wait3A_419 = tpu.memref_slice %arg34[%add3A_414, %dma_wait3A_418] : memref<10000x16xf32, #tpu.memory_space<vmem_shared>> -> memref<40x16xf32, #tpu.memory_space<vmem_shared>>
    %dma_wait3A_420 = arith.constant 0 : i32
    %dma_wait3A_421 = tpu.memref_slice %arg34[%add3A_414, %dma_wait3A_420] : memref<10000x16xf32, #tpu.memory_space<vmem_shared>> -> memref<40x16xf32, #tpu.memory_space<vmem_shared>>
    %dma_wait3A_422 = arith.constant 0 : i32
    %dma_wait3A_423 = arith.constant 0 : i32
    %dma_wait3A_424 = tpu.memref_slice %arg19[%dma_wait3A_422, %dma_wait3A_423] : memref<40x16xf32, #tpu.memory_space<vmem>> -> memref<40x16xf32, #tpu.memory_space<vmem>>
    tpu.wait_dma2 semaphore(%arg36 : memref<!tpu.dma_semaphore, #tpu.memory_space<semaphore_mem>>) src(%dma_wait3A_424 : memref<40x16xf32, #tpu.memory_space<vmem>>) dst(%dma_wait3A_421 : memref<40x16xf32, #tpu.memory_space<vmem_shared>>)
    %add3A_425 = arith.constant 80 : i32
    %add3A_426 = arith.addi %mul3A_401, %add3A_425 : i32
    %dma_wait3A_427 = arith.constant 0 : i32
    %dma_wait3A_428 = arith.constant 0 : i32
    %dma_wait3A_429 = tpu.memref_slice %arg19[%dma_wait3A_427, %dma_wait3A_428] : memref<40x16xf32, #tpu.memory_space<vmem>> -> memref<40x16xf32, #tpu.memory_space<vmem>>
    %dma_wait3A_430 = arith.constant 0 : i32
    %dma_wait3A_431 = tpu.memref_slice %arg34[%add3A_426, %dma_wait3A_430] : memref<10000x16xf32, #tpu.memory_space<vmem_shared>> -> memref<40x16xf32, #tpu.memory_space<vmem_shared>>
    %dma_wait3A_432 = arith.constant 0 : i32
    %dma_wait3A_433 = tpu.memref_slice %arg34[%add3A_426, %dma_wait3A_432] : memref<10000x16xf32, #tpu.memory_space<vmem_shared>> -> memref<40x16xf32, #tpu.memory_space<vmem_shared>>
    %dma_wait3A_434 = arith.constant 0 : i32
    %dma_wait3A_435 = arith.constant 0 : i32
    %dma_wait3A_436 = tpu.memref_slice %arg19[%dma_wait3A_434, %dma_wait3A_435] : memref<40x16xf32, #tpu.memory_space<vmem>> -> memref<40x16xf32, #tpu.memory_space<vmem>>
    tpu.wait_dma2 semaphore(%arg36 : memref<!tpu.dma_semaphore, #tpu.memory_space<semaphore_mem>>) src(%dma_wait3A_436 : memref<40x16xf32, #tpu.memory_space<vmem>>) dst(%dma_wait3A_433 : memref<40x16xf32, #tpu.memory_space<vmem_shared>>)
    %add3A_437 = arith.constant 120 : i32
    %add3A_438 = arith.addi %mul3A_401, %add3A_437 : i32
    %dma_wait3A_439 = arith.constant 0 : i32
    %dma_wait3A_440 = arith.constant 0 : i32
    %dma_wait3A_441 = tpu.memref_slice %arg19[%dma_wait3A_439, %dma_wait3A_440] : memref<40x16xf32, #tpu.memory_space<vmem>> -> memref<40x16xf32, #tpu.memory_space<vmem>>
    %dma_wait3A_442 = arith.constant 0 : i32
    %dma_wait3A_443 = tpu.memref_slice %arg34[%add3A_438, %dma_wait3A_442] : memref<10000x16xf32, #tpu.memory_space<vmem_shared>> -> memref<40x16xf32, #tpu.memory_space<vmem_shared>>
    %dma_wait3A_444 = arith.constant 0 : i32
    %dma_wait3A_445 = tpu.memref_slice %arg34[%add3A_438, %dma_wait3A_444] : memref<10000x16xf32, #tpu.memory_space<vmem_shared>> -> memref<40x16xf32, #tpu.memory_space<vmem_shared>>
    %dma_wait3A_446 = arith.constant 0 : i32
    %dma_wait3A_447 = arith.constant 0 : i32
    %dma_wait3A_448 = tpu.memref_slice %arg19[%dma_wait3A_446, %dma_wait3A_447] : memref<40x16xf32, #tpu.memory_space<vmem>> -> memref<40x16xf32, #tpu.memory_space<vmem>>
    tpu.wait_dma2 semaphore(%arg36 : memref<!tpu.dma_semaphore, #tpu.memory_space<semaphore_mem>>) src(%dma_wait3A_448 : memref<40x16xf32, #tpu.memory_space<vmem>>) dst(%dma_wait3A_445 : memref<40x16xf32, #tpu.memory_space<vmem_shared>>)
    %add3A_449 = arith.constant 160 : i32
    %add3A_450 = arith.addi %mul3A_401, %add3A_449 : i32
    %dma_wait3A_451 = arith.constant 0 : i32
    %dma_wait3A_452 = arith.constant 0 : i32
    %dma_wait3A_453 = tpu.memref_slice %arg19[%dma_wait3A_451, %dma_wait3A_452] : memref<40x16xf32, #tpu.memory_space<vmem>> -> memref<40x16xf32, #tpu.memory_space<vmem>>
    %dma_wait3A_454 = arith.constant 0 : i32
    %dma_wait3A_455 = tpu.memref_slice %arg34[%add3A_450, %dma_wait3A_454] : memref<10000x16xf32, #tpu.memory_space<vmem_shared>> -> memref<40x16xf32, #tpu.memory_space<vmem_shared>>
    %dma_wait3A_456 = arith.constant 0 : i32
    %dma_wait3A_457 = tpu.memref_slice %arg34[%add3A_450, %dma_wait3A_456] : memref<10000x16xf32, #tpu.memory_space<vmem_shared>> -> memref<40x16xf32, #tpu.memory_space<vmem_shared>>
    %dma_wait3A_458 = arith.constant 0 : i32
    %dma_wait3A_459 = arith.constant 0 : i32
    %dma_wait3A_460 = tpu.memref_slice %arg19[%dma_wait3A_458, %dma_wait3A_459] : memref<40x16xf32, #tpu.memory_space<vmem>> -> memref<40x16xf32, #tpu.memory_space<vmem>>
    tpu.wait_dma2 semaphore(%arg36 : memref<!tpu.dma_semaphore, #tpu.memory_space<semaphore_mem>>) src(%dma_wait3A_460 : memref<40x16xf32, #tpu.memory_space<vmem>>) dst(%dma_wait3A_457 : memref<40x16xf32, #tpu.memory_space<vmem_shared>>)
    %add3A_461 = arith.constant 200 : i32
    %add3A_462 = arith.addi %mul3A_401, %add3A_461 : i32
    %dma_wait3A_463 = arith.constant 0 : i32
    %dma_wait3A_464 = arith.constant 0 : i32
    %dma_wait3A_465 = tpu.memref_slice %arg19[%dma_wait3A_463, %dma_wait3A_464] : memref<40x16xf32, #tpu.memory_space<vmem>> -> memref<40x16xf32, #tpu.memory_space<vmem>>
    %dma_wait3A_466 = arith.constant 0 : i32
    %dma_wait3A_467 = tpu.memref_slice %arg34[%add3A_462, %dma_wait3A_466] : memref<10000x16xf32, #tpu.memory_space<vmem_shared>> -> memref<40x16xf32, #tpu.memory_space<vmem_shared>>
    %dma_wait3A_468 = arith.constant 0 : i32
    %dma_wait3A_469 = tpu.memref_slice %arg34[%add3A_462, %dma_wait3A_468] : memref<10000x16xf32, #tpu.memory_space<vmem_shared>> -> memref<40x16xf32, #tpu.memory_space<vmem_shared>>
    %dma_wait3A_470 = arith.constant 0 : i32
    %dma_wait3A_471 = arith.constant 0 : i32
    %dma_wait3A_472 = tpu.memref_slice %arg19[%dma_wait3A_470, %dma_wait3A_471] : memref<40x16xf32, #tpu.memory_space<vmem>> -> memref<40x16xf32, #tpu.memory_space<vmem>>
    tpu.wait_dma2 semaphore(%arg36 : memref<!tpu.dma_semaphore, #tpu.memory_space<semaphore_mem>>) src(%dma_wait3A_472 : memref<40x16xf32, #tpu.memory_space<vmem>>) dst(%dma_wait3A_469 : memref<40x16xf32, #tpu.memory_space<vmem_shared>>)
    %add3A_473 = arith.constant 240 : i32
    %add3A_474 = arith.addi %mul3A_401, %add3A_473 : i32
    %dma_wait3A_475 = arith.constant 0 : i32
    %dma_wait3A_476 = arith.constant 0 : i32
    %dma_wait3A_477 = tpu.memref_slice %arg19[%dma_wait3A_475, %dma_wait3A_476] : memref<40x16xf32, #tpu.memory_space<vmem>> -> memref<40x16xf32, #tpu.memory_space<vmem>>
    %dma_wait3A_478 = arith.constant 0 : i32
    %dma_wait3A_479 = tpu.memref_slice %arg34[%add3A_474, %dma_wait3A_478] : memref<10000x16xf32, #tpu.memory_space<vmem_shared>> -> memref<40x16xf32, #tpu.memory_space<vmem_shared>>
    %dma_wait3A_480 = arith.constant 0 : i32
    %dma_wait3A_481 = tpu.memref_slice %arg34[%add3A_474, %dma_wait3A_480] : memref<10000x16xf32, #tpu.memory_space<vmem_shared>> -> memref<40x16xf32, #tpu.memory_space<vmem_shared>>
    %dma_wait3A_482 = arith.constant 0 : i32
    %dma_wait3A_483 = arith.constant 0 : i32
    %dma_wait3A_484 = tpu.memref_slice %arg19[%dma_wait3A_482, %dma_wait3A_483] : memref<40x16xf32, #tpu.memory_space<vmem>> -> memref<40x16xf32, #tpu.memory_space<vmem>>
    tpu.wait_dma2 semaphore(%arg36 : memref<!tpu.dma_semaphore, #tpu.memory_space<semaphore_mem>>) src(%dma_wait3A_484 : memref<40x16xf32, #tpu.memory_space<vmem>>) dst(%dma_wait3A_481 : memref<40x16xf32, #tpu.memory_space<vmem_shared>>)
    %add3A_485 = arith.constant 280 : i32
    %add3A_486 = arith.addi %mul3A_401, %add3A_485 : i32
    %dma_wait3A_487 = arith.constant 0 : i32
    %dma_wait3A_488 = arith.constant 0 : i32
    %dma_wait3A_489 = tpu.memref_slice %arg19[%dma_wait3A_487, %dma_wait3A_488] : memref<40x16xf32, #tpu.memory_space<vmem>> -> memref<40x16xf32, #tpu.memory_space<vmem>>
    %dma_wait3A_490 = arith.constant 0 : i32
    %dma_wait3A_491 = tpu.memref_slice %arg34[%add3A_486, %dma_wait3A_490] : memref<10000x16xf32, #tpu.memory_space<vmem_shared>> -> memref<40x16xf32, #tpu.memory_space<vmem_shared>>
    %dma_wait3A_492 = arith.constant 0 : i32
    %dma_wait3A_493 = tpu.memref_slice %arg34[%add3A_486, %dma_wait3A_492] : memref<10000x16xf32, #tpu.memory_space<vmem_shared>> -> memref<40x16xf32, #tpu.memory_space<vmem_shared>>
    %dma_wait3A_494 = arith.constant 0 : i32
    %dma_wait3A_495 = arith.constant 0 : i32
    %dma_wait3A_496 = tpu.memref_slice %arg19[%dma_wait3A_494, %dma_wait3A_495] : memref<40x16xf32, #tpu.memory_space<vmem>> -> memref<40x16xf32, #tpu.memory_space<vmem>>
    tpu.wait_dma2 semaphore(%arg36 : memref<!tpu.dma_semaphore, #tpu.memory_space<semaphore_mem>>) src(%dma_wait3A_496 : memref<40x16xf32, #tpu.memory_space<vmem>>) dst(%dma_wait3A_493 : memref<40x16xf32, #tpu.memory_space<vmem_shared>>)
    %add3A_497 = arith.constant 320 : i32
    %add3A_498 = arith.addi %mul3A_401, %add3A_497 : i32
    %dma_wait3A_499 = arith.constant 0 : i32
    %dma_wait3A_500 = arith.constant 0 : i32
    %dma_wait3A_501 = tpu.memref_slice %arg19[%dma_wait3A_499, %dma_wait3A_500] : memref<40x16xf32, #tpu.memory_space<vmem>> -> memref<40x16xf32, #tpu.memory_space<vmem>>
    %dma_wait3A_502 = arith.constant 0 : i32
    %dma_wait3A_503 = tpu.memref_slice %arg34[%add3A_498, %dma_wait3A_502] : memref<10000x16xf32, #tpu.memory_space<vmem_shared>> -> memref<40x16xf32, #tpu.memory_space<vmem_shared>>
    %dma_wait3A_504 = arith.constant 0 : i32
    %dma_wait3A_505 = tpu.memref_slice %arg34[%add3A_498, %dma_wait3A_504] : memref<10000x16xf32, #tpu.memory_space<vmem_shared>> -> memref<40x16xf32, #tpu.memory_space<vmem_shared>>
    %dma_wait3A_506 = arith.constant 0 : i32
    %dma_wait3A_507 = arith.constant 0 : i32
    %dma_wait3A_508 = tpu.memref_slice %arg19[%dma_wait3A_506, %dma_wait3A_507] : memref<40x16xf32, #tpu.memory_space<vmem>> -> memref<40x16xf32, #tpu.memory_space<vmem>>
    tpu.wait_dma2 semaphore(%arg36 : memref<!tpu.dma_semaphore, #tpu.memory_space<semaphore_mem>>) src(%dma_wait3A_508 : memref<40x16xf32, #tpu.memory_space<vmem>>) dst(%dma_wait3A_505 : memref<40x16xf32, #tpu.memory_space<vmem_shared>>)
    %add3A_509 = arith.constant 360 : i32
    %add3A_510 = arith.addi %mul3A_401, %add3A_509 : i32
    %dma_wait3A_511 = arith.constant 0 : i32
    %dma_wait3A_512 = arith.constant 0 : i32
    %dma_wait3A_513 = tpu.memref_slice %arg19[%dma_wait3A_511, %dma_wait3A_512] : memref<40x16xf32, #tpu.memory_space<vmem>> -> memref<40x16xf32, #tpu.memory_space<vmem>>
    %dma_wait3A_514 = arith.constant 0 : i32
    %dma_wait3A_515 = tpu.memref_slice %arg34[%add3A_510, %dma_wait3A_514] : memref<10000x16xf32, #tpu.memory_space<vmem_shared>> -> memref<40x16xf32, #tpu.memory_space<vmem_shared>>
    %dma_wait3A_516 = arith.constant 0 : i32
    %dma_wait3A_517 = tpu.memref_slice %arg34[%add3A_510, %dma_wait3A_516] : memref<10000x16xf32, #tpu.memory_space<vmem_shared>> -> memref<40x16xf32, #tpu.memory_space<vmem_shared>>
    %dma_wait3A_518 = arith.constant 0 : i32
    %dma_wait3A_519 = arith.constant 0 : i32
    %dma_wait3A_520 = tpu.memref_slice %arg19[%dma_wait3A_518, %dma_wait3A_519] : memref<40x16xf32, #tpu.memory_space<vmem>> -> memref<40x16xf32, #tpu.memory_space<vmem>>
    tpu.wait_dma2 semaphore(%arg36 : memref<!tpu.dma_semaphore, #tpu.memory_space<semaphore_mem>>) src(%dma_wait3A_520 : memref<40x16xf32, #tpu.memory_space<vmem>>) dst(%dma_wait3A_517 : memref<40x16xf32, #tpu.memory_space<vmem_shared>>)
    %add3A_521 = arith.constant 400 : i32
    %add3A_522 = arith.addi %mul3A_401, %add3A_521 : i32
    %dma_wait3A_523 = arith.constant 0 : i32
    %dma_wait3A_524 = arith.constant 0 : i32
    %dma_wait3A_525 = tpu.memref_slice %arg19[%dma_wait3A_523, %dma_wait3A_524] : memref<40x16xf32, #tpu.memory_space<vmem>> -> memref<40x16xf32, #tpu.memory_space<vmem>>
    %dma_wait3A_526 = arith.constant 0 : i32
    %dma_wait3A_527 = tpu.memref_slice %arg34[%add3A_522, %dma_wait3A_526] : memref<10000x16xf32, #tpu.memory_space<vmem_shared>> -> memref<40x16xf32, #tpu.memory_space<vmem_shared>>
    %dma_wait3A_528 = arith.constant 0 : i32
    %dma_wait3A_529 = tpu.memref_slice %arg34[%add3A_522, %dma_wait3A_528] : memref<10000x16xf32, #tpu.memory_space<vmem_shared>> -> memref<40x16xf32, #tpu.memory_space<vmem_shared>>
    %dma_wait3A_530 = arith.constant 0 : i32
    %dma_wait3A_531 = arith.constant 0 : i32
    %dma_wait3A_532 = tpu.memref_slice %arg19[%dma_wait3A_530, %dma_wait3A_531] : memref<40x16xf32, #tpu.memory_space<vmem>> -> memref<40x16xf32, #tpu.memory_space<vmem>>
    tpu.wait_dma2 semaphore(%arg36 : memref<!tpu.dma_semaphore, #tpu.memory_space<semaphore_mem>>) src(%dma_wait3A_532 : memref<40x16xf32, #tpu.memory_space<vmem>>) dst(%dma_wait3A_529 : memref<40x16xf32, #tpu.memory_space<vmem_shared>>)
    %add3A_533 = arith.constant 440 : i32
    %add3A_534 = arith.addi %mul3A_401, %add3A_533 : i32
    %dma_wait3A_535 = arith.constant 0 : i32
    %dma_wait3A_536 = arith.constant 0 : i32
    %dma_wait3A_537 = tpu.memref_slice %arg19[%dma_wait3A_535, %dma_wait3A_536] : memref<40x16xf32, #tpu.memory_space<vmem>> -> memref<40x16xf32, #tpu.memory_space<vmem>>
    %dma_wait3A_538 = arith.constant 0 : i32
    %dma_wait3A_539 = tpu.memref_slice %arg34[%add3A_534, %dma_wait3A_538] : memref<10000x16xf32, #tpu.memory_space<vmem_shared>> -> memref<40x16xf32, #tpu.memory_space<vmem_shared>>
    %dma_wait3A_540 = arith.constant 0 : i32
    %dma_wait3A_541 = tpu.memref_slice %arg34[%add3A_534, %dma_wait3A_540] : memref<10000x16xf32, #tpu.memory_space<vmem_shared>> -> memref<40x16xf32, #tpu.memory_space<vmem_shared>>
    %dma_wait3A_542 = arith.constant 0 : i32
    %dma_wait3A_543 = arith.constant 0 : i32
    %dma_wait3A_544 = tpu.memref_slice %arg19[%dma_wait3A_542, %dma_wait3A_543] : memref<40x16xf32, #tpu.memory_space<vmem>> -> memref<40x16xf32, #tpu.memory_space<vmem>>
    tpu.wait_dma2 semaphore(%arg36 : memref<!tpu.dma_semaphore, #tpu.memory_space<semaphore_mem>>) src(%dma_wait3A_544 : memref<40x16xf32, #tpu.memory_space<vmem>>) dst(%dma_wait3A_541 : memref<40x16xf32, #tpu.memory_space<vmem_shared>>)
    %add3A_545 = arith.constant 480 : i32
    %add3A_546 = arith.addi %mul3A_401, %add3A_545 : i32
    %dma_wait3A_547 = arith.constant 0 : i32
    %dma_wait3A_548 = arith.constant 0 : i32
    %dma_wait3A_549 = tpu.memref_slice %arg19[%dma_wait3A_547, %dma_wait3A_548] : memref<40x16xf32, #tpu.memory_space<vmem>> -> memref<40x16xf32, #tpu.memory_space<vmem>>
    %dma_wait3A_550 = arith.constant 0 : i32
    %dma_wait3A_551 = tpu.memref_slice %arg34[%add3A_546, %dma_wait3A_550] : memref<10000x16xf32, #tpu.memory_space<vmem_shared>> -> memref<40x16xf32, #tpu.memory_space<vmem_shared>>
    %dma_wait3A_552 = arith.constant 0 : i32
    %dma_wait3A_553 = tpu.memref_slice %arg34[%add3A_546, %dma_wait3A_552] : memref<10000x16xf32, #tpu.memory_space<vmem_shared>> -> memref<40x16xf32, #tpu.memory_space<vmem_shared>>
    %dma_wait3A_554 = arith.constant 0 : i32
    %dma_wait3A_555 = arith.constant 0 : i32
    %dma_wait3A_556 = tpu.memref_slice %arg19[%dma_wait3A_554, %dma_wait3A_555] : memref<40x16xf32, #tpu.memory_space<vmem>> -> memref<40x16xf32, #tpu.memory_space<vmem>>
    tpu.wait_dma2 semaphore(%arg36 : memref<!tpu.dma_semaphore, #tpu.memory_space<semaphore_mem>>) src(%dma_wait3A_556 : memref<40x16xf32, #tpu.memory_space<vmem>>) dst(%dma_wait3A_553 : memref<40x16xf32, #tpu.memory_space<vmem_shared>>)
    %add3A_557 = arith.constant 520 : i32
    %add3A_558 = arith.addi %mul3A_401, %add3A_557 : i32
    %dma_wait3A_559 = arith.constant 0 : i32
    %dma_wait3A_560 = arith.constant 0 : i32
    %dma_wait3A_561 = tpu.memref_slice %arg19[%dma_wait3A_559, %dma_wait3A_560] : memref<40x16xf32, #tpu.memory_space<vmem>> -> memref<40x16xf32, #tpu.memory_space<vmem>>
    %dma_wait3A_562 = arith.constant 0 : i32
    %dma_wait3A_563 = tpu.memref_slice %arg34[%add3A_558, %dma_wait3A_562] : memref<10000x16xf32, #tpu.memory_space<vmem_shared>> -> memref<40x16xf32, #tpu.memory_space<vmem_shared>>
    %dma_wait3A_564 = arith.constant 0 : i32
    %dma_wait3A_565 = tpu.memref_slice %arg34[%add3A_558, %dma_wait3A_564] : memref<10000x16xf32, #tpu.memory_space<vmem_shared>> -> memref<40x16xf32, #tpu.memory_space<vmem_shared>>
    %dma_wait3A_566 = arith.constant 0 : i32
    %dma_wait3A_567 = arith.constant 0 : i32
    %dma_wait3A_568 = tpu.memref_slice %arg19[%dma_wait3A_566, %dma_wait3A_567] : memref<40x16xf32, #tpu.memory_space<vmem>> -> memref<40x16xf32, #tpu.memory_space<vmem>>
    tpu.wait_dma2 semaphore(%arg36 : memref<!tpu.dma_semaphore, #tpu.memory_space<semaphore_mem>>) src(%dma_wait3A_568 : memref<40x16xf32, #tpu.memory_space<vmem>>) dst(%dma_wait3A_565 : memref<40x16xf32, #tpu.memory_space<vmem_shared>>)
    %add3A_569 = arith.constant 560 : i32
    %add3A_570 = arith.addi %mul3A_401, %add3A_569 : i32
    %dma_wait3A_571 = arith.constant 0 : i32
    %dma_wait3A_572 = arith.constant 0 : i32
    %dma_wait3A_573 = tpu.memref_slice %arg19[%dma_wait3A_571, %dma_wait3A_572] : memref<40x16xf32, #tpu.memory_space<vmem>> -> memref<40x16xf32, #tpu.memory_space<vmem>>
    %dma_wait3A_574 = arith.constant 0 : i32
    %dma_wait3A_575 = tpu.memref_slice %arg34[%add3A_570, %dma_wait3A_574] : memref<10000x16xf32, #tpu.memory_space<vmem_shared>> -> memref<40x16xf32, #tpu.memory_space<vmem_shared>>
    %dma_wait3A_576 = arith.constant 0 : i32
    %dma_wait3A_577 = tpu.memref_slice %arg34[%add3A_570, %dma_wait3A_576] : memref<10000x16xf32, #tpu.memory_space<vmem_shared>> -> memref<40x16xf32, #tpu.memory_space<vmem_shared>>
    %dma_wait3A_578 = arith.constant 0 : i32
    %dma_wait3A_579 = arith.constant 0 : i32
    %dma_wait3A_580 = tpu.memref_slice %arg19[%dma_wait3A_578, %dma_wait3A_579] : memref<40x16xf32, #tpu.memory_space<vmem>> -> memref<40x16xf32, #tpu.memory_space<vmem>>
    tpu.wait_dma2 semaphore(%arg36 : memref<!tpu.dma_semaphore, #tpu.memory_space<semaphore_mem>>) src(%dma_wait3A_580 : memref<40x16xf32, #tpu.memory_space<vmem>>) dst(%dma_wait3A_577 : memref<40x16xf32, #tpu.memory_space<vmem_shared>>)
    %add3A_581 = arith.constant 600 : i32
    %add3A_582 = arith.addi %mul3A_401, %add3A_581 : i32
    %dma_wait3A_583 = arith.constant 0 : i32
    %dma_wait3A_584 = arith.constant 0 : i32
    %dma_wait3A_585 = tpu.memref_slice %arg19[%dma_wait3A_583, %dma_wait3A_584] : memref<40x16xf32, #tpu.memory_space<vmem>> -> memref<24x16xf32, #tpu.memory_space<vmem>>
    %dma_wait3A_586 = arith.constant 0 : i32
    %dma_wait3A_587 = tpu.memref_slice %arg34[%add3A_582, %dma_wait3A_586] : memref<10000x16xf32, #tpu.memory_space<vmem_shared>> -> memref<24x16xf32, #tpu.memory_space<vmem_shared>>
    %dma_wait3A_588 = arith.constant 0 : i32
    %dma_wait3A_589 = tpu.memref_slice %arg34[%add3A_582, %dma_wait3A_588] : memref<10000x16xf32, #tpu.memory_space<vmem_shared>> -> memref<24x16xf32, #tpu.memory_space<vmem_shared>>
    %dma_wait3A_590 = arith.constant 0 : i32
    %dma_wait3A_591 = arith.constant 0 : i32
    %dma_wait3A_592 = tpu.memref_slice %arg19[%dma_wait3A_590, %dma_wait3A_591] : memref<40x16xf32, #tpu.memory_space<vmem>> -> memref<24x16xf32, #tpu.memory_space<vmem>>
    tpu.wait_dma2 semaphore(%arg36 : memref<!tpu.dma_semaphore, #tpu.memory_space<semaphore_mem>>) src(%dma_wait3A_592 : memref<24x16xf32, #tpu.memory_space<vmem>>) dst(%dma_wait3A_589 : memref<24x16xf32, #tpu.memory_space<vmem_shared>>)
    %eq3A_593 = arith.constant 15 : i32
    %eq3A_594 = arith.cmpi eq, %arg1, %eq3A_593 : i32
    %convert_element_type3A_595 = arith.extui %eq3A_594 : i1 to i32
    %cond3A_596 = arith.constant 0 : i32
    %cond3A_597 = arith.cmpi ne, %convert_element_type3A_595, %cond3A_596 : i32
    scf.if %cond3A_597 {
      %dma_wait3A_918 = arith.constant 0 : i32
      %dma_wait3A_919 = arith.constant 0 : i32
      %dma_wait3A_920 = tpu.memref_slice %arg19[%dma_wait3A_918, %dma_wait3A_919] : memref<40x16xf32, #tpu.memory_space<vmem>> -> memref<16x16xf32, #tpu.memory_space<vmem>>
      %dma_wait3A_921 = arith.constant 9984 : i32
      %dma_wait3A_922 = arith.constant 0 : i32
      %dma_wait3A_923 = tpu.memref_slice %arg34[%dma_wait3A_921, %dma_wait3A_922] : memref<10000x16xf32, #tpu.memory_space<vmem_shared>> -> memref<16x16xf32, #tpu.memory_space<vmem_shared>>
      %dma_wait3A_924 = arith.constant 9984 : i32
      %dma_wait3A_925 = arith.constant 0 : i32
      %dma_wait3A_926 = tpu.memref_slice %arg34[%dma_wait3A_924, %dma_wait3A_925] : memref<10000x16xf32, #tpu.memory_space<vmem_shared>> -> memref<16x16xf32, #tpu.memory_space<vmem_shared>>
      %dma_wait3A_927 = arith.constant 0 : i32
      %dma_wait3A_928 = arith.constant 0 : i32
      %dma_wait3A_929 = tpu.memref_slice %arg19[%dma_wait3A_927, %dma_wait3A_928] : memref<40x16xf32, #tpu.memory_space<vmem>> -> memref<16x16xf32, #tpu.memory_space<vmem>>
      tpu.wait_dma2 semaphore(%arg36 : memref<!tpu.dma_semaphore, #tpu.memory_space<semaphore_mem>>) src(%dma_wait3A_929 : memref<16x16xf32, #tpu.memory_space<vmem>>) dst(%dma_wait3A_926 : memref<16x16xf32, #tpu.memory_space<vmem_shared>>)
    } else {
    }
    %mul3A_598 = arith.constant 624 : i32
    %mul3A_599 = arith.muli %arg1, %mul3A_598 : i32
    %add3A_600 = arith.constant 0 : i32
    %add3A_601 = arith.addi %mul3A_599, %add3A_600 : i32
    %dma_wait3A_602 = arith.constant 0 : i32
    %dma_wait3A_603 = arith.constant 0 : i32
    %dma_wait3A_604 = tpu.memref_slice %arg29[%dma_wait3A_602, %dma_wait3A_603] : memref<40x128xf32, #tpu.memory_space<vmem>> -> memref<40x128xf32, #tpu.memory_space<vmem>>
    %dma_wait3A_605 = arith.constant 0 : i32
    %dma_wait3A_606 = tpu.memref_slice %arg35[%add3A_601, %dma_wait3A_605] : memref<10000x128xf32, #tpu.memory_space<vmem_shared>> -> memref<40x128xf32, #tpu.memory_space<vmem_shared>>
    %dma_wait3A_607 = arith.constant 0 : i32
    %dma_wait3A_608 = tpu.memref_slice %arg35[%add3A_601, %dma_wait3A_607] : memref<10000x128xf32, #tpu.memory_space<vmem_shared>> -> memref<40x128xf32, #tpu.memory_space<vmem_shared>>
    %dma_wait3A_609 = arith.constant 0 : i32
    %dma_wait3A_610 = arith.constant 0 : i32
    %dma_wait3A_611 = tpu.memref_slice %arg29[%dma_wait3A_609, %dma_wait3A_610] : memref<40x128xf32, #tpu.memory_space<vmem>> -> memref<40x128xf32, #tpu.memory_space<vmem>>
    tpu.wait_dma2 semaphore(%arg36 : memref<!tpu.dma_semaphore, #tpu.memory_space<semaphore_mem>>) src(%dma_wait3A_611 : memref<40x128xf32, #tpu.memory_space<vmem>>) dst(%dma_wait3A_608 : memref<40x128xf32, #tpu.memory_space<vmem_shared>>)
    %add3A_612 = arith.constant 40 : i32
    %add3A_613 = arith.addi %mul3A_599, %add3A_612 : i32
    %dma_wait3A_614 = arith.constant 0 : i32
    %dma_wait3A_615 = arith.constant 0 : i32
    %dma_wait3A_616 = tpu.memref_slice %arg29[%dma_wait3A_614, %dma_wait3A_615] : memref<40x128xf32, #tpu.memory_space<vmem>> -> memref<40x128xf32, #tpu.memory_space<vmem>>
    %dma_wait3A_617 = arith.constant 0 : i32
    %dma_wait3A_618 = tpu.memref_slice %arg35[%add3A_613, %dma_wait3A_617] : memref<10000x128xf32, #tpu.memory_space<vmem_shared>> -> memref<40x128xf32, #tpu.memory_space<vmem_shared>>
    %dma_wait3A_619 = arith.constant 0 : i32
    %dma_wait3A_620 = tpu.memref_slice %arg35[%add3A_613, %dma_wait3A_619] : memref<10000x128xf32, #tpu.memory_space<vmem_shared>> -> memref<40x128xf32, #tpu.memory_space<vmem_shared>>
    %dma_wait3A_621 = arith.constant 0 : i32
    %dma_wait3A_622 = arith.constant 0 : i32
    %dma_wait3A_623 = tpu.memref_slice %arg29[%dma_wait3A_621, %dma_wait3A_622] : memref<40x128xf32, #tpu.memory_space<vmem>> -> memref<40x128xf32, #tpu.memory_space<vmem>>
    tpu.wait_dma2 semaphore(%arg36 : memref<!tpu.dma_semaphore, #tpu.memory_space<semaphore_mem>>) src(%dma_wait3A_623 : memref<40x128xf32, #tpu.memory_space<vmem>>) dst(%dma_wait3A_620 : memref<40x128xf32, #tpu.memory_space<vmem_shared>>)
    %add3A_624 = arith.constant 80 : i32
    %add3A_625 = arith.addi %mul3A_599, %add3A_624 : i32
    %dma_wait3A_626 = arith.constant 0 : i32
    %dma_wait3A_627 = arith.constant 0 : i32
    %dma_wait3A_628 = tpu.memref_slice %arg29[%dma_wait3A_626, %dma_wait3A_627] : memref<40x128xf32, #tpu.memory_space<vmem>> -> memref<40x128xf32, #tpu.memory_space<vmem>>
    %dma_wait3A_629 = arith.constant 0 : i32
    %dma_wait3A_630 = tpu.memref_slice %arg35[%add3A_625, %dma_wait3A_629] : memref<10000x128xf32, #tpu.memory_space<vmem_shared>> -> memref<40x128xf32, #tpu.memory_space<vmem_shared>>
    %dma_wait3A_631 = arith.constant 0 : i32
    %dma_wait3A_632 = tpu.memref_slice %arg35[%add3A_625, %dma_wait3A_631] : memref<10000x128xf32, #tpu.memory_space<vmem_shared>> -> memref<40x128xf32, #tpu.memory_space<vmem_shared>>
    %dma_wait3A_633 = arith.constant 0 : i32
    %dma_wait3A_634 = arith.constant 0 : i32
    %dma_wait3A_635 = tpu.memref_slice %arg29[%dma_wait3A_633, %dma_wait3A_634] : memref<40x128xf32, #tpu.memory_space<vmem>> -> memref<40x128xf32, #tpu.memory_space<vmem>>
    tpu.wait_dma2 semaphore(%arg36 : memref<!tpu.dma_semaphore, #tpu.memory_space<semaphore_mem>>) src(%dma_wait3A_635 : memref<40x128xf32, #tpu.memory_space<vmem>>) dst(%dma_wait3A_632 : memref<40x128xf32, #tpu.memory_space<vmem_shared>>)
    %add3A_636 = arith.constant 120 : i32
    %add3A_637 = arith.addi %mul3A_599, %add3A_636 : i32
    %dma_wait3A_638 = arith.constant 0 : i32
    %dma_wait3A_639 = arith.constant 0 : i32
    %dma_wait3A_640 = tpu.memref_slice %arg29[%dma_wait3A_638, %dma_wait3A_639] : memref<40x128xf32, #tpu.memory_space<vmem>> -> memref<40x128xf32, #tpu.memory_space<vmem>>
    %dma_wait3A_641 = arith.constant 0 : i32
    %dma_wait3A_642 = tpu.memref_slice %arg35[%add3A_637, %dma_wait3A_641] : memref<10000x128xf32, #tpu.memory_space<vmem_shared>> -> memref<40x128xf32, #tpu.memory_space<vmem_shared>>
    %dma_wait3A_643 = arith.constant 0 : i32
    %dma_wait3A_644 = tpu.memref_slice %arg35[%add3A_637, %dma_wait3A_643] : memref<10000x128xf32, #tpu.memory_space<vmem_shared>> -> memref<40x128xf32, #tpu.memory_space<vmem_shared>>
    %dma_wait3A_645 = arith.constant 0 : i32
    %dma_wait3A_646 = arith.constant 0 : i32
    %dma_wait3A_647 = tpu.memref_slice %arg29[%dma_wait3A_645, %dma_wait3A_646] : memref<40x128xf32, #tpu.memory_space<vmem>> -> memref<40x128xf32, #tpu.memory_space<vmem>>
    tpu.wait_dma2 semaphore(%arg36 : memref<!tpu.dma_semaphore, #tpu.memory_space<semaphore_mem>>) src(%dma_wait3A_647 : memref<40x128xf32, #tpu.memory_space<vmem>>) dst(%dma_wait3A_644 : memref<40x128xf32, #tpu.memory_space<vmem_shared>>)
    %add3A_648 = arith.constant 160 : i32
    %add3A_649 = arith.addi %mul3A_599, %add3A_648 : i32
    %dma_wait3A_650 = arith.constant 0 : i32
    %dma_wait3A_651 = arith.constant 0 : i32
    %dma_wait3A_652 = tpu.memref_slice %arg29[%dma_wait3A_650, %dma_wait3A_651] : memref<40x128xf32, #tpu.memory_space<vmem>> -> memref<40x128xf32, #tpu.memory_space<vmem>>
    %dma_wait3A_653 = arith.constant 0 : i32
    %dma_wait3A_654 = tpu.memref_slice %arg35[%add3A_649, %dma_wait3A_653] : memref<10000x128xf32, #tpu.memory_space<vmem_shared>> -> memref<40x128xf32, #tpu.memory_space<vmem_shared>>
    %dma_wait3A_655 = arith.constant 0 : i32
    %dma_wait3A_656 = tpu.memref_slice %arg35[%add3A_649, %dma_wait3A_655] : memref<10000x128xf32, #tpu.memory_space<vmem_shared>> -> memref<40x128xf32, #tpu.memory_space<vmem_shared>>
    %dma_wait3A_657 = arith.constant 0 : i32
    %dma_wait3A_658 = arith.constant 0 : i32
    %dma_wait3A_659 = tpu.memref_slice %arg29[%dma_wait3A_657, %dma_wait3A_658] : memref<40x128xf32, #tpu.memory_space<vmem>> -> memref<40x128xf32, #tpu.memory_space<vmem>>
    tpu.wait_dma2 semaphore(%arg36 : memref<!tpu.dma_semaphore, #tpu.memory_space<semaphore_mem>>) src(%dma_wait3A_659 : memref<40x128xf32, #tpu.memory_space<vmem>>) dst(%dma_wait3A_656 : memref<40x128xf32, #tpu.memory_space<vmem_shared>>)
    %add3A_660 = arith.constant 200 : i32
    %add3A_661 = arith.addi %mul3A_599, %add3A_660 : i32
    %dma_wait3A_662 = arith.constant 0 : i32
    %dma_wait3A_663 = arith.constant 0 : i32
    %dma_wait3A_664 = tpu.memref_slice %arg29[%dma_wait3A_662, %dma_wait3A_663] : memref<40x128xf32, #tpu.memory_space<vmem>> -> memref<40x128xf32, #tpu.memory_space<vmem>>
    %dma_wait3A_665 = arith.constant 0 : i32
    %dma_wait3A_666 = tpu.memref_slice %arg35[%add3A_661, %dma_wait3A_665] : memref<10000x128xf32, #tpu.memory_space<vmem_shared>> -> memref<40x128xf32, #tpu.memory_space<vmem_shared>>
    %dma_wait3A_667 = arith.constant 0 : i32
    %dma_wait3A_668 = tpu.memref_slice %arg35[%add3A_661, %dma_wait3A_667] : memref<10000x128xf32, #tpu.memory_space<vmem_shared>> -> memref<40x128xf32, #tpu.memory_space<vmem_shared>>
    %dma_wait3A_669 = arith.constant 0 : i32
    %dma_wait3A_670 = arith.constant 0 : i32
    %dma_wait3A_671 = tpu.memref_slice %arg29[%dma_wait3A_669, %dma_wait3A_670] : memref<40x128xf32, #tpu.memory_space<vmem>> -> memref<40x128xf32, #tpu.memory_space<vmem>>
    tpu.wait_dma2 semaphore(%arg36 : memref<!tpu.dma_semaphore, #tpu.memory_space<semaphore_mem>>) src(%dma_wait3A_671 : memref<40x128xf32, #tpu.memory_space<vmem>>) dst(%dma_wait3A_668 : memref<40x128xf32, #tpu.memory_space<vmem_shared>>)
    %add3A_672 = arith.constant 240 : i32
    %add3A_673 = arith.addi %mul3A_599, %add3A_672 : i32
    %dma_wait3A_674 = arith.constant 0 : i32
    %dma_wait3A_675 = arith.constant 0 : i32
    %dma_wait3A_676 = tpu.memref_slice %arg29[%dma_wait3A_674, %dma_wait3A_675] : memref<40x128xf32, #tpu.memory_space<vmem>> -> memref<40x128xf32, #tpu.memory_space<vmem>>
    %dma_wait3A_677 = arith.constant 0 : i32
    %dma_wait3A_678 = tpu.memref_slice %arg35[%add3A_673, %dma_wait3A_677] : memref<10000x128xf32, #tpu.memory_space<vmem_shared>> -> memref<40x128xf32, #tpu.memory_space<vmem_shared>>
    %dma_wait3A_679 = arith.constant 0 : i32
    %dma_wait3A_680 = tpu.memref_slice %arg35[%add3A_673, %dma_wait3A_679] : memref<10000x128xf32, #tpu.memory_space<vmem_shared>> -> memref<40x128xf32, #tpu.memory_space<vmem_shared>>
    %dma_wait3A_681 = arith.constant 0 : i32
    %dma_wait3A_682 = arith.constant 0 : i32
    %dma_wait3A_683 = tpu.memref_slice %arg29[%dma_wait3A_681, %dma_wait3A_682] : memref<40x128xf32, #tpu.memory_space<vmem>> -> memref<40x128xf32, #tpu.memory_space<vmem>>
    tpu.wait_dma2 semaphore(%arg36 : memref<!tpu.dma_semaphore, #tpu.memory_space<semaphore_mem>>) src(%dma_wait3A_683 : memref<40x128xf32, #tpu.memory_space<vmem>>) dst(%dma_wait3A_680 : memref<40x128xf32, #tpu.memory_space<vmem_shared>>)
    %add3A_684 = arith.constant 280 : i32
    %add3A_685 = arith.addi %mul3A_599, %add3A_684 : i32
    %dma_wait3A_686 = arith.constant 0 : i32
    %dma_wait3A_687 = arith.constant 0 : i32
    %dma_wait3A_688 = tpu.memref_slice %arg29[%dma_wait3A_686, %dma_wait3A_687] : memref<40x128xf32, #tpu.memory_space<vmem>> -> memref<40x128xf32, #tpu.memory_space<vmem>>
    %dma_wait3A_689 = arith.constant 0 : i32
    %dma_wait3A_690 = tpu.memref_slice %arg35[%add3A_685, %dma_wait3A_689] : memref<10000x128xf32, #tpu.memory_space<vmem_shared>> -> memref<40x128xf32, #tpu.memory_space<vmem_shared>>
    %dma_wait3A_691 = arith.constant 0 : i32
    %dma_wait3A_692 = tpu.memref_slice %arg35[%add3A_685, %dma_wait3A_691] : memref<10000x128xf32, #tpu.memory_space<vmem_shared>> -> memref<40x128xf32, #tpu.memory_space<vmem_shared>>
    %dma_wait3A_693 = arith.constant 0 : i32
    %dma_wait3A_694 = arith.constant 0 : i32
    %dma_wait3A_695 = tpu.memref_slice %arg29[%dma_wait3A_693, %dma_wait3A_694] : memref<40x128xf32, #tpu.memory_space<vmem>> -> memref<40x128xf32, #tpu.memory_space<vmem>>
    tpu.wait_dma2 semaphore(%arg36 : memref<!tpu.dma_semaphore, #tpu.memory_space<semaphore_mem>>) src(%dma_wait3A_695 : memref<40x128xf32, #tpu.memory_space<vmem>>) dst(%dma_wait3A_692 : memref<40x128xf32, #tpu.memory_space<vmem_shared>>)
    %add3A_696 = arith.constant 320 : i32
    %add3A_697 = arith.addi %mul3A_599, %add3A_696 : i32
    %dma_wait3A_698 = arith.constant 0 : i32
    %dma_wait3A_699 = arith.constant 0 : i32
    %dma_wait3A_700 = tpu.memref_slice %arg29[%dma_wait3A_698, %dma_wait3A_699] : memref<40x128xf32, #tpu.memory_space<vmem>> -> memref<40x128xf32, #tpu.memory_space<vmem>>
    %dma_wait3A_701 = arith.constant 0 : i32
    %dma_wait3A_702 = tpu.memref_slice %arg35[%add3A_697, %dma_wait3A_701] : memref<10000x128xf32, #tpu.memory_space<vmem_shared>> -> memref<40x128xf32, #tpu.memory_space<vmem_shared>>
    %dma_wait3A_703 = arith.constant 0 : i32
    %dma_wait3A_704 = tpu.memref_slice %arg35[%add3A_697, %dma_wait3A_703] : memref<10000x128xf32, #tpu.memory_space<vmem_shared>> -> memref<40x128xf32, #tpu.memory_space<vmem_shared>>
    %dma_wait3A_705 = arith.constant 0 : i32
    %dma_wait3A_706 = arith.constant 0 : i32
    %dma_wait3A_707 = tpu.memref_slice %arg29[%dma_wait3A_705, %dma_wait3A_706] : memref<40x128xf32, #tpu.memory_space<vmem>> -> memref<40x128xf32, #tpu.memory_space<vmem>>
    tpu.wait_dma2 semaphore(%arg36 : memref<!tpu.dma_semaphore, #tpu.memory_space<semaphore_mem>>) src(%dma_wait3A_707 : memref<40x128xf32, #tpu.memory_space<vmem>>) dst(%dma_wait3A_704 : memref<40x128xf32, #tpu.memory_space<vmem_shared>>)
    %add3A_708 = arith.constant 360 : i32
    %add3A_709 = arith.addi %mul3A_599, %add3A_708 : i32
    %dma_wait3A_710 = arith.constant 0 : i32
    %dma_wait3A_711 = arith.constant 0 : i32
    %dma_wait3A_712 = tpu.memref_slice %arg29[%dma_wait3A_710, %dma_wait3A_711] : memref<40x128xf32, #tpu.memory_space<vmem>> -> memref<40x128xf32, #tpu.memory_space<vmem>>
    %dma_wait3A_713 = arith.constant 0 : i32
    %dma_wait3A_714 = tpu.memref_slice %arg35[%add3A_709, %dma_wait3A_713] : memref<10000x128xf32, #tpu.memory_space<vmem_shared>> -> memref<40x128xf32, #tpu.memory_space<vmem_shared>>
    %dma_wait3A_715 = arith.constant 0 : i32
    %dma_wait3A_716 = tpu.memref_slice %arg35[%add3A_709, %dma_wait3A_715] : memref<10000x128xf32, #tpu.memory_space<vmem_shared>> -> memref<40x128xf32, #tpu.memory_space<vmem_shared>>
    %dma_wait3A_717 = arith.constant 0 : i32
    %dma_wait3A_718 = arith.constant 0 : i32
    %dma_wait3A_719 = tpu.memref_slice %arg29[%dma_wait3A_717, %dma_wait3A_718] : memref<40x128xf32, #tpu.memory_space<vmem>> -> memref<40x128xf32, #tpu.memory_space<vmem>>
    tpu.wait_dma2 semaphore(%arg36 : memref<!tpu.dma_semaphore, #tpu.memory_space<semaphore_mem>>) src(%dma_wait3A_719 : memref<40x128xf32, #tpu.memory_space<vmem>>) dst(%dma_wait3A_716 : memref<40x128xf32, #tpu.memory_space<vmem_shared>>)
    %add3A_720 = arith.constant 400 : i32
    %add3A_721 = arith.addi %mul3A_599, %add3A_720 : i32
    %dma_wait3A_722 = arith.constant 0 : i32
    %dma_wait3A_723 = arith.constant 0 : i32
    %dma_wait3A_724 = tpu.memref_slice %arg29[%dma_wait3A_722, %dma_wait3A_723] : memref<40x128xf32, #tpu.memory_space<vmem>> -> memref<40x128xf32, #tpu.memory_space<vmem>>
    %dma_wait3A_725 = arith.constant 0 : i32
    %dma_wait3A_726 = tpu.memref_slice %arg35[%add3A_721, %dma_wait3A_725] : memref<10000x128xf32, #tpu.memory_space<vmem_shared>> -> memref<40x128xf32, #tpu.memory_space<vmem_shared>>
    %dma_wait3A_727 = arith.constant 0 : i32
    %dma_wait3A_728 = tpu.memref_slice %arg35[%add3A_721, %dma_wait3A_727] : memref<10000x128xf32, #tpu.memory_space<vmem_shared>> -> memref<40x128xf32, #tpu.memory_space<vmem_shared>>
    %dma_wait3A_729 = arith.constant 0 : i32
    %dma_wait3A_730 = arith.constant 0 : i32
    %dma_wait3A_731 = tpu.memref_slice %arg29[%dma_wait3A_729, %dma_wait3A_730] : memref<40x128xf32, #tpu.memory_space<vmem>> -> memref<40x128xf32, #tpu.memory_space<vmem>>
    tpu.wait_dma2 semaphore(%arg36 : memref<!tpu.dma_semaphore, #tpu.memory_space<semaphore_mem>>) src(%dma_wait3A_731 : memref<40x128xf32, #tpu.memory_space<vmem>>) dst(%dma_wait3A_728 : memref<40x128xf32, #tpu.memory_space<vmem_shared>>)
    %add3A_732 = arith.constant 440 : i32
    %add3A_733 = arith.addi %mul3A_599, %add3A_732 : i32
    %dma_wait3A_734 = arith.constant 0 : i32
    %dma_wait3A_735 = arith.constant 0 : i32
    %dma_wait3A_736 = tpu.memref_slice %arg29[%dma_wait3A_734, %dma_wait3A_735] : memref<40x128xf32, #tpu.memory_space<vmem>> -> memref<40x128xf32, #tpu.memory_space<vmem>>
    %dma_wait3A_737 = arith.constant 0 : i32
    %dma_wait3A_738 = tpu.memref_slice %arg35[%add3A_733, %dma_wait3A_737] : memref<10000x128xf32, #tpu.memory_space<vmem_shared>> -> memref<40x128xf32, #tpu.memory_space<vmem_shared>>
    %dma_wait3A_739 = arith.constant 0 : i32
    %dma_wait3A_740 = tpu.memref_slice %arg35[%add3A_733, %dma_wait3A_739] : memref<10000x128xf32, #tpu.memory_space<vmem_shared>> -> memref<40x128xf32, #tpu.memory_space<vmem_shared>>
    %dma_wait3A_741 = arith.constant 0 : i32
    %dma_wait3A_742 = arith.constant 0 : i32
    %dma_wait3A_743 = tpu.memref_slice %arg29[%dma_wait3A_741, %dma_wait3A_742] : memref<40x128xf32, #tpu.memory_space<vmem>> -> memref<40x128xf32, #tpu.memory_space<vmem>>
    tpu.wait_dma2 semaphore(%arg36 : memref<!tpu.dma_semaphore, #tpu.memory_space<semaphore_mem>>) src(%dma_wait3A_743 : memref<40x128xf32, #tpu.memory_space<vmem>>) dst(%dma_wait3A_740 : memref<40x128xf32, #tpu.memory_space<vmem_shared>>)
    %add3A_744 = arith.constant 480 : i32
    %add3A_745 = arith.addi %mul3A_599, %add3A_744 : i32
    %dma_wait3A_746 = arith.constant 0 : i32
    %dma_wait3A_747 = arith.constant 0 : i32
    %dma_wait3A_748 = tpu.memref_slice %arg29[%dma_wait3A_746, %dma_wait3A_747] : memref<40x128xf32, #tpu.memory_space<vmem>> -> memref<40x128xf32, #tpu.memory_space<vmem>>
    %dma_wait3A_749 = arith.constant 0 : i32
    %dma_wait3A_750 = tpu.memref_slice %arg35[%add3A_745, %dma_wait3A_749] : memref<10000x128xf32, #tpu.memory_space<vmem_shared>> -> memref<40x128xf32, #tpu.memory_space<vmem_shared>>
    %dma_wait3A_751 = arith.constant 0 : i32
    %dma_wait3A_752 = tpu.memref_slice %arg35[%add3A_745, %dma_wait3A_751] : memref<10000x128xf32, #tpu.memory_space<vmem_shared>> -> memref<40x128xf32, #tpu.memory_space<vmem_shared>>
    %dma_wait3A_753 = arith.constant 0 : i32
    %dma_wait3A_754 = arith.constant 0 : i32
    %dma_wait3A_755 = tpu.memref_slice %arg29[%dma_wait3A_753, %dma_wait3A_754] : memref<40x128xf32, #tpu.memory_space<vmem>> -> memref<40x128xf32, #tpu.memory_space<vmem>>
    tpu.wait_dma2 semaphore(%arg36 : memref<!tpu.dma_semaphore, #tpu.memory_space<semaphore_mem>>) src(%dma_wait3A_755 : memref<40x128xf32, #tpu.memory_space<vmem>>) dst(%dma_wait3A_752 : memref<40x128xf32, #tpu.memory_space<vmem_shared>>)
    %add3A_756 = arith.constant 520 : i32
    %add3A_757 = arith.addi %mul3A_599, %add3A_756 : i32
    %dma_wait3A_758 = arith.constant 0 : i32
    %dma_wait3A_759 = arith.constant 0 : i32
    %dma_wait3A_760 = tpu.memref_slice %arg29[%dma_wait3A_758, %dma_wait3A_759] : memref<40x128xf32, #tpu.memory_space<vmem>> -> memref<40x128xf32, #tpu.memory_space<vmem>>
    %dma_wait3A_761 = arith.constant 0 : i32
    %dma_wait3A_762 = tpu.memref_slice %arg35[%add3A_757, %dma_wait3A_761] : memref<10000x128xf32, #tpu.memory_space<vmem_shared>> -> memref<40x128xf32, #tpu.memory_space<vmem_shared>>
    %dma_wait3A_763 = arith.constant 0 : i32
    %dma_wait3A_764 = tpu.memref_slice %arg35[%add3A_757, %dma_wait3A_763] : memref<10000x128xf32, #tpu.memory_space<vmem_shared>> -> memref<40x128xf32, #tpu.memory_space<vmem_shared>>
    %dma_wait3A_765 = arith.constant 0 : i32
    %dma_wait3A_766 = arith.constant 0 : i32
    %dma_wait3A_767 = tpu.memref_slice %arg29[%dma_wait3A_765, %dma_wait3A_766] : memref<40x128xf32, #tpu.memory_space<vmem>> -> memref<40x128xf32, #tpu.memory_space<vmem>>
    tpu.wait_dma2 semaphore(%arg36 : memref<!tpu.dma_semaphore, #tpu.memory_space<semaphore_mem>>) src(%dma_wait3A_767 : memref<40x128xf32, #tpu.memory_space<vmem>>) dst(%dma_wait3A_764 : memref<40x128xf32, #tpu.memory_space<vmem_shared>>)
    %add3A_768 = arith.constant 560 : i32
    %add3A_769 = arith.addi %mul3A_599, %add3A_768 : i32
    %dma_wait3A_770 = arith.constant 0 : i32
    %dma_wait3A_771 = arith.constant 0 : i32
    %dma_wait3A_772 = tpu.memref_slice %arg29[%dma_wait3A_770, %dma_wait3A_771] : memref<40x128xf32, #tpu.memory_space<vmem>> -> memref<40x128xf32, #tpu.memory_space<vmem>>
    %dma_wait3A_773 = arith.constant 0 : i32
    %dma_wait3A_774 = tpu.memref_slice %arg35[%add3A_769, %dma_wait3A_773] : memref<10000x128xf32, #tpu.memory_space<vmem_shared>> -> memref<40x128xf32, #tpu.memory_space<vmem_shared>>
    %dma_wait3A_775 = arith.constant 0 : i32
    %dma_wait3A_776 = tpu.memref_slice %arg35[%add3A_769, %dma_wait3A_775] : memref<10000x128xf32, #tpu.memory_space<vmem_shared>> -> memref<40x128xf32, #tpu.memory_space<vmem_shared>>
    %dma_wait3A_777 = arith.constant 0 : i32
    %dma_wait3A_778 = arith.constant 0 : i32
    %dma_wait3A_779 = tpu.memref_slice %arg29[%dma_wait3A_777, %dma_wait3A_778] : memref<40x128xf32, #tpu.memory_space<vmem>> -> memref<40x128xf32, #tpu.memory_space<vmem>>
    tpu.wait_dma2 semaphore(%arg36 : memref<!tpu.dma_semaphore, #tpu.memory_space<semaphore_mem>>) src(%dma_wait3A_779 : memref<40x128xf32, #tpu.memory_space<vmem>>) dst(%dma_wait3A_776 : memref<40x128xf32, #tpu.memory_space<vmem_shared>>)
    %add3A_780 = arith.constant 600 : i32
    %add3A_781 = arith.addi %mul3A_599, %add3A_780 : i32
    %dma_wait3A_782 = arith.constant 0 : i32
    %dma_wait3A_783 = arith.constant 0 : i32
    %dma_wait3A_784 = tpu.memref_slice %arg29[%dma_wait3A_782, %dma_wait3A_783] : memref<40x128xf32, #tpu.memory_space<vmem>> -> memref<24x128xf32, #tpu.memory_space<vmem>>
    %dma_wait3A_785 = arith.constant 0 : i32
    %dma_wait3A_786 = tpu.memref_slice %arg35[%add3A_781, %dma_wait3A_785] : memref<10000x128xf32, #tpu.memory_space<vmem_shared>> -> memref<24x128xf32, #tpu.memory_space<vmem_shared>>
    %dma_wait3A_787 = arith.constant 0 : i32
    %dma_wait3A_788 = tpu.memref_slice %arg35[%add3A_781, %dma_wait3A_787] : memref<10000x128xf32, #tpu.memory_space<vmem_shared>> -> memref<24x128xf32, #tpu.memory_space<vmem_shared>>
    %dma_wait3A_789 = arith.constant 0 : i32
    %dma_wait3A_790 = arith.constant 0 : i32
    %dma_wait3A_791 = tpu.memref_slice %arg29[%dma_wait3A_789, %dma_wait3A_790] : memref<40x128xf32, #tpu.memory_space<vmem>> -> memref<24x128xf32, #tpu.memory_space<vmem>>
    tpu.wait_dma2 semaphore(%arg36 : memref<!tpu.dma_semaphore, #tpu.memory_space<semaphore_mem>>) src(%dma_wait3A_791 : memref<24x128xf32, #tpu.memory_space<vmem>>) dst(%dma_wait3A_788 : memref<24x128xf32, #tpu.memory_space<vmem_shared>>)
    %eq3A_792 = arith.constant 15 : i32
    %eq3A_793 = arith.cmpi eq, %arg1, %eq3A_792 : i32
    %convert_element_type3A_794 = arith.extui %eq3A_793 : i1 to i32
    %cond3A_795 = arith.constant 0 : i32
    %cond3A_796 = arith.cmpi ne, %convert_element_type3A_794, %cond3A_795 : i32
    scf.if %cond3A_796 {
      %dma_wait3A_918 = arith.constant 0 : i32
      %dma_wait3A_919 = arith.constant 0 : i32
      %dma_wait3A_920 = tpu.memref_slice %arg29[%dma_wait3A_918, %dma_wait3A_919] : memref<40x128xf32, #tpu.memory_space<vmem>> -> memref<16x128xf32, #tpu.memory_space<vmem>>
      %dma_wait3A_921 = arith.constant 9984 : i32
      %dma_wait3A_922 = arith.constant 0 : i32
      %dma_wait3A_923 = tpu.memref_slice %arg35[%dma_wait3A_921, %dma_wait3A_922] : memref<10000x128xf32, #tpu.memory_space<vmem_shared>> -> memref<16x128xf32, #tpu.memory_space<vmem_shared>>
      %dma_wait3A_924 = arith.constant 9984 : i32
      %dma_wait3A_925 = arith.constant 0 : i32
      %dma_wait3A_926 = tpu.memref_slice %arg35[%dma_wait3A_924, %dma_wait3A_925] : memref<10000x128xf32, #tpu.memory_space<vmem_shared>> -> memref<16x128xf32, #tpu.memory_space<vmem_shared>>
      %dma_wait3A_927 = arith.constant 0 : i32
      %dma_wait3A_928 = arith.constant 0 : i32
      %dma_wait3A_929 = tpu.memref_slice %arg29[%dma_wait3A_927, %dma_wait3A_928] : memref<40x128xf32, #tpu.memory_space<vmem>> -> memref<16x128xf32, #tpu.memory_space<vmem>>
      tpu.wait_dma2 semaphore(%arg36 : memref<!tpu.dma_semaphore, #tpu.memory_space<semaphore_mem>>) src(%dma_wait3A_929 : memref<16x128xf32, #tpu.memory_space<vmem>>) dst(%dma_wait3A_926 : memref<16x128xf32, #tpu.memory_space<vmem_shared>>)
    } else {
    }
    %barrier3A = arith.constant 0 : index
    tpu.barrier barrier_id(%barrier3A)
    %dma_start3A_797 = arith.constant 0 : i32
    %dma_start3A_798 = arith.constant 0 : i32
    %dma_start3A_799 = tpu.memref_slice %arg5[%add3A, %dma_start3A_797, %dma_start3A_798] : memref<32x250x40xi32, #tpu.memory_space<hbm>> -> memref<1x1x40xi32, #tpu.memory_space<hbm>>
    %dma_start3A_800 = tpu.memref_squeeze %dma_start3A_799 : memref<1x1x40xi32, #tpu.memory_space<hbm>> -> memref<40xi32, #tpu.memory_space<hbm>>
    %dma_start3A_801 = arith.constant 0 : i32
    %dma_start3A_802 = tpu.memref_slice %arg5[%add3A, %dma_start3A_797, %dma_start3A_801] : memref<32x250x40xi32, #tpu.memory_space<hbm>> -> memref<1x1x40xi32, #tpu.memory_space<hbm>>
    %dma_start3A_803 = tpu.memref_squeeze %dma_start3A_802 : memref<1x1x40xi32, #tpu.memory_space<hbm>> -> memref<40xi32, #tpu.memory_space<hbm>>
    tpu.enqueue_dma source(%dma_start3A_803 : memref<40xi32, #tpu.memory_space<hbm>>) target(%arg9 : memref<40xi32, #tpu.memory_space<vmem>>) target_semaphore(%arg36 : memref<!tpu.dma_semaphore, #tpu.memory_space<semaphore_mem>>)
    %dma_start3A_804 = arith.constant 0 : i32
    %dma_start3A_805 = arith.constant 0 : i32
    %dma_start3A_806 = tpu.memref_slice %arg6[%add3A, %dma_start3A_804, %dma_start3A_805] : memref<32x250x40xi32, #tpu.memory_space<hbm>> -> memref<1x1x40xi32, #tpu.memory_space<hbm>>
    %dma_start3A_807 = tpu.memref_squeeze %dma_start3A_806 : memref<1x1x40xi32, #tpu.memory_space<hbm>> -> memref<40xi32, #tpu.memory_space<hbm>>
    %dma_start3A_808 = arith.constant 0 : i32
    %dma_start3A_809 = tpu.memref_slice %arg6[%add3A, %dma_start3A_804, %dma_start3A_808] : memref<32x250x40xi32, #tpu.memory_space<hbm>> -> memref<1x1x40xi32, #tpu.memory_space<hbm>>
    %dma_start3A_810 = tpu.memref_squeeze %dma_start3A_809 : memref<1x1x40xi32, #tpu.memory_space<hbm>> -> memref<40xi32, #tpu.memory_space<hbm>>
    tpu.enqueue_dma source(%dma_start3A_810 : memref<40xi32, #tpu.memory_space<hbm>>) target(%arg14 : memref<40xi32, #tpu.memory_space<vmem>>) target_semaphore(%arg36 : memref<!tpu.dma_semaphore, #tpu.memory_space<semaphore_mem>>)
    %dma_start3A_811 = arith.constant 1 : i32
    %dma_start3A_812 = arith.constant 0 : i32
    %dma_start3A_813 = tpu.memref_slice %arg5[%add3A, %dma_start3A_811, %dma_start3A_812] : memref<32x250x40xi32, #tpu.memory_space<hbm>> -> memref<1x1x40xi32, #tpu.memory_space<hbm>>
    %dma_start3A_814 = tpu.memref_squeeze %dma_start3A_813 : memref<1x1x40xi32, #tpu.memory_space<hbm>> -> memref<40xi32, #tpu.memory_space<hbm>>
    %dma_start3A_815 = arith.constant 0 : i32
    %dma_start3A_816 = tpu.memref_slice %arg5[%add3A, %dma_start3A_811, %dma_start3A_815] : memref<32x250x40xi32, #tpu.memory_space<hbm>> -> memref<1x1x40xi32, #tpu.memory_space<hbm>>
    %dma_start3A_817 = tpu.memref_squeeze %dma_start3A_816 : memref<1x1x40xi32, #tpu.memory_space<hbm>> -> memref<40xi32, #tpu.memory_space<hbm>>
    tpu.enqueue_dma source(%dma_start3A_817 : memref<40xi32, #tpu.memory_space<hbm>>) target(%arg10 : memref<40xi32, #tpu.memory_space<vmem>>) target_semaphore(%arg37 : memref<!tpu.dma_semaphore, #tpu.memory_space<semaphore_mem>>)
    %dma_start3A_818 = arith.constant 1 : i32
    %dma_start3A_819 = arith.constant 0 : i32
    %dma_start3A_820 = tpu.memref_slice %arg6[%add3A, %dma_start3A_818, %dma_start3A_819] : memref<32x250x40xi32, #tpu.memory_space<hbm>> -> memref<1x1x40xi32, #tpu.memory_space<hbm>>
    %dma_start3A_821 = tpu.memref_squeeze %dma_start3A_820 : memref<1x1x40xi32, #tpu.memory_space<hbm>> -> memref<40xi32, #tpu.memory_space<hbm>>
    %dma_start3A_822 = arith.constant 0 : i32
    %dma_start3A_823 = tpu.memref_slice %arg6[%add3A, %dma_start3A_818, %dma_start3A_822] : memref<32x250x40xi32, #tpu.memory_space<hbm>> -> memref<1x1x40xi32, #tpu.memory_space<hbm>>
    %dma_start3A_824 = tpu.memref_squeeze %dma_start3A_823 : memref<1x1x40xi32, #tpu.memory_space<hbm>> -> memref<40xi32, #tpu.memory_space<hbm>>
    tpu.enqueue_dma source(%dma_start3A_824 : memref<40xi32, #tpu.memory_space<hbm>>) target(%arg15 : memref<40xi32, #tpu.memory_space<vmem>>) target_semaphore(%arg37 : memref<!tpu.dma_semaphore, #tpu.memory_space<semaphore_mem>>)
    %dma_start3A_825 = arith.constant 2 : i32
    %dma_start3A_826 = arith.constant 0 : i32
    %dma_start3A_827 = tpu.memref_slice %arg5[%add3A, %dma_start3A_825, %dma_start3A_826] : memref<32x250x40xi32, #tpu.memory_space<hbm>> -> memref<1x1x40xi32, #tpu.memory_space<hbm>>
    %dma_start3A_828 = tpu.memref_squeeze %dma_start3A_827 : memref<1x1x40xi32, #tpu.memory_space<hbm>> -> memref<40xi32, #tpu.memory_space<hbm>>
    %dma_start3A_829 = arith.constant 0 : i32
    %dma_start3A_830 = tpu.memref_slice %arg5[%add3A, %dma_start3A_825, %dma_start3A_829] : memref<32x250x40xi32, #tpu.memory_space<hbm>> -> memref<1x1x40xi32, #tpu.memory_space<hbm>>
    %dma_start3A_831 = tpu.memref_squeeze %dma_start3A_830 : memref<1x1x40xi32, #tpu.memory_space<hbm>> -> memref<40xi32, #tpu.memory_space<hbm>>
    tpu.enqueue_dma source(%dma_start3A_831 : memref<40xi32, #tpu.memory_space<hbm>>) target(%arg11 : memref<40xi32, #tpu.memory_space<vmem>>) target_semaphore(%arg38 : memref<!tpu.dma_semaphore, #tpu.memory_space<semaphore_mem>>)
    %dma_start3A_832 = arith.constant 2 : i32
    %dma_start3A_833 = arith.constant 0 : i32
    %dma_start3A_834 = tpu.memref_slice %arg6[%add3A, %dma_start3A_832, %dma_start3A_833] : memref<32x250x40xi32, #tpu.memory_space<hbm>> -> memref<1x1x40xi32, #tpu.memory_space<hbm>>
    %dma_start3A_835 = tpu.memref_squeeze %dma_start3A_834 : memref<1x1x40xi32, #tpu.memory_space<hbm>> -> memref<40xi32, #tpu.memory_space<hbm>>
    %dma_start3A_836 = arith.constant 0 : i32
    %dma_start3A_837 = tpu.memref_slice %arg6[%add3A, %dma_start3A_832, %dma_start3A_836] : memref<32x250x40xi32, #tpu.memory_space<hbm>> -> memref<1x1x40xi32, #tpu.memory_space<hbm>>
    %dma_start3A_838 = tpu.memref_squeeze %dma_start3A_837 : memref<1x1x40xi32, #tpu.memory_space<hbm>> -> memref<40xi32, #tpu.memory_space<hbm>>
    tpu.enqueue_dma source(%dma_start3A_838 : memref<40xi32, #tpu.memory_space<hbm>>) target(%arg16 : memref<40xi32, #tpu.memory_space<vmem>>) target_semaphore(%arg38 : memref<!tpu.dma_semaphore, #tpu.memory_space<semaphore_mem>>)
    %dma_wait3A_839 = arith.constant 0 : i32
    %dma_wait3A_840 = arith.constant 0 : i32
    %dma_wait3A_841 = tpu.memref_slice %arg5[%add3A, %dma_wait3A_839, %dma_wait3A_840] : memref<32x250x40xi32, #tpu.memory_space<hbm>> -> memref<1x1x40xi32, #tpu.memory_space<hbm>>
    %dma_wait3A_842 = tpu.memref_squeeze %dma_wait3A_841 : memref<1x1x40xi32, #tpu.memory_space<hbm>> -> memref<40xi32, #tpu.memory_space<hbm>>
    %dma_wait3A_843 = arith.constant 0 : i32
    %dma_wait3A_844 = tpu.memref_slice %arg5[%add3A, %dma_wait3A_839, %dma_wait3A_843] : memref<32x250x40xi32, #tpu.memory_space<hbm>> -> memref<1x1x40xi32, #tpu.memory_space<hbm>>
    %dma_wait3A_845 = tpu.memref_squeeze %dma_wait3A_844 : memref<1x1x40xi32, #tpu.memory_space<hbm>> -> memref<40xi32, #tpu.memory_space<hbm>>
    tpu.wait_dma2 semaphore(%arg36 : memref<!tpu.dma_semaphore, #tpu.memory_space<semaphore_mem>>) src(%dma_wait3A_845 : memref<40xi32, #tpu.memory_space<hbm>>) dst(%arg9 : memref<40xi32, #tpu.memory_space<vmem>>)
    %dma_wait3A_846 = arith.constant 0 : i32
    %dma_wait3A_847 = arith.constant 0 : i32
    %dma_wait3A_848 = tpu.memref_slice %arg6[%add3A, %dma_wait3A_846, %dma_wait3A_847] : memref<32x250x40xi32, #tpu.memory_space<hbm>> -> memref<1x1x40xi32, #tpu.memory_space<hbm>>
    %dma_wait3A_849 = tpu.memref_squeeze %dma_wait3A_848 : memref<1x1x40xi32, #tpu.memory_space<hbm>> -> memref<40xi32, #tpu.memory_space<hbm>>
    %dma_wait3A_850 = arith.constant 0 : i32
    %dma_wait3A_851 = tpu.memref_slice %arg6[%add3A, %dma_wait3A_846, %dma_wait3A_850] : memref<32x250x40xi32, #tpu.memory_space<hbm>> -> memref<1x1x40xi32, #tpu.memory_space<hbm>>
    %dma_wait3A_852 = tpu.memref_squeeze %dma_wait3A_851 : memref<1x1x40xi32, #tpu.memory_space<hbm>> -> memref<40xi32, #tpu.memory_space<hbm>>
    tpu.wait_dma2 semaphore(%arg36 : memref<!tpu.dma_semaphore, #tpu.memory_space<semaphore_mem>>) src(%dma_wait3A_852 : memref<40xi32, #tpu.memory_space<hbm>>) dst(%arg14 : memref<40xi32, #tpu.memory_space<vmem>>)
    %dma_start3A_853 = arith.constant 0 : i32
    %dma_start3A_854 = arith.constant 0 : i32
    %dma_start3A_855 = tpu.memref_slice %arg2[%dma_start3A_853, %dma_start3A_854] : memref<10000x16xf32, #tpu.memory_space<hbm>> -> memref<10000x16xf32, #tpu.memory_space<hbm>>
    tpu.enqueue_indirect_dma source(%dma_start3A_855 : memref<10000x16xf32, #tpu.memory_space<hbm>>) target(%arg19 : memref<40x16xf32, #tpu.memory_space<vmem>>) offsets(%arg9 : memref<40xi32, #tpu.memory_space<vmem>>) semaphore(%arg41 : memref<!tpu.dma_semaphore, #tpu.memory_space<semaphore_mem>>)
    %dma_start3A_856 = arith.constant 0 : i32
    %dma_start3A_857 = arith.constant 0 : i32
    %dma_start3A_858 = tpu.memref_slice %arg3[%dma_start3A_856, %dma_start3A_857] : memref<10000x16xf32, #tpu.memory_space<hbm>> -> memref<10000x16xf32, #tpu.memory_space<hbm>>
    tpu.enqueue_indirect_dma source(%dma_start3A_858 : memref<10000x16xf32, #tpu.memory_space<hbm>>) target(%arg24 : memref<40x16xf32, #tpu.memory_space<vmem>>) offsets(%arg14 : memref<40xi32, #tpu.memory_space<vmem>>) semaphore(%arg41 : memref<!tpu.dma_semaphore, #tpu.memory_space<semaphore_mem>>)
    %dma_start3A_859 = arith.constant 0 : i32
    %dma_start3A_860 = arith.constant 0 : i32
    %dma_start3A_861 = tpu.memref_slice %arg4[%dma_start3A_859, %dma_start3A_860] : memref<10000x128xf32, #tpu.memory_space<hbm>> -> memref<10000x128xf32, #tpu.memory_space<hbm>>
    tpu.enqueue_indirect_dma source(%dma_start3A_861 : memref<10000x128xf32, #tpu.memory_space<hbm>>) target(%arg29 : memref<40x128xf32, #tpu.memory_space<vmem>>) offsets(%arg9 : memref<40xi32, #tpu.memory_space<vmem>>) semaphore(%arg41 : memref<!tpu.dma_semaphore, #tpu.memory_space<semaphore_mem>>)
    %dma_wait3A_862 = arith.constant 1 : i32
    %dma_wait3A_863 = arith.constant 0 : i32
    %dma_wait3A_864 = tpu.memref_slice %arg5[%add3A, %dma_wait3A_862, %dma_wait3A_863] : memref<32x250x40xi32, #tpu.memory_space<hbm>> -> memref<1x1x40xi32, #tpu.memory_space<hbm>>
    %dma_wait3A_865 = tpu.memref_squeeze %dma_wait3A_864 : memref<1x1x40xi32, #tpu.memory_space<hbm>> -> memref<40xi32, #tpu.memory_space<hbm>>
    %dma_wait3A_866 = arith.constant 0 : i32
    %dma_wait3A_867 = tpu.memref_slice %arg5[%add3A, %dma_wait3A_862, %dma_wait3A_866] : memref<32x250x40xi32, #tpu.memory_space<hbm>> -> memref<1x1x40xi32, #tpu.memory_space<hbm>>
    %dma_wait3A_868 = tpu.memref_squeeze %dma_wait3A_867 : memref<1x1x40xi32, #tpu.memory_space<hbm>> -> memref<40xi32, #tpu.memory_space<hbm>>
    tpu.wait_dma2 semaphore(%arg37 : memref<!tpu.dma_semaphore, #tpu.memory_space<semaphore_mem>>) src(%dma_wait3A_868 : memref<40xi32, #tpu.memory_space<hbm>>) dst(%arg10 : memref<40xi32, #tpu.memory_space<vmem>>)
    %dma_wait3A_869 = arith.constant 1 : i32
    %dma_wait3A_870 = arith.constant 0 : i32
    %dma_wait3A_871 = tpu.memref_slice %arg6[%add3A, %dma_wait3A_869, %dma_wait3A_870] : memref<32x250x40xi32, #tpu.memory_space<hbm>> -> memref<1x1x40xi32, #tpu.memory_space<hbm>>
    %dma_wait3A_872 = tpu.memref_squeeze %dma_wait3A_871 : memref<1x1x40xi32, #tpu.memory_space<hbm>> -> memref<40xi32, #tpu.memory_space<hbm>>
    %dma_wait3A_873 = arith.constant 0 : i32
    %dma_wait3A_874 = tpu.memref_slice %arg6[%add3A, %dma_wait3A_869, %dma_wait3A_873] : memref<32x250x40xi32, #tpu.memory_space<hbm>> -> memref<1x1x40xi32, #tpu.memory_space<hbm>>
    %dma_wait3A_875 = tpu.memref_squeeze %dma_wait3A_874 : memref<1x1x40xi32, #tpu.memory_space<hbm>> -> memref<40xi32, #tpu.memory_space<hbm>>
    tpu.wait_dma2 semaphore(%arg37 : memref<!tpu.dma_semaphore, #tpu.memory_space<semaphore_mem>>) src(%dma_wait3A_875 : memref<40xi32, #tpu.memory_space<hbm>>) dst(%arg15 : memref<40xi32, #tpu.memory_space<vmem>>)
    %dma_start3A_876 = arith.constant 0 : i32
    %dma_start3A_877 = arith.constant 0 : i32
    %dma_start3A_878 = tpu.memref_slice %arg2[%dma_start3A_876, %dma_start3A_877] : memref<10000x16xf32, #tpu.memory_space<hbm>> -> memref<10000x16xf32, #tpu.memory_space<hbm>>
    tpu.enqueue_indirect_dma source(%dma_start3A_878 : memref<10000x16xf32, #tpu.memory_space<hbm>>) target(%arg20 : memref<40x16xf32, #tpu.memory_space<vmem>>) offsets(%arg10 : memref<40xi32, #tpu.memory_space<vmem>>) semaphore(%arg42 : memref<!tpu.dma_semaphore, #tpu.memory_space<semaphore_mem>>)
    %dma_start3A_879 = arith.constant 0 : i32
    %dma_start3A_880 = arith.constant 0 : i32
    %dma_start3A_881 = tpu.memref_slice %arg3[%dma_start3A_879, %dma_start3A_880] : memref<10000x16xf32, #tpu.memory_space<hbm>> -> memref<10000x16xf32, #tpu.memory_space<hbm>>
    tpu.enqueue_indirect_dma source(%dma_start3A_881 : memref<10000x16xf32, #tpu.memory_space<hbm>>) target(%arg25 : memref<40x16xf32, #tpu.memory_space<vmem>>) offsets(%arg15 : memref<40xi32, #tpu.memory_space<vmem>>) semaphore(%arg42 : memref<!tpu.dma_semaphore, #tpu.memory_space<semaphore_mem>>)
    %dma_start3A_882 = arith.constant 0 : i32
    %dma_start3A_883 = arith.constant 0 : i32
    %dma_start3A_884 = tpu.memref_slice %arg4[%dma_start3A_882, %dma_start3A_883] : memref<10000x128xf32, #tpu.memory_space<hbm>> -> memref<10000x128xf32, #tpu.memory_space<hbm>>
    tpu.enqueue_indirect_dma source(%dma_start3A_884 : memref<10000x128xf32, #tpu.memory_space<hbm>>) target(%arg30 : memref<40x128xf32, #tpu.memory_space<vmem>>) offsets(%arg10 : memref<40xi32, #tpu.memory_space<vmem>>) semaphore(%arg42 : memref<!tpu.dma_semaphore, #tpu.memory_space<semaphore_mem>>)
    %scan3A_885 = arith.constant 0 : i32
    %scan3A_886 = arith.constant 0 : i32
    %scan3A_887 = arith.constant 50 : i32
    %scan3A_888 = arith.addi %scan3A_886, %scan3A_887 : i32
    %scan3A_889 = arith.constant 1 : i32
    scf.for %scan3A_918 = %scan3A_886 to %scan3A_888 step %scan3A_889  : i32 {
      %mul3A_919 = arith.constant 5 : i32
      %mul3A_920 = arith.muli %scan3A_918, %mul3A_919 : i32
      %add3A_921 = arith.constant 0 : i32
      %add3A_922 = arith.addi %mul3A_920, %add3A_921 : i32
      %ge3A = arith.constant 1 : i32
      %ge3A_923 = arith.cmpi sge, %scan3A_918, %ge3A : i32
      %convert_element_type3A_924 = arith.extui %ge3A_923 : i1 to i32
      %cond3A_925 = arith.constant 0 : i32
      %cond3A_926 = arith.cmpi ne, %convert_element_type3A_924, %cond3A_925 : i32
      scf.if %cond3A_926 {
        %dma_wait3A_1140 = arith.constant 0 : i32
        %dma_wait3A_1141 = arith.constant 0 : i32
        %dma_wait3A_1142 = tpu.memref_slice %arg34[%dma_wait3A_1140, %dma_wait3A_1141] : memref<10000x16xf32, #tpu.memory_space<vmem_shared>> -> memref<10000x16xf32, #tpu.memory_space<vmem_shared>>
        tpu.wait_indirect_dma semaphore(%arg49 : memref<!tpu.dma_semaphore, #tpu.memory_space<semaphore_mem>>) src(%arg22 : memref<40x16xf32, #tpu.memory_space<vmem>>) dst(%dma_wait3A_1142 : memref<10000x16xf32, #tpu.memory_space<vmem_shared>>)
        %dma_wait3A_1143 = arith.constant 0 : i32
        %dma_wait3A_1144 = arith.constant 0 : i32
        %dma_wait3A_1145 = tpu.memref_slice %arg35[%dma_wait3A_1143, %dma_wait3A_1144] : memref<10000x128xf32, #tpu.memory_space<vmem_shared>> -> memref<10000x128xf32, #tpu.memory_space<vmem_shared>>
        tpu.wait_indirect_dma semaphore(%arg49 : memref<!tpu.dma_semaphore, #tpu.memory_space<semaphore_mem>>) src(%arg32 : memref<40x128xf32, #tpu.memory_space<vmem>>) dst(%dma_wait3A_1145 : memref<10000x128xf32, #tpu.memory_space<vmem_shared>>)
      } else {
      }
      %add3A_927 = arith.constant 3 : i32
      %add3A_928 = arith.addi %add3A_922, %add3A_927 : i32
      %lt3A = arith.constant 250 : i32
      %lt3A_929 = arith.cmpi slt, %add3A_928, %lt3A : i32
      %convert_element_type3A_930 = arith.extui %lt3A_929 : i1 to i32
      %cond3A_931 = arith.constant 0 : i32
      %cond3A_932 = arith.cmpi ne, %convert_element_type3A_930, %cond3A_931 : i32
      scf.if %cond3A_932 {
        %add3A_1140 = arith.constant 3 : i32
        %add3A_1141 = arith.addi %add3A_922, %add3A_1140 : i32
        %dma_start3A_1142 = arith.constant 0 : i32
        %dma_start3A_1143 = tpu.memref_slice %arg5[%add3A, %add3A_1141, %dma_start3A_1142] : memref<32x250x40xi32, #tpu.memory_space<hbm>> -> memref<1x1x40xi32, #tpu.memory_space<hbm>>
        %dma_start3A_1144 = tpu.memref_squeeze %dma_start3A_1143 : memref<1x1x40xi32, #tpu.memory_space<hbm>> -> memref<40xi32, #tpu.memory_space<hbm>>
        %dma_start3A_1145 = arith.constant 0 : i32
        %dma_start3A_1146 = tpu.memref_slice %arg5[%add3A, %add3A_1141, %dma_start3A_1145] : memref<32x250x40xi32, #tpu.memory_space<hbm>> -> memref<1x1x40xi32, #tpu.memory_space<hbm>>
        %dma_start3A_1147 = tpu.memref_squeeze %dma_start3A_1146 : memref<1x1x40xi32, #tpu.memory_space<hbm>> -> memref<40xi32, #tpu.memory_space<hbm>>
        tpu.enqueue_dma source(%dma_start3A_1147 : memref<40xi32, #tpu.memory_space<hbm>>) target(%arg12 : memref<40xi32, #tpu.memory_space<vmem>>) target_semaphore(%arg39 : memref<!tpu.dma_semaphore, #tpu.memory_space<semaphore_mem>>)
        %dma_start3A_1148 = arith.constant 0 : i32
        %dma_start3A_1149 = tpu.memref_slice %arg6[%add3A, %add3A_1141, %dma_start3A_1148] : memref<32x250x40xi32, #tpu.memory_space<hbm>> -> memref<1x1x40xi32, #tpu.memory_space<hbm>>
        %dma_start3A_1150 = tpu.memref_squeeze %dma_start3A_1149 : memref<1x1x40xi32, #tpu.memory_space<hbm>> -> memref<40xi32, #tpu.memory_space<hbm>>
        %dma_start3A_1151 = arith.constant 0 : i32
        %dma_start3A_1152 = tpu.memref_slice %arg6[%add3A, %add3A_1141, %dma_start3A_1151] : memref<32x250x40xi32, #tpu.memory_space<hbm>> -> memref<1x1x40xi32, #tpu.memory_space<hbm>>
        %dma_start3A_1153 = tpu.memref_squeeze %dma_start3A_1152 : memref<1x1x40xi32, #tpu.memory_space<hbm>> -> memref<40xi32, #tpu.memory_space<hbm>>
        tpu.enqueue_dma source(%dma_start3A_1153 : memref<40xi32, #tpu.memory_space<hbm>>) target(%arg17 : memref<40xi32, #tpu.memory_space<vmem>>) target_semaphore(%arg39 : memref<!tpu.dma_semaphore, #tpu.memory_space<semaphore_mem>>)
      } else {
      }
      %add3A_933 = arith.constant 2 : i32
      %add3A_934 = arith.addi %add3A_922, %add3A_933 : i32
      %lt3A_935 = arith.constant 250 : i32
      %lt3A_936 = arith.cmpi slt, %add3A_934, %lt3A_935 : i32
      %convert_element_type3A_937 = arith.extui %lt3A_936 : i1 to i32
      %cond3A_938 = arith.constant 0 : i32
      %cond3A_939 = arith.cmpi ne, %convert_element_type3A_937, %cond3A_938 : i32
      scf.if %cond3A_939 {
        %add3A_1140 = arith.constant 2 : i32
        %add3A_1141 = arith.addi %add3A_922, %add3A_1140 : i32
        %dma_wait3A_1142 = arith.constant 0 : i32
        %dma_wait3A_1143 = tpu.memref_slice %arg5[%add3A, %add3A_1141, %dma_wait3A_1142] : memref<32x250x40xi32, #tpu.memory_space<hbm>> -> memref<1x1x40xi32, #tpu.memory_space<hbm>>
        %dma_wait3A_1144 = tpu.memref_squeeze %dma_wait3A_1143 : memref<1x1x40xi32, #tpu.memory_space<hbm>> -> memref<40xi32, #tpu.memory_space<hbm>>
        %dma_wait3A_1145 = arith.constant 0 : i32
        %dma_wait3A_1146 = tpu.memref_slice %arg5[%add3A, %add3A_1141, %dma_wait3A_1145] : memref<32x250x40xi32, #tpu.memory_space<hbm>> -> memref<1x1x40xi32, #tpu.memory_space<hbm>>
        %dma_wait3A_1147 = tpu.memref_squeeze %dma_wait3A_1146 : memref<1x1x40xi32, #tpu.memory_space<hbm>> -> memref<40xi32, #tpu.memory_space<hbm>>
        tpu.wait_dma2 semaphore(%arg38 : memref<!tpu.dma_semaphore, #tpu.memory_space<semaphore_mem>>) src(%dma_wait3A_1147 : memref<40xi32, #tpu.memory_space<hbm>>) dst(%arg11 : memref<40xi32, #tpu.memory_space<vmem>>)
        %dma_wait3A_1148 = arith.constant 0 : i32
        %dma_wait3A_1149 = tpu.memref_slice %arg6[%add3A, %add3A_1141, %dma_wait3A_1148] : memref<32x250x40xi32, #tpu.memory_space<hbm>> -> memref<1x1x40xi32, #tpu.memory_space<hbm>>
        %dma_wait3A_1150 = tpu.memref_squeeze %dma_wait3A_1149 : memref<1x1x40xi32, #tpu.memory_space<hbm>> -> memref<40xi32, #tpu.memory_space<hbm>>
        %dma_wait3A_1151 = arith.constant 0 : i32
        %dma_wait3A_1152 = tpu.memref_slice %arg6[%add3A, %add3A_1141, %dma_wait3A_1151] : memref<32x250x40xi32, #tpu.memory_space<hbm>> -> memref<1x1x40xi32, #tpu.memory_space<hbm>>
        %dma_wait3A_1153 = tpu.memref_squeeze %dma_wait3A_1152 : memref<1x1x40xi32, #tpu.memory_space<hbm>> -> memref<40xi32, #tpu.memory_space<hbm>>
        tpu.wait_dma2 semaphore(%arg38 : memref<!tpu.dma_semaphore, #tpu.memory_space<semaphore_mem>>) src(%dma_wait3A_1153 : memref<40xi32, #tpu.memory_space<hbm>>) dst(%arg16 : memref<40xi32, #tpu.memory_space<vmem>>)
        %dma_start3A_1154 = arith.constant 0 : i32
        %dma_start3A_1155 = arith.constant 0 : i32
        %dma_start3A_1156 = tpu.memref_slice %arg2[%dma_start3A_1154, %dma_start3A_1155] : memref<10000x16xf32, #tpu.memory_space<hbm>> -> memref<10000x16xf32, #tpu.memory_space<hbm>>
        tpu.enqueue_indirect_dma source(%dma_start3A_1156 : memref<10000x16xf32, #tpu.memory_space<hbm>>) target(%arg21 : memref<40x16xf32, #tpu.memory_space<vmem>>) offsets(%arg11 : memref<40xi32, #tpu.memory_space<vmem>>) semaphore(%arg43 : memref<!tpu.dma_semaphore, #tpu.memory_space<semaphore_mem>>)
        %dma_start3A_1157 = arith.constant 0 : i32
        %dma_start3A_1158 = arith.constant 0 : i32
        %dma_start3A_1159 = tpu.memref_slice %arg3[%dma_start3A_1157, %dma_start3A_1158] : memref<10000x16xf32, #tpu.memory_space<hbm>> -> memref<10000x16xf32, #tpu.memory_space<hbm>>
        tpu.enqueue_indirect_dma source(%dma_start3A_1159 : memref<10000x16xf32, #tpu.memory_space<hbm>>) target(%arg26 : memref<40x16xf32, #tpu.memory_space<vmem>>) offsets(%arg16 : memref<40xi32, #tpu.memory_space<vmem>>) semaphore(%arg43 : memref<!tpu.dma_semaphore, #tpu.memory_space<semaphore_mem>>)
        %dma_start3A_1160 = arith.constant 0 : i32
        %dma_start3A_1161 = arith.constant 0 : i32
        %dma_start3A_1162 = tpu.memref_slice %arg4[%dma_start3A_1160, %dma_start3A_1161] : memref<10000x128xf32, #tpu.memory_space<hbm>> -> memref<10000x128xf32, #tpu.memory_space<hbm>>
        tpu.enqueue_indirect_dma source(%dma_start3A_1162 : memref<10000x128xf32, #tpu.memory_space<hbm>>) target(%arg31 : memref<40x128xf32, #tpu.memory_space<vmem>>) offsets(%arg11 : memref<40xi32, #tpu.memory_space<vmem>>) semaphore(%arg43 : memref<!tpu.dma_semaphore, #tpu.memory_space<semaphore_mem>>)
      } else {
      }
      %dma_wait3A_940 = arith.constant 0 : i32
      %dma_wait3A_941 = arith.constant 0 : i32
      %dma_wait3A_942 = tpu.memref_slice %arg2[%dma_wait3A_940, %dma_wait3A_941] : memref<10000x16xf32, #tpu.memory_space<hbm>> -> memref<10000x16xf32, #tpu.memory_space<hbm>>
      tpu.wait_indirect_dma semaphore(%arg41 : memref<!tpu.dma_semaphore, #tpu.memory_space<semaphore_mem>>) src(%dma_wait3A_942 : memref<10000x16xf32, #tpu.memory_space<hbm>>) dst(%arg19 : memref<40x16xf32, #tpu.memory_space<vmem>>)
      %dma_wait3A_943 = arith.constant 0 : i32
      %dma_wait3A_944 = arith.constant 0 : i32
      %dma_wait3A_945 = tpu.memref_slice %arg3[%dma_wait3A_943, %dma_wait3A_944] : memref<10000x16xf32, #tpu.memory_space<hbm>> -> memref<10000x16xf32, #tpu.memory_space<hbm>>
      tpu.wait_indirect_dma semaphore(%arg41 : memref<!tpu.dma_semaphore, #tpu.memory_space<semaphore_mem>>) src(%dma_wait3A_945 : memref<10000x16xf32, #tpu.memory_space<hbm>>) dst(%arg24 : memref<40x16xf32, #tpu.memory_space<vmem>>)
      %dma_wait3A_946 = arith.constant 0 : i32
      %dma_wait3A_947 = arith.constant 0 : i32
      %dma_wait3A_948 = tpu.memref_slice %arg4[%dma_wait3A_946, %dma_wait3A_947] : memref<10000x128xf32, #tpu.memory_space<hbm>> -> memref<10000x128xf32, #tpu.memory_space<hbm>>
      tpu.wait_indirect_dma semaphore(%arg41 : memref<!tpu.dma_semaphore, #tpu.memory_space<semaphore_mem>>) src(%dma_wait3A_948 : memref<10000x128xf32, #tpu.memory_space<hbm>>) dst(%arg29 : memref<40x128xf32, #tpu.memory_space<vmem>>)
      %scan3A_949 = arith.constant 0 : i32
      %scan3A_950 = arith.constant 0 : i32
      %scan3A_951 = arith.constant 40 : i32
      %scan3A_952 = arith.addi %scan3A_950, %scan3A_951 : i32
      %scan3A_953 = arith.constant 1 : i32
      scf.for %scan3A_1140 = %scan3A_950 to %scan3A_952 step %scan3A_953  : i32 {
        %get3A = arith.index_cast %scan3A_1140 : i32 to index
        %get3A_1141 = arith.constant 0 : index
        %get3A_1142 = tpu.vector_load %arg19[%get3A, %get3A_1141] {strides = array<i32>} : memref<40x16xf32, #tpu.memory_space<vmem>>, vector<1x16xf32>,
        %get3A_1143 = vector.shape_cast %get3A_1142 : vector<1x16xf32> to vector<16xf32>
        %get3A_1144 = arith.index_cast %scan3A_1140 : i32 to index
        %get3A_1145 = arith.constant 0 : index
        %get3A_1146 = tpu.vector_load %arg24[%get3A_1144, %get3A_1145] {strides = array<i32>} : memref<40x16xf32, #tpu.memory_space<vmem>>, vector<1x16xf32>,
        %get3A_1147 = vector.shape_cast %get3A_1146 : vector<1x16xf32> to vector<16xf32>
        %add3A_1148 = arith.addf %get3A_1143, %get3A_1147 : vector<16xf32>
        %mul3A_1149 = arith.constant 2.000000e-01 : f32
        %mul3A_1150 = vector.broadcast %mul3A_1149 : f32 to vector<16xf32>
        %mul3A_1151 = arith.mulf %mul3A_1150, %add3A_1148 : vector<16xf32>
        %max3A = arith.maximumf %add3A_1148, %mul3A_1151 : vector<16xf32>
        %exp3A = math.exp %max3A : vector<16xf32>
        %swap3A = arith.index_cast %scan3A_1140 : i32 to index
        %swap3A_1152 = arith.constant 0 : index
        %swap3A_1153 = tpu.vector_load %arg19[%swap3A, %swap3A_1152] {strides = array<i32>} : memref<40x16xf32, #tpu.memory_space<vmem>>, vector<1x16xf32>,
        %swap3A_1154 = vector.shape_cast %swap3A_1153 : vector<1x16xf32> to vector<16xf32>
        %swap3A_1155 = vector.shape_cast %exp3A : vector<16xf32> to vector<1x16xf32>
        tpu.vector_store %arg19[%swap3A, %swap3A_1152], %swap3A_1155 {strides = array<i32>} : memref<40x16xf32, #tpu.memory_space<vmem>>, vector<1x16xf32>,
        %broadcast_in_dim3A = arith.constant 0 : i32
        %broadcast_in_dim3A_1156 = vector.broadcast %broadcast_in_dim3A : i32 to vector<16x1xi32>
        %gather3A = vector.shape_cast %broadcast_in_dim3A_1156 : vector<16x1xi32> to vector<16xi32>
        %gather3A_1157 = tpu.dynamic_gather %exp3A[%gather3A] in [0] : vector<16xf32>, vector<16xi32> -> vector<16xf32>
        %get3A_1158 = arith.index_cast %scan3A_1140 : i32 to index
        %get3A_1159 = arith.constant 0 : index
        %get3A_1160 = tpu.vector_load %arg29[%get3A_1158, %get3A_1159] {strides = array<i32>} : memref<40x128xf32, #tpu.memory_space<vmem>>, vector<1x16xf32>,
        %get3A_1161 = vector.shape_cast %get3A_1160 : vector<1x16xf32> to vector<16xf32>
        %mul3A_1162 = arith.mulf %get3A_1161, %gather3A_1157 : vector<16xf32>
        %swap3A_1163 = arith.index_cast %scan3A_1140 : i32 to index
        %swap3A_1164 = arith.constant 0 : index
        %swap3A_1165 = tpu.vector_load %arg29[%swap3A_1163, %swap3A_1164] {strides = array<i32>} : memref<40x128xf32, #tpu.memory_space<vmem>>, vector<1x16xf32>,
        %swap3A_1166 = vector.shape_cast %swap3A_1165 : vector<1x16xf32> to vector<16xf32>
        %swap3A_1167 = vector.shape_cast %mul3A_1162 : vector<16xf32> to vector<1x16xf32>
        tpu.vector_store %arg29[%swap3A_1163, %swap3A_1164], %swap3A_1167 {strides = array<i32>} : memref<40x128xf32, #tpu.memory_space<vmem>>, vector<1x16xf32>,
        %broadcast_in_dim3A_1168 = arith.constant 1 : i32
        %broadcast_in_dim3A_1169 = vector.broadcast %broadcast_in_dim3A_1168 : i32 to vector<16x1xi32>
        %gather3A_1170 = vector.shape_cast %broadcast_in_dim3A_1169 : vector<16x1xi32> to vector<16xi32>
        %gather3A_1171 = tpu.dynamic_gather %exp3A[%gather3A_1170] in [0] : vector<16xf32>, vector<16xi32> -> vector<16xf32>
        %get3A_1172 = arith.index_cast %scan3A_1140 : i32 to index
        %get3A_1173 = arith.constant 16 : index
        %get3A_1174 = tpu.vector_load %arg29[%get3A_1172, %get3A_1173] {strides = array<i32>} : memref<40x128xf32, #tpu.memory_space<vmem>>, vector<1x16xf32>,
        %get3A_1175 = vector.shape_cast %get3A_1174 : vector<1x16xf32> to vector<16xf32>
        %mul3A_1176 = arith.mulf %get3A_1175, %gather3A_1171 : vector<16xf32>
        %swap3A_1177 = arith.index_cast %scan3A_1140 : i32 to index
        %swap3A_1178 = arith.constant 16 : index
        %swap3A_1179 = tpu.vector_load %arg29[%swap3A_1177, %swap3A_1178] {strides = array<i32>} : memref<40x128xf32, #tpu.memory_space<vmem>>, vector<1x16xf32>,
        %swap3A_1180 = vector.shape_cast %swap3A_1179 : vector<1x16xf32> to vector<16xf32>
        %swap3A_1181 = vector.shape_cast %mul3A_1176 : vector<16xf32> to vector<1x16xf32>
        tpu.vector_store %arg29[%swap3A_1177, %swap3A_1178], %swap3A_1181 {strides = array<i32>} : memref<40x128xf32, #tpu.memory_space<vmem>>, vector<1x16xf32>,
        %broadcast_in_dim3A_1182 = arith.constant 2 : i32
        %broadcast_in_dim3A_1183 = vector.broadcast %broadcast_in_dim3A_1182 : i32 to vector<16x1xi32>
        %gather3A_1184 = vector.shape_cast %broadcast_in_dim3A_1183 : vector<16x1xi32> to vector<16xi32>
        %gather3A_1185 = tpu.dynamic_gather %exp3A[%gather3A_1184] in [0] : vector<16xf32>, vector<16xi32> -> vector<16xf32>
        %get3A_1186 = arith.index_cast %scan3A_1140 : i32 to index
        %get3A_1187 = arith.constant 32 : index
        %get3A_1188 = tpu.vector_load %arg29[%get3A_1186, %get3A_1187] {strides = array<i32>} : memref<40x128xf32, #tpu.memory_space<vmem>>, vector<1x16xf32>,
        %get3A_1189 = vector.shape_cast %get3A_1188 : vector<1x16xf32> to vector<16xf32>
        %mul3A_1190 = arith.mulf %get3A_1189, %gather3A_1185 : vector<16xf32>
        %swap3A_1191 = arith.index_cast %scan3A_1140 : i32 to index
        %swap3A_1192 = arith.constant 32 : index
        %swap3A_1193 = tpu.vector_load %arg29[%swap3A_1191, %swap3A_1192] {strides = array<i32>} : memref<40x128xf32, #tpu.memory_space<vmem>>, vector<1x16xf32>,
        %swap3A_1194 = vector.shape_cast %swap3A_1193 : vector<1x16xf32> to vector<16xf32>
        %swap3A_1195 = vector.shape_cast %mul3A_1190 : vector<16xf32> to vector<1x16xf32>
        tpu.vector_store %arg29[%swap3A_1191, %swap3A_1192], %swap3A_1195 {strides = array<i32>} : memref<40x128xf32, #tpu.memory_space<vmem>>, vector<1x16xf32>,
        %broadcast_in_dim3A_1196 = arith.constant 3 : i32
        %broadcast_in_dim3A_1197 = vector.broadcast %broadcast_in_dim3A_1196 : i32 to vector<16x1xi32>
        %gather3A_1198 = vector.shape_cast %broadcast_in_dim3A_1197 : vector<16x1xi32> to vector<16xi32>
        %gather3A_1199 = tpu.dynamic_gather %exp3A[%gather3A_1198] in [0] : vector<16xf32>, vector<16xi32> -> vector<16xf32>
        %get3A_1200 = arith.index_cast %scan3A_1140 : i32 to index
        %get3A_1201 = arith.constant 48 : index
        %get3A_1202 = tpu.vector_load %arg29[%get3A_1200, %get3A_1201] {strides = array<i32>} : memref<40x128xf32, #tpu.memory_space<vmem>>, vector<1x16xf32>,
        %get3A_1203 = vector.shape_cast %get3A_1202 : vector<1x16xf32> to vector<16xf32>
        %mul3A_1204 = arith.mulf %get3A_1203, %gather3A_1199 : vector<16xf32>
        %swap3A_1205 = arith.index_cast %scan3A_1140 : i32 to index
        %swap3A_1206 = arith.constant 48 : index
        %swap3A_1207 = tpu.vector_load %arg29[%swap3A_1205, %swap3A_1206] {strides = array<i32>} : memref<40x128xf32, #tpu.memory_space<vmem>>, vector<1x16xf32>,
        %swap3A_1208 = vector.shape_cast %swap3A_1207 : vector<1x16xf32> to vector<16xf32>
        %swap3A_1209 = vector.shape_cast %mul3A_1204 : vector<16xf32> to vector<1x16xf32>
        tpu.vector_store %arg29[%swap3A_1205, %swap3A_1206], %swap3A_1209 {strides = array<i32>} : memref<40x128xf32, #tpu.memory_space<vmem>>, vector<1x16xf32>,
        %broadcast_in_dim3A_1210 = arith.constant 4 : i32
        %broadcast_in_dim3A_1211 = vector.broadcast %broadcast_in_dim3A_1210 : i32 to vector<16x1xi32>
        %gather3A_1212 = vector.shape_cast %broadcast_in_dim3A_1211 : vector<16x1xi32> to vector<16xi32>
        %gather3A_1213 = tpu.dynamic_gather %exp3A[%gather3A_1212] in [0] : vector<16xf32>, vector<16xi32> -> vector<16xf32>
        %get3A_1214 = arith.index_cast %scan3A_1140 : i32 to index
        %get3A_1215 = arith.constant 64 : index
        %get3A_1216 = tpu.vector_load %arg29[%get3A_1214, %get3A_1215] {strides = array<i32>} : memref<40x128xf32, #tpu.memory_space<vmem>>, vector<1x16xf32>,
        %get3A_1217 = vector.shape_cast %get3A_1216 : vector<1x16xf32> to vector<16xf32>
        %mul3A_1218 = arith.mulf %get3A_1217, %gather3A_1213 : vector<16xf32>
        %swap3A_1219 = arith.index_cast %scan3A_1140 : i32 to index
        %swap3A_1220 = arith.constant 64 : index
        %swap3A_1221 = tpu.vector_load %arg29[%swap3A_1219, %swap3A_1220] {strides = array<i32>} : memref<40x128xf32, #tpu.memory_space<vmem>>, vector<1x16xf32>,
        %swap3A_1222 = vector.shape_cast %swap3A_1221 : vector<1x16xf32> to vector<16xf32>
        %swap3A_1223 = vector.shape_cast %mul3A_1218 : vector<16xf32> to vector<1x16xf32>
        tpu.vector_store %arg29[%swap3A_1219, %swap3A_1220], %swap3A_1223 {strides = array<i32>} : memref<40x128xf32, #tpu.memory_space<vmem>>, vector<1x16xf32>,
        %broadcast_in_dim3A_1224 = arith.constant 5 : i32
        %broadcast_in_dim3A_1225 = vector.broadcast %broadcast_in_dim3A_1224 : i32 to vector<16x1xi32>
        %gather3A_1226 = vector.shape_cast %broadcast_in_dim3A_1225 : vector<16x1xi32> to vector<16xi32>
        %gather3A_1227 = tpu.dynamic_gather %exp3A[%gather3A_1226] in [0] : vector<16xf32>, vector<16xi32> -> vector<16xf32>
        %get3A_1228 = arith.index_cast %scan3A_1140 : i32 to index
        %get3A_1229 = arith.constant 80 : index
        %get3A_1230 = tpu.vector_load %arg29[%get3A_1228, %get3A_1229] {strides = array<i32>} : memref<40x128xf32, #tpu.memory_space<vmem>>, vector<1x16xf32>,
        %get3A_1231 = vector.shape_cast %get3A_1230 : vector<1x16xf32> to vector<16xf32>
        %mul3A_1232 = arith.mulf %get3A_1231, %gather3A_1227 : vector<16xf32>
        %swap3A_1233 = arith.index_cast %scan3A_1140 : i32 to index
        %swap3A_1234 = arith.constant 80 : index
        %swap3A_1235 = tpu.vector_load %arg29[%swap3A_1233, %swap3A_1234] {strides = array<i32>} : memref<40x128xf32, #tpu.memory_space<vmem>>, vector<1x16xf32>,
        %swap3A_1236 = vector.shape_cast %swap3A_1235 : vector<1x16xf32> to vector<16xf32>
        %swap3A_1237 = vector.shape_cast %mul3A_1232 : vector<16xf32> to vector<1x16xf32>
        tpu.vector_store %arg29[%swap3A_1233, %swap3A_1234], %swap3A_1237 {strides = array<i32>} : memref<40x128xf32, #tpu.memory_space<vmem>>, vector<1x16xf32>,
        %broadcast_in_dim3A_1238 = arith.constant 6 : i32
        %broadcast_in_dim3A_1239 = vector.broadcast %broadcast_in_dim3A_1238 : i32 to vector<16x1xi32>
        %gather3A_1240 = vector.shape_cast %broadcast_in_dim3A_1239 : vector<16x1xi32> to vector<16xi32>
        %gather3A_1241 = tpu.dynamic_gather %exp3A[%gather3A_1240] in [0] : vector<16xf32>, vector<16xi32> -> vector<16xf32>
        %get3A_1242 = arith.index_cast %scan3A_1140 : i32 to index
        %get3A_1243 = arith.constant 96 : index
        %get3A_1244 = tpu.vector_load %arg29[%get3A_1242, %get3A_1243] {strides = array<i32>} : memref<40x128xf32, #tpu.memory_space<vmem>>, vector<1x16xf32>,
        %get3A_1245 = vector.shape_cast %get3A_1244 : vector<1x16xf32> to vector<16xf32>
        %mul3A_1246 = arith.mulf %get3A_1245, %gather3A_1241 : vector<16xf32>
        %swap3A_1247 = arith.index_cast %scan3A_1140 : i32 to index
        %swap3A_1248 = arith.constant 96 : index
        %swap3A_1249 = tpu.vector_load %arg29[%swap3A_1247, %swap3A_1248] {strides = array<i32>} : memref<40x128xf32, #tpu.memory_space<vmem>>, vector<1x16xf32>,
        %swap3A_1250 = vector.shape_cast %swap3A_1249 : vector<1x16xf32> to vector<16xf32>
        %swap3A_1251 = vector.shape_cast %mul3A_1246 : vector<16xf32> to vector<1x16xf32>
        tpu.vector_store %arg29[%swap3A_1247, %swap3A_1248], %swap3A_1251 {strides = array<i32>} : memref<40x128xf32, #tpu.memory_space<vmem>>, vector<1x16xf32>,
        %broadcast_in_dim3A_1252 = arith.constant 7 : i32
        %broadcast_in_dim3A_1253 = vector.broadcast %broadcast_in_dim3A_1252 : i32 to vector<16x1xi32>
        %gather3A_1254 = vector.shape_cast %broadcast_in_dim3A_1253 : vector<16x1xi32> to vector<16xi32>
        %gather3A_1255 = tpu.dynamic_gather %exp3A[%gather3A_1254] in [0] : vector<16xf32>, vector<16xi32> -> vector<16xf32>
        %get3A_1256 = arith.index_cast %scan3A_1140 : i32 to index
        %get3A_1257 = arith.constant 112 : index
        %get3A_1258 = tpu.vector_load %arg29[%get3A_1256, %get3A_1257] {strides = array<i32>} : memref<40x128xf32, #tpu.memory_space<vmem>>, vector<1x16xf32>,
        %get3A_1259 = vector.shape_cast %get3A_1258 : vector<1x16xf32> to vector<16xf32>
        %mul3A_1260 = arith.mulf %get3A_1259, %gather3A_1255 : vector<16xf32>
        %swap3A_1261 = arith.index_cast %scan3A_1140 : i32 to index
        %swap3A_1262 = arith.constant 112 : index
        %swap3A_1263 = tpu.vector_load %arg29[%swap3A_1261, %swap3A_1262] {strides = array<i32>} : memref<40x128xf32, #tpu.memory_space<vmem>>, vector<1x16xf32>,
        %swap3A_1264 = vector.shape_cast %swap3A_1263 : vector<1x16xf32> to vector<16xf32>
        %swap3A_1265 = vector.shape_cast %mul3A_1260 : vector<16xf32> to vector<1x16xf32>
        tpu.vector_store %arg29[%swap3A_1261, %swap3A_1262], %swap3A_1265 {strides = array<i32>} : memref<40x128xf32, #tpu.memory_space<vmem>>, vector<1x16xf32>,
      }
      %scan3A_954 = arith.constant 40 : i32
      %dma_start3A_955 = arith.constant 0 : i32
      %dma_start3A_956 = arith.constant 0 : i32
      %dma_start3A_957 = tpu.memref_slice %arg34[%dma_start3A_955, %dma_start3A_956] : memref<10000x16xf32, #tpu.memory_space<vmem_shared>> -> memref<10000x16xf32, #tpu.memory_space<vmem_shared>>
      tpu.enqueue_indirect_dma source(%arg19 : memref<40x16xf32, #tpu.memory_space<vmem>>) target(%dma_start3A_957 : memref<10000x16xf32, #tpu.memory_space<vmem_shared>>) offsets(%arg14 : memref<40xi32, #tpu.memory_space<vmem>>) semaphore(%arg46 : memref<!tpu.dma_semaphore, #tpu.memory_space<semaphore_mem>>) {add = true}
      %dma_start3A_958 = arith.constant 0 : i32
      %dma_start3A_959 = arith.constant 0 : i32
      %dma_start3A_960 = tpu.memref_slice %arg35[%dma_start3A_958, %dma_start3A_959] : memref<10000x128xf32, #tpu.memory_space<vmem_shared>> -> memref<10000x128xf32, #tpu.memory_space<vmem_shared>>
      tpu.enqueue_indirect_dma source(%arg29 : memref<40x128xf32, #tpu.memory_space<vmem>>) target(%dma_start3A_960 : memref<10000x128xf32, #tpu.memory_space<vmem_shared>>) offsets(%arg14 : memref<40xi32, #tpu.memory_space<vmem>>) semaphore(%arg46 : memref<!tpu.dma_semaphore, #tpu.memory_space<semaphore_mem>>) {add = true}
      %mul3A_961 = arith.constant 5 : i32
      %mul3A_962 = arith.muli %scan3A_918, %mul3A_961 : i32
      %add3A_963 = arith.constant 1 : i32
      %add3A_964 = arith.addi %mul3A_962, %add3A_963 : i32
      %ge3A_965 = arith.constant 1 : i32
      %ge3A_966 = arith.cmpi sge, %scan3A_918, %ge3A_965 : i32
      %convert_element_type3A_967 = arith.extui %ge3A_966 : i1 to i32
      %cond3A_968 = arith.constant 0 : i32
      %cond3A_969 = arith.cmpi ne, %convert_element_type3A_967, %cond3A_968 : i32
      scf.if %cond3A_969 {
        %dma_wait3A_1140 = arith.constant 0 : i32
        %dma_wait3A_1141 = arith.constant 0 : i32
        %dma_wait3A_1142 = tpu.memref_slice %arg34[%dma_wait3A_1140, %dma_wait3A_1141] : memref<10000x16xf32, #tpu.memory_space<vmem_shared>> -> memref<10000x16xf32, #tpu.memory_space<vmem_shared>>
        tpu.wait_indirect_dma semaphore(%arg50 : memref<!tpu.dma_semaphore, #tpu.memory_space<semaphore_mem>>) src(%arg23 : memref<40x16xf32, #tpu.memory_space<vmem>>) dst(%dma_wait3A_1142 : memref<10000x16xf32, #tpu.memory_space<vmem_shared>>)
        %dma_wait3A_1143 = arith.constant 0 : i32
        %dma_wait3A_1144 = arith.constant 0 : i32
        %dma_wait3A_1145 = tpu.memref_slice %arg35[%dma_wait3A_1143, %dma_wait3A_1144] : memref<10000x128xf32, #tpu.memory_space<vmem_shared>> -> memref<10000x128xf32, #tpu.memory_space<vmem_shared>>
        tpu.wait_indirect_dma semaphore(%arg50 : memref<!tpu.dma_semaphore, #tpu.memory_space<semaphore_mem>>) src(%arg33 : memref<40x128xf32, #tpu.memory_space<vmem>>) dst(%dma_wait3A_1145 : memref<10000x128xf32, #tpu.memory_space<vmem_shared>>)
      } else {
      }
      %add3A_970 = arith.constant 3 : i32
      %add3A_971 = arith.addi %add3A_964, %add3A_970 : i32
      %lt3A_972 = arith.constant 250 : i32
      %lt3A_973 = arith.cmpi slt, %add3A_971, %lt3A_972 : i32
      %convert_element_type3A_974 = arith.extui %lt3A_973 : i1 to i32
      %cond3A_975 = arith.constant 0 : i32
      %cond3A_976 = arith.cmpi ne, %convert_element_type3A_974, %cond3A_975 : i32
      scf.if %cond3A_976 {
        %add3A_1140 = arith.constant 3 : i32
        %add3A_1141 = arith.addi %add3A_964, %add3A_1140 : i32
        %dma_start3A_1142 = arith.constant 0 : i32
        %dma_start3A_1143 = tpu.memref_slice %arg5[%add3A, %add3A_1141, %dma_start3A_1142] : memref<32x250x40xi32, #tpu.memory_space<hbm>> -> memref<1x1x40xi32, #tpu.memory_space<hbm>>
        %dma_start3A_1144 = tpu.memref_squeeze %dma_start3A_1143 : memref<1x1x40xi32, #tpu.memory_space<hbm>> -> memref<40xi32, #tpu.memory_space<hbm>>
        %dma_start3A_1145 = arith.constant 0 : i32
        %dma_start3A_1146 = tpu.memref_slice %arg5[%add3A, %add3A_1141, %dma_start3A_1145] : memref<32x250x40xi32, #tpu.memory_space<hbm>> -> memref<1x1x40xi32, #tpu.memory_space<hbm>>
        %dma_start3A_1147 = tpu.memref_squeeze %dma_start3A_1146 : memref<1x1x40xi32, #tpu.memory_space<hbm>> -> memref<40xi32, #tpu.memory_space<hbm>>
        tpu.enqueue_dma source(%dma_start3A_1147 : memref<40xi32, #tpu.memory_space<hbm>>) target(%arg13 : memref<40xi32, #tpu.memory_space<vmem>>) target_semaphore(%arg40 : memref<!tpu.dma_semaphore, #tpu.memory_space<semaphore_mem>>)
        %dma_start3A_1148 = arith.constant 0 : i32
        %dma_start3A_1149 = tpu.memref_slice %arg6[%add3A, %add3A_1141, %dma_start3A_1148] : memref<32x250x40xi32, #tpu.memory_space<hbm>> -> memref<1x1x40xi32, #tpu.memory_space<hbm>>
        %dma_start3A_1150 = tpu.memref_squeeze %dma_start3A_1149 : memref<1x1x40xi32, #tpu.memory_space<hbm>> -> memref<40xi32, #tpu.memory_space<hbm>>
        %dma_start3A_1151 = arith.constant 0 : i32
        %dma_start3A_1152 = tpu.memref_slice %arg6[%add3A, %add3A_1141, %dma_start3A_1151] : memref<32x250x40xi32, #tpu.memory_space<hbm>> -> memref<1x1x40xi32, #tpu.memory_space<hbm>>
        %dma_start3A_1153 = tpu.memref_squeeze %dma_start3A_1152 : memref<1x1x40xi32, #tpu.memory_space<hbm>> -> memref<40xi32, #tpu.memory_space<hbm>>
        tpu.enqueue_dma source(%dma_start3A_1153 : memref<40xi32, #tpu.memory_space<hbm>>) target(%arg18 : memref<40xi32, #tpu.memory_space<vmem>>) target_semaphore(%arg40 : memref<!tpu.dma_semaphore, #tpu.memory_space<semaphore_mem>>)
      } else {
      }
      %add3A_977 = arith.constant 2 : i32
      %add3A_978 = arith.addi %add3A_964, %add3A_977 : i32
      %lt3A_979 = arith.constant 250 : i32
      %lt3A_980 = arith.cmpi slt, %add3A_978, %lt3A_979 : i32
      %convert_element_type3A_981 = arith.extui %lt3A_980 : i1 to i32
      %cond3A_982 = arith.constant 0 : i32
      %cond3A_983 = arith.cmpi ne, %convert_element_type3A_981, %cond3A_982 : i32
      scf.if %cond3A_983 {
        %add3A_1140 = arith.constant 2 : i32
        %add3A_1141 = arith.addi %add3A_964, %add3A_1140 : i32
        %dma_wait3A_1142 = arith.constant 0 : i32
        %dma_wait3A_1143 = tpu.memref_slice %arg5[%add3A, %add3A_1141, %dma_wait3A_1142] : memref<32x250x40xi32, #tpu.memory_space<hbm>> -> memref<1x1x40xi32, #tpu.memory_space<hbm>>
        %dma_wait3A_1144 = tpu.memref_squeeze %dma_wait3A_1143 : memref<1x1x40xi32, #tpu.memory_space<hbm>> -> memref<40xi32, #tpu.memory_space<hbm>>
        %dma_wait3A_1145 = arith.constant 0 : i32
        %dma_wait3A_1146 = tpu.memref_slice %arg5[%add3A, %add3A_1141, %dma_wait3A_1145] : memref<32x250x40xi32, #tpu.memory_space<hbm>> -> memref<1x1x40xi32, #tpu.memory_space<hbm>>
        %dma_wait3A_1147 = tpu.memref_squeeze %dma_wait3A_1146 : memref<1x1x40xi32, #tpu.memory_space<hbm>> -> memref<40xi32, #tpu.memory_space<hbm>>
        tpu.wait_dma2 semaphore(%arg39 : memref<!tpu.dma_semaphore, #tpu.memory_space<semaphore_mem>>) src(%dma_wait3A_1147 : memref<40xi32, #tpu.memory_space<hbm>>) dst(%arg12 : memref<40xi32, #tpu.memory_space<vmem>>)
        %dma_wait3A_1148 = arith.constant 0 : i32
        %dma_wait3A_1149 = tpu.memref_slice %arg6[%add3A, %add3A_1141, %dma_wait3A_1148] : memref<32x250x40xi32, #tpu.memory_space<hbm>> -> memref<1x1x40xi32, #tpu.memory_space<hbm>>
        %dma_wait3A_1150 = tpu.memref_squeeze %dma_wait3A_1149 : memref<1x1x40xi32, #tpu.memory_space<hbm>> -> memref<40xi32, #tpu.memory_space<hbm>>
        %dma_wait3A_1151 = arith.constant 0 : i32
        %dma_wait3A_1152 = tpu.memref_slice %arg6[%add3A, %add3A_1141, %dma_wait3A_1151] : memref<32x250x40xi32, #tpu.memory_space<hbm>> -> memref<1x1x40xi32, #tpu.memory_space<hbm>>
        %dma_wait3A_1153 = tpu.memref_squeeze %dma_wait3A_1152 : memref<1x1x40xi32, #tpu.memory_space<hbm>> -> memref<40xi32, #tpu.memory_space<hbm>>
        tpu.wait_dma2 semaphore(%arg39 : memref<!tpu.dma_semaphore, #tpu.memory_space<semaphore_mem>>) src(%dma_wait3A_1153 : memref<40xi32, #tpu.memory_space<hbm>>) dst(%arg17 : memref<40xi32, #tpu.memory_space<vmem>>)
        %dma_start3A_1154 = arith.constant 0 : i32
        %dma_start3A_1155 = arith.constant 0 : i32
        %dma_start3A_1156 = tpu.memref_slice %arg2[%dma_start3A_1154, %dma_start3A_1155] : memref<10000x16xf32, #tpu.memory_space<hbm>> -> memref<10000x16xf32, #tpu.memory_space<hbm>>
        tpu.enqueue_indirect_dma source(%dma_start3A_1156 : memref<10000x16xf32, #tpu.memory_space<hbm>>) target(%arg22 : memref<40x16xf32, #tpu.memory_space<vmem>>) offsets(%arg12 : memref<40xi32, #tpu.memory_space<vmem>>) semaphore(%arg44 : memref<!tpu.dma_semaphore, #tpu.memory_space<semaphore_mem>>)
        %dma_start3A_1157 = arith.constant 0 : i32
        %dma_start3A_1158 = arith.constant 0 : i32
        %dma_start3A_1159 = tpu.memref_slice %arg3[%dma_start3A_1157, %dma_start3A_1158] : memref<10000x16xf32, #tpu.memory_space<hbm>> -> memref<10000x16xf32, #tpu.memory_space<hbm>>
        tpu.enqueue_indirect_dma source(%dma_start3A_1159 : memref<10000x16xf32, #tpu.memory_space<hbm>>) target(%arg27 : memref<40x16xf32, #tpu.memory_space<vmem>>) offsets(%arg17 : memref<40xi32, #tpu.memory_space<vmem>>) semaphore(%arg44 : memref<!tpu.dma_semaphore, #tpu.memory_space<semaphore_mem>>)
        %dma_start3A_1160 = arith.constant 0 : i32
        %dma_start3A_1161 = arith.constant 0 : i32
        %dma_start3A_1162 = tpu.memref_slice %arg4[%dma_start3A_1160, %dma_start3A_1161] : memref<10000x128xf32, #tpu.memory_space<hbm>> -> memref<10000x128xf32, #tpu.memory_space<hbm>>
        tpu.enqueue_indirect_dma source(%dma_start3A_1162 : memref<10000x128xf32, #tpu.memory_space<hbm>>) target(%arg32 : memref<40x128xf32, #tpu.memory_space<vmem>>) offsets(%arg12 : memref<40xi32, #tpu.memory_space<vmem>>) semaphore(%arg44 : memref<!tpu.dma_semaphore, #tpu.memory_space<semaphore_mem>>)
      } else {
      }
      %dma_wait3A_984 = arith.constant 0 : i32
      %dma_wait3A_985 = arith.constant 0 : i32
      %dma_wait3A_986 = tpu.memref_slice %arg2[%dma_wait3A_984, %dma_wait3A_985] : memref<10000x16xf32, #tpu.memory_space<hbm>> -> memref<10000x16xf32, #tpu.memory_space<hbm>>
      tpu.wait_indirect_dma semaphore(%arg42 : memref<!tpu.dma_semaphore, #tpu.memory_space<semaphore_mem>>) src(%dma_wait3A_986 : memref<10000x16xf32, #tpu.memory_space<hbm>>) dst(%arg20 : memref<40x16xf32, #tpu.memory_space<vmem>>)
      %dma_wait3A_987 = arith.constant 0 : i32
      %dma_wait3A_988 = arith.constant 0 : i32
      %dma_wait3A_989 = tpu.memref_slice %arg3[%dma_wait3A_987, %dma_wait3A_988] : memref<10000x16xf32, #tpu.memory_space<hbm>> -> memref<10000x16xf32, #tpu.memory_space<hbm>>
      tpu.wait_indirect_dma semaphore(%arg42 : memref<!tpu.dma_semaphore, #tpu.memory_space<semaphore_mem>>) src(%dma_wait3A_989 : memref<10000x16xf32, #tpu.memory_space<hbm>>) dst(%arg25 : memref<40x16xf32, #tpu.memory_space<vmem>>)
      %dma_wait3A_990 = arith.constant 0 : i32
      %dma_wait3A_991 = arith.constant 0 : i32
      %dma_wait3A_992 = tpu.memref_slice %arg4[%dma_wait3A_990, %dma_wait3A_991] : memref<10000x128xf32, #tpu.memory_space<hbm>> -> memref<10000x128xf32, #tpu.memory_space<hbm>>
      tpu.wait_indirect_dma semaphore(%arg42 : memref<!tpu.dma_semaphore, #tpu.memory_space<semaphore_mem>>) src(%dma_wait3A_992 : memref<10000x128xf32, #tpu.memory_space<hbm>>) dst(%arg30 : memref<40x128xf32, #tpu.memory_space<vmem>>)
      %scan3A_993 = arith.constant 0 : i32
      %scan3A_994 = arith.constant 0 : i32
      %scan3A_995 = arith.constant 40 : i32
      %scan3A_996 = arith.addi %scan3A_994, %scan3A_995 : i32
      %scan3A_997 = arith.constant 1 : i32
      scf.for %scan3A_1140 = %scan3A_994 to %scan3A_996 step %scan3A_997  : i32 {
        %get3A = arith.index_cast %scan3A_1140 : i32 to index
        %get3A_1141 = arith.constant 0 : index
        %get3A_1142 = tpu.vector_load %arg20[%get3A, %get3A_1141] {strides = array<i32>} : memref<40x16xf32, #tpu.memory_space<vmem>>, vector<1x16xf32>,
        %get3A_1143 = vector.shape_cast %get3A_1142 : vector<1x16xf32> to vector<16xf32>
        %get3A_1144 = arith.index_cast %scan3A_1140 : i32 to index
        %get3A_1145 = arith.constant 0 : index
        %get3A_1146 = tpu.vector_load %arg25[%get3A_1144, %get3A_1145] {strides = array<i32>} : memref<40x16xf32, #tpu.memory_space<vmem>>, vector<1x16xf32>,
        %get3A_1147 = vector.shape_cast %get3A_1146 : vector<1x16xf32> to vector<16xf32>
        %add3A_1148 = arith.addf %get3A_1143, %get3A_1147 : vector<16xf32>
        %mul3A_1149 = arith.constant 2.000000e-01 : f32
        %mul3A_1150 = vector.broadcast %mul3A_1149 : f32 to vector<16xf32>
        %mul3A_1151 = arith.mulf %mul3A_1150, %add3A_1148 : vector<16xf32>
        %max3A = arith.maximumf %add3A_1148, %mul3A_1151 : vector<16xf32>
        %exp3A = math.exp %max3A : vector<16xf32>
        %swap3A = arith.index_cast %scan3A_1140 : i32 to index
        %swap3A_1152 = arith.constant 0 : index
        %swap3A_1153 = tpu.vector_load %arg20[%swap3A, %swap3A_1152] {strides = array<i32>} : memref<40x16xf32, #tpu.memory_space<vmem>>, vector<1x16xf32>,
        %swap3A_1154 = vector.shape_cast %swap3A_1153 : vector<1x16xf32> to vector<16xf32>
        %swap3A_1155 = vector.shape_cast %exp3A : vector<16xf32> to vector<1x16xf32>
        tpu.vector_store %arg20[%swap3A, %swap3A_1152], %swap3A_1155 {strides = array<i32>} : memref<40x16xf32, #tpu.memory_space<vmem>>, vector<1x16xf32>,
        %broadcast_in_dim3A = arith.constant 0 : i32
        %broadcast_in_dim3A_1156 = vector.broadcast %broadcast_in_dim3A : i32 to vector<16x1xi32>
        %gather3A = vector.shape_cast %broadcast_in_dim3A_1156 : vector<16x1xi32> to vector<16xi32>
        %gather3A_1157 = tpu.dynamic_gather %exp3A[%gather3A] in [0] : vector<16xf32>, vector<16xi32> -> vector<16xf32>
        %get3A_1158 = arith.index_cast %scan3A_1140 : i32 to index
        %get3A_1159 = arith.constant 0 : index
        %get3A_1160 = tpu.vector_load %arg30[%get3A_1158, %get3A_1159] {strides = array<i32>} : memref<40x128xf32, #tpu.memory_space<vmem>>, vector<1x16xf32>,
        %get3A_1161 = vector.shape_cast %get3A_1160 : vector<1x16xf32> to vector<16xf32>
        %mul3A_1162 = arith.mulf %get3A_1161, %gather3A_1157 : vector<16xf32>
        %swap3A_1163 = arith.index_cast %scan3A_1140 : i32 to index
        %swap3A_1164 = arith.constant 0 : index
        %swap3A_1165 = tpu.vector_load %arg30[%swap3A_1163, %swap3A_1164] {strides = array<i32>} : memref<40x128xf32, #tpu.memory_space<vmem>>, vector<1x16xf32>,
        %swap3A_1166 = vector.shape_cast %swap3A_1165 : vector<1x16xf32> to vector<16xf32>
        %swap3A_1167 = vector.shape_cast %mul3A_1162 : vector<16xf32> to vector<1x16xf32>
        tpu.vector_store %arg30[%swap3A_1163, %swap3A_1164], %swap3A_1167 {strides = array<i32>} : memref<40x128xf32, #tpu.memory_space<vmem>>, vector<1x16xf32>,
        %broadcast_in_dim3A_1168 = arith.constant 1 : i32
        %broadcast_in_dim3A_1169 = vector.broadcast %broadcast_in_dim3A_1168 : i32 to vector<16x1xi32>
        %gather3A_1170 = vector.shape_cast %broadcast_in_dim3A_1169 : vector<16x1xi32> to vector<16xi32>
        %gather3A_1171 = tpu.dynamic_gather %exp3A[%gather3A_1170] in [0] : vector<16xf32>, vector<16xi32> -> vector<16xf32>
        %get3A_1172 = arith.index_cast %scan3A_1140 : i32 to index
        %get3A_1173 = arith.constant 16 : index
        %get3A_1174 = tpu.vector_load %arg30[%get3A_1172, %get3A_1173] {strides = array<i32>} : memref<40x128xf32, #tpu.memory_space<vmem>>, vector<1x16xf32>,
        %get3A_1175 = vector.shape_cast %get3A_1174 : vector<1x16xf32> to vector<16xf32>
        %mul3A_1176 = arith.mulf %get3A_1175, %gather3A_1171 : vector<16xf32>
        %swap3A_1177 = arith.index_cast %scan3A_1140 : i32 to index
        %swap3A_1178 = arith.constant 16 : index
        %swap3A_1179 = tpu.vector_load %arg30[%swap3A_1177, %swap3A_1178] {strides = array<i32>} : memref<40x128xf32, #tpu.memory_space<vmem>>, vector<1x16xf32>,
        %swap3A_1180 = vector.shape_cast %swap3A_1179 : vector<1x16xf32> to vector<16xf32>
        %swap3A_1181 = vector.shape_cast %mul3A_1176 : vector<16xf32> to vector<1x16xf32>
        tpu.vector_store %arg30[%swap3A_1177, %swap3A_1178], %swap3A_1181 {strides = array<i32>} : memref<40x128xf32, #tpu.memory_space<vmem>>, vector<1x16xf32>,
        %broadcast_in_dim3A_1182 = arith.constant 2 : i32
        %broadcast_in_dim3A_1183 = vector.broadcast %broadcast_in_dim3A_1182 : i32 to vector<16x1xi32>
        %gather3A_1184 = vector.shape_cast %broadcast_in_dim3A_1183 : vector<16x1xi32> to vector<16xi32>
        %gather3A_1185 = tpu.dynamic_gather %exp3A[%gather3A_1184] in [0] : vector<16xf32>, vector<16xi32> -> vector<16xf32>
        %get3A_1186 = arith.index_cast %scan3A_1140 : i32 to index
        %get3A_1187 = arith.constant 32 : index
        %get3A_1188 = tpu.vector_load %arg30[%get3A_1186, %get3A_1187] {strides = array<i32>} : memref<40x128xf32, #tpu.memory_space<vmem>>, vector<1x16xf32>,
        %get3A_1189 = vector.shape_cast %get3A_1188 : vector<1x16xf32> to vector<16xf32>
        %mul3A_1190 = arith.mulf %get3A_1189, %gather3A_1185 : vector<16xf32>
        %swap3A_1191 = arith.index_cast %scan3A_1140 : i32 to index
        %swap3A_1192 = arith.constant 32 : index
        %swap3A_1193 = tpu.vector_load %arg30[%swap3A_1191, %swap3A_1192] {strides = array<i32>} : memref<40x128xf32, #tpu.memory_space<vmem>>, vector<1x16xf32>,
        %swap3A_1194 = vector.shape_cast %swap3A_1193 : vector<1x16xf32> to vector<16xf32>
        %swap3A_1195 = vector.shape_cast %mul3A_1190 : vector<16xf32> to vector<1x16xf32>
        tpu.vector_store %arg30[%swap3A_1191, %swap3A_1192], %swap3A_1195 {strides = array<i32>} : memref<40x128xf32, #tpu.memory_space<vmem>>, vector<1x16xf32>,
        %broadcast_in_dim3A_1196 = arith.constant 3 : i32
        %broadcast_in_dim3A_1197 = vector.broadcast %broadcast_in_dim3A_1196 : i32 to vector<16x1xi32>
        %gather3A_1198 = vector.shape_cast %broadcast_in_dim3A_1197 : vector<16x1xi32> to vector<16xi32>
        %gather3A_1199 = tpu.dynamic_gather %exp3A[%gather3A_1198] in [0] : vector<16xf32>, vector<16xi32> -> vector<16xf32>
        %get3A_1200 = arith.index_cast %scan3A_1140 : i32 to index
        %get3A_1201 = arith.constant 48 : index
        %get3A_1202 = tpu.vector_load %arg30[%get3A_1200, %get3A_1201] {strides = array<i32>} : memref<40x128xf32, #tpu.memory_space<vmem>>, vector<1x16xf32>,
        %get3A_1203 = vector.shape_cast %get3A_1202 : vector<1x16xf32> to vector<16xf32>
        %mul3A_1204 = arith.mulf %get3A_1203, %gather3A_1199 : vector<16xf32>
        %swap3A_1205 = arith.index_cast %scan3A_1140 : i32 to index
        %swap3A_1206 = arith.constant 48 : index
        %swap3A_1207 = tpu.vector_load %arg30[%swap3A_1205, %swap3A_1206] {strides = array<i32>} : memref<40x128xf32, #tpu.memory_space<vmem>>, vector<1x16xf32>,
        %swap3A_1208 = vector.shape_cast %swap3A_1207 : vector<1x16xf32> to vector<16xf32>
        %swap3A_1209 = vector.shape_cast %mul3A_1204 : vector<16xf32> to vector<1x16xf32>
        tpu.vector_store %arg30[%swap3A_1205, %swap3A_1206], %swap3A_1209 {strides = array<i32>} : memref<40x128xf32, #tpu.memory_space<vmem>>, vector<1x16xf32>,
        %broadcast_in_dim3A_1210 = arith.constant 4 : i32
        %broadcast_in_dim3A_1211 = vector.broadcast %broadcast_in_dim3A_1210 : i32 to vector<16x1xi32>
        %gather3A_1212 = vector.shape_cast %broadcast_in_dim3A_1211 : vector<16x1xi32> to vector<16xi32>
        %gather3A_1213 = tpu.dynamic_gather %exp3A[%gather3A_1212] in [0] : vector<16xf32>, vector<16xi32> -> vector<16xf32>
        %get3A_1214 = arith.index_cast %scan3A_1140 : i32 to index
        %get3A_1215 = arith.constant 64 : index
        %get3A_1216 = tpu.vector_load %arg30[%get3A_1214, %get3A_1215] {strides = array<i32>} : memref<40x128xf32, #tpu.memory_space<vmem>>, vector<1x16xf32>,
        %get3A_1217 = vector.shape_cast %get3A_1216 : vector<1x16xf32> to vector<16xf32>
        %mul3A_1218 = arith.mulf %get3A_1217, %gather3A_1213 : vector<16xf32>
        %swap3A_1219 = arith.index_cast %scan3A_1140 : i32 to index
        %swap3A_1220 = arith.constant 64 : index
        %swap3A_1221 = tpu.vector_load %arg30[%swap3A_1219, %swap3A_1220] {strides = array<i32>} : memref<40x128xf32, #tpu.memory_space<vmem>>, vector<1x16xf32>,
        %swap3A_1222 = vector.shape_cast %swap3A_1221 : vector<1x16xf32> to vector<16xf32>
        %swap3A_1223 = vector.shape_cast %mul3A_1218 : vector<16xf32> to vector<1x16xf32>
        tpu.vector_store %arg30[%swap3A_1219, %swap3A_1220], %swap3A_1223 {strides = array<i32>} : memref<40x128xf32, #tpu.memory_space<vmem>>, vector<1x16xf32>,
        %broadcast_in_dim3A_1224 = arith.constant 5 : i32
        %broadcast_in_dim3A_1225 = vector.broadcast %broadcast_in_dim3A_1224 : i32 to vector<16x1xi32>
        %gather3A_1226 = vector.shape_cast %broadcast_in_dim3A_1225 : vector<16x1xi32> to vector<16xi32>
        %gather3A_1227 = tpu.dynamic_gather %exp3A[%gather3A_1226] in [0] : vector<16xf32>, vector<16xi32> -> vector<16xf32>
        %get3A_1228 = arith.index_cast %scan3A_1140 : i32 to index
        %get3A_1229 = arith.constant 80 : index
        %get3A_1230 = tpu.vector_load %arg30[%get3A_1228, %get3A_1229] {strides = array<i32>} : memref<40x128xf32, #tpu.memory_space<vmem>>, vector<1x16xf32>,
        %get3A_1231 = vector.shape_cast %get3A_1230 : vector<1x16xf32> to vector<16xf32>
        %mul3A_1232 = arith.mulf %get3A_1231, %gather3A_1227 : vector<16xf32>
        %swap3A_1233 = arith.index_cast %scan3A_1140 : i32 to index
        %swap3A_1234 = arith.constant 80 : index
        %swap3A_1235 = tpu.vector_load %arg30[%swap3A_1233, %swap3A_1234] {strides = array<i32>} : memref<40x128xf32, #tpu.memory_space<vmem>>, vector<1x16xf32>,
        %swap3A_1236 = vector.shape_cast %swap3A_1235 : vector<1x16xf32> to vector<16xf32>
        %swap3A_1237 = vector.shape_cast %mul3A_1232 : vector<16xf32> to vector<1x16xf32>
        tpu.vector_store %arg30[%swap3A_1233, %swap3A_1234], %swap3A_1237 {strides = array<i32>} : memref<40x128xf32, #tpu.memory_space<vmem>>, vector<1x16xf32>,
        %broadcast_in_dim3A_1238 = arith.constant 6 : i32
        %broadcast_in_dim3A_1239 = vector.broadcast %broadcast_in_dim3A_1238 : i32 to vector<16x1xi32>
        %gather3A_1240 = vector.shape_cast %broadcast_in_dim3A_1239 : vector<16x1xi32> to vector<16xi32>
        %gather3A_1241 = tpu.dynamic_gather %exp3A[%gather3A_1240] in [0] : vector<16xf32>, vector<16xi32> -> vector<16xf32>
        %get3A_1242 = arith.index_cast %scan3A_1140 : i32 to index
        %get3A_1243 = arith.constant 96 : index
        %get3A_1244 = tpu.vector_load %arg30[%get3A_1242, %get3A_1243] {strides = array<i32>} : memref<40x128xf32, #tpu.memory_space<vmem>>, vector<1x16xf32>,
        %get3A_1245 = vector.shape_cast %get3A_1244 : vector<1x16xf32> to vector<16xf32>
        %mul3A_1246 = arith.mulf %get3A_1245, %gather3A_1241 : vector<16xf32>
        %swap3A_1247 = arith.index_cast %scan3A_1140 : i32 to index
        %swap3A_1248 = arith.constant 96 : index
        %swap3A_1249 = tpu.vector_load %arg30[%swap3A_1247, %swap3A_1248] {strides = array<i32>} : memref<40x128xf32, #tpu.memory_space<vmem>>, vector<1x16xf32>,
        %swap3A_1250 = vector.shape_cast %swap3A_1249 : vector<1x16xf32> to vector<16xf32>
        %swap3A_1251 = vector.shape_cast %mul3A_1246 : vector<16xf32> to vector<1x16xf32>
        tpu.vector_store %arg30[%swap3A_1247, %swap3A_1248], %swap3A_1251 {strides = array<i32>} : memref<40x128xf32, #tpu.memory_space<vmem>>, vector<1x16xf32>,
        %broadcast_in_dim3A_1252 = arith.constant 7 : i32
        %broadcast_in_dim3A_1253 = vector.broadcast %broadcast_in_dim3A_1252 : i32 to vector<16x1xi32>
        %gather3A_1254 = vector.shape_cast %broadcast_in_dim3A_1253 : vector<16x1xi32> to vector<16xi32>
        %gather3A_1255 = tpu.dynamic_gather %exp3A[%gather3A_1254] in [0] : vector<16xf32>, vector<16xi32> -> vector<16xf32>
        %get3A_1256 = arith.index_cast %scan3A_1140 : i32 to index
        %get3A_1257 = arith.constant 112 : index
        %get3A_1258 = tpu.vector_load %arg30[%get3A_1256, %get3A_1257] {strides = array<i32>} : memref<40x128xf32, #tpu.memory_space<vmem>>, vector<1x16xf32>,
        %get3A_1259 = vector.shape_cast %get3A_1258 : vector<1x16xf32> to vector<16xf32>
        %mul3A_1260 = arith.mulf %get3A_1259, %gather3A_1255 : vector<16xf32>
        %swap3A_1261 = arith.index_cast %scan3A_1140 : i32 to index
        %swap3A_1262 = arith.constant 112 : index
        %swap3A_1263 = tpu.vector_load %arg30[%swap3A_1261, %swap3A_1262] {strides = array<i32>} : memref<40x128xf32, #tpu.memory_space<vmem>>, vector<1x16xf32>,
        %swap3A_1264 = vector.shape_cast %swap3A_1263 : vector<1x16xf32> to vector<16xf32>
        %swap3A_1265 = vector.shape_cast %mul3A_1260 : vector<16xf32> to vector<1x16xf32>
        tpu.vector_store %arg30[%swap3A_1261, %swap3A_1262], %swap3A_1265 {strides = array<i32>} : memref<40x128xf32, #tpu.memory_space<vmem>>, vector<1x16xf32>,
      }
      %scan3A_998 = arith.constant 40 : i32
      %dma_start3A_999 = arith.constant 0 : i32
      %dma_start3A_1000 = arith.constant 0 : i32
      %dma_start3A_1001 = tpu.memref_slice %arg34[%dma_start3A_999, %dma_start3A_1000] : memref<10000x16xf32, #tpu.memory_space<vmem_shared>> -> memref<10000x16xf32, #tpu.memory_space<vmem_shared>>
      tpu.enqueue_indirect_dma source(%arg20 : memref<40x16xf32, #tpu.memory_space<vmem>>) target(%dma_start3A_1001 : memref<10000x16xf32, #tpu.memory_space<vmem_shared>>) offsets(%arg15 : memref<40xi32, #tpu.memory_space<vmem>>) semaphore(%arg47 : memref<!tpu.dma_semaphore, #tpu.memory_space<semaphore_mem>>) {add = true}
      %dma_start3A_1002 = arith.constant 0 : i32
      %dma_start3A_1003 = arith.constant 0 : i32
      %dma_start3A_1004 = tpu.memref_slice %arg35[%dma_start3A_1002, %dma_start3A_1003] : memref<10000x128xf32, #tpu.memory_space<vmem_shared>> -> memref<10000x128xf32, #tpu.memory_space<vmem_shared>>
      tpu.enqueue_indirect_dma source(%arg30 : memref<40x128xf32, #tpu.memory_space<vmem>>) target(%dma_start3A_1004 : memref<10000x128xf32, #tpu.memory_space<vmem_shared>>) offsets(%arg15 : memref<40xi32, #tpu.memory_space<vmem>>) semaphore(%arg47 : memref<!tpu.dma_semaphore, #tpu.memory_space<semaphore_mem>>) {add = true}
      %mul3A_1005 = arith.constant 5 : i32
      %mul3A_1006 = arith.muli %scan3A_918, %mul3A_1005 : i32
      %add3A_1007 = arith.constant 2 : i32
      %add3A_1008 = arith.addi %mul3A_1006, %add3A_1007 : i32
      %dma_wait3A_1009 = arith.constant 0 : i32
      %dma_wait3A_1010 = arith.constant 0 : i32
      %dma_wait3A_1011 = tpu.memref_slice %arg34[%dma_wait3A_1009, %dma_wait3A_1010] : memref<10000x16xf32, #tpu.memory_space<vmem_shared>> -> memref<10000x16xf32, #tpu.memory_space<vmem_shared>>
      tpu.wait_indirect_dma semaphore(%arg46 : memref<!tpu.dma_semaphore, #tpu.memory_space<semaphore_mem>>) src(%arg19 : memref<40x16xf32, #tpu.memory_space<vmem>>) dst(%dma_wait3A_1011 : memref<10000x16xf32, #tpu.memory_space<vmem_shared>>)
      %dma_wait3A_1012 = arith.constant 0 : i32
      %dma_wait3A_1013 = arith.constant 0 : i32
      %dma_wait3A_1014 = tpu.memref_slice %arg35[%dma_wait3A_1012, %dma_wait3A_1013] : memref<10000x128xf32, #tpu.memory_space<vmem_shared>> -> memref<10000x128xf32, #tpu.memory_space<vmem_shared>>
      tpu.wait_indirect_dma semaphore(%arg46 : memref<!tpu.dma_semaphore, #tpu.memory_space<semaphore_mem>>) src(%arg29 : memref<40x128xf32, #tpu.memory_space<vmem>>) dst(%dma_wait3A_1014 : memref<10000x128xf32, #tpu.memory_space<vmem_shared>>)
      %add3A_1015 = arith.constant 3 : i32
      %add3A_1016 = arith.addi %add3A_1008, %add3A_1015 : i32
      %lt3A_1017 = arith.constant 250 : i32
      %lt3A_1018 = arith.cmpi slt, %add3A_1016, %lt3A_1017 : i32
      %convert_element_type3A_1019 = arith.extui %lt3A_1018 : i1 to i32
      %cond3A_1020 = arith.constant 0 : i32
      %cond3A_1021 = arith.cmpi ne, %convert_element_type3A_1019, %cond3A_1020 : i32
      scf.if %cond3A_1021 {
        %add3A_1140 = arith.constant 3 : i32
        %add3A_1141 = arith.addi %add3A_1008, %add3A_1140 : i32
        %dma_start3A_1142 = arith.constant 0 : i32
        %dma_start3A_1143 = tpu.memref_slice %arg5[%add3A, %add3A_1141, %dma_start3A_1142] : memref<32x250x40xi32, #tpu.memory_space<hbm>> -> memref<1x1x40xi32, #tpu.memory_space<hbm>>
        %dma_start3A_1144 = tpu.memref_squeeze %dma_start3A_1143 : memref<1x1x40xi32, #tpu.memory_space<hbm>> -> memref<40xi32, #tpu.memory_space<hbm>>
        %dma_start3A_1145 = arith.constant 0 : i32
        %dma_start3A_1146 = tpu.memref_slice %arg5[%add3A, %add3A_1141, %dma_start3A_1145] : memref<32x250x40xi32, #tpu.memory_space<hbm>> -> memref<1x1x40xi32, #tpu.memory_space<hbm>>
        %dma_start3A_1147 = tpu.memref_squeeze %dma_start3A_1146 : memref<1x1x40xi32, #tpu.memory_space<hbm>> -> memref<40xi32, #tpu.memory_space<hbm>>
        tpu.enqueue_dma source(%dma_start3A_1147 : memref<40xi32, #tpu.memory_space<hbm>>) target(%arg9 : memref<40xi32, #tpu.memory_space<vmem>>) target_semaphore(%arg36 : memref<!tpu.dma_semaphore, #tpu.memory_space<semaphore_mem>>)
        %dma_start3A_1148 = arith.constant 0 : i32
        %dma_start3A_1149 = tpu.memref_slice %arg6[%add3A, %add3A_1141, %dma_start3A_1148] : memref<32x250x40xi32, #tpu.memory_space<hbm>> -> memref<1x1x40xi32, #tpu.memory_space<hbm>>
        %dma_start3A_1150 = tpu.memref_squeeze %dma_start3A_1149 : memref<1x1x40xi32, #tpu.memory_space<hbm>> -> memref<40xi32, #tpu.memory_space<hbm>>
        %dma_start3A_1151 = arith.constant 0 : i32
        %dma_start3A_1152 = tpu.memref_slice %arg6[%add3A, %add3A_1141, %dma_start3A_1151] : memref<32x250x40xi32, #tpu.memory_space<hbm>> -> memref<1x1x40xi32, #tpu.memory_space<hbm>>
        %dma_start3A_1153 = tpu.memref_squeeze %dma_start3A_1152 : memref<1x1x40xi32, #tpu.memory_space<hbm>> -> memref<40xi32, #tpu.memory_space<hbm>>
        tpu.enqueue_dma source(%dma_start3A_1153 : memref<40xi32, #tpu.memory_space<hbm>>) target(%arg14 : memref<40xi32, #tpu.memory_space<vmem>>) target_semaphore(%arg36 : memref<!tpu.dma_semaphore, #tpu.memory_space<semaphore_mem>>)
      } else {
      }
      %add3A_1022 = arith.constant 2 : i32
      %add3A_1023 = arith.addi %add3A_1008, %add3A_1022 : i32
      %lt3A_1024 = arith.constant 250 : i32
      %lt3A_1025 = arith.cmpi slt, %add3A_1023, %lt3A_1024 : i32
      %convert_element_type3A_1026 = arith.extui %lt3A_1025 : i1 to i32
      %cond3A_1027 = arith.constant 0 : i32
      %cond3A_1028 = arith.cmpi ne, %convert_element_type3A_1026, %cond3A_1027 : i32
      scf.if %cond3A_1028 {
        %add3A_1140 = arith.constant 2 : i32
        %add3A_1141 = arith.addi %add3A_1008, %add3A_1140 : i32
        %dma_wait3A_1142 = arith.constant 0 : i32
        %dma_wait3A_1143 = tpu.memref_slice %arg5[%add3A, %add3A_1141, %dma_wait3A_1142] : memref<32x250x40xi32, #tpu.memory_space<hbm>> -> memref<1x1x40xi32, #tpu.memory_space<hbm>>
        %dma_wait3A_1144 = tpu.memref_squeeze %dma_wait3A_1143 : memref<1x1x40xi32, #tpu.memory_space<hbm>> -> memref<40xi32, #tpu.memory_space<hbm>>
        %dma_wait3A_1145 = arith.constant 0 : i32
        %dma_wait3A_1146 = tpu.memref_slice %arg5[%add3A, %add3A_1141, %dma_wait3A_1145] : memref<32x250x40xi32, #tpu.memory_space<hbm>> -> memref<1x1x40xi32, #tpu.memory_space<hbm>>
        %dma_wait3A_1147 = tpu.memref_squeeze %dma_wait3A_1146 : memref<1x1x40xi32, #tpu.memory_space<hbm>> -> memref<40xi32, #tpu.memory_space<hbm>>
        tpu.wait_dma2 semaphore(%arg40 : memref<!tpu.dma_semaphore, #tpu.memory_space<semaphore_mem>>) src(%dma_wait3A_1147 : memref<40xi32, #tpu.memory_space<hbm>>) dst(%arg13 : memref<40xi32, #tpu.memory_space<vmem>>)
        %dma_wait3A_1148 = arith.constant 0 : i32
        %dma_wait3A_1149 = tpu.memref_slice %arg6[%add3A, %add3A_1141, %dma_wait3A_1148] : memref<32x250x40xi32, #tpu.memory_space<hbm>> -> memref<1x1x40xi32, #tpu.memory_space<hbm>>
        %dma_wait3A_1150 = tpu.memref_squeeze %dma_wait3A_1149 : memref<1x1x40xi32, #tpu.memory_space<hbm>> -> memref<40xi32, #tpu.memory_space<hbm>>
        %dma_wait3A_1151 = arith.constant 0 : i32
        %dma_wait3A_1152 = tpu.memref_slice %arg6[%add3A, %add3A_1141, %dma_wait3A_1151] : memref<32x250x40xi32, #tpu.memory_space<hbm>> -> memref<1x1x40xi32, #tpu.memory_space<hbm>>
        %dma_wait3A_1153 = tpu.memref_squeeze %dma_wait3A_1152 : memref<1x1x40xi32, #tpu.memory_space<hbm>> -> memref<40xi32, #tpu.memory_space<hbm>>
        tpu.wait_dma2 semaphore(%arg40 : memref<!tpu.dma_semaphore, #tpu.memory_space<semaphore_mem>>) src(%dma_wait3A_1153 : memref<40xi32, #tpu.memory_space<hbm>>) dst(%arg18 : memref<40xi32, #tpu.memory_space<vmem>>)
        %dma_start3A_1154 = arith.constant 0 : i32
        %dma_start3A_1155 = arith.constant 0 : i32
        %dma_start3A_1156 = tpu.memref_slice %arg2[%dma_start3A_1154, %dma_start3A_1155] : memref<10000x16xf32, #tpu.memory_space<hbm>> -> memref<10000x16xf32, #tpu.memory_space<hbm>>
        tpu.enqueue_indirect_dma source(%dma_start3A_1156 : memref<10000x16xf32, #tpu.memory_space<hbm>>) target(%arg23 : memref<40x16xf32, #tpu.memory_space<vmem>>) offsets(%arg13 : memref<40xi32, #tpu.memory_space<vmem>>) semaphore(%arg45 : memref<!tpu.dma_semaphore, #tpu.memory_space<semaphore_mem>>)
        %dma_start3A_1157 = arith.constant 0 : i32
        %dma_start3A_1158 = arith.constant 0 : i32
        %dma_start3A_1159 = tpu.memref_slice %arg3[%dma_start3A_1157, %dma_start3A_1158] : memref<10000x16xf32, #tpu.memory_space<hbm>> -> memref<10000x16xf32, #tpu.memory_space<hbm>>
        tpu.enqueue_indirect_dma source(%dma_start3A_1159 : memref<10000x16xf32, #tpu.memory_space<hbm>>) target(%arg28 : memref<40x16xf32, #tpu.memory_space<vmem>>) offsets(%arg18 : memref<40xi32, #tpu.memory_space<vmem>>) semaphore(%arg45 : memref<!tpu.dma_semaphore, #tpu.memory_space<semaphore_mem>>)
        %dma_start3A_1160 = arith.constant 0 : i32
        %dma_start3A_1161 = arith.constant 0 : i32
        %dma_start3A_1162 = tpu.memref_slice %arg4[%dma_start3A_1160, %dma_start3A_1161] : memref<10000x128xf32, #tpu.memory_space<hbm>> -> memref<10000x128xf32, #tpu.memory_space<hbm>>
        tpu.enqueue_indirect_dma source(%dma_start3A_1162 : memref<10000x128xf32, #tpu.memory_space<hbm>>) target(%arg33 : memref<40x128xf32, #tpu.memory_space<vmem>>) offsets(%arg13 : memref<40xi32, #tpu.memory_space<vmem>>) semaphore(%arg45 : memref<!tpu.dma_semaphore, #tpu.memory_space<semaphore_mem>>)
      } else {
      }
      %dma_wait3A_1029 = arith.constant 0 : i32
      %dma_wait3A_1030 = arith.constant 0 : i32
      %dma_wait3A_1031 = tpu.memref_slice %arg2[%dma_wait3A_1029, %dma_wait3A_1030] : memref<10000x16xf32, #tpu.memory_space<hbm>> -> memref<10000x16xf32, #tpu.memory_space<hbm>>
      tpu.wait_indirect_dma semaphore(%arg43 : memref<!tpu.dma_semaphore, #tpu.memory_space<semaphore_mem>>) src(%dma_wait3A_1031 : memref<10000x16xf32, #tpu.memory_space<hbm>>) dst(%arg21 : memref<40x16xf32, #tpu.memory_space<vmem>>)
      %dma_wait3A_1032 = arith.constant 0 : i32
      %dma_wait3A_1033 = arith.constant 0 : i32
      %dma_wait3A_1034 = tpu.memref_slice %arg3[%dma_wait3A_1032, %dma_wait3A_1033] : memref<10000x16xf32, #tpu.memory_space<hbm>> -> memref<10000x16xf32, #tpu.memory_space<hbm>>
      tpu.wait_indirect_dma semaphore(%arg43 : memref<!tpu.dma_semaphore, #tpu.memory_space<semaphore_mem>>) src(%dma_wait3A_1034 : memref<10000x16xf32, #tpu.memory_space<hbm>>) dst(%arg26 : memref<40x16xf32, #tpu.memory_space<vmem>>)
      %dma_wait3A_1035 = arith.constant 0 : i32
      %dma_wait3A_1036 = arith.constant 0 : i32
      %dma_wait3A_1037 = tpu.memref_slice %arg4[%dma_wait3A_1035, %dma_wait3A_1036] : memref<10000x128xf32, #tpu.memory_space<hbm>> -> memref<10000x128xf32, #tpu.memory_space<hbm>>
      tpu.wait_indirect_dma semaphore(%arg43 : memref<!tpu.dma_semaphore, #tpu.memory_space<semaphore_mem>>) src(%dma_wait3A_1037 : memref<10000x128xf32, #tpu.memory_space<hbm>>) dst(%arg31 : memref<40x128xf32, #tpu.memory_space<vmem>>)
      %scan3A_1038 = arith.constant 0 : i32
      %scan3A_1039 = arith.constant 0 : i32
      %scan3A_1040 = arith.constant 40 : i32
      %scan3A_1041 = arith.addi %scan3A_1039, %scan3A_1040 : i32
      %scan3A_1042 = arith.constant 1 : i32
      scf.for %scan3A_1140 = %scan3A_1039 to %scan3A_1041 step %scan3A_1042  : i32 {
        %get3A = arith.index_cast %scan3A_1140 : i32 to index
        %get3A_1141 = arith.constant 0 : index
        %get3A_1142 = tpu.vector_load %arg21[%get3A, %get3A_1141] {strides = array<i32>} : memref<40x16xf32, #tpu.memory_space<vmem>>, vector<1x16xf32>,
        %get3A_1143 = vector.shape_cast %get3A_1142 : vector<1x16xf32> to vector<16xf32>
        %get3A_1144 = arith.index_cast %scan3A_1140 : i32 to index
        %get3A_1145 = arith.constant 0 : index
        %get3A_1146 = tpu.vector_load %arg26[%get3A_1144, %get3A_1145] {strides = array<i32>} : memref<40x16xf32, #tpu.memory_space<vmem>>, vector<1x16xf32>,
        %get3A_1147 = vector.shape_cast %get3A_1146 : vector<1x16xf32> to vector<16xf32>
        %add3A_1148 = arith.addf %get3A_1143, %get3A_1147 : vector<16xf32>
        %mul3A_1149 = arith.constant 2.000000e-01 : f32
        %mul3A_1150 = vector.broadcast %mul3A_1149 : f32 to vector<16xf32>
        %mul3A_1151 = arith.mulf %mul3A_1150, %add3A_1148 : vector<16xf32>
        %max3A = arith.maximumf %add3A_1148, %mul3A_1151 : vector<16xf32>
        %exp3A = math.exp %max3A : vector<16xf32>
        %swap3A = arith.index_cast %scan3A_1140 : i32 to index
        %swap3A_1152 = arith.constant 0 : index
        %swap3A_1153 = tpu.vector_load %arg21[%swap3A, %swap3A_1152] {strides = array<i32>} : memref<40x16xf32, #tpu.memory_space<vmem>>, vector<1x16xf32>,
        %swap3A_1154 = vector.shape_cast %swap3A_1153 : vector<1x16xf32> to vector<16xf32>
        %swap3A_1155 = vector.shape_cast %exp3A : vector<16xf32> to vector<1x16xf32>
        tpu.vector_store %arg21[%swap3A, %swap3A_1152], %swap3A_1155 {strides = array<i32>} : memref<40x16xf32, #tpu.memory_space<vmem>>, vector<1x16xf32>,
        %broadcast_in_dim3A = arith.constant 0 : i32
        %broadcast_in_dim3A_1156 = vector.broadcast %broadcast_in_dim3A : i32 to vector<16x1xi32>
        %gather3A = vector.shape_cast %broadcast_in_dim3A_1156 : vector<16x1xi32> to vector<16xi32>
        %gather3A_1157 = tpu.dynamic_gather %exp3A[%gather3A] in [0] : vector<16xf32>, vector<16xi32> -> vector<16xf32>
        %get3A_1158 = arith.index_cast %scan3A_1140 : i32 to index
        %get3A_1159 = arith.constant 0 : index
        %get3A_1160 = tpu.vector_load %arg31[%get3A_1158, %get3A_1159] {strides = array<i32>} : memref<40x128xf32, #tpu.memory_space<vmem>>, vector<1x16xf32>,
        %get3A_1161 = vector.shape_cast %get3A_1160 : vector<1x16xf32> to vector<16xf32>
        %mul3A_1162 = arith.mulf %get3A_1161, %gather3A_1157 : vector<16xf32>
        %swap3A_1163 = arith.index_cast %scan3A_1140 : i32 to index
        %swap3A_1164 = arith.constant 0 : index
        %swap3A_1165 = tpu.vector_load %arg31[%swap3A_1163, %swap3A_1164] {strides = array<i32>} : memref<40x128xf32, #tpu.memory_space<vmem>>, vector<1x16xf32>,
        %swap3A_1166 = vector.shape_cast %swap3A_1165 : vector<1x16xf32> to vector<16xf32>
        %swap3A_1167 = vector.shape_cast %mul3A_1162 : vector<16xf32> to vector<1x16xf32>
        tpu.vector_store %arg31[%swap3A_1163, %swap3A_1164], %swap3A_1167 {strides = array<i32>} : memref<40x128xf32, #tpu.memory_space<vmem>>, vector<1x16xf32>,
        %broadcast_in_dim3A_1168 = arith.constant 1 : i32
        %broadcast_in_dim3A_1169 = vector.broadcast %broadcast_in_dim3A_1168 : i32 to vector<16x1xi32>
        %gather3A_1170 = vector.shape_cast %broadcast_in_dim3A_1169 : vector<16x1xi32> to vector<16xi32>
        %gather3A_1171 = tpu.dynamic_gather %exp3A[%gather3A_1170] in [0] : vector<16xf32>, vector<16xi32> -> vector<16xf32>
        %get3A_1172 = arith.index_cast %scan3A_1140 : i32 to index
        %get3A_1173 = arith.constant 16 : index
        %get3A_1174 = tpu.vector_load %arg31[%get3A_1172, %get3A_1173] {strides = array<i32>} : memref<40x128xf32, #tpu.memory_space<vmem>>, vector<1x16xf32>,
        %get3A_1175 = vector.shape_cast %get3A_1174 : vector<1x16xf32> to vector<16xf32>
        %mul3A_1176 = arith.mulf %get3A_1175, %gather3A_1171 : vector<16xf32>
        %swap3A_1177 = arith.index_cast %scan3A_1140 : i32 to index
        %swap3A_1178 = arith.constant 16 : index
        %swap3A_1179 = tpu.vector_load %arg31[%swap3A_1177, %swap3A_1178] {strides = array<i32>} : memref<40x128xf32, #tpu.memory_space<vmem>>, vector<1x16xf32>,
        %swap3A_1180 = vector.shape_cast %swap3A_1179 : vector<1x16xf32> to vector<16xf32>
        %swap3A_1181 = vector.shape_cast %mul3A_1176 : vector<16xf32> to vector<1x16xf32>
        tpu.vector_store %arg31[%swap3A_1177, %swap3A_1178], %swap3A_1181 {strides = array<i32>} : memref<40x128xf32, #tpu.memory_space<vmem>>, vector<1x16xf32>,
        %broadcast_in_dim3A_1182 = arith.constant 2 : i32
        %broadcast_in_dim3A_1183 = vector.broadcast %broadcast_in_dim3A_1182 : i32 to vector<16x1xi32>
        %gather3A_1184 = vector.shape_cast %broadcast_in_dim3A_1183 : vector<16x1xi32> to vector<16xi32>
        %gather3A_1185 = tpu.dynamic_gather %exp3A[%gather3A_1184] in [0] : vector<16xf32>, vector<16xi32> -> vector<16xf32>
        %get3A_1186 = arith.index_cast %scan3A_1140 : i32 to index
        %get3A_1187 = arith.constant 32 : index
        %get3A_1188 = tpu.vector_load %arg31[%get3A_1186, %get3A_1187] {strides = array<i32>} : memref<40x128xf32, #tpu.memory_space<vmem>>, vector<1x16xf32>,
        %get3A_1189 = vector.shape_cast %get3A_1188 : vector<1x16xf32> to vector<16xf32>
        %mul3A_1190 = arith.mulf %get3A_1189, %gather3A_1185 : vector<16xf32>
        %swap3A_1191 = arith.index_cast %scan3A_1140 : i32 to index
        %swap3A_1192 = arith.constant 32 : index
        %swap3A_1193 = tpu.vector_load %arg31[%swap3A_1191, %swap3A_1192] {strides = array<i32>} : memref<40x128xf32, #tpu.memory_space<vmem>>, vector<1x16xf32>,
        %swap3A_1194 = vector.shape_cast %swap3A_1193 : vector<1x16xf32> to vector<16xf32>
        %swap3A_1195 = vector.shape_cast %mul3A_1190 : vector<16xf32> to vector<1x16xf32>
        tpu.vector_store %arg31[%swap3A_1191, %swap3A_1192], %swap3A_1195 {strides = array<i32>} : memref<40x128xf32, #tpu.memory_space<vmem>>, vector<1x16xf32>,
        %broadcast_in_dim3A_1196 = arith.constant 3 : i32
        %broadcast_in_dim3A_1197 = vector.broadcast %broadcast_in_dim3A_1196 : i32 to vector<16x1xi32>
        %gather3A_1198 = vector.shape_cast %broadcast_in_dim3A_1197 : vector<16x1xi32> to vector<16xi32>
        %gather3A_1199 = tpu.dynamic_gather %exp3A[%gather3A_1198] in [0] : vector<16xf32>, vector<16xi32> -> vector<16xf32>
        %get3A_1200 = arith.index_cast %scan3A_1140 : i32 to index
        %get3A_1201 = arith.constant 48 : index
        %get3A_1202 = tpu.vector_load %arg31[%get3A_1200, %get3A_1201] {strides = array<i32>} : memref<40x128xf32, #tpu.memory_space<vmem>>, vector<1x16xf32>,
        %get3A_1203 = vector.shape_cast %get3A_1202 : vector<1x16xf32> to vector<16xf32>
        %mul3A_1204 = arith.mulf %get3A_1203, %gather3A_1199 : vector<16xf32>
        %swap3A_1205 = arith.index_cast %scan3A_1140 : i32 to index
        %swap3A_1206 = arith.constant 48 : index
        %swap3A_1207 = tpu.vector_load %arg31[%swap3A_1205, %swap3A_1206] {strides = array<i32>} : memref<40x128xf32, #tpu.memory_space<vmem>>, vector<1x16xf32>,
        %swap3A_1208 = vector.shape_cast %swap3A_1207 : vector<1x16xf32> to vector<16xf32>
        %swap3A_1209 = vector.shape_cast %mul3A_1204 : vector<16xf32> to vector<1x16xf32>
        tpu.vector_store %arg31[%swap3A_1205, %swap3A_1206], %swap3A_1209 {strides = array<i32>} : memref<40x128xf32, #tpu.memory_space<vmem>>, vector<1x16xf32>,
        %broadcast_in_dim3A_1210 = arith.constant 4 : i32
        %broadcast_in_dim3A_1211 = vector.broadcast %broadcast_in_dim3A_1210 : i32 to vector<16x1xi32>
        %gather3A_1212 = vector.shape_cast %broadcast_in_dim3A_1211 : vector<16x1xi32> to vector<16xi32>
        %gather3A_1213 = tpu.dynamic_gather %exp3A[%gather3A_1212] in [0] : vector<16xf32>, vector<16xi32> -> vector<16xf32>
        %get3A_1214 = arith.index_cast %scan3A_1140 : i32 to index
        %get3A_1215 = arith.constant 64 : index
        %get3A_1216 = tpu.vector_load %arg31[%get3A_1214, %get3A_1215] {strides = array<i32>} : memref<40x128xf32, #tpu.memory_space<vmem>>, vector<1x16xf32>,
        %get3A_1217 = vector.shape_cast %get3A_1216 : vector<1x16xf32> to vector<16xf32>
        %mul3A_1218 = arith.mulf %get3A_1217, %gather3A_1213 : vector<16xf32>
        %swap3A_1219 = arith.index_cast %scan3A_1140 : i32 to index
        %swap3A_1220 = arith.constant 64 : index
        %swap3A_1221 = tpu.vector_load %arg31[%swap3A_1219, %swap3A_1220] {strides = array<i32>} : memref<40x128xf32, #tpu.memory_space<vmem>>, vector<1x16xf32>,
        %swap3A_1222 = vector.shape_cast %swap3A_1221 : vector<1x16xf32> to vector<16xf32>
        %swap3A_1223 = vector.shape_cast %mul3A_1218 : vector<16xf32> to vector<1x16xf32>
        tpu.vector_store %arg31[%swap3A_1219, %swap3A_1220], %swap3A_1223 {strides = array<i32>} : memref<40x128xf32, #tpu.memory_space<vmem>>, vector<1x16xf32>,
        %broadcast_in_dim3A_1224 = arith.constant 5 : i32
        %broadcast_in_dim3A_1225 = vector.broadcast %broadcast_in_dim3A_1224 : i32 to vector<16x1xi32>
        %gather3A_1226 = vector.shape_cast %broadcast_in_dim3A_1225 : vector<16x1xi32> to vector<16xi32>
        %gather3A_1227 = tpu.dynamic_gather %exp3A[%gather3A_1226] in [0] : vector<16xf32>, vector<16xi32> -> vector<16xf32>
        %get3A_1228 = arith.index_cast %scan3A_1140 : i32 to index
        %get3A_1229 = arith.constant 80 : index
        %get3A_1230 = tpu.vector_load %arg31[%get3A_1228, %get3A_1229] {strides = array<i32>} : memref<40x128xf32, #tpu.memory_space<vmem>>, vector<1x16xf32>,
        %get3A_1231 = vector.shape_cast %get3A_1230 : vector<1x16xf32> to vector<16xf32>
        %mul3A_1232 = arith.mulf %get3A_1231, %gather3A_1227 : vector<16xf32>
        %swap3A_1233 = arith.index_cast %scan3A_1140 : i32 to index
        %swap3A_1234 = arith.constant 80 : index
        %swap3A_1235 = tpu.vector_load %arg31[%swap3A_1233, %swap3A_1234] {strides = array<i32>} : memref<40x128xf32, #tpu.memory_space<vmem>>, vector<1x16xf32>,
        %swap3A_1236 = vector.shape_cast %swap3A_1235 : vector<1x16xf32> to vector<16xf32>
        %swap3A_1237 = vector.shape_cast %mul3A_1232 : vector<16xf32> to vector<1x16xf32>
        tpu.vector_store %arg31[%swap3A_1233, %swap3A_1234], %swap3A_1237 {strides = array<i32>} : memref<40x128xf32, #tpu.memory_space<vmem>>, vector<1x16xf32>,
        %broadcast_in_dim3A_1238 = arith.constant 6 : i32
        %broadcast_in_dim3A_1239 = vector.broadcast %broadcast_in_dim3A_1238 : i32 to vector<16x1xi32>
        %gather3A_1240 = vector.shape_cast %broadcast_in_dim3A_1239 : vector<16x1xi32> to vector<16xi32>
        %gather3A_1241 = tpu.dynamic_gather %exp3A[%gather3A_1240] in [0] : vector<16xf32>, vector<16xi32> -> vector<16xf32>
        %get3A_1242 = arith.index_cast %scan3A_1140 : i32 to index
        %get3A_1243 = arith.constant 96 : index
        %get3A_1244 = tpu.vector_load %arg31[%get3A_1242, %get3A_1243] {strides = array<i32>} : memref<40x128xf32, #tpu.memory_space<vmem>>, vector<1x16xf32>,
        %get3A_1245 = vector.shape_cast %get3A_1244 : vector<1x16xf32> to vector<16xf32>
        %mul3A_1246 = arith.mulf %get3A_1245, %gather3A_1241 : vector<16xf32>
        %swap3A_1247 = arith.index_cast %scan3A_1140 : i32 to index
        %swap3A_1248 = arith.constant 96 : index
        %swap3A_1249 = tpu.vector_load %arg31[%swap3A_1247, %swap3A_1248] {strides = array<i32>} : memref<40x128xf32, #tpu.memory_space<vmem>>, vector<1x16xf32>,
        %swap3A_1250 = vector.shape_cast %swap3A_1249 : vector<1x16xf32> to vector<16xf32>
        %swap3A_1251 = vector.shape_cast %mul3A_1246 : vector<16xf32> to vector<1x16xf32>
        tpu.vector_store %arg31[%swap3A_1247, %swap3A_1248], %swap3A_1251 {strides = array<i32>} : memref<40x128xf32, #tpu.memory_space<vmem>>, vector<1x16xf32>,
        %broadcast_in_dim3A_1252 = arith.constant 7 : i32
        %broadcast_in_dim3A_1253 = vector.broadcast %broadcast_in_dim3A_1252 : i32 to vector<16x1xi32>
        %gather3A_1254 = vector.shape_cast %broadcast_in_dim3A_1253 : vector<16x1xi32> to vector<16xi32>
        %gather3A_1255 = tpu.dynamic_gather %exp3A[%gather3A_1254] in [0] : vector<16xf32>, vector<16xi32> -> vector<16xf32>
        %get3A_1256 = arith.index_cast %scan3A_1140 : i32 to index
        %get3A_1257 = arith.constant 112 : index
        %get3A_1258 = tpu.vector_load %arg31[%get3A_1256, %get3A_1257] {strides = array<i32>} : memref<40x128xf32, #tpu.memory_space<vmem>>, vector<1x16xf32>,
        %get3A_1259 = vector.shape_cast %get3A_1258 : vector<1x16xf32> to vector<16xf32>
        %mul3A_1260 = arith.mulf %get3A_1259, %gather3A_1255 : vector<16xf32>
        %swap3A_1261 = arith.index_cast %scan3A_1140 : i32 to index
        %swap3A_1262 = arith.constant 112 : index
        %swap3A_1263 = tpu.vector_load %arg31[%swap3A_1261, %swap3A_1262] {strides = array<i32>} : memref<40x128xf32, #tpu.memory_space<vmem>>, vector<1x16xf32>,
        %swap3A_1264 = vector.shape_cast %swap3A_1263 : vector<1x16xf32> to vector<16xf32>
        %swap3A_1265 = vector.shape_cast %mul3A_1260 : vector<16xf32> to vector<1x16xf32>
        tpu.vector_store %arg31[%swap3A_1261, %swap3A_1262], %swap3A_1265 {strides = array<i32>} : memref<40x128xf32, #tpu.memory_space<vmem>>, vector<1x16xf32>,
      }
      %scan3A_1043 = arith.constant 40 : i32
      %dma_start3A_1044 = arith.constant 0 : i32
      %dma_start3A_1045 = arith.constant 0 : i32
      %dma_start3A_1046 = tpu.memref_slice %arg34[%dma_start3A_1044, %dma_start3A_1045] : memref<10000x16xf32, #tpu.memory_space<vmem_shared>> -> memref<10000x16xf32, #tpu.memory_space<vmem_shared>>
      tpu.enqueue_indirect_dma source(%arg21 : memref<40x16xf32, #tpu.memory_space<vmem>>) target(%dma_start3A_1046 : memref<10000x16xf32, #tpu.memory_space<vmem_shared>>) offsets(%arg16 : memref<40xi32, #tpu.memory_space<vmem>>) semaphore(%arg48 : memref<!tpu.dma_semaphore, #tpu.memory_space<semaphore_mem>>) {add = true}
      %dma_start3A_1047 = arith.constant 0 : i32
      %dma_start3A_1048 = arith.constant 0 : i32
      %dma_start3A_1049 = tpu.memref_slice %arg35[%dma_start3A_1047, %dma_start3A_1048] : memref<10000x128xf32, #tpu.memory_space<vmem_shared>> -> memref<10000x128xf32, #tpu.memory_space<vmem_shared>>
      tpu.enqueue_indirect_dma source(%arg31 : memref<40x128xf32, #tpu.memory_space<vmem>>) target(%dma_start3A_1049 : memref<10000x128xf32, #tpu.memory_space<vmem_shared>>) offsets(%arg16 : memref<40xi32, #tpu.memory_space<vmem>>) semaphore(%arg48 : memref<!tpu.dma_semaphore, #tpu.memory_space<semaphore_mem>>) {add = true}
      %mul3A_1050 = arith.constant 5 : i32
      %mul3A_1051 = arith.muli %scan3A_918, %mul3A_1050 : i32
      %add3A_1052 = arith.constant 3 : i32
      %add3A_1053 = arith.addi %mul3A_1051, %add3A_1052 : i32
      %dma_wait3A_1054 = arith.constant 0 : i32
      %dma_wait3A_1055 = arith.constant 0 : i32
      %dma_wait3A_1056 = tpu.memref_slice %arg34[%dma_wait3A_1054, %dma_wait3A_1055] : memref<10000x16xf32, #tpu.memory_space<vmem_shared>> -> memref<10000x16xf32, #tpu.memory_space<vmem_shared>>
      tpu.wait_indirect_dma semaphore(%arg47 : memref<!tpu.dma_semaphore, #tpu.memory_space<semaphore_mem>>) src(%arg20 : memref<40x16xf32, #tpu.memory_space<vmem>>) dst(%dma_wait3A_1056 : memref<10000x16xf32, #tpu.memory_space<vmem_shared>>)
      %dma_wait3A_1057 = arith.constant 0 : i32
      %dma_wait3A_1058 = arith.constant 0 : i32
      %dma_wait3A_1059 = tpu.memref_slice %arg35[%dma_wait3A_1057, %dma_wait3A_1058] : memref<10000x128xf32, #tpu.memory_space<vmem_shared>> -> memref<10000x128xf32, #tpu.memory_space<vmem_shared>>
      tpu.wait_indirect_dma semaphore(%arg47 : memref<!tpu.dma_semaphore, #tpu.memory_space<semaphore_mem>>) src(%arg30 : memref<40x128xf32, #tpu.memory_space<vmem>>) dst(%dma_wait3A_1059 : memref<10000x128xf32, #tpu.memory_space<vmem_shared>>)
      %add3A_1060 = arith.constant 3 : i32
      %add3A_1061 = arith.addi %add3A_1053, %add3A_1060 : i32
      %lt3A_1062 = arith.constant 250 : i32
      %lt3A_1063 = arith.cmpi slt, %add3A_1061, %lt3A_1062 : i32
      %convert_element_type3A_1064 = arith.extui %lt3A_1063 : i1 to i32
      %cond3A_1065 = arith.constant 0 : i32
      %cond3A_1066 = arith.cmpi ne, %convert_element_type3A_1064, %cond3A_1065 : i32
      scf.if %cond3A_1066 {
        %add3A_1140 = arith.constant 3 : i32
        %add3A_1141 = arith.addi %add3A_1053, %add3A_1140 : i32
        %dma_start3A_1142 = arith.constant 0 : i32
        %dma_start3A_1143 = tpu.memref_slice %arg5[%add3A, %add3A_1141, %dma_start3A_1142] : memref<32x250x40xi32, #tpu.memory_space<hbm>> -> memref<1x1x40xi32, #tpu.memory_space<hbm>>
        %dma_start3A_1144 = tpu.memref_squeeze %dma_start3A_1143 : memref<1x1x40xi32, #tpu.memory_space<hbm>> -> memref<40xi32, #tpu.memory_space<hbm>>
        %dma_start3A_1145 = arith.constant 0 : i32
        %dma_start3A_1146 = tpu.memref_slice %arg5[%add3A, %add3A_1141, %dma_start3A_1145] : memref<32x250x40xi32, #tpu.memory_space<hbm>> -> memref<1x1x40xi32, #tpu.memory_space<hbm>>
        %dma_start3A_1147 = tpu.memref_squeeze %dma_start3A_1146 : memref<1x1x40xi32, #tpu.memory_space<hbm>> -> memref<40xi32, #tpu.memory_space<hbm>>
        tpu.enqueue_dma source(%dma_start3A_1147 : memref<40xi32, #tpu.memory_space<hbm>>) target(%arg10 : memref<40xi32, #tpu.memory_space<vmem>>) target_semaphore(%arg37 : memref<!tpu.dma_semaphore, #tpu.memory_space<semaphore_mem>>)
        %dma_start3A_1148 = arith.constant 0 : i32
        %dma_start3A_1149 = tpu.memref_slice %arg6[%add3A, %add3A_1141, %dma_start3A_1148] : memref<32x250x40xi32, #tpu.memory_space<hbm>> -> memref<1x1x40xi32, #tpu.memory_space<hbm>>
        %dma_start3A_1150 = tpu.memref_squeeze %dma_start3A_1149 : memref<1x1x40xi32, #tpu.memory_space<hbm>> -> memref<40xi32, #tpu.memory_space<hbm>>
        %dma_start3A_1151 = arith.constant 0 : i32
        %dma_start3A_1152 = tpu.memref_slice %arg6[%add3A, %add3A_1141, %dma_start3A_1151] : memref<32x250x40xi32, #tpu.memory_space<hbm>> -> memref<1x1x40xi32, #tpu.memory_space<hbm>>
        %dma_start3A_1153 = tpu.memref_squeeze %dma_start3A_1152 : memref<1x1x40xi32, #tpu.memory_space<hbm>> -> memref<40xi32, #tpu.memory_space<hbm>>
        tpu.enqueue_dma source(%dma_start3A_1153 : memref<40xi32, #tpu.memory_space<hbm>>) target(%arg15 : memref<40xi32, #tpu.memory_space<vmem>>) target_semaphore(%arg37 : memref<!tpu.dma_semaphore, #tpu.memory_space<semaphore_mem>>)
      } else {
      }
      %add3A_1067 = arith.constant 2 : i32
      %add3A_1068 = arith.addi %add3A_1053, %add3A_1067 : i32
      %lt3A_1069 = arith.constant 250 : i32
      %lt3A_1070 = arith.cmpi slt, %add3A_1068, %lt3A_1069 : i32
      %convert_element_type3A_1071 = arith.extui %lt3A_1070 : i1 to i32
      %cond3A_1072 = arith.constant 0 : i32
      %cond3A_1073 = arith.cmpi ne, %convert_element_type3A_1071, %cond3A_1072 : i32
      scf.if %cond3A_1073 {
        %add3A_1140 = arith.constant 2 : i32
        %add3A_1141 = arith.addi %add3A_1053, %add3A_1140 : i32
        %dma_wait3A_1142 = arith.constant 0 : i32
        %dma_wait3A_1143 = tpu.memref_slice %arg5[%add3A, %add3A_1141, %dma_wait3A_1142] : memref<32x250x40xi32, #tpu.memory_space<hbm>> -> memref<1x1x40xi32, #tpu.memory_space<hbm>>
        %dma_wait3A_1144 = tpu.memref_squeeze %dma_wait3A_1143 : memref<1x1x40xi32, #tpu.memory_space<hbm>> -> memref<40xi32, #tpu.memory_space<hbm>>
        %dma_wait3A_1145 = arith.constant 0 : i32
        %dma_wait3A_1146 = tpu.memref_slice %arg5[%add3A, %add3A_1141, %dma_wait3A_1145] : memref<32x250x40xi32, #tpu.memory_space<hbm>> -> memref<1x1x40xi32, #tpu.memory_space<hbm>>
        %dma_wait3A_1147 = tpu.memref_squeeze %dma_wait3A_1146 : memref<1x1x40xi32, #tpu.memory_space<hbm>> -> memref<40xi32, #tpu.memory_space<hbm>>
        tpu.wait_dma2 semaphore(%arg36 : memref<!tpu.dma_semaphore, #tpu.memory_space<semaphore_mem>>) src(%dma_wait3A_1147 : memref<40xi32, #tpu.memory_space<hbm>>) dst(%arg9 : memref<40xi32, #tpu.memory_space<vmem>>)
        %dma_wait3A_1148 = arith.constant 0 : i32
        %dma_wait3A_1149 = tpu.memref_slice %arg6[%add3A, %add3A_1141, %dma_wait3A_1148] : memref<32x250x40xi32, #tpu.memory_space<hbm>> -> memref<1x1x40xi32, #tpu.memory_space<hbm>>
        %dma_wait3A_1150 = tpu.memref_squeeze %dma_wait3A_1149 : memref<1x1x40xi32, #tpu.memory_space<hbm>> -> memref<40xi32, #tpu.memory_space<hbm>>
        %dma_wait3A_1151 = arith.constant 0 : i32
        %dma_wait3A_1152 = tpu.memref_slice %arg6[%add3A, %add3A_1141, %dma_wait3A_1151] : memref<32x250x40xi32, #tpu.memory_space<hbm>> -> memref<1x1x40xi32, #tpu.memory_space<hbm>>
        %dma_wait3A_1153 = tpu.memref_squeeze %dma_wait3A_1152 : memref<1x1x40xi32, #tpu.memory_space<hbm>> -> memref<40xi32, #tpu.memory_space<hbm>>
        tpu.wait_dma2 semaphore(%arg36 : memref<!tpu.dma_semaphore, #tpu.memory_space<semaphore_mem>>) src(%dma_wait3A_1153 : memref<40xi32, #tpu.memory_space<hbm>>) dst(%arg14 : memref<40xi32, #tpu.memory_space<vmem>>)
        %dma_start3A_1154 = arith.constant 0 : i32
        %dma_start3A_1155 = arith.constant 0 : i32
        %dma_start3A_1156 = tpu.memref_slice %arg2[%dma_start3A_1154, %dma_start3A_1155] : memref<10000x16xf32, #tpu.memory_space<hbm>> -> memref<10000x16xf32, #tpu.memory_space<hbm>>
        tpu.enqueue_indirect_dma source(%dma_start3A_1156 : memref<10000x16xf32, #tpu.memory_space<hbm>>) target(%arg19 : memref<40x16xf32, #tpu.memory_space<vmem>>) offsets(%arg9 : memref<40xi32, #tpu.memory_space<vmem>>) semaphore(%arg41 : memref<!tpu.dma_semaphore, #tpu.memory_space<semaphore_mem>>)
        %dma_start3A_1157 = arith.constant 0 : i32
        %dma_start3A_1158 = arith.constant 0 : i32
        %dma_start3A_1159 = tpu.memref_slice %arg3[%dma_start3A_1157, %dma_start3A_1158] : memref<10000x16xf32, #tpu.memory_space<hbm>> -> memref<10000x16xf32, #tpu.memory_space<hbm>>
        tpu.enqueue_indirect_dma source(%dma_start3A_1159 : memref<10000x16xf32, #tpu.memory_space<hbm>>) target(%arg24 : memref<40x16xf32, #tpu.memory_space<vmem>>) offsets(%arg14 : memref<40xi32, #tpu.memory_space<vmem>>) semaphore(%arg41 : memref<!tpu.dma_semaphore, #tpu.memory_space<semaphore_mem>>)
        %dma_start3A_1160 = arith.constant 0 : i32
        %dma_start3A_1161 = arith.constant 0 : i32
        %dma_start3A_1162 = tpu.memref_slice %arg4[%dma_start3A_1160, %dma_start3A_1161] : memref<10000x128xf32, #tpu.memory_space<hbm>> -> memref<10000x128xf32, #tpu.memory_space<hbm>>
        tpu.enqueue_indirect_dma source(%dma_start3A_1162 : memref<10000x128xf32, #tpu.memory_space<hbm>>) target(%arg29 : memref<40x128xf32, #tpu.memory_space<vmem>>) offsets(%arg9 : memref<40xi32, #tpu.memory_space<vmem>>) semaphore(%arg41 : memref<!tpu.dma_semaphore, #tpu.memory_space<semaphore_mem>>)
      } else {
      }
      %dma_wait3A_1074 = arith.constant 0 : i32
      %dma_wait3A_1075 = arith.constant 0 : i32
      %dma_wait3A_1076 = tpu.memref_slice %arg2[%dma_wait3A_1074, %dma_wait3A_1075] : memref<10000x16xf32, #tpu.memory_space<hbm>> -> memref<10000x16xf32, #tpu.memory_space<hbm>>
      tpu.wait_indirect_dma semaphore(%arg44 : memref<!tpu.dma_semaphore, #tpu.memory_space<semaphore_mem>>) src(%dma_wait3A_1076 : memref<10000x16xf32, #tpu.memory_space<hbm>>) dst(%arg22 : memref<40x16xf32, #tpu.memory_space<vmem>>)
      %dma_wait3A_1077 = arith.constant 0 : i32
      %dma_wait3A_1078 = arith.constant 0 : i32
      %dma_wait3A_1079 = tpu.memref_slice %arg3[%dma_wait3A_1077, %dma_wait3A_1078] : memref<10000x16xf32, #tpu.memory_space<hbm>> -> memref<10000x16xf32, #tpu.memory_space<hbm>>
      tpu.wait_indirect_dma semaphore(%arg44 : memref<!tpu.dma_semaphore, #tpu.memory_space<semaphore_mem>>) src(%dma_wait3A_1079 : memref<10000x16xf32, #tpu.memory_space<hbm>>) dst(%arg27 : memref<40x16xf32, #tpu.memory_space<vmem>>)
      %dma_wait3A_1080 = arith.constant 0 : i32
      %dma_wait3A_1081 = arith.constant 0 : i32
      %dma_wait3A_1082 = tpu.memref_slice %arg4[%dma_wait3A_1080, %dma_wait3A_1081] : memref<10000x128xf32, #tpu.memory_space<hbm>> -> memref<10000x128xf32, #tpu.memory_space<hbm>>
      tpu.wait_indirect_dma semaphore(%arg44 : memref<!tpu.dma_semaphore, #tpu.memory_space<semaphore_mem>>) src(%dma_wait3A_1082 : memref<10000x128xf32, #tpu.memory_space<hbm>>) dst(%arg32 : memref<40x128xf32, #tpu.memory_space<vmem>>)
      %scan3A_1083 = arith.constant 0 : i32
      %scan3A_1084 = arith.constant 0 : i32
      %scan3A_1085 = arith.constant 40 : i32
      %scan3A_1086 = arith.addi %scan3A_1084, %scan3A_1085 : i32
      %scan3A_1087 = arith.constant 1 : i32
      scf.for %scan3A_1140 = %scan3A_1084 to %scan3A_1086 step %scan3A_1087  : i32 {
        %get3A = arith.index_cast %scan3A_1140 : i32 to index
        %get3A_1141 = arith.constant 0 : index
        %get3A_1142 = tpu.vector_load %arg22[%get3A, %get3A_1141] {strides = array<i32>} : memref<40x16xf32, #tpu.memory_space<vmem>>, vector<1x16xf32>,
        %get3A_1143 = vector.shape_cast %get3A_1142 : vector<1x16xf32> to vector<16xf32>
        %get3A_1144 = arith.index_cast %scan3A_1140 : i32 to index
        %get3A_1145 = arith.constant 0 : index
        %get3A_1146 = tpu.vector_load %arg27[%get3A_1144, %get3A_1145] {strides = array<i32>} : memref<40x16xf32, #tpu.memory_space<vmem>>, vector<1x16xf32>,
        %get3A_1147 = vector.shape_cast %get3A_1146 : vector<1x16xf32> to vector<16xf32>
        %add3A_1148 = arith.addf %get3A_1143, %get3A_1147 : vector<16xf32>
        %mul3A_1149 = arith.constant 2.000000e-01 : f32
        %mul3A_1150 = vector.broadcast %mul3A_1149 : f32 to vector<16xf32>
        %mul3A_1151 = arith.mulf %mul3A_1150, %add3A_1148 : vector<16xf32>
        %max3A = arith.maximumf %add3A_1148, %mul3A_1151 : vector<16xf32>
        %exp3A = math.exp %max3A : vector<16xf32>
        %swap3A = arith.index_cast %scan3A_1140 : i32 to index
        %swap3A_1152 = arith.constant 0 : index
        %swap3A_1153 = tpu.vector_load %arg22[%swap3A, %swap3A_1152] {strides = array<i32>} : memref<40x16xf32, #tpu.memory_space<vmem>>, vector<1x16xf32>,
        %swap3A_1154 = vector.shape_cast %swap3A_1153 : vector<1x16xf32> to vector<16xf32>
        %swap3A_1155 = vector.shape_cast %exp3A : vector<16xf32> to vector<1x16xf32>
        tpu.vector_store %arg22[%swap3A, %swap3A_1152], %swap3A_1155 {strides = array<i32>} : memref<40x16xf32, #tpu.memory_space<vmem>>, vector<1x16xf32>,
        %broadcast_in_dim3A = arith.constant 0 : i32
        %broadcast_in_dim3A_1156 = vector.broadcast %broadcast_in_dim3A : i32 to vector<16x1xi32>
        %gather3A = vector.shape_cast %broadcast_in_dim3A_1156 : vector<16x1xi32> to vector<16xi32>
        %gather3A_1157 = tpu.dynamic_gather %exp3A[%gather3A] in [0] : vector<16xf32>, vector<16xi32> -> vector<16xf32>
        %get3A_1158 = arith.index_cast %scan3A_1140 : i32 to index
        %get3A_1159 = arith.constant 0 : index
        %get3A_1160 = tpu.vector_load %arg32[%get3A_1158, %get3A_1159] {strides = array<i32>} : memref<40x128xf32, #tpu.memory_space<vmem>>, vector<1x16xf32>,
        %get3A_1161 = vector.shape_cast %get3A_1160 : vector<1x16xf32> to vector<16xf32>
        %mul3A_1162 = arith.mulf %get3A_1161, %gather3A_1157 : vector<16xf32>
        %swap3A_1163 = arith.index_cast %scan3A_1140 : i32 to index
        %swap3A_1164 = arith.constant 0 : index
        %swap3A_1165 = tpu.vector_load %arg32[%swap3A_1163, %swap3A_1164] {strides = array<i32>} : memref<40x128xf32, #tpu.memory_space<vmem>>, vector<1x16xf32>,
        %swap3A_1166 = vector.shape_cast %swap3A_1165 : vector<1x16xf32> to vector<16xf32>
        %swap3A_1167 = vector.shape_cast %mul3A_1162 : vector<16xf32> to vector<1x16xf32>
        tpu.vector_store %arg32[%swap3A_1163, %swap3A_1164], %swap3A_1167 {strides = array<i32>} : memref<40x128xf32, #tpu.memory_space<vmem>>, vector<1x16xf32>,
        %broadcast_in_dim3A_1168 = arith.constant 1 : i32
        %broadcast_in_dim3A_1169 = vector.broadcast %broadcast_in_dim3A_1168 : i32 to vector<16x1xi32>
        %gather3A_1170 = vector.shape_cast %broadcast_in_dim3A_1169 : vector<16x1xi32> to vector<16xi32>
        %gather3A_1171 = tpu.dynamic_gather %exp3A[%gather3A_1170] in [0] : vector<16xf32>, vector<16xi32> -> vector<16xf32>
        %get3A_1172 = arith.index_cast %scan3A_1140 : i32 to index
        %get3A_1173 = arith.constant 16 : index
        %get3A_1174 = tpu.vector_load %arg32[%get3A_1172, %get3A_1173] {strides = array<i32>} : memref<40x128xf32, #tpu.memory_space<vmem>>, vector<1x16xf32>,
        %get3A_1175 = vector.shape_cast %get3A_1174 : vector<1x16xf32> to vector<16xf32>
        %mul3A_1176 = arith.mulf %get3A_1175, %gather3A_1171 : vector<16xf32>
        %swap3A_1177 = arith.index_cast %scan3A_1140 : i32 to index
        %swap3A_1178 = arith.constant 16 : index
        %swap3A_1179 = tpu.vector_load %arg32[%swap3A_1177, %swap3A_1178] {strides = array<i32>} : memref<40x128xf32, #tpu.memory_space<vmem>>, vector<1x16xf32>,
        %swap3A_1180 = vector.shape_cast %swap3A_1179 : vector<1x16xf32> to vector<16xf32>
        %swap3A_1181 = vector.shape_cast %mul3A_1176 : vector<16xf32> to vector<1x16xf32>
        tpu.vector_store %arg32[%swap3A_1177, %swap3A_1178], %swap3A_1181 {strides = array<i32>} : memref<40x128xf32, #tpu.memory_space<vmem>>, vector<1x16xf32>,
        %broadcast_in_dim3A_1182 = arith.constant 2 : i32
        %broadcast_in_dim3A_1183 = vector.broadcast %broadcast_in_dim3A_1182 : i32 to vector<16x1xi32>
        %gather3A_1184 = vector.shape_cast %broadcast_in_dim3A_1183 : vector<16x1xi32> to vector<16xi32>
        %gather3A_1185 = tpu.dynamic_gather %exp3A[%gather3A_1184] in [0] : vector<16xf32>, vector<16xi32> -> vector<16xf32>
        %get3A_1186 = arith.index_cast %scan3A_1140 : i32 to index
        %get3A_1187 = arith.constant 32 : index
        %get3A_1188 = tpu.vector_load %arg32[%get3A_1186, %get3A_1187] {strides = array<i32>} : memref<40x128xf32, #tpu.memory_space<vmem>>, vector<1x16xf32>,
        %get3A_1189 = vector.shape_cast %get3A_1188 : vector<1x16xf32> to vector<16xf32>
        %mul3A_1190 = arith.mulf %get3A_1189, %gather3A_1185 : vector<16xf32>
        %swap3A_1191 = arith.index_cast %scan3A_1140 : i32 to index
        %swap3A_1192 = arith.constant 32 : index
        %swap3A_1193 = tpu.vector_load %arg32[%swap3A_1191, %swap3A_1192] {strides = array<i32>} : memref<40x128xf32, #tpu.memory_space<vmem>>, vector<1x16xf32>,
        %swap3A_1194 = vector.shape_cast %swap3A_1193 : vector<1x16xf32> to vector<16xf32>
        %swap3A_1195 = vector.shape_cast %mul3A_1190 : vector<16xf32> to vector<1x16xf32>
        tpu.vector_store %arg32[%swap3A_1191, %swap3A_1192], %swap3A_1195 {strides = array<i32>} : memref<40x128xf32, #tpu.memory_space<vmem>>, vector<1x16xf32>,
        %broadcast_in_dim3A_1196 = arith.constant 3 : i32
        %broadcast_in_dim3A_1197 = vector.broadcast %broadcast_in_dim3A_1196 : i32 to vector<16x1xi32>
        %gather3A_1198 = vector.shape_cast %broadcast_in_dim3A_1197 : vector<16x1xi32> to vector<16xi32>
        %gather3A_1199 = tpu.dynamic_gather %exp3A[%gather3A_1198] in [0] : vector<16xf32>, vector<16xi32> -> vector<16xf32>
        %get3A_1200 = arith.index_cast %scan3A_1140 : i32 to index
        %get3A_1201 = arith.constant 48 : index
        %get3A_1202 = tpu.vector_load %arg32[%get3A_1200, %get3A_1201] {strides = array<i32>} : memref<40x128xf32, #tpu.memory_space<vmem>>, vector<1x16xf32>,
        %get3A_1203 = vector.shape_cast %get3A_1202 : vector<1x16xf32> to vector<16xf32>
        %mul3A_1204 = arith.mulf %get3A_1203, %gather3A_1199 : vector<16xf32>
        %swap3A_1205 = arith.index_cast %scan3A_1140 : i32 to index
        %swap3A_1206 = arith.constant 48 : index
        %swap3A_1207 = tpu.vector_load %arg32[%swap3A_1205, %swap3A_1206] {strides = array<i32>} : memref<40x128xf32, #tpu.memory_space<vmem>>, vector<1x16xf32>,
        %swap3A_1208 = vector.shape_cast %swap3A_1207 : vector<1x16xf32> to vector<16xf32>
        %swap3A_1209 = vector.shape_cast %mul3A_1204 : vector<16xf32> to vector<1x16xf32>
        tpu.vector_store %arg32[%swap3A_1205, %swap3A_1206], %swap3A_1209 {strides = array<i32>} : memref<40x128xf32, #tpu.memory_space<vmem>>, vector<1x16xf32>,
        %broadcast_in_dim3A_1210 = arith.constant 4 : i32
        %broadcast_in_dim3A_1211 = vector.broadcast %broadcast_in_dim3A_1210 : i32 to vector<16x1xi32>
        %gather3A_1212 = vector.shape_cast %broadcast_in_dim3A_1211 : vector<16x1xi32> to vector<16xi32>
        %gather3A_1213 = tpu.dynamic_gather %exp3A[%gather3A_1212] in [0] : vector<16xf32>, vector<16xi32> -> vector<16xf32>
        %get3A_1214 = arith.index_cast %scan3A_1140 : i32 to index
        %get3A_1215 = arith.constant 64 : index
        %get3A_1216 = tpu.vector_load %arg32[%get3A_1214, %get3A_1215] {strides = array<i32>} : memref<40x128xf32, #tpu.memory_space<vmem>>, vector<1x16xf32>,
        %get3A_1217 = vector.shape_cast %get3A_1216 : vector<1x16xf32> to vector<16xf32>
        %mul3A_1218 = arith.mulf %get3A_1217, %gather3A_1213 : vector<16xf32>
        %swap3A_1219 = arith.index_cast %scan3A_1140 : i32 to index
        %swap3A_1220 = arith.constant 64 : index
        %swap3A_1221 = tpu.vector_load %arg32[%swap3A_1219, %swap3A_1220] {strides = array<i32>} : memref<40x128xf32, #tpu.memory_space<vmem>>, vector<1x16xf32>,
        %swap3A_1222 = vector.shape_cast %swap3A_1221 : vector<1x16xf32> to vector<16xf32>
        %swap3A_1223 = vector.shape_cast %mul3A_1218 : vector<16xf32> to vector<1x16xf32>
        tpu.vector_store %arg32[%swap3A_1219, %swap3A_1220], %swap3A_1223 {strides = array<i32>} : memref<40x128xf32, #tpu.memory_space<vmem>>, vector<1x16xf32>,
        %broadcast_in_dim3A_1224 = arith.constant 5 : i32
        %broadcast_in_dim3A_1225 = vector.broadcast %broadcast_in_dim3A_1224 : i32 to vector<16x1xi32>
        %gather3A_1226 = vector.shape_cast %broadcast_in_dim3A_1225 : vector<16x1xi32> to vector<16xi32>
        %gather3A_1227 = tpu.dynamic_gather %exp3A[%gather3A_1226] in [0] : vector<16xf32>, vector<16xi32> -> vector<16xf32>
        %get3A_1228 = arith.index_cast %scan3A_1140 : i32 to index
        %get3A_1229 = arith.constant 80 : index
        %get3A_1230 = tpu.vector_load %arg32[%get3A_1228, %get3A_1229] {strides = array<i32>} : memref<40x128xf32, #tpu.memory_space<vmem>>, vector<1x16xf32>,
        %get3A_1231 = vector.shape_cast %get3A_1230 : vector<1x16xf32> to vector<16xf32>
        %mul3A_1232 = arith.mulf %get3A_1231, %gather3A_1227 : vector<16xf32>
        %swap3A_1233 = arith.index_cast %scan3A_1140 : i32 to index
        %swap3A_1234 = arith.constant 80 : index
        %swap3A_1235 = tpu.vector_load %arg32[%swap3A_1233, %swap3A_1234] {strides = array<i32>} : memref<40x128xf32, #tpu.memory_space<vmem>>, vector<1x16xf32>,
        %swap3A_1236 = vector.shape_cast %swap3A_1235 : vector<1x16xf32> to vector<16xf32>
        %swap3A_1237 = vector.shape_cast %mul3A_1232 : vector<16xf32> to vector<1x16xf32>
        tpu.vector_store %arg32[%swap3A_1233, %swap3A_1234], %swap3A_1237 {strides = array<i32>} : memref<40x128xf32, #tpu.memory_space<vmem>>, vector<1x16xf32>,
        %broadcast_in_dim3A_1238 = arith.constant 6 : i32
        %broadcast_in_dim3A_1239 = vector.broadcast %broadcast_in_dim3A_1238 : i32 to vector<16x1xi32>
        %gather3A_1240 = vector.shape_cast %broadcast_in_dim3A_1239 : vector<16x1xi32> to vector<16xi32>
        %gather3A_1241 = tpu.dynamic_gather %exp3A[%gather3A_1240] in [0] : vector<16xf32>, vector<16xi32> -> vector<16xf32>
        %get3A_1242 = arith.index_cast %scan3A_1140 : i32 to index
        %get3A_1243 = arith.constant 96 : index
        %get3A_1244 = tpu.vector_load %arg32[%get3A_1242, %get3A_1243] {strides = array<i32>} : memref<40x128xf32, #tpu.memory_space<vmem>>, vector<1x16xf32>,
        %get3A_1245 = vector.shape_cast %get3A_1244 : vector<1x16xf32> to vector<16xf32>
        %mul3A_1246 = arith.mulf %get3A_1245, %gather3A_1241 : vector<16xf32>
        %swap3A_1247 = arith.index_cast %scan3A_1140 : i32 to index
        %swap3A_1248 = arith.constant 96 : index
        %swap3A_1249 = tpu.vector_load %arg32[%swap3A_1247, %swap3A_1248] {strides = array<i32>} : memref<40x128xf32, #tpu.memory_space<vmem>>, vector<1x16xf32>,
        %swap3A_1250 = vector.shape_cast %swap3A_1249 : vector<1x16xf32> to vector<16xf32>
        %swap3A_1251 = vector.shape_cast %mul3A_1246 : vector<16xf32> to vector<1x16xf32>
        tpu.vector_store %arg32[%swap3A_1247, %swap3A_1248], %swap3A_1251 {strides = array<i32>} : memref<40x128xf32, #tpu.memory_space<vmem>>, vector<1x16xf32>,
        %broadcast_in_dim3A_1252 = arith.constant 7 : i32
        %broadcast_in_dim3A_1253 = vector.broadcast %broadcast_in_dim3A_1252 : i32 to vector<16x1xi32>
        %gather3A_1254 = vector.shape_cast %broadcast_in_dim3A_1253 : vector<16x1xi32> to vector<16xi32>
        %gather3A_1255 = tpu.dynamic_gather %exp3A[%gather3A_1254] in [0] : vector<16xf32>, vector<16xi32> -> vector<16xf32>
        %get3A_1256 = arith.index_cast %scan3A_1140 : i32 to index
        %get3A_1257 = arith.constant 112 : index
        %get3A_1258 = tpu.vector_load %arg32[%get3A_1256, %get3A_1257] {strides = array<i32>} : memref<40x128xf32, #tpu.memory_space<vmem>>, vector<1x16xf32>,
        %get3A_1259 = vector.shape_cast %get3A_1258 : vector<1x16xf32> to vector<16xf32>
        %mul3A_1260 = arith.mulf %get3A_1259, %gather3A_1255 : vector<16xf32>
        %swap3A_1261 = arith.index_cast %scan3A_1140 : i32 to index
        %swap3A_1262 = arith.constant 112 : index
        %swap3A_1263 = tpu.vector_load %arg32[%swap3A_1261, %swap3A_1262] {strides = array<i32>} : memref<40x128xf32, #tpu.memory_space<vmem>>, vector<1x16xf32>,
        %swap3A_1264 = vector.shape_cast %swap3A_1263 : vector<1x16xf32> to vector<16xf32>
        %swap3A_1265 = vector.shape_cast %mul3A_1260 : vector<16xf32> to vector<1x16xf32>
        tpu.vector_store %arg32[%swap3A_1261, %swap3A_1262], %swap3A_1265 {strides = array<i32>} : memref<40x128xf32, #tpu.memory_space<vmem>>, vector<1x16xf32>,
      }
      %scan3A_1088 = arith.constant 40 : i32
      %dma_start3A_1089 = arith.constant 0 : i32
      %dma_start3A_1090 = arith.constant 0 : i32
      %dma_start3A_1091 = tpu.memref_slice %arg34[%dma_start3A_1089, %dma_start3A_1090] : memref<10000x16xf32, #tpu.memory_space<vmem_shared>> -> memref<10000x16xf32, #tpu.memory_space<vmem_shared>>
      tpu.enqueue_indirect_dma source(%arg22 : memref<40x16xf32, #tpu.memory_space<vmem>>) target(%dma_start3A_1091 : memref<10000x16xf32, #tpu.memory_space<vmem_shared>>) offsets(%arg17 : memref<40xi32, #tpu.memory_space<vmem>>) semaphore(%arg49 : memref<!tpu.dma_semaphore, #tpu.memory_space<semaphore_mem>>) {add = true}
      %dma_start3A_1092 = arith.constant 0 : i32
      %dma_start3A_1093 = arith.constant 0 : i32
      %dma_start3A_1094 = tpu.memref_slice %arg35[%dma_start3A_1092, %dma_start3A_1093] : memref<10000x128xf32, #tpu.memory_space<vmem_shared>> -> memref<10000x128xf32, #tpu.memory_space<vmem_shared>>
      tpu.enqueue_indirect_dma source(%arg32 : memref<40x128xf32, #tpu.memory_space<vmem>>) target(%dma_start3A_1094 : memref<10000x128xf32, #tpu.memory_space<vmem_shared>>) offsets(%arg17 : memref<40xi32, #tpu.memory_space<vmem>>) semaphore(%arg49 : memref<!tpu.dma_semaphore, #tpu.memory_space<semaphore_mem>>) {add = true}
      %mul3A_1095 = arith.constant 5 : i32
      %mul3A_1096 = arith.muli %scan3A_918, %mul3A_1095 : i32
      %add3A_1097 = arith.constant 4 : i32
      %add3A_1098 = arith.addi %mul3A_1096, %add3A_1097 : i32
      %dma_wait3A_1099 = arith.constant 0 : i32
      %dma_wait3A_1100 = arith.constant 0 : i32
      %dma_wait3A_1101 = tpu.memref_slice %arg34[%dma_wait3A_1099, %dma_wait3A_1100] : memref<10000x16xf32, #tpu.memory_space<vmem_shared>> -> memref<10000x16xf32, #tpu.memory_space<vmem_shared>>
      tpu.wait_indirect_dma semaphore(%arg48 : memref<!tpu.dma_semaphore, #tpu.memory_space<semaphore_mem>>) src(%arg21 : memref<40x16xf32, #tpu.memory_space<vmem>>) dst(%dma_wait3A_1101 : memref<10000x16xf32, #tpu.memory_space<vmem_shared>>)
      %dma_wait3A_1102 = arith.constant 0 : i32
      %dma_wait3A_1103 = arith.constant 0 : i32
      %dma_wait3A_1104 = tpu.memref_slice %arg35[%dma_wait3A_1102, %dma_wait3A_1103] : memref<10000x128xf32, #tpu.memory_space<vmem_shared>> -> memref<10000x128xf32, #tpu.memory_space<vmem_shared>>
      tpu.wait_indirect_dma semaphore(%arg48 : memref<!tpu.dma_semaphore, #tpu.memory_space<semaphore_mem>>) src(%arg31 : memref<40x128xf32, #tpu.memory_space<vmem>>) dst(%dma_wait3A_1104 : memref<10000x128xf32, #tpu.memory_space<vmem_shared>>)
      %add3A_1105 = arith.constant 3 : i32
      %add3A_1106 = arith.addi %add3A_1098, %add3A_1105 : i32
      %lt3A_1107 = arith.constant 250 : i32
      %lt3A_1108 = arith.cmpi slt, %add3A_1106, %lt3A_1107 : i32
      %convert_element_type3A_1109 = arith.extui %lt3A_1108 : i1 to i32
      %cond3A_1110 = arith.constant 0 : i32
      %cond3A_1111 = arith.cmpi ne, %convert_element_type3A_1109, %cond3A_1110 : i32
      scf.if %cond3A_1111 {
        %add3A_1140 = arith.constant 3 : i32
        %add3A_1141 = arith.addi %add3A_1098, %add3A_1140 : i32
        %dma_start3A_1142 = arith.constant 0 : i32
        %dma_start3A_1143 = tpu.memref_slice %arg5[%add3A, %add3A_1141, %dma_start3A_1142] : memref<32x250x40xi32, #tpu.memory_space<hbm>> -> memref<1x1x40xi32, #tpu.memory_space<hbm>>
        %dma_start3A_1144 = tpu.memref_squeeze %dma_start3A_1143 : memref<1x1x40xi32, #tpu.memory_space<hbm>> -> memref<40xi32, #tpu.memory_space<hbm>>
        %dma_start3A_1145 = arith.constant 0 : i32
        %dma_start3A_1146 = tpu.memref_slice %arg5[%add3A, %add3A_1141, %dma_start3A_1145] : memref<32x250x40xi32, #tpu.memory_space<hbm>> -> memref<1x1x40xi32, #tpu.memory_space<hbm>>
        %dma_start3A_1147 = tpu.memref_squeeze %dma_start3A_1146 : memref<1x1x40xi32, #tpu.memory_space<hbm>> -> memref<40xi32, #tpu.memory_space<hbm>>
        tpu.enqueue_dma source(%dma_start3A_1147 : memref<40xi32, #tpu.memory_space<hbm>>) target(%arg11 : memref<40xi32, #tpu.memory_space<vmem>>) target_semaphore(%arg38 : memref<!tpu.dma_semaphore, #tpu.memory_space<semaphore_mem>>)
        %dma_start3A_1148 = arith.constant 0 : i32
        %dma_start3A_1149 = tpu.memref_slice %arg6[%add3A, %add3A_1141, %dma_start3A_1148] : memref<32x250x40xi32, #tpu.memory_space<hbm>> -> memref<1x1x40xi32, #tpu.memory_space<hbm>>
        %dma_start3A_1150 = tpu.memref_squeeze %dma_start3A_1149 : memref<1x1x40xi32, #tpu.memory_space<hbm>> -> memref<40xi32, #tpu.memory_space<hbm>>
        %dma_start3A_1151 = arith.constant 0 : i32
        %dma_start3A_1152 = tpu.memref_slice %arg6[%add3A, %add3A_1141, %dma_start3A_1151] : memref<32x250x40xi32, #tpu.memory_space<hbm>> -> memref<1x1x40xi32, #tpu.memory_space<hbm>>
        %dma_start3A_1153 = tpu.memref_squeeze %dma_start3A_1152 : memref<1x1x40xi32, #tpu.memory_space<hbm>> -> memref<40xi32, #tpu.memory_space<hbm>>
        tpu.enqueue_dma source(%dma_start3A_1153 : memref<40xi32, #tpu.memory_space<hbm>>) target(%arg16 : memref<40xi32, #tpu.memory_space<vmem>>) target_semaphore(%arg38 : memref<!tpu.dma_semaphore, #tpu.memory_space<semaphore_mem>>)
      } else {
      }
      %add3A_1112 = arith.constant 2 : i32
      %add3A_1113 = arith.addi %add3A_1098, %add3A_1112 : i32
      %lt3A_1114 = arith.constant 250 : i32
      %lt3A_1115 = arith.cmpi slt, %add3A_1113, %lt3A_1114 : i32
      %convert_element_type3A_1116 = arith.extui %lt3A_1115 : i1 to i32
      %cond3A_1117 = arith.constant 0 : i32
      %cond3A_1118 = arith.cmpi ne, %convert_element_type3A_1116, %cond3A_1117 : i32
      scf.if %cond3A_1118 {
        %add3A_1140 = arith.constant 2 : i32
        %add3A_1141 = arith.addi %add3A_1098, %add3A_1140 : i32
        %dma_wait3A_1142 = arith.constant 0 : i32
        %dma_wait3A_1143 = tpu.memref_slice %arg5[%add3A, %add3A_1141, %dma_wait3A_1142] : memref<32x250x40xi32, #tpu.memory_space<hbm>> -> memref<1x1x40xi32, #tpu.memory_space<hbm>>
        %dma_wait3A_1144 = tpu.memref_squeeze %dma_wait3A_1143 : memref<1x1x40xi32, #tpu.memory_space<hbm>> -> memref<40xi32, #tpu.memory_space<hbm>>
        %dma_wait3A_1145 = arith.constant 0 : i32
        %dma_wait3A_1146 = tpu.memref_slice %arg5[%add3A, %add3A_1141, %dma_wait3A_1145] : memref<32x250x40xi32, #tpu.memory_space<hbm>> -> memref<1x1x40xi32, #tpu.memory_space<hbm>>
        %dma_wait3A_1147 = tpu.memref_squeeze %dma_wait3A_1146 : memref<1x1x40xi32, #tpu.memory_space<hbm>> -> memref<40xi32, #tpu.memory_space<hbm>>
        tpu.wait_dma2 semaphore(%arg37 : memref<!tpu.dma_semaphore, #tpu.memory_space<semaphore_mem>>) src(%dma_wait3A_1147 : memref<40xi32, #tpu.memory_space<hbm>>) dst(%arg10 : memref<40xi32, #tpu.memory_space<vmem>>)
        %dma_wait3A_1148 = arith.constant 0 : i32
        %dma_wait3A_1149 = tpu.memref_slice %arg6[%add3A, %add3A_1141, %dma_wait3A_1148] : memref<32x250x40xi32, #tpu.memory_space<hbm>> -> memref<1x1x40xi32, #tpu.memory_space<hbm>>
        %dma_wait3A_1150 = tpu.memref_squeeze %dma_wait3A_1149 : memref<1x1x40xi32, #tpu.memory_space<hbm>> -> memref<40xi32, #tpu.memory_space<hbm>>
        %dma_wait3A_1151 = arith.constant 0 : i32
        %dma_wait3A_1152 = tpu.memref_slice %arg6[%add3A, %add3A_1141, %dma_wait3A_1151] : memref<32x250x40xi32, #tpu.memory_space<hbm>> -> memref<1x1x40xi32, #tpu.memory_space<hbm>>
        %dma_wait3A_1153 = tpu.memref_squeeze %dma_wait3A_1152 : memref<1x1x40xi32, #tpu.memory_space<hbm>> -> memref<40xi32, #tpu.memory_space<hbm>>
        tpu.wait_dma2 semaphore(%arg37 : memref<!tpu.dma_semaphore, #tpu.memory_space<semaphore_mem>>) src(%dma_wait3A_1153 : memref<40xi32, #tpu.memory_space<hbm>>) dst(%arg15 : memref<40xi32, #tpu.memory_space<vmem>>)
        %dma_start3A_1154 = arith.constant 0 : i32
        %dma_start3A_1155 = arith.constant 0 : i32
        %dma_start3A_1156 = tpu.memref_slice %arg2[%dma_start3A_1154, %dma_start3A_1155] : memref<10000x16xf32, #tpu.memory_space<hbm>> -> memref<10000x16xf32, #tpu.memory_space<hbm>>
        tpu.enqueue_indirect_dma source(%dma_start3A_1156 : memref<10000x16xf32, #tpu.memory_space<hbm>>) target(%arg20 : memref<40x16xf32, #tpu.memory_space<vmem>>) offsets(%arg10 : memref<40xi32, #tpu.memory_space<vmem>>) semaphore(%arg42 : memref<!tpu.dma_semaphore, #tpu.memory_space<semaphore_mem>>)
        %dma_start3A_1157 = arith.constant 0 : i32
        %dma_start3A_1158 = arith.constant 0 : i32
        %dma_start3A_1159 = tpu.memref_slice %arg3[%dma_start3A_1157, %dma_start3A_1158] : memref<10000x16xf32, #tpu.memory_space<hbm>> -> memref<10000x16xf32, #tpu.memory_space<hbm>>
        tpu.enqueue_indirect_dma source(%dma_start3A_1159 : memref<10000x16xf32, #tpu.memory_space<hbm>>) target(%arg25 : memref<40x16xf32, #tpu.memory_space<vmem>>) offsets(%arg15 : memref<40xi32, #tpu.memory_space<vmem>>) semaphore(%arg42 : memref<!tpu.dma_semaphore, #tpu.memory_space<semaphore_mem>>)
        %dma_start3A_1160 = arith.constant 0 : i32
        %dma_start3A_1161 = arith.constant 0 : i32
        %dma_start3A_1162 = tpu.memref_slice %arg4[%dma_start3A_1160, %dma_start3A_1161] : memref<10000x128xf32, #tpu.memory_space<hbm>> -> memref<10000x128xf32, #tpu.memory_space<hbm>>
        tpu.enqueue_indirect_dma source(%dma_start3A_1162 : memref<10000x128xf32, #tpu.memory_space<hbm>>) target(%arg30 : memref<40x128xf32, #tpu.memory_space<vmem>>) offsets(%arg10 : memref<40xi32, #tpu.memory_space<vmem>>) semaphore(%arg42 : memref<!tpu.dma_semaphore, #tpu.memory_space<semaphore_mem>>)
      } else {
      }
      %dma_wait3A_1119 = arith.constant 0 : i32
      %dma_wait3A_1120 = arith.constant 0 : i32
      %dma_wait3A_1121 = tpu.memref_slice %arg2[%dma_wait3A_1119, %dma_wait3A_1120] : memref<10000x16xf32, #tpu.memory_space<hbm>> -> memref<10000x16xf32, #tpu.memory_space<hbm>>
      tpu.wait_indirect_dma semaphore(%arg45 : memref<!tpu.dma_semaphore, #tpu.memory_space<semaphore_mem>>) src(%dma_wait3A_1121 : memref<10000x16xf32, #tpu.memory_space<hbm>>) dst(%arg23 : memref<40x16xf32, #tpu.memory_space<vmem>>)
      %dma_wait3A_1122 = arith.constant 0 : i32
      %dma_wait3A_1123 = arith.constant 0 : i32
      %dma_wait3A_1124 = tpu.memref_slice %arg3[%dma_wait3A_1122, %dma_wait3A_1123] : memref<10000x16xf32, #tpu.memory_space<hbm>> -> memref<10000x16xf32, #tpu.memory_space<hbm>>
      tpu.wait_indirect_dma semaphore(%arg45 : memref<!tpu.dma_semaphore, #tpu.memory_space<semaphore_mem>>) src(%dma_wait3A_1124 : memref<10000x16xf32, #tpu.memory_space<hbm>>) dst(%arg28 : memref<40x16xf32, #tpu.memory_space<vmem>>)
      %dma_wait3A_1125 = arith.constant 0 : i32
      %dma_wait3A_1126 = arith.constant 0 : i32
      %dma_wait3A_1127 = tpu.memref_slice %arg4[%dma_wait3A_1125, %dma_wait3A_1126] : memref<10000x128xf32, #tpu.memory_space<hbm>> -> memref<10000x128xf32, #tpu.memory_space<hbm>>
      tpu.wait_indirect_dma semaphore(%arg45 : memref<!tpu.dma_semaphore, #tpu.memory_space<semaphore_mem>>) src(%dma_wait3A_1127 : memref<10000x128xf32, #tpu.memory_space<hbm>>) dst(%arg33 : memref<40x128xf32, #tpu.memory_space<vmem>>)
      %scan3A_1128 = arith.constant 0 : i32
      %scan3A_1129 = arith.constant 0 : i32
      %scan3A_1130 = arith.constant 40 : i32
      %scan3A_1131 = arith.addi %scan3A_1129, %scan3A_1130 : i32
      %scan3A_1132 = arith.constant 1 : i32
      scf.for %scan3A_1140 = %scan3A_1129 to %scan3A_1131 step %scan3A_1132  : i32 {
        %get3A = arith.index_cast %scan3A_1140 : i32 to index
        %get3A_1141 = arith.constant 0 : index
        %get3A_1142 = tpu.vector_load %arg23[%get3A, %get3A_1141] {strides = array<i32>} : memref<40x16xf32, #tpu.memory_space<vmem>>, vector<1x16xf32>,
        %get3A_1143 = vector.shape_cast %get3A_1142 : vector<1x16xf32> to vector<16xf32>
        %get3A_1144 = arith.index_cast %scan3A_1140 : i32 to index
        %get3A_1145 = arith.constant 0 : index
        %get3A_1146 = tpu.vector_load %arg28[%get3A_1144, %get3A_1145] {strides = array<i32>} : memref<40x16xf32, #tpu.memory_space<vmem>>, vector<1x16xf32>,
        %get3A_1147 = vector.shape_cast %get3A_1146 : vector<1x16xf32> to vector<16xf32>
        %add3A_1148 = arith.addf %get3A_1143, %get3A_1147 : vector<16xf32>
        %mul3A_1149 = arith.constant 2.000000e-01 : f32
        %mul3A_1150 = vector.broadcast %mul3A_1149 : f32 to vector<16xf32>
        %mul3A_1151 = arith.mulf %mul3A_1150, %add3A_1148 : vector<16xf32>
        %max3A = arith.maximumf %add3A_1148, %mul3A_1151 : vector<16xf32>
        %exp3A = math.exp %max3A : vector<16xf32>
        %swap3A = arith.index_cast %scan3A_1140 : i32 to index
        %swap3A_1152 = arith.constant 0 : index
        %swap3A_1153 = tpu.vector_load %arg23[%swap3A, %swap3A_1152] {strides = array<i32>} : memref<40x16xf32, #tpu.memory_space<vmem>>, vector<1x16xf32>,
        %swap3A_1154 = vector.shape_cast %swap3A_1153 : vector<1x16xf32> to vector<16xf32>
        %swap3A_1155 = vector.shape_cast %exp3A : vector<16xf32> to vector<1x16xf32>
        tpu.vector_store %arg23[%swap3A, %swap3A_1152], %swap3A_1155 {strides = array<i32>} : memref<40x16xf32, #tpu.memory_space<vmem>>, vector<1x16xf32>,
        %broadcast_in_dim3A = arith.constant 0 : i32
        %broadcast_in_dim3A_1156 = vector.broadcast %broadcast_in_dim3A : i32 to vector<16x1xi32>
        %gather3A = vector.shape_cast %broadcast_in_dim3A_1156 : vector<16x1xi32> to vector<16xi32>
        %gather3A_1157 = tpu.dynamic_gather %exp3A[%gather3A] in [0] : vector<16xf32>, vector<16xi32> -> vector<16xf32>
        %get3A_1158 = arith.index_cast %scan3A_1140 : i32 to index
        %get3A_1159 = arith.constant 0 : index
        %get3A_1160 = tpu.vector_load %arg33[%get3A_1158, %get3A_1159] {strides = array<i32>} : memref<40x128xf32, #tpu.memory_space<vmem>>, vector<1x16xf32>,
        %get3A_1161 = vector.shape_cast %get3A_1160 : vector<1x16xf32> to vector<16xf32>
        %mul3A_1162 = arith.mulf %get3A_1161, %gather3A_1157 : vector<16xf32>
        %swap3A_1163 = arith.index_cast %scan3A_1140 : i32 to index
        %swap3A_1164 = arith.constant 0 : index
        %swap3A_1165 = tpu.vector_load %arg33[%swap3A_1163, %swap3A_1164] {strides = array<i32>} : memref<40x128xf32, #tpu.memory_space<vmem>>, vector<1x16xf32>,
        %swap3A_1166 = vector.shape_cast %swap3A_1165 : vector<1x16xf32> to vector<16xf32>
        %swap3A_1167 = vector.shape_cast %mul3A_1162 : vector<16xf32> to vector<1x16xf32>
        tpu.vector_store %arg33[%swap3A_1163, %swap3A_1164], %swap3A_1167 {strides = array<i32>} : memref<40x128xf32, #tpu.memory_space<vmem>>, vector<1x16xf32>,
        %broadcast_in_dim3A_1168 = arith.constant 1 : i32
        %broadcast_in_dim3A_1169 = vector.broadcast %broadcast_in_dim3A_1168 : i32 to vector<16x1xi32>
        %gather3A_1170 = vector.shape_cast %broadcast_in_dim3A_1169 : vector<16x1xi32> to vector<16xi32>
        %gather3A_1171 = tpu.dynamic_gather %exp3A[%gather3A_1170] in [0] : vector<16xf32>, vector<16xi32> -> vector<16xf32>
        %get3A_1172 = arith.index_cast %scan3A_1140 : i32 to index
        %get3A_1173 = arith.constant 16 : index
        %get3A_1174 = tpu.vector_load %arg33[%get3A_1172, %get3A_1173] {strides = array<i32>} : memref<40x128xf32, #tpu.memory_space<vmem>>, vector<1x16xf32>,
        %get3A_1175 = vector.shape_cast %get3A_1174 : vector<1x16xf32> to vector<16xf32>
        %mul3A_1176 = arith.mulf %get3A_1175, %gather3A_1171 : vector<16xf32>
        %swap3A_1177 = arith.index_cast %scan3A_1140 : i32 to index
        %swap3A_1178 = arith.constant 16 : index
        %swap3A_1179 = tpu.vector_load %arg33[%swap3A_1177, %swap3A_1178] {strides = array<i32>} : memref<40x128xf32, #tpu.memory_space<vmem>>, vector<1x16xf32>,
        %swap3A_1180 = vector.shape_cast %swap3A_1179 : vector<1x16xf32> to vector<16xf32>
        %swap3A_1181 = vector.shape_cast %mul3A_1176 : vector<16xf32> to vector<1x16xf32>
        tpu.vector_store %arg33[%swap3A_1177, %swap3A_1178], %swap3A_1181 {strides = array<i32>} : memref<40x128xf32, #tpu.memory_space<vmem>>, vector<1x16xf32>,
        %broadcast_in_dim3A_1182 = arith.constant 2 : i32
        %broadcast_in_dim3A_1183 = vector.broadcast %broadcast_in_dim3A_1182 : i32 to vector<16x1xi32>
        %gather3A_1184 = vector.shape_cast %broadcast_in_dim3A_1183 : vector<16x1xi32> to vector<16xi32>
        %gather3A_1185 = tpu.dynamic_gather %exp3A[%gather3A_1184] in [0] : vector<16xf32>, vector<16xi32> -> vector<16xf32>
        %get3A_1186 = arith.index_cast %scan3A_1140 : i32 to index
        %get3A_1187 = arith.constant 32 : index
        %get3A_1188 = tpu.vector_load %arg33[%get3A_1186, %get3A_1187] {strides = array<i32>} : memref<40x128xf32, #tpu.memory_space<vmem>>, vector<1x16xf32>,
        %get3A_1189 = vector.shape_cast %get3A_1188 : vector<1x16xf32> to vector<16xf32>
        %mul3A_1190 = arith.mulf %get3A_1189, %gather3A_1185 : vector<16xf32>
        %swap3A_1191 = arith.index_cast %scan3A_1140 : i32 to index
        %swap3A_1192 = arith.constant 32 : index
        %swap3A_1193 = tpu.vector_load %arg33[%swap3A_1191, %swap3A_1192] {strides = array<i32>} : memref<40x128xf32, #tpu.memory_space<vmem>>, vector<1x16xf32>,
        %swap3A_1194 = vector.shape_cast %swap3A_1193 : vector<1x16xf32> to vector<16xf32>
        %swap3A_1195 = vector.shape_cast %mul3A_1190 : vector<16xf32> to vector<1x16xf32>
        tpu.vector_store %arg33[%swap3A_1191, %swap3A_1192], %swap3A_1195 {strides = array<i32>} : memref<40x128xf32, #tpu.memory_space<vmem>>, vector<1x16xf32>,
        %broadcast_in_dim3A_1196 = arith.constant 3 : i32
        %broadcast_in_dim3A_1197 = vector.broadcast %broadcast_in_dim3A_1196 : i32 to vector<16x1xi32>
        %gather3A_1198 = vector.shape_cast %broadcast_in_dim3A_1197 : vector<16x1xi32> to vector<16xi32>
        %gather3A_1199 = tpu.dynamic_gather %exp3A[%gather3A_1198] in [0] : vector<16xf32>, vector<16xi32> -> vector<16xf32>
        %get3A_1200 = arith.index_cast %scan3A_1140 : i32 to index
        %get3A_1201 = arith.constant 48 : index
        %get3A_1202 = tpu.vector_load %arg33[%get3A_1200, %get3A_1201] {strides = array<i32>} : memref<40x128xf32, #tpu.memory_space<vmem>>, vector<1x16xf32>,
        %get3A_1203 = vector.shape_cast %get3A_1202 : vector<1x16xf32> to vector<16xf32>
        %mul3A_1204 = arith.mulf %get3A_1203, %gather3A_1199 : vector<16xf32>
        %swap3A_1205 = arith.index_cast %scan3A_1140 : i32 to index
        %swap3A_1206 = arith.constant 48 : index
        %swap3A_1207 = tpu.vector_load %arg33[%swap3A_1205, %swap3A_1206] {strides = array<i32>} : memref<40x128xf32, #tpu.memory_space<vmem>>, vector<1x16xf32>,
        %swap3A_1208 = vector.shape_cast %swap3A_1207 : vector<1x16xf32> to vector<16xf32>
        %swap3A_1209 = vector.shape_cast %mul3A_1204 : vector<16xf32> to vector<1x16xf32>
        tpu.vector_store %arg33[%swap3A_1205, %swap3A_1206], %swap3A_1209 {strides = array<i32>} : memref<40x128xf32, #tpu.memory_space<vmem>>, vector<1x16xf32>,
        %broadcast_in_dim3A_1210 = arith.constant 4 : i32
        %broadcast_in_dim3A_1211 = vector.broadcast %broadcast_in_dim3A_1210 : i32 to vector<16x1xi32>
        %gather3A_1212 = vector.shape_cast %broadcast_in_dim3A_1211 : vector<16x1xi32> to vector<16xi32>
        %gather3A_1213 = tpu.dynamic_gather %exp3A[%gather3A_1212] in [0] : vector<16xf32>, vector<16xi32> -> vector<16xf32>
        %get3A_1214 = arith.index_cast %scan3A_1140 : i32 to index
        %get3A_1215 = arith.constant 64 : index
        %get3A_1216 = tpu.vector_load %arg33[%get3A_1214, %get3A_1215] {strides = array<i32>} : memref<40x128xf32, #tpu.memory_space<vmem>>, vector<1x16xf32>,
        %get3A_1217 = vector.shape_cast %get3A_1216 : vector<1x16xf32> to vector<16xf32>
        %mul3A_1218 = arith.mulf %get3A_1217, %gather3A_1213 : vector<16xf32>
        %swap3A_1219 = arith.index_cast %scan3A_1140 : i32 to index
        %swap3A_1220 = arith.constant 64 : index
        %swap3A_1221 = tpu.vector_load %arg33[%swap3A_1219, %swap3A_1220] {strides = array<i32>} : memref<40x128xf32, #tpu.memory_space<vmem>>, vector<1x16xf32>,
        %swap3A_1222 = vector.shape_cast %swap3A_1221 : vector<1x16xf32> to vector<16xf32>
        %swap3A_1223 = vector.shape_cast %mul3A_1218 : vector<16xf32> to vector<1x16xf32>
        tpu.vector_store %arg33[%swap3A_1219, %swap3A_1220], %swap3A_1223 {strides = array<i32>} : memref<40x128xf32, #tpu.memory_space<vmem>>, vector<1x16xf32>,
        %broadcast_in_dim3A_1224 = arith.constant 5 : i32
        %broadcast_in_dim3A_1225 = vector.broadcast %broadcast_in_dim3A_1224 : i32 to vector<16x1xi32>
        %gather3A_1226 = vector.shape_cast %broadcast_in_dim3A_1225 : vector<16x1xi32> to vector<16xi32>
        %gather3A_1227 = tpu.dynamic_gather %exp3A[%gather3A_1226] in [0] : vector<16xf32>, vector<16xi32> -> vector<16xf32>
        %get3A_1228 = arith.index_cast %scan3A_1140 : i32 to index
        %get3A_1229 = arith.constant 80 : index
        %get3A_1230 = tpu.vector_load %arg33[%get3A_1228, %get3A_1229] {strides = array<i32>} : memref<40x128xf32, #tpu.memory_space<vmem>>, vector<1x16xf32>,
        %get3A_1231 = vector.shape_cast %get3A_1230 : vector<1x16xf32> to vector<16xf32>
        %mul3A_1232 = arith.mulf %get3A_1231, %gather3A_1227 : vector<16xf32>
        %swap3A_1233 = arith.index_cast %scan3A_1140 : i32 to index
        %swap3A_1234 = arith.constant 80 : index
        %swap3A_1235 = tpu.vector_load %arg33[%swap3A_1233, %swap3A_1234] {strides = array<i32>} : memref<40x128xf32, #tpu.memory_space<vmem>>, vector<1x16xf32>,
        %swap3A_1236 = vector.shape_cast %swap3A_1235 : vector<1x16xf32> to vector<16xf32>
        %swap3A_1237 = vector.shape_cast %mul3A_1232 : vector<16xf32> to vector<1x16xf32>
        tpu.vector_store %arg33[%swap3A_1233, %swap3A_1234], %swap3A_1237 {strides = array<i32>} : memref<40x128xf32, #tpu.memory_space<vmem>>, vector<1x16xf32>,
        %broadcast_in_dim3A_1238 = arith.constant 6 : i32
        %broadcast_in_dim3A_1239 = vector.broadcast %broadcast_in_dim3A_1238 : i32 to vector<16x1xi32>
        %gather3A_1240 = vector.shape_cast %broadcast_in_dim3A_1239 : vector<16x1xi32> to vector<16xi32>
        %gather3A_1241 = tpu.dynamic_gather %exp3A[%gather3A_1240] in [0] : vector<16xf32>, vector<16xi32> -> vector<16xf32>
        %get3A_1242 = arith.index_cast %scan3A_1140 : i32 to index
        %get3A_1243 = arith.constant 96 : index
        %get3A_1244 = tpu.vector_load %arg33[%get3A_1242, %get3A_1243] {strides = array<i32>} : memref<40x128xf32, #tpu.memory_space<vmem>>, vector<1x16xf32>,
        %get3A_1245 = vector.shape_cast %get3A_1244 : vector<1x16xf32> to vector<16xf32>
        %mul3A_1246 = arith.mulf %get3A_1245, %gather3A_1241 : vector<16xf32>
        %swap3A_1247 = arith.index_cast %scan3A_1140 : i32 to index
        %swap3A_1248 = arith.constant 96 : index
        %swap3A_1249 = tpu.vector_load %arg33[%swap3A_1247, %swap3A_1248] {strides = array<i32>} : memref<40x128xf32, #tpu.memory_space<vmem>>, vector<1x16xf32>,
        %swap3A_1250 = vector.shape_cast %swap3A_1249 : vector<1x16xf32> to vector<16xf32>
        %swap3A_1251 = vector.shape_cast %mul3A_1246 : vector<16xf32> to vector<1x16xf32>
        tpu.vector_store %arg33[%swap3A_1247, %swap3A_1248], %swap3A_1251 {strides = array<i32>} : memref<40x128xf32, #tpu.memory_space<vmem>>, vector<1x16xf32>,
        %broadcast_in_dim3A_1252 = arith.constant 7 : i32
        %broadcast_in_dim3A_1253 = vector.broadcast %broadcast_in_dim3A_1252 : i32 to vector<16x1xi32>
        %gather3A_1254 = vector.shape_cast %broadcast_in_dim3A_1253 : vector<16x1xi32> to vector<16xi32>
        %gather3A_1255 = tpu.dynamic_gather %exp3A[%gather3A_1254] in [0] : vector<16xf32>, vector<16xi32> -> vector<16xf32>
        %get3A_1256 = arith.index_cast %scan3A_1140 : i32 to index
        %get3A_1257 = arith.constant 112 : index
        %get3A_1258 = tpu.vector_load %arg33[%get3A_1256, %get3A_1257] {strides = array<i32>} : memref<40x128xf32, #tpu.memory_space<vmem>>, vector<1x16xf32>,
        %get3A_1259 = vector.shape_cast %get3A_1258 : vector<1x16xf32> to vector<16xf32>
        %mul3A_1260 = arith.mulf %get3A_1259, %gather3A_1255 : vector<16xf32>
        %swap3A_1261 = arith.index_cast %scan3A_1140 : i32 to index
        %swap3A_1262 = arith.constant 112 : index
        %swap3A_1263 = tpu.vector_load %arg33[%swap3A_1261, %swap3A_1262] {strides = array<i32>} : memref<40x128xf32, #tpu.memory_space<vmem>>, vector<1x16xf32>,
        %swap3A_1264 = vector.shape_cast %swap3A_1263 : vector<1x16xf32> to vector<16xf32>
        %swap3A_1265 = vector.shape_cast %mul3A_1260 : vector<16xf32> to vector<1x16xf32>
        tpu.vector_store %arg33[%swap3A_1261, %swap3A_1262], %swap3A_1265 {strides = array<i32>} : memref<40x128xf32, #tpu.memory_space<vmem>>, vector<1x16xf32>,
      }
      %scan3A_1133 = arith.constant 40 : i32
      %dma_start3A_1134 = arith.constant 0 : i32
      %dma_start3A_1135 = arith.constant 0 : i32
      %dma_start3A_1136 = tpu.memref_slice %arg34[%dma_start3A_1134, %dma_start3A_1135] : memref<10000x16xf32, #tpu.memory_space<vmem_shared>> -> memref<10000x16xf32, #tpu.memory_space<vmem_shared>>
      tpu.enqueue_indirect_dma source(%arg23 : memref<40x16xf32, #tpu.memory_space<vmem>>) target(%dma_start3A_1136 : memref<10000x16xf32, #tpu.memory_space<vmem_shared>>) offsets(%arg18 : memref<40xi32, #tpu.memory_space<vmem>>) semaphore(%arg50 : memref<!tpu.dma_semaphore, #tpu.memory_space<semaphore_mem>>) {add = true}
      %dma_start3A_1137 = arith.constant 0 : i32
      %dma_start3A_1138 = arith.constant 0 : i32
      %dma_start3A_1139 = tpu.memref_slice %arg35[%dma_start3A_1137, %dma_start3A_1138] : memref<10000x128xf32, #tpu.memory_space<vmem_shared>> -> memref<10000x128xf32, #tpu.memory_space<vmem_shared>>
      tpu.enqueue_indirect_dma source(%arg33 : memref<40x128xf32, #tpu.memory_space<vmem>>) target(%dma_start3A_1139 : memref<10000x128xf32, #tpu.memory_space<vmem_shared>>) offsets(%arg18 : memref<40xi32, #tpu.memory_space<vmem>>) semaphore(%arg50 : memref<!tpu.dma_semaphore, #tpu.memory_space<semaphore_mem>>) {add = true}
    }
    %scan3A_890 = arith.constant 50 : i32
    %dma_wait3A_891 = arith.constant 0 : i32
    %dma_wait3A_892 = arith.constant 0 : i32
    %dma_wait3A_893 = tpu.memref_slice %arg34[%dma_wait3A_891, %dma_wait3A_892] : memref<10000x16xf32, #tpu.memory_space<vmem_shared>> -> memref<10000x16xf32, #tpu.memory_space<vmem_shared>>
    tpu.wait_indirect_dma semaphore(%arg49 : memref<!tpu.dma_semaphore, #tpu.memory_space<semaphore_mem>>) src(%arg22 : memref<40x16xf32, #tpu.memory_space<vmem>>) dst(%dma_wait3A_893 : memref<10000x16xf32, #tpu.memory_space<vmem_shared>>)
    %dma_wait3A_894 = arith.constant 0 : i32
    %dma_wait3A_895 = arith.constant 0 : i32
    %dma_wait3A_896 = tpu.memref_slice %arg35[%dma_wait3A_894, %dma_wait3A_895] : memref<10000x128xf32, #tpu.memory_space<vmem_shared>> -> memref<10000x128xf32, #tpu.memory_space<vmem_shared>>
    tpu.wait_indirect_dma semaphore(%arg49 : memref<!tpu.dma_semaphore, #tpu.memory_space<semaphore_mem>>) src(%arg32 : memref<40x128xf32, #tpu.memory_space<vmem>>) dst(%dma_wait3A_896 : memref<10000x128xf32, #tpu.memory_space<vmem_shared>>)
    %dma_wait3A_897 = arith.constant 0 : i32
    %dma_wait3A_898 = arith.constant 0 : i32
    %dma_wait3A_899 = tpu.memref_slice %arg34[%dma_wait3A_897, %dma_wait3A_898] : memref<10000x16xf32, #tpu.memory_space<vmem_shared>> -> memref<10000x16xf32, #tpu.memory_space<vmem_shared>>
    tpu.wait_indirect_dma semaphore(%arg50 : memref<!tpu.dma_semaphore, #tpu.memory_space<semaphore_mem>>) src(%arg23 : memref<40x16xf32, #tpu.memory_space<vmem>>) dst(%dma_wait3A_899 : memref<10000x16xf32, #tpu.memory_space<vmem_shared>>)
    %dma_wait3A_900 = arith.constant 0 : i32
    %dma_wait3A_901 = arith.constant 0 : i32
    %dma_wait3A_902 = tpu.memref_slice %arg35[%dma_wait3A_900, %dma_wait3A_901] : memref<10000x128xf32, #tpu.memory_space<vmem_shared>> -> memref<10000x128xf32, #tpu.memory_space<vmem_shared>>
    tpu.wait_indirect_dma semaphore(%arg50 : memref<!tpu.dma_semaphore, #tpu.memory_space<semaphore_mem>>) src(%arg33 : memref<40x128xf32, #tpu.memory_space<vmem>>) dst(%dma_wait3A_902 : memref<10000x128xf32, #tpu.memory_space<vmem_shared>>)
    %barrier3A_903 = arith.constant 0 : index
    tpu.barrier barrier_id(%barrier3A_903)
    %mul3A_904 = arith.constant 624 : i32
    %mul3A_905 = arith.muli %arg1, %mul3A_904 : i32
    "tpu.region"() ({
      %run_scoped3A = tpu.sem_alloc : memref<!tpu.dma_semaphore, #tpu.memory_space<semaphore_mem>>
      %dma_start3A_918 = arith.constant 0 : i32
      %dma_start3A_919 = tpu.memref_slice %arg7[%arg0, %mul3A_905, %dma_start3A_918] : memref<2x10000x16xf32, #tpu.memory_space<hbm>> -> memref<1x624x16xf32, #tpu.memory_space<hbm>>
      %dma_start3A_920 = tpu.memref_squeeze %dma_start3A_919 : memref<1x624x16xf32, #tpu.memory_space<hbm>> -> memref<624x16xf32, #tpu.memory_space<hbm>>
      %dma_start3A_921 = arith.constant 0 : i32
      %dma_start3A_922 = tpu.memref_slice %arg34[%mul3A_905, %dma_start3A_921] : memref<10000x16xf32, #tpu.memory_space<vmem_shared>> -> memref<624x16xf32, #tpu.memory_space<vmem_shared>>
      tpu.enqueue_dma source(%dma_start3A_922 : memref<624x16xf32, #tpu.memory_space<vmem_shared>>) target(%dma_start3A_920 : memref<624x16xf32, #tpu.memory_space<hbm>>) target_semaphore(%run_scoped3A : memref<!tpu.dma_semaphore, #tpu.memory_space<semaphore_mem>>)
      %dma_wait3A_923 = arith.constant 0 : i32
      %dma_wait3A_924 = tpu.memref_slice %arg7[%arg0, %mul3A_905, %dma_wait3A_923] : memref<2x10000x16xf32, #tpu.memory_space<hbm>> -> memref<1x624x16xf32, #tpu.memory_space<hbm>>
      %dma_wait3A_925 = tpu.memref_squeeze %dma_wait3A_924 : memref<1x624x16xf32, #tpu.memory_space<hbm>> -> memref<624x16xf32, #tpu.memory_space<hbm>>
      %dma_wait3A_926 = arith.constant 0 : i32
      %dma_wait3A_927 = tpu.memref_slice %arg34[%mul3A_905, %dma_wait3A_926] : memref<10000x16xf32, #tpu.memory_space<vmem_shared>> -> memref<624x16xf32, #tpu.memory_space<vmem_shared>>
      tpu.wait_dma2 semaphore(%run_scoped3A : memref<!tpu.dma_semaphore, #tpu.memory_space<semaphore_mem>>) src(%dma_wait3A_927 : memref<624x16xf32, #tpu.memory_space<vmem_shared>>) dst(%dma_wait3A_925 : memref<624x16xf32, #tpu.memory_space<hbm>>)
      tpu.yield
    }) : () -> ()
    %eq3A_906 = arith.constant 15 : i32
    %eq3A_907 = arith.cmpi eq, %arg1, %eq3A_906 : i32
    %convert_element_type3A_908 = arith.extui %eq3A_907 : i1 to i32
    %cond3A_909 = arith.constant 0 : i32
    %cond3A_910 = arith.cmpi ne, %convert_element_type3A_908, %cond3A_909 : i32
    scf.if %cond3A_910 {
      "tpu.region"() ({
        %run_scoped3A = tpu.sem_alloc : memref<!tpu.dma_semaphore, #tpu.memory_space<semaphore_mem>>
        %dma_start3A_918 = arith.constant 9984 : i32
        %dma_start3A_919 = arith.constant 0 : i32
        %dma_start3A_920 = tpu.memref_slice %arg7[%arg0, %dma_start3A_918, %dma_start3A_919] : memref<2x10000x16xf32, #tpu.memory_space<hbm>> -> memref<1x16x16xf32, #tpu.memory_space<hbm>>
        %dma_start3A_921 = tpu.memref_squeeze %dma_start3A_920 : memref<1x16x16xf32, #tpu.memory_space<hbm>> -> memref<16x16xf32, #tpu.memory_space<hbm>>
        %dma_start3A_922 = arith.constant 9984 : i32
        %dma_start3A_923 = arith.constant 0 : i32
        %dma_start3A_924 = tpu.memref_slice %arg34[%dma_start3A_922, %dma_start3A_923] : memref<10000x16xf32, #tpu.memory_space<vmem_shared>> -> memref<16x16xf32, #tpu.memory_space<vmem_shared>>
        tpu.enqueue_dma source(%dma_start3A_924 : memref<16x16xf32, #tpu.memory_space<vmem_shared>>) target(%dma_start3A_921 : memref<16x16xf32, #tpu.memory_space<hbm>>) target_semaphore(%run_scoped3A : memref<!tpu.dma_semaphore, #tpu.memory_space<semaphore_mem>>)
        %dma_wait3A_925 = arith.constant 9984 : i32
        %dma_wait3A_926 = arith.constant 0 : i32
        %dma_wait3A_927 = tpu.memref_slice %arg7[%arg0, %dma_wait3A_925, %dma_wait3A_926] : memref<2x10000x16xf32, #tpu.memory_space<hbm>> -> memref<1x16x16xf32, #tpu.memory_space<hbm>>
        %dma_wait3A_928 = tpu.memref_squeeze %dma_wait3A_927 : memref<1x16x16xf32, #tpu.memory_space<hbm>> -> memref<16x16xf32, #tpu.memory_space<hbm>>
        %dma_wait3A_929 = arith.constant 9984 : i32
        %dma_wait3A_930 = arith.constant 0 : i32
        %dma_wait3A_931 = tpu.memref_slice %arg34[%dma_wait3A_929, %dma_wait3A_930] : memref<10000x16xf32, #tpu.memory_space<vmem_shared>> -> memref<16x16xf32, #tpu.memory_space<vmem_shared>>
        tpu.wait_dma2 semaphore(%run_scoped3A : memref<!tpu.dma_semaphore, #tpu.memory_space<semaphore_mem>>) src(%dma_wait3A_931 : memref<16x16xf32, #tpu.memory_space<vmem_shared>>) dst(%dma_wait3A_928 : memref<16x16xf32, #tpu.memory_space<hbm>>)
        tpu.yield
      }) : () -> ()
    } else {
    }
    %mul3A_911 = arith.constant 624 : i32
    %mul3A_912 = arith.muli %arg1, %mul3A_911 : i32
    "tpu.region"() ({
      %run_scoped3A = tpu.sem_alloc : memref<!tpu.dma_semaphore, #tpu.memory_space<semaphore_mem>>
      %dma_start3A_918 = arith.constant 0 : i32
      %dma_start3A_919 = tpu.memref_slice %arg8[%arg0, %mul3A_912, %dma_start3A_918] : memref<2x10000x128xf32, #tpu.memory_space<hbm>> -> memref<1x624x128xf32, #tpu.memory_space<hbm>>
      %dma_start3A_920 = tpu.memref_squeeze %dma_start3A_919 : memref<1x624x128xf32, #tpu.memory_space<hbm>> -> memref<624x128xf32, #tpu.memory_space<hbm>>
      %dma_start3A_921 = arith.constant 0 : i32
      %dma_start3A_922 = tpu.memref_slice %arg35[%mul3A_912, %dma_start3A_921] : memref<10000x128xf32, #tpu.memory_space<vmem_shared>> -> memref<624x128xf32, #tpu.memory_space<vmem_shared>>
      tpu.enqueue_dma source(%dma_start3A_922 : memref<624x128xf32, #tpu.memory_space<vmem_shared>>) target(%dma_start3A_920 : memref<624x128xf32, #tpu.memory_space<hbm>>) target_semaphore(%run_scoped3A : memref<!tpu.dma_semaphore, #tpu.memory_space<semaphore_mem>>)
      %dma_wait3A_923 = arith.constant 0 : i32
      %dma_wait3A_924 = tpu.memref_slice %arg8[%arg0, %mul3A_912, %dma_wait3A_923] : memref<2x10000x128xf32, #tpu.memory_space<hbm>> -> memref<1x624x128xf32, #tpu.memory_space<hbm>>
      %dma_wait3A_925 = tpu.memref_squeeze %dma_wait3A_924 : memref<1x624x128xf32, #tpu.memory_space<hbm>> -> memref<624x128xf32, #tpu.memory_space<hbm>>
      %dma_wait3A_926 = arith.constant 0 : i32
      %dma_wait3A_927 = tpu.memref_slice %arg35[%mul3A_912, %dma_wait3A_926] : memref<10000x128xf32, #tpu.memory_space<vmem_shared>> -> memref<624x128xf32, #tpu.memory_space<vmem_shared>>
      tpu.wait_dma2 semaphore(%run_scoped3A : memref<!tpu.dma_semaphore, #tpu.memory_space<semaphore_mem>>) src(%dma_wait3A_927 : memref<624x128xf32, #tpu.memory_space<vmem_shared>>) dst(%dma_wait3A_925 : memref<624x128xf32, #tpu.memory_space<hbm>>)
      tpu.yield
    }) : () -> ()
    %eq3A_913 = arith.constant 15 : i32
    %eq3A_914 = arith.cmpi eq, %arg1, %eq3A_913 : i32
    %convert_element_type3A_915 = arith.extui %eq3A_914 : i1 to i32
    %cond3A_916 = arith.constant 0 : i32
    %cond3A_917 = arith.cmpi ne, %convert_element_type3A_915, %cond3A_916 : i32
    scf.if %cond3A_917 {
      "tpu.region"() ({
        %run_scoped3A = tpu.sem_alloc : memref<!tpu.dma_semaphore, #tpu.memory_space<semaphore_mem>>
        %dma_start3A_918 = arith.constant 9984 : i32
        %dma_start3A_919 = arith.constant 0 : i32
        %dma_start3A_920 = tpu.memref_slice %arg8[%arg0, %dma_start3A_918, %dma_start3A_919] : memref<2x10000x128xf32, #tpu.memory_space<hbm>> -> memref<1x16x128xf32, #tpu.memory_space<hbm>>
        %dma_start3A_921 = tpu.memref_squeeze %dma_start3A_920 : memref<1x16x128xf32, #tpu.memory_space<hbm>> -> memref<16x128xf32, #tpu.memory_space<hbm>>
        %dma_start3A_922 = arith.constant 9984 : i32
        %dma_start3A_923 = arith.constant 0 : i32
        %dma_start3A_924 = tpu.memref_slice %arg35[%dma_start3A_922, %dma_start3A_923] : memref<10000x128xf32, #tpu.memory_space<vmem_shared>> -> memref<16x128xf32, #tpu.memory_space<vmem_shared>>
        tpu.enqueue_dma source(%dma_start3A_924 : memref<16x128xf32, #tpu.memory_space<vmem_shared>>) target(%dma_start3A_921 : memref<16x128xf32, #tpu.memory_space<hbm>>) target_semaphore(%run_scoped3A : memref<!tpu.dma_semaphore, #tpu.memory_space<semaphore_mem>>)
        %dma_wait3A_925 = arith.constant 9984 : i32
        %dma_wait3A_926 = arith.constant 0 : i32
        %dma_wait3A_927 = tpu.memref_slice %arg8[%arg0, %dma_wait3A_925, %dma_wait3A_926] : memref<2x10000x128xf32, #tpu.memory_space<hbm>> -> memref<1x16x128xf32, #tpu.memory_space<hbm>>
        %dma_wait3A_928 = tpu.memref_squeeze %dma_wait3A_927 : memref<1x16x128xf32, #tpu.memory_space<hbm>> -> memref<16x128xf32, #tpu.memory_space<hbm>>
        %dma_wait3A_929 = arith.constant 9984 : i32
        %dma_wait3A_930 = arith.constant 0 : i32
        %dma_wait3A_931 = tpu.memref_slice %arg35[%dma_wait3A_929, %dma_wait3A_930] : memref<10000x128xf32, #tpu.memory_space<vmem_shared>> -> memref<16x128xf32, #tpu.memory_space<vmem_shared>>
        tpu.wait_dma2 semaphore(%run_scoped3A : memref<!tpu.dma_semaphore, #tpu.memory_space<semaphore_mem>>) src(%dma_wait3A_931 : memref<16x128xf32, #tpu.memory_space<vmem_shared>>) dst(%dma_wait3A_928 : memref<16x128xf32, #tpu.memory_space<hbm>>)
        tpu.yield
      }) : () -> ()
    } else {
    }
    return
  }
}

module attributes {stable_mosaic.version = 14 : i64} {
  func.func @_mm_body(%arg0: i32, %arg1: memref<1000x128xf32, #tpu.memory_space<vmem>>, %arg2: memref<128x128xf32, #tpu.memory_space<vmem>>, %arg3: memref<128x32xf32, #tpu.memory_space<vmem>>, %arg4: memref<1000x128xf32, #tpu.memory_space<vmem>>, %arg5: memref<1000x32xf32, #tpu.memory_space<vmem>>) attributes {dimension_semantics = [#tpu.dimension_semantics<arbitrary>], iteration_bounds = array<i64: 10>, scalar_prefetch = 0 : i64, scratch_operands = 0 : i64, tpu.core_type = #tpu.core_type<tc>, window_params = [{transform_indices = @transform_0, window_bounds = array<i64: 1000, 128>}, {pipeline_mode = #tpu.pipeline_mode<synchronous>, transform_indices = @transform_1, window_bounds = array<i64: 128, 128>}, {pipeline_mode = #tpu.pipeline_mode<synchronous>, transform_indices = @transform_2, window_bounds = array<i64: 128, 32>}, {transform_indices = @transform_3, window_bounds = array<i64: 1000, 128>}, {transform_indices = @transform_4, window_bounds = array<i64: 1000, 32>}]} {
    %get3A = arith.constant 0 : index
    %get3A_0 = arith.constant 0 : index
    %get3A_1 = vector.load %arg1[%get3A, %get3A_0] : memref<1000x128xf32, #tpu.memory_space<vmem>>, vector<1000x128xf32>
    %get3A_2 = arith.constant 0 : index
    %get3A_3 = arith.constant 0 : index
    %get3A_4 = vector.load %arg2[%get3A_2, %get3A_3] : memref<128x128xf32, #tpu.memory_space<vmem>>, vector<128x128xf32>
    %dot_general3A = arith.constant dense<0.000000e+00> : vector<1000x128xf32>
    %dot_general3A_5 = tpu.matmul %get3A_1, %get3A_4, %dot_general3A {dimension_numbers = #tpu.dot_dimension_numbers<[1], [0], [0], [1], [0, 0, 1, 1], [], []>, transpose_lhs_hint = false} : vector<1000x128xf32>, vector<128x128xf32>, vector<1000x128xf32> -> vector<1000x128xf32>
    %swap3A = arith.constant 0 : index
    %swap3A_6 = arith.constant 0 : index
    %swap3A_7 = vector.load %arg4[%swap3A, %swap3A_6] : memref<1000x128xf32, #tpu.memory_space<vmem>>, vector<1000x128xf32>
    tpu.vector_store %arg4[%swap3A, %swap3A_6], %dot_general3A_5 {strides = array<i32>} : memref<1000x128xf32, #tpu.memory_space<vmem>>, vector<1000x128xf32>,
    %get3A_8 = arith.constant 0 : index
    %get3A_9 = arith.constant 0 : index
    %get3A_10 = vector.load %arg3[%get3A_8, %get3A_9] : memref<128x32xf32, #tpu.memory_space<vmem>>, vector<128x32xf32>
    %dot_general3A_11 = arith.constant dense<0.000000e+00> : vector<1000x32xf32>
    %dot_general3A_12 = tpu.matmul %dot_general3A_5, %get3A_10, %dot_general3A_11 {dimension_numbers = #tpu.dot_dimension_numbers<[1], [0], [0], [1], [0, 0, 1, 1], [], []>, transpose_lhs_hint = false} : vector<1000x128xf32>, vector<128x32xf32>, vector<1000x32xf32> -> vector<1000x32xf32>
    %swap3A_13 = arith.constant 0 : index
    %swap3A_14 = arith.constant 0 : index
    %swap3A_15 = vector.load %arg5[%swap3A_13, %swap3A_14] : memref<1000x32xf32, #tpu.memory_space<vmem>>, vector<1000x32xf32>
    tpu.vector_store %arg5[%swap3A_13, %swap3A_14], %dot_general3A_12 {strides = array<i32>} : memref<1000x32xf32, #tpu.memory_space<vmem>>, vector<1000x32xf32>,
    return
  }
  func.func @transform_0(%arg0: i32) -> (i32, i32) {
    %c0_i32 = arith.constant 0 : i32
    %c0_i32_0 = arith.constant 0 : i32
    return %arg0, %c0_i32 : i32, i32
  }
  func.func @transform_1(%arg0: i32) -> (i32, i32) {
    %c0_i32 = arith.constant 0 : i32
    %c0_i32_0 = arith.constant 0 : i32
    %c0_i32_1 = arith.constant 0 : i32
    return %c0_i32, %c0_i32_0 : i32, i32
  }
  func.func @transform_2(%arg0: i32) -> (i32, i32) {
    %c0_i32 = arith.constant 0 : i32
    %c0_i32_0 = arith.constant 0 : i32
    %c0_i32_1 = arith.constant 0 : i32
    return %c0_i32, %c0_i32_0 : i32, i32
  }
  func.func @transform_3(%arg0: i32) -> (i32, i32) {
    %c0_i32 = arith.constant 0 : i32
    %c0_i32_0 = arith.constant 0 : i32
    return %arg0, %c0_i32 : i32, i32
  }
  func.func @transform_4(%arg0: i32) -> (i32, i32) {
    %c0_i32 = arith.constant 0 : i32
    %c0_i32_0 = arith.constant 0 : i32
    return %arg0, %c0_i32 : i32, i32
  }
}

module attributes {stable_mosaic.version = 14 : i64} {
  func.func @_epi_body(%arg0: i32, %arg1: memref<1x1000x128xf32, #tpu.memory_space<vmem>>, %arg2: memref<1x1000x128xf32, #tpu.memory_space<vmem>>, %arg3: memref<1x1000x16xf32, #tpu.memory_space<vmem>>, %arg4: memref<1x1000x16xf32, #tpu.memory_space<vmem>>, %arg5: memref<16x128xf32, #tpu.memory_space<vmem>>, %arg6: memref<1x128xf32, #tpu.memory_space<vmem>>, %arg7: memref<1000x128xf32, #tpu.memory_space<vmem>>) attributes {dimension_semantics = [#tpu.dimension_semantics<arbitrary>], iteration_bounds = array<i64: 10>, scalar_prefetch = 0 : i64, scratch_operands = 0 : i64, tpu.core_type = #tpu.core_type<tc>, window_params = [{transform_indices = @transform_0, window_bounds = array<i64: 1, 1000, 128>}, {transform_indices = @transform_1, window_bounds = array<i64: 1, 1000, 128>}, {transform_indices = @transform_2, window_bounds = array<i64: 1, 1000, 16>}, {transform_indices = @transform_3, window_bounds = array<i64: 1, 1000, 16>}, {pipeline_mode = #tpu.pipeline_mode<synchronous>, transform_indices = @transform_4, window_bounds = array<i64: 16, 128>}, {pipeline_mode = #tpu.pipeline_mode<synchronous>, transform_indices = @transform_5, window_bounds = array<i64: 1, 128>}, {transform_indices = @transform_6, window_bounds = array<i64: 1000, 128>}]} {
    %get3A = arith.constant 0 : index
    %get3A_0 = arith.constant 0 : index
    %get3A_1 = arith.constant 0 : index
    %get3A_2 = vector.load %arg3[%get3A, %get3A_0, %get3A_1] : memref<1x1000x16xf32, #tpu.memory_space<vmem>>, vector<1x1000x16xf32>
    %get3A_3 = vector.shape_cast %get3A_2 : vector<1x1000x16xf32> to vector<1000x16xf32>
    %get3A_4 = arith.constant 0 : index
    %get3A_5 = arith.constant 0 : index
    %get3A_6 = arith.constant 0 : index
    %get3A_7 = vector.load %arg4[%get3A_4, %get3A_5, %get3A_6] : memref<1x1000x16xf32, #tpu.memory_space<vmem>>, vector<1x1000x16xf32>
    %get3A_8 = vector.shape_cast %get3A_7 : vector<1x1000x16xf32> to vector<1000x16xf32>
    %add3A = arith.addf %get3A_3, %get3A_8 : vector<1000x16xf32>
    %get3A_9 = arith.constant 0 : index
    %get3A_10 = arith.constant 0 : index
    %get3A_11 = vector.load %arg5[%get3A_9, %get3A_10] : memref<16x128xf32, #tpu.memory_space<vmem>>, vector<16x128xf32>
    %dot_general3A = arith.constant dense<0.000000e+00> : vector<1000x128xf32>
    %dot_general3A_12 = tpu.matmul %add3A, %get3A_11, %dot_general3A {dimension_numbers = #tpu.dot_dimension_numbers<[1], [0], [0], [1], [0, 0, 1, 1], [], []>, transpose_lhs_hint = false} : vector<1000x16xf32>, vector<16x128xf32>, vector<1000x128xf32> -> vector<1000x128xf32>
    %add3A_13 = arith.constant 1.000000e-16 : f32
    %add3A_14 = vector.broadcast %add3A_13 : f32 to vector<1000x128xf32>
    %add3A_15 = arith.addf %dot_general3A_12, %add3A_14 : vector<1000x128xf32>
    %get3A_16 = arith.constant 0 : index
    %get3A_17 = arith.constant 0 : index
    %get3A_18 = arith.constant 0 : index
    %get3A_19 = vector.load %arg1[%get3A_16, %get3A_17, %get3A_18] : memref<1x1000x128xf32, #tpu.memory_space<vmem>>, vector<1x1000x128xf32>
    %get3A_20 = vector.shape_cast %get3A_19 : vector<1x1000x128xf32> to vector<1000x128xf32>
    %get3A_21 = arith.constant 0 : index
    %get3A_22 = arith.constant 0 : index
    %get3A_23 = arith.constant 0 : index
    %get3A_24 = vector.load %arg2[%get3A_21, %get3A_22, %get3A_23] : memref<1x1000x128xf32, #tpu.memory_space<vmem>>, vector<1x1000x128xf32>
    %get3A_25 = vector.shape_cast %get3A_24 : vector<1x1000x128xf32> to vector<1000x128xf32>
    %add3A_26 = arith.addf %get3A_20, %get3A_25 : vector<1000x128xf32>
    %div3A = arith.divf %add3A_26, %add3A_15 : vector<1000x128xf32>
    %get3A_27 = arith.constant 0 : index
    %get3A_28 = arith.constant 0 : index
    %get3A_29 = vector.load %arg6[%get3A_27, %get3A_28] : memref<1x128xf32, #tpu.memory_space<vmem>>, vector<1x128xf32>
    %add3A_30 = vector.broadcast %get3A_29 : vector<1x128xf32> to vector<1000x128xf32>
    %add3A_31 = arith.addf %div3A, %add3A_30 : vector<1000x128xf32>
    %gt3A = arith.constant 0.000000e+00 : f32
    %gt3A_32 = vector.broadcast %gt3A : f32 to vector<1000x128xf32>
    %gt3A_33 = arith.cmpf ogt, %add3A_31, %gt3A_32 : vector<1000x128xf32>
    %min3A = arith.constant 0.000000e+00 : f32
    %min3A_34 = vector.broadcast %min3A : f32 to vector<1000x128xf32>
    %min3A_35 = arith.minimumf %add3A_31, %min3A_34 : vector<1000x128xf32>
    %exp3A = math.exp %min3A_35 : vector<1000x128xf32>
    %sub3A = arith.constant 1.000000e+00 : f32
    %sub3A_36 = vector.broadcast %sub3A : f32 to vector<1000x128xf32>
    %sub3A_37 = arith.subf %exp3A, %sub3A_36 : vector<1000x128xf32>
    %select_n3A = arith.select %gt3A_33, %add3A_31, %sub3A_37 : vector<1000x128xi1>, vector<1000x128xf32>
    %swap3A = arith.constant 0 : index
    %swap3A_38 = arith.constant 0 : index
    %swap3A_39 = vector.load %arg7[%swap3A, %swap3A_38] : memref<1000x128xf32, #tpu.memory_space<vmem>>, vector<1000x128xf32>
    tpu.vector_store %arg7[%swap3A, %swap3A_38], %select_n3A {strides = array<i32>} : memref<1000x128xf32, #tpu.memory_space<vmem>>, vector<1000x128xf32>,
    return
  }
  func.func @transform_0(%arg0: i32) -> (i32, i32, i32) {
    %c0_i32 = arith.constant 0 : i32
    %c0_i32_0 = arith.constant 0 : i32
    %c0_i32_1 = arith.constant 0 : i32
    return %c0_i32, %arg0, %c0_i32_0 : i32, i32, i32
  }
  func.func @transform_1(%arg0: i32) -> (i32, i32, i32) {
    %c1_i32 = arith.constant 1 : i32
    %c0_i32 = arith.constant 0 : i32
    %c0_i32_0 = arith.constant 0 : i32
    return %c1_i32, %arg0, %c0_i32 : i32, i32, i32
  }
  func.func @transform_2(%arg0: i32) -> (i32, i32, i32) {
    %c0_i32 = arith.constant 0 : i32
    %c0_i32_0 = arith.constant 0 : i32
    %c0_i32_1 = arith.constant 0 : i32
    return %c0_i32, %arg0, %c0_i32_0 : i32, i32, i32
  }
  func.func @transform_3(%arg0: i32) -> (i32, i32, i32) {
    %c1_i32 = arith.constant 1 : i32
    %c0_i32 = arith.constant 0 : i32
    %c0_i32_0 = arith.constant 0 : i32
    return %c1_i32, %arg0, %c0_i32 : i32, i32, i32
  }
  func.func @transform_4(%arg0: i32) -> (i32, i32) {
    %c0_i32 = arith.constant 0 : i32
    %c0_i32_0 = arith.constant 0 : i32
    %c0_i32_1 = arith.constant 0 : i32
    return %c0_i32, %c0_i32_0 : i32, i32
  }
  func.func @transform_5(%arg0: i32) -> (i32, i32) {
    %c0_i32 = arith.constant 0 : i32
    %c0_i32_0 = arith.constant 0 : i32
    %c0_i32_1 = arith.constant 0 : i32
    return %c0_i32, %c0_i32_0 : i32, i32
  }
  func.func @transform_6(%arg0: i32) -> (i32, i32) {
    %c0_i32 = arith.constant 0 : i32
    %c0_i32_0 = arith.constant 0 : i32
    return %arg0, %c0_i32 : i32, i32
  }
}

</mosaic_0001>

<sc_bundles>
// kernel: kernel.5.cloned.1.call-start
scs
__scs_entry_jumppad:
0x0: {  	(pc) =	sbr.rel $0x88, $3  }
0x1: {  	(tag) =	ssettag $0x0;
	lr =	simm.s32 $0x1  }
0x2: {  	[smem:$0x3F9B] =	sst lr;
	_ =	strace $0xD0000000  }
0x3: {  	_ = 	snop  }
0x4: {  	_ = 	snop  }
0x5: {  	_ = 	snop  }
0x6: {  	_ = 	snop  }
0x7: {  	_ = 	snop  }
__scs_overlays_trampoline_lowered:
0x8: {  	[smem:$0x3FAA] =	sst s0  }
0x9: {  	[smem:$0x3FAB] =	sst s1  }
0xa: {  	[smem:$0x3FAC] =	sst s2  }
0xb: {  	[smem:$0x3FAD] =	sst s3  }
0xc: {  	[smem:$0x3FAE] =	sst s4  }
0xd: {  	[smem:$0x3FAF] =	sst s5  }
0xe: {  	[smem:$0x3FB0] =	sst s6  }
0xf: {  	[smem:$0x3FB1] =	sst s7  }
0x10: {  	[smem:$0x3FB2] =	sst s8  }
0x11: {  	[smem:$0x3FB3] =	sst s9;
	s0 =	simm.s32 @!p0 $0x0  }
0x12: {  	s1 =	sld [smem:$0x3F99];
	s0 =	simm.s32 @p0 $0x1  }
0x13: {  	[smem:$0x3FB4] =	sst s0;
	s0 =	simm.s32 @!p1 $0x0  }
0x14: {  	s2 =	sld [smem:$0x3F98];
	s0 =	simm.s32 @p1 $0x1  }
0x15: {  	[smem:$0x3FB5] =	sst s0;
	s0 =	simm.s32 @!p2 $0x0  }
0x16: {  	s3 =	sld [smem:$0x3FDB];
	s0 =	simm.s32 @p2 $0x1  }
0x17: {  	s4 =	simm.s32 $0x1BF5;
	[smem:$0x3FB7] =	sst s0  }
0x18: {  	s0 =	sld [smem:$0x3F9A];
	_ =	swait.ge [sflag:s4], $0x0  }
0x19: {  	s7 =	sld [smem:$0x3F9B]  }
0x1a: {  	s8 =	sadd.s32 $0xFFFFE003, lr  }
0x1b: {  	s9 =	sadd.s32 $0xFFFFFEF7, lr;
	s5 =	simm.s32 $0xFFFFFFFF;
	p2 =	slt.u32 s8, $0xFFFFF086  }
0x1c: {  	p1 =	slt.u32 s9, $0xF7A;
	s5 =	simm.s32 @!p2 $0x0  }
0x1d: {  	s5 =	simm.s32 @p1 $0x1;
	p0 =	seq.s32 s7, s2  }
0x1e: {  	s7 =	smul.u32 @!p0 $0xF7A, s2;
	p2 =	seq.s32 @!p0 s5, $0x0  }
0x1f: {  	s9 =	smul.u32 $0xF7A, s1;
	s8 =	simm.s32 @!p0 $0x1BF5;
	p2 =	por !p2, p0  }
0x20: {  	[sflag:s8] =	ssyncset.s32 @!p0 $0xFFFFF086;
	s6 =	sadd.s32 @!p0 s3, s7;
	s7 =	simm.s32 @!p0 $0x108  }
0x21: {  	s3 =	sadd.s32 s3, s9;
	s6 =	sadd.s32 @!p0 $0x88, s6;
	s7 =	simm.s32 @p2 $0x1082  }
0x22: {  	[simem:s7], [sflag:s8] =	dma.local @!p0 [hbm:s6], $0xF7A  }
0x23: {  	s9 =	sor.u32 $0xD0000000, s2;
	s6 =	simm.s32 $0x108;
	_ =	swait.ge @!p0 [sflag:s8], $0x0  }
0x24: {  	s3 =	sadd.s32 $0x88, s3;
	s6 =	simm.s32 @!p1 $0x1082;
	[sflag:s4] =	ssyncset.s32 $0xFFFFF086  }
0x25: {  	[simem:s6], [sflag:s4] =	dma.local [hbm:s3], $0xF7A  }
0x26: {  	[smem:$0x3F9B] =	sst s1;
	(tag) =	ssettag s2;
	_ =	strace s9  }
0x27: {  	s1 =	sld [smem:$0x3FAB]  }
0x28: {  	s2 =	sld [smem:$0x3FAC]  }
0x29: {  	s4 =	sld [smem:$0x3FAE]  }
0x2a: {  	p0 =	seq.s32 s5, $0x0;
	s5 =	sld [smem:$0x3FAF]  }
0x2b: {  	s6 =	sld [smem:$0x3FB0]  }
0x2c: {  	s7 =	sld [smem:$0x3FB1]  }
0x2d: {  	s3 =	simm.s32 $0x108;
	s8 =	sld [smem:$0x3FB2]  }
0x2e: {  	s3 =	simm.s32 @!p0 $0x1082;
	s9 =	sld [smem:$0x3FB3]  }
0x2f: {  	lr =	sadd.s32 s0, s3;
	s0 =	sld [smem:$0x3FAA]  }
0x30: {  	s3 =	sld [smem:$0x3FAD]  }
0x31: {  	[smem:$0x3FB6] =	sst s10  }
0x32: {  	s10 =	sld [smem:$0x3FB4];
	_ =	sdelay $0x3  }
0x33: {  	p0 =	seq.s32 s10, $0x1;
	s10 =	sld [smem:$0x3FB6];
	_ =	sdelay $0x3  }
0x34: {  	[smem:$0x3FB6] =	sst s10  }
0x35: {  	s10 =	sld [smem:$0x3FB5];
	_ =	sdelay $0x3  }
0x36: {  	p1 =	seq.s32 s10, $0x1;
	s10 =	sld [smem:$0x3FB6];
	_ =	sdelay $0x3  }
0x37: {  	[smem:$0x3FB6] =	sst s10  }
0x38: {  	s10 =	sld [smem:$0x3FB7]  }
0x39: {  	_ = 	snop;
	(pc) =	sbr.ind lr, $3  }
0x3a: {  	_ = 	snop  }
0x3b: {  	_ = 	snop  }
0x3c: {  	p2 =	seq.s32 s10, $0x1;
	s10 =	sld [smem:$0x3FB6]  }
0x3d: {  	_ =	shalt  }
0x3e: {  	_ =	shalt  }
0x3f: {  	_ =	shalt  }
0x40: {  	_ =	shalt  }
0x41: {  	_ =	shalt  }
0x42: {  	_ =	shalt  }
0x43: {  	_ =	shalt  }
0x44: {  	_ =	shalt  }
0x45: {  	_ =	shalt  }
0x46: {  	_ =	shalt  }
0x47: {  	_ =	shalt  }
0x48: {  	_ =	shalt  }
0x49: {  	_ =	shalt  }
0x4a: {  	_ =	shalt  }
0x4b: {  	_ =	shalt  }
0x4c: {  	_ =	shalt  }
0x4d: {  	_ =	shalt  }
0x4e: {  	_ =	shalt  }
0x4f: {  	_ =	shalt  }
0x50: {  	_ =	shalt  }
0x51: {  	_ =	shalt  }
0x52: {  	_ =	shalt  }
0x53: {  	_ =	shalt  }
0x54: {  	_ =	shalt  }
0x55: {  	_ =	shalt  }
0x56: {  	_ =	shalt  }
0x57: {  	_ =	shalt  }
0x58: {  	_ =	shalt  }
0x59: {  	_ =	shalt  }
0x5a: {  	_ =	shalt  }
0x5b: {  	_ =	shalt  }
0x5c: {  	_ =	shalt  }
0x5d: {  	_ =	shalt  }
0x5e: {  	_ =	shalt  }
0x5f: {  	_ =	shalt  }
0x60: {  	_ =	shalt  }
0x61: {  	_ =	shalt  }
0x62: {  	_ =	shalt  }
0x63: {  	_ =	shalt  }
0x64: {  	_ =	shalt  }
0x65: {  	_ =	shalt  }
0x66: {  	_ =	shalt  }
0x67: {  	_ =	shalt  }
0x68: {  	_ =	shalt  }
0x69: {  	_ =	shalt  }
0x6a: {  	_ =	shalt  }
0x6b: {  	_ =	shalt  }
0x6c: {  	_ =	shalt  }
0x6d: {  	_ =	shalt  }
0x6e: {  	_ =	shalt  }
0x6f: {  	_ =	shalt  }
0x70: {  	_ =	shalt  }
0x71: {  	_ =	shalt  }
0x72: {  	_ =	shalt  }
0x73: {  	_ =	shalt  }
0x74: {  	_ =	shalt  }
0x75: {  	_ =	shalt  }
0x76: {  	_ =	shalt  }
0x77: {  	_ =	shalt  }
0x78: {  	_ =	shalt  }
0x79: {  	_ =	shalt  }
0x7a: {  	_ =	shalt  }
0x7b: {  	_ =	shalt  }
0x7c: {  	_ =	shalt  }
0x7d: {  	_ =	shalt  }
0x7e: {  	_ =	shalt  }
0x7f: {  	_ =	shalt  }
0x80: {  	_ =	shalt  }
0x81: {  	_ =	shalt  }
0x82: {  	_ =	shalt  }
0x83: {  	_ =	shalt  }
0x84: {  	_ =	shalt  }
0x85: {  	_ =	shalt  }
0x86: {  	_ =	shalt  }
0x87: {  	_ =	shalt  }
.Lfunc_end0:
.L_simem_size_0:
called_computation_lowered:
.L_overlay_start_0:
0x88: {  	s2 =	sld [smem:$0x3FD9]  }
0x89: {  	s3 =	sld [smem:$0x3FFE];
	_ =	sdelay $0x1  }
0x8a: {  	s1 =	srdreg.scid  }
0x8b: {  	s0 =	sand.u32 $0x1, s1  }
0x8c: {  	s17 =	sshll.u32 s0, $0xA;
	s2 =	sadd.s32 s3, s2  }
0x8d: {  	s2 =	sadd.s32 s2, s17  }
0x8e: {  	[smem:$0x3FC2] =	sst s2  }
0x8f: {  	_ = 	snop  }
0x90: {  	s2 =	sld [smem:$0x3FD0];
	(tm) =	ssettm $0x1  }
0x91: {  	s18 =	sld [smem:$0x3FFB];
	_ =	sdelay $0x3  }
0x92: {  	_ =	strace s18  }
0x93: {  	s3 =	sld [smem:$0x3FFC];
	_ =	sdelay $0x3  }
0x94: {  	_ =	strace s3  }
0x95: {  	s3 =	sld [smem:$0x3FFD];
	_ =	sdelay $0x3  }
0x96: {  	_ =	strace s3  }
0x97: {  	_ =	strace $0x8FFFFFFF  }
0x98: {  	s19 =	sld [smem:$0x3FDB];
	_ =	sdelay $0x1  }
0x99: {  	s4 =	simm.s32 $_scs_section_size  }
0x9a: {  	s5 =	simm.s32 $_size__tile_overlayer_lowered;
	s6 =	simm.s32 $_tile_overlayer_lowered  }
0x9b: {  	s22 =	simm.s32 $0x1BFF;
	s21 =	sshll.u32 s6, $0x1;
	s3 =	sadd.s32 s4, s19  }
0x9c: {  	s7 =	simm.s32 $0x0;
	s20 =	sshll.u32 s5, $0x1;
	s5 =	sadd.s32 s21, s3  }
0x9d: {  	[timem:s7], [sflag:s22] =	dma.local [hbm:s5], s20  }
0x9e: {  	_ =	swait.ge [sflag:s22], s20  }
0x9f: {  	s4 =	ssub.s32 $0x0, s20;
	[sflag:s22] =	ssyncset.done $0x0  }
0xa0: {  	[sflag:s22] =	ssyncadd.s32 s4;
	_ =	sdelay $0x1  }
0xa1: {  	s23 =	simm.s32 $0x1B8B  }
0xa2: {  	_ =	swait.ge [sflag:s23], $0x1  }
0xa3: {  	[sflag:s23] =	ssyncset.done $0x0  }
0xa4: {  	s25 =	simm.s32 $0x1B8E;
	s24 =	sld [smem:$0x3FFE];
	[sflag:s23] =	ssyncadd.s32 $0xFFFFFFFF  }
0xa5: {  	s26 =	simm.s32 $execute0_lowered;
	[smem:$0x3FD2] =	sst s25  }
0xa6: {  	s5 =	sshll.u32 s26, $0x1;
	_ =	strace $0x80000046;
	[dreg:$0x1] =	wrdreg $0xFFFFFFFF  }
0xa7: {  	s28 =	simm.s32 $_size_execute0_lowered;
	s3 =	sadd.s32 s3, s5;
	[dreg:$0x0] =	wrdreg $0x0  }
0xa8: {  	s5 =	sshll.u32 s28, $0x1;
	[dreg:$0x2] =	wrdreg s3  }
0xa9: {  	[dreg:$0x3] =	wrdreg s5  }
0xaa: {  	[dreg:$0x4] =	wrdreg $0xC0  }
0xab: {  	_ =	task [dreg:s7], $0x5FFFF  }
0xac: {  	[dreg:$0x1] =	wrdreg $0xFFFFFFFF  }
0xad: {  	[dreg:$0x0] =	wrdreg $0x60  }
0xae: {  	[dreg:$0x2] =	wrdreg s24  }
0xaf: {  	[dreg:$0x3] =	wrdreg s2  }
0xb0: {  	[dreg:$0x4] =	wrdreg $0x7E900  }
0xb1: {  	[dreg:$0x5] =	wrdreg $0xA5A00  }
0xb2: {  	[dreg:$0x6] =	wrdreg $0x9  }
0xb3: {  	_ =	task.clear_ibuf [dreg:s7], $0x7FFFF;
	_ =	strace $0x90000046  }
0xb4: {  	s29 =	simm.s32 $0x9;
	_ =	strace $0x80000048  }
0xb5: {  	_ =	swait.ge [sflag:s29], $0x1  }
0xb6: {  	[sflag:s29] =	ssyncadd.s32 $0xFFFFFFFF  }
0xb7: {  	_ =	strace $0x90000048  }
0xb8: {  	_ =	sfence  }
0xb9: {  	s30 =	sld [smem:$0x0];
	_ =	sdelay $0x2  }
0xba: {  	s31 =	sshll.u32 s1, $0xD;
	s1 =	sshrl.u32 s1, $0x2  }
0xbb: {  	s3 =	sand.u32 $0x4000, s31;
	s1 =	sadd.s32 s1, s30  }
0xbc: {  	s0 =	sor.u32 s3, s0;
	s1 =	sshll.u32 s1, $0x11  }
0xbd: {  	s0 =	sor.u32 s1, s0  }
0xbe: {  	s0 =	sadd.s32 $0x8F2B, s0  }
0xbf: {  	[sflag:s0] =	ssyncadd.remote.s32 $0x1  }
0xc0: {  	_ =	sfence.sel $0xFFFF  }
0xc1: {  	[dreg:$0x0] =	wrdreg $0xFFFFFFFF;
	(pc) =	sbr.abs _section_cstart, $3  }
0xc2: {  	[dreg:$0x1] =	wrdreg $0xFFFFFFFF  }
0xc3: {  	_ =	task.clear_ibuf [dreg:s7], $0x2FFFF;
	_ =	strace $0x9FFFFFFF  }
0xc4: {  	(tm) =	ssettm $0x7FFFFFFF  }
0xc5: {  	_ =	shalt  }
tec
execute0_lowered:
.L_overlay_start_1:
0x0: {  	(tag) =	ssettag $0x1  }
0x1: {  	s0 =	rddreg [dreg:$0x0]  }
0x2: {  	s1 =	rddreg [dreg:$0x1]  }
0x3: {  	s2 =	rddreg [dreg:$0x2]  }
0x4: {  	s3 =	rddreg [dreg:$0x3];
	s31 =	simm.s32 $0x0;
	s4 =	srdreg.scid  }
0x5: {  	s30 =	stileid.u32;
	[smem:$0x7FF] =	sst s31;
	s5 =	sadd.s32 $0x19C00, s0  }
0x6: {  	s7 =	sadd.s32 $0x14C00, s0;
	s8 =	sadd.s32 $0xAE00, s0;
	s9 =	sadd.s32 $0x1000, s0  }
0x7: {  	s4 =	sand.u32 $0x1, s4;
	s6 =	sadd.s32 $0x1EC00, s0;
	s11 =	smul.u32 $0x270, s30  }
0x8: {  	s14 =	smul.u32 $0x2700, s30;
	s15 =	sadd.s32 $0x28A00, s0;
	p0 =	sne.s32 s30, $0xF  }
0x9: {  	_ =	strace $0x80000047;
	s10 =	ssub.s32 $0x2, s4;
	s13 =	sshll.u32 s4, $0x4  }
0xa: {  	s18 =	smul.u32 $0x27100, s4;
	s12 =	sshrl.u32 s10, $0x1;
	s19 =	sadd.s32 s14, s2  }
0xb: {  	s0 =	ssub.s32 s10, s12;
	s10 =	sor.u32 s30, s13;
	[dreg:$0x6] =	wrdreg s19  }
0xc: {  	s12 =	sadd.s32 $0x28, s11;
	s13 =	sadd.s32 $0x50, s11;
	s14 =	sadd.s32 s14, s18  }
0xd: {  	s19 =	smul.u32 $0x138800, s4;
	s22 =	sshrl.u32 s18, $0x3;
	s18 =	sadd.s32 $0xC8, s11  }
0xe: {  	s16 =	sshll.u32 s12, $0x4;
	s17 =	sshll.u32 s13, $0x4;
	s21 =	sshrl.u32 s14, $0x3  }
0xf: {  	s14 =	sadd.s32 $0xA0, s11;
	s12 =	sshll.u32 s12, $0x7;
	s10 =	smul.u32 $0x2710, s10  }
0x10: {  	s0 =	smax.u32 s0, $0x1;
	s16 =	sadd.s32 s16, s2;
	s20 =	sadd.s32 s17, s2  }
0x11: {  	s17 =	sadd.s32 $0x78, s11;
	s4 =	sadd.s32 s6, s21;
	[smem:$0x7FB] =	sst s0  }
0x12: {  	s25 =	sshrl.u32 s19, $0x3;
	s26 =	sshll.u32 s14, $0x4;
	[dreg:$0x7] =	wrdreg s16  }
0x13: {  	s12 =	sadd.s32 s12, s3;
	[dreg:$0x8] =	wrdreg s20;
	s16 =	smul.u32 $0x13800, s30  }
0x14: {  	s20 =	sshll.u32 s17, $0x4;
	[dreg:$0x9] =	wrdreg s4;
	s4 =	sadd.s32 s6, s22  }
0x15: {  	[dreg:$0x19] =	wrdreg s12;
	s30 =	simm.s32 $0x5;
	s24 =	sadd.s32 s20, s2  }
0x16: {  	s20 =	sshll.u32 s18, $0x4;
	s18 =	sshll.u32 s18, $0x7;
	s4 =	sadd.s32 $0x4E00, s4  }
0x17: {  	s23 =	sadd.s32 s16, s19;
	[dreg:$0xa] =	wrdreg s24;
	s19 =	sadd.s32 $0xF0, s11  }
0x18: {  	s16 =	sadd.s32 s16, s3;
	[smem:$0x7F8] =	sst s4;
	s6 =	sshrl.u32 s23, $0x3  }
0x19: {  	s21 =	sshll.u32 s19, $0x4;
	[dreg:$0x18] =	wrdreg s16;
	s16 =	sshll.u32 s13, $0x7  }
0x1a: {  	s13 =	sshll.u32 s17, $0x7;
	s6 =	sadd.s32 s15, s6;
	s22 =	sadd.s32 s21, s2  }
0x1b: {  	s21 =	sadd.s32 $0x140, s11;
	s12 =	sadd.s32 s16, s3;
	[dreg:$0xb] =	wrdreg s6  }
0x1c: {  	s16 =	sshll.u32 s14, $0x7;
	s6 =	sadd.s32 s15, s25;
	[dreg:$0xe] =	wrdreg s22  }
0x1d: {  	s15 =	sadd.s32 s26, s2;
	s22 =	sadd.s32 $0x168, s11;
	[dreg:$0x1a] =	wrdreg s12  }
0x1e: {  	s24 =	sshll.u32 s21, $0x4;
	s12 =	sadd.s32 s13, s3;
	[dreg:$0xc] =	wrdreg s15  }
0x1f: {  	s17 =	sadd.s32 s16, s3;
	s13 =	sshll.u32 s19, $0x7;
	[dreg:$0x1b] =	wrdreg s12  }
0x20: {  	s16 =	sshll.u32 s21, $0x7;
	s15 =	sadd.s32 s20, s2;
	[dreg:$0x1c] =	wrdreg s17  }
0x21: {  	s12 =	sadd.s32 s18, s3;
	s17 =	sshll.u32 s22, $0x7;
	[dreg:$0xd] =	wrdreg s15  }
0x22: {  	s15 =	sadd.s32 $0x118, s11;
	[dreg:$0x1d] =	wrdreg s12;
	s12 =	sadd.s32 s13, s3  }
0x23: {  	s23 =	sshll.u32 s15, $0x4;
	[dreg:$0x1e] =	wrdreg s12;
	s12 =	sadd.s32 s16, s3  }
0x24: {  	s14 =	sshll.u32 s15, $0x7;
	s20 =	sadd.s32 s23, s2;
	[smem:$0x7E5] =	sst s12  }
0x25: {  	s16 =	sshrl.u32 s10, $0x3;
	s15 =	sadd.s32 s14, s3;
	[dreg:$0xf] =	wrdreg s20  }
0x26: {  	s23 =	sshll.u32 s22, $0x4;
	s12 =	sadd.s32 s17, s3;
	[dreg:$0x1f] =	wrdreg s15  }
0x27: {  	s17 =	sadd.s32 s8, s16;
	s20 =	sadd.s32 s24, s2;
	[smem:$0x7E6] =	sst s12  }
0x28: {  	s25 =	sadd.s32 s23, s2;
	[dreg:$0x10] =	wrdreg s20;
	s20 =	sadd.s32 $0x190, s11  }
0x29: {  	s24 =	sadd.s32 $0x1B8, s11;
	[smem:$0x7EF] =	sst s17;
	s26 =	sshll.u32 s20, $0x4  }
0x2a: {  	[dreg:$0x11] =	wrdreg s25;
	s18 =	sshll.u32 s20, $0x7;
	s23 =	sadd.s32 s26, s2  }
0x2b: {  	s20 =	sshll.u32 s24, $0x7;
	s19 =	sadd.s32 s18, s3;
	[dreg:$0x12] =	wrdreg s23  }
0x2c: {  	s25 =	sadd.s32 $0x1E0, s11;
	s12 =	sadd.s32 s20, s3;
	[smem:$0x7E7] =	sst s19  }
0x2d: {  	s21 =	sshll.u32 s25, $0x7;
	s18 =	sadd.s32 s9, s16;
	[smem:$0x7E8] =	sst s12  }
0x2e: {  	s26 =	sshll.u32 s25, $0x4;
	s20 =	sadd.s32 $0x78, s10;
	[smem:$0x7F0] =	sst s18  }
0x2f: {  	s23 =	sshll.u32 s24, $0x4;
	s26 =	sadd.s32 s26, s2;
	[smem:$0x7F3] =	sst s20  }
0x30: {  	s23 =	sadd.s32 s23, s2;
	[dreg:$0x14] =	wrdreg s26;
	s26 =	sadd.s32 $0x230, s11  }
0x31: {  	[dreg:$0x13] =	wrdreg s23;
	s23 =	sadd.s32 $0x208, s11;
	s25 =	sshll.u32 s26, $0x7  }
0x32: {  	s28 =	sshll.u32 s23, $0x4;
	s22 =	sshll.u32 s23, $0x7;
	s23 =	sadd.s32 s21, s3  }
0x33: {  	s4 =	simm.s32 $0x168;
	s12 =	sadd.s32 s25, s3;
	[smem:$0x7E9] =	sst s23  }
0x34: {  	s17 =	simm.s32 $0xD;
	s21 =	sadd.s32 $0xA0, s10;
	[smem:$0x7EB] =	sst s12  }
0x35: {  	s11 =	sadd.s32 $0x258, s11;
	s25 =	sadd.s32 $0x27000, s6;
	[smem:$0x7F4] =	sst s21  }
0x36: {  	s29 =	sshll.u32 s11, $0x4;
	s28 =	sadd.s32 s28, s2;
	[smem:$0x7FA] =	sst s25  }
0x37: {  	s11 =	sshll.u32 s11, $0x7;
	s24 =	sadd.s32 s22, s3;
	[dreg:$0x15] =	wrdreg s28  }
0x38: {  	s20 =	simm.s32 $0x1;
	s11 =	sadd.s32 s11, s3;
	[smem:$0x7EA] =	sst s24  }
0x39: {  	s18 =	simm.s32 $0x7;
	s22 =	sadd.s32 $0xC8, s10;
	[smem:$0x7EC] =	sst s11  }
0x3a: {  	s23 =	sadd.s32 $0xF0, s10;
	s28 =	sshll.u32 s26, $0x4;
	[smem:$0x7F5] =	sst s22  }
0x3b: {  	s26 =	sadd.s32 $0x28, s10;
	[smem:$0x7F6] =	sst s23;
	s10 =	sadd.s32 $0x118, s10  }
0x3c: {  	s25 =	simm.s32 $0x118;
	s24 =	sadd.s32 $0x24900, s6;
	[smem:$0x7F7] =	sst s10  }
0x3d: {  	s22 =	simm.s32 $0x28;
	s28 =	sadd.s32 s28, s2;
	[smem:$0x7F9] =	sst s24  }
0x3e: {  	s14 =	sshrl.u32 s26, $0x3;
	s26 =	sadd.s32 $0x138000, s3;
	[dreg:$0x16] =	wrdreg s28  }
0x3f: {  	s6 =	simm.s32 $0x8;
	s24 =	sadd.s32 $0x27000, s2;
	[smem:$0x7FC] =	sst s26  }
0x40: {  	s10 =	simm.s32 $0x9;
	s28 =	sadd.s32 s29, s2;
	[smem:$0x7FD] =	sst s24  }
0x41: {  	s15 =	sadd.s32 s8, s14;
	s11 =	sadd.s32 s9, s14;
	[dreg:$0x17] =	wrdreg s28  }
0x42: {  	s14 =	simm.s32 $0x140;
	s29 =	simm.s32 $0x6;
	[smem:$0x7ED] =	sst s15  }
0x43: {  	s26 =	simm.s32 $0xA0;
	[smem:$0x7EE] =	sst s11;
	s11 =	sadd.s32 $0xA, s16  }
0x44: {  	v0 =	vimm.f32 $0.0e+00;
	v1 =	vimm.s32 $0x0;
	v2 =	vimm.s32 $0x1;
	s15 =	simm.s32 $0x3;
	s16 =	simm.s32 $0x4;
	s19 =	sadd.s32 s8, s11  }
0x45: {  	v3 =	vimm.s32 $0x2;
	v4 =	vimm.s32 $0x3;
	v5 =	vimm.s32 $0x4;
	s28 =	simm.s32 $0xA;
	s11 =	sadd.s32 s9, s11;
	[smem:$0x7F1] =	sst s19  }
0x46: {  	v6 =	vimm.s32 $0x5;
	v7 =	vimm.s32 $0x6;
	v8 =	vimm.s32 $0x7;
	[smem:$0x7F2] =	sst s11;
	s19 =	simm.s32 $0xB;
	s11 =	simm.s32 $0xC  }
.LBB2_1:
0x47: {  	s12 =	simm.s32 $0x0  }
0x48: {  	[dreg:$0x5] =	wrdreg s31;
	s0 =	simm.s32 $0x1AD0;
	[tilespmem:s12+$0x190] =	vst v0;
	s12 =	simm.s32 $0x40  }
.LBB2_2:
0x49: {  	p1 =	sne.s32 s12, $0x9C0;
	[tilespmem:s0+$0xFFFFFFC0] =	vst v0  }
0x4a: {  	[tilespmem:s0+$0xFFFFFFD0] =	vst v0  }
0x4b: {  	[tilespmem:s0+$0xFFFFFFE0] =	vst v0  }
0x4c: {  	[tilespmem:s0+$0xFFFFFFF0] =	vst v0  }
.Ltmp0:
0x4d: {  	[tilespmem:s0+$0x0] =	vst v0;
	(pc) =	sbr.rel @p1 .LBB2_2-.Ltmp0, $4  }
0x4e: {  	[tilespmem:s0+$0x10] =	vst v0  }
0x4f: {  	[tilespmem:s0+$0x20] =	vst v0  }
0x50: {  	s21 =	sshra.s32 s12, $0x2;
	[tilespmem:s0+$0x30] =	vst v0  }
0x51: {  	s12 =	sadd.s32 $0x40, s12;
	s0 =	sadd.s32 $0x80, s0;
	[tilespmem:s21+$0x190] =	vst v0  }
0x52: {  	[tilespmem:s0+$0xFFFFFFC0] =	vst v0  }
0x53: {  	[tilespmem:s0+$0xFFFFFFD0] =	vst v0  }
0x54: {  	[tilespmem:s0+$0xFFFFFFE0] =	vst v0  }
0x55: {  	[tilespmem:s0+$0xFFFFFFF0] =	vst v0  }
0x56: {  	[tilespmem:s0+$0x0] =	vst v0  }
0x57: {  	[tilespmem:s0+$0x10] =	vst v0  }
0x58: {  	[tilespmem:s0+$0x20] =	vst v0  }
0x59: {  	[tilespmem:s0+$0x30] =	vst v0;
	s31 =	rddreg [dreg:$0x6];
	s21 =	simm.s32 $0x190  }
0x5a: {  	[spmem:s31] =	stream.linear.scatter [tilespmem:s21], [sflag:$0x1], $0x280, $0x38;
	[tilespmem:$0x1DE20] =	vst v63  }
0x5b: {  	s12 =	rddreg [dreg:$0x7]  }
0x5c: {  	[spmem:s12] =	stream.linear.scatter [tilespmem:s21], [sflag:$0x1], $0x280, $0x38;
	[tilespmem:$0x1DE20] =	vst v63  }
0x5d: {  	s13 =	rddreg [dreg:$0x8]  }
0x5e: {  	[spmem:s13] =	stream.linear.scatter [tilespmem:s21], [sflag:$0x1], $0x280, $0x38;
	[tilespmem:$0x1DE20] =	vst v63  }
0x5f: {  	s23 =	rddreg [dreg:$0xa]  }
0x60: {  	[spmem:s23] =	stream.linear.scatter [tilespmem:s21], [sflag:$0x1], $0x280, $0x38;
	[tilespmem:$0x1DE20] =	vst v63  }
0x61: {  	s31 =	rddreg [dreg:$0xc]  }
0x62: {  	[spmem:s31] =	stream.linear.scatter [tilespmem:s21], [sflag:$0x1], $0x280, $0x38;
	[tilespmem:$0x1DE20] =	vst v63  }
0x63: {  	s12 =	rddreg [dreg:$0xd]  }
0x64: {  	[spmem:s12] =	stream.linear.scatter [tilespmem:s21], [sflag:$0x1], $0x280, $0x38;
	[tilespmem:$0x1DE20] =	vst v63  }
0x65: {  	s13 =	rddreg [dreg:$0xe]  }
0x66: {  	[spmem:s13] =	stream.linear.scatter [tilespmem:s21], [sflag:$0x1], $0x280, $0x38;
	[tilespmem:$0x1DE20] =	vst v63  }
0x67: {  	s23 =	rddreg [dreg:$0xf]  }
0x68: {  	[spmem:s23] =	stream.linear.scatter [tilespmem:s21], [sflag:$0x1], $0x280, $0x38;
	[tilespmem:$0x1DE20] =	vst v63  }
0x69: {  	s31 =	rddreg [dreg:$0x10]  }
0x6a: {  	[spmem:s31] =	stream.linear.scatter [tilespmem:s21], [sflag:$0x1], $0x280, $0x38;
	[tilespmem:$0x1DE20] =	vst v63  }
0x6b: {  	s12 =	rddreg [dreg:$0x11]  }
0x6c: {  	[spmem:s12] =	stream.linear.scatter [tilespmem:s21], [sflag:$0x1], $0x280, $0x38;
	[tilespmem:$0x1DE20] =	vst v63  }
0x6d: {  	s13 =	rddreg [dreg:$0x12]  }
0x6e: {  	[spmem:s13] =	stream.linear.scatter [tilespmem:s21], [sflag:$0x1], $0x280, $0x38;
	[tilespmem:$0x1DE20] =	vst v63  }
0x6f: {  	s23 =	rddreg [dreg:$0x13]  }
0x70: {  	[spmem:s23] =	stream.linear.scatter [tilespmem:s21], [sflag:$0x1], $0x280, $0x38;
	[tilespmem:$0x1DE20] =	vst v63  }
0x71: {  	s31 =	rddreg [dreg:$0x14]  }
0x72: {  	[spmem:s31] =	stream.linear.scatter [tilespmem:s21], [sflag:$0x1], $0x280, $0x38;
	[tilespmem:$0x1DE20] =	vst v63  }
0x73: {  	s12 =	rddreg [dreg:$0x15]  }
0x74: {  	[spmem:s12] =	stream.linear.scatter [tilespmem:s21], [sflag:$0x1], $0x280, $0x38;
	[tilespmem:$0x1DE20] =	vst v63  }
0x75: {  	s13 =	rddreg [dreg:$0x16]  }
0x76: {  	[spmem:s13] =	stream.linear.scatter [tilespmem:s21], [sflag:$0x1], $0x280, $0x38;
	[tilespmem:$0x1DE20] =	vst v63  }
0x77: {  	s23 =	rddreg [dreg:$0x17]  }
0x78: {  	[spmem:s23] =	stream.linear.scatter [tilespmem:s21], [sflag:$0x1], $0x180, $0x38;
	[tilespmem:$0x1DE20] =	vst v63  }
0x79: {  	s0 =	simm.s32 @!p0 $0x190;
	s31 =	rddreg [dreg:$0x19]  }
0x7a: {  	[spmem:s24] =	stream.linear.scatter @!p0 [tilespmem:s0], [sflag:$0x1], $0x100, $0x38;
	[tilespmem:$0x1DE20] =	vst v63  }
0x7b: {  	s23 =	simm.s32 $0x1A90;
	s24 =	rddreg [dreg:$0x18]  }
0x7c: {  	[spmem:s24] =	stream.linear.scatter [tilespmem:s23], [sflag:$0x1], $0x1400, $0x38;
	[tilespmem:$0x1DE20] =	vst v63  }
0x7d: {  	s12 =	rddreg [dreg:$0x1a]  }
0x7e: {  	[spmem:s31] =	stream.linear.scatter [tilespmem:s23], [sflag:$0x1], $0x1400, $0x38;
	[tilespmem:$0x1DE20] =	vst v63  }
0x7f: {  	s13 =	rddreg [dreg:$0x1b]  }
0x80: {  	[spmem:s12] =	stream.linear.scatter [tilespmem:s23], [sflag:$0x1], $0x1400, $0x38;
	[tilespmem:$0x1DE20] =	vst v63  }
0x81: {  	s24 =	rddreg [dreg:$0x1c]  }
0x82: {  	[spmem:s13] =	stream.linear.scatter [tilespmem:s23], [sflag:$0x1], $0x1400, $0x38;
	[tilespmem:$0x1DE20] =	vst v63  }
0x83: {  	s31 =	rddreg [dreg:$0x1d]  }
0x84: {  	[spmem:s24] =	stream.linear.scatter [tilespmem:s23], [sflag:$0x1], $0x1400, $0x38;
	[tilespmem:$0x1DE20] =	vst v63  }
0x85: {  	s12 =	rddreg [dreg:$0x1e]  }
0x86: {  	[spmem:s31] =	stream.linear.scatter [tilespmem:s23], [sflag:$0x1], $0x1400, $0x38;
	[tilespmem:$0x1DE20] =	vst v63  }
0x87: {  	s13 =	rddreg [dreg:$0x1f]  }
0x88: {  	[spmem:s12] =	stream.linear.scatter [tilespmem:s23], [sflag:$0x1], $0x1400, $0x38;
	[tilespmem:$0x1DE20] =	vst v63  }
0x89: {  	s24 =	sld [smem:$0x7E5]  }
0x8a: {  	[spmem:s13] =	stream.linear.scatter [tilespmem:s23], [sflag:$0x1], $0x1400, $0x38;
	[tilespmem:$0x1DE20] =	vst v63  }
0x8b: {  	s31 =	sld [smem:$0x7E6]  }
0x8c: {  	[spmem:s24] =	stream.linear.scatter [tilespmem:s23], [sflag:$0x1], $0x1400, $0x38;
	[tilespmem:$0x1DE20] =	vst v63  }
0x8d: {  	s12 =	sld [smem:$0x7E7]  }
0x8e: {  	[spmem:s31] =	stream.linear.scatter [tilespmem:s23], [sflag:$0x1], $0x1400, $0x38;
	[tilespmem:$0x1DE20] =	vst v63  }
0x8f: {  	s13 =	sld [smem:$0x7E8]  }
0x90: {  	[spmem:s12] =	stream.linear.scatter [tilespmem:s23], [sflag:$0x1], $0x1400, $0x38;
	[tilespmem:$0x1DE20] =	vst v63  }
0x91: {  	s24 =	sld [smem:$0x7E9]  }
0x92: {  	[spmem:s13] =	stream.linear.scatter [tilespmem:s23], [sflag:$0x1], $0x1400, $0x38;
	[tilespmem:$0x1DE20] =	vst v63  }
0x93: {  	s31 =	sld [smem:$0x7EA]  }
0x94: {  	[spmem:s24] =	stream.linear.scatter [tilespmem:s23], [sflag:$0x1], $0x1400, $0x38;
	[tilespmem:$0x1DE20] =	vst v63  }
0x95: {  	s12 =	sld [smem:$0x7EB]  }
0x96: {  	[spmem:s31] =	stream.linear.scatter [tilespmem:s23], [sflag:$0x1], $0x1400, $0x38;
	[tilespmem:$0x1DE20] =	vst v63  }
0x97: {  	s13 =	sld [smem:$0x7EC]  }
0x98: {  	[spmem:s12] =	stream.linear.scatter [tilespmem:s23], [sflag:$0x1], $0x1400, $0x38;
	[tilespmem:$0x1DE20] =	vst v63  }
0x99: {  	s12 =	sld [smem:$0x7FC]  }
0x9a: {  	[spmem:s13] =	stream.linear.scatter [tilespmem:s23], [sflag:$0x1], $0xC00, $0x38;
	[tilespmem:$0x1DE20] =	vst v63  }
0x9b: {  	s0 =	simm.s32 @!p0 $0x1A90  }
0x9c: {  	[spmem:s12] =	stream.linear.scatter @!p0 [tilespmem:s0], [sflag:$0x1], $0x800, $0x38;
	[tilespmem:$0x1DE20] =	vst v63  }
0x9d: {  	_ =	swait.ge [sflag:s20], $0x280  }
0x9e: {  	[sflag:s20] =	ssyncset.done $0x0  }
0x9f: {  	[sflag:s20] =	ssyncadd.s32 $0xFFFFFD80  }
0xa0: {  	_ =	swait.ge [sflag:s20], $0x280  }
0xa1: {  	[sflag:s20] =	ssyncset.done $0x0  }
0xa2: {  	[sflag:s20] =	ssyncadd.s32 $0xFFFFFD80  }
0xa3: {  	_ =	swait.ge [sflag:s20], $0x280  }
0xa4: {  	[sflag:s20] =	ssyncset.done $0x0  }
0xa5: {  	[sflag:s20] =	ssyncadd.s32 $0xFFFFFD80  }
0xa6: {  	_ =	swait.ge [sflag:s20], $0x280  }
0xa7: {  	[sflag:s20] =	ssyncset.done $0x0  }
0xa8: {  	[sflag:s20] =	ssyncadd.s32 $0xFFFFFD80  }
0xa9: {  	_ =	swait.ge [sflag:s20], $0x280  }
0xaa: {  	[sflag:s20] =	ssyncset.done $0x0  }
0xab: {  	[sflag:s20] =	ssyncadd.s32 $0xFFFFFD80  }
0xac: {  	_ =	swait.ge [sflag:s20], $0x280  }
0xad: {  	[sflag:s20] =	ssyncset.done $0x0  }
0xae: {  	[sflag:s20] =	ssyncadd.s32 $0xFFFFFD80  }
0xaf: {  	_ =	swait.ge [sflag:s20], $0x280  }
0xb0: {  	[sflag:s20] =	ssyncset.done $0x0  }
0xb1: {  	[sflag:s20] =	ssyncadd.s32 $0xFFFFFD80  }
0xb2: {  	_ =	swait.ge [sflag:s20], $0x280  }
0xb3: {  	[sflag:s20] =	ssyncset.done $0x0  }
0xb4: {  	[sflag:s20] =	ssyncadd.s32 $0xFFFFFD80  }
0xb5: {  	_ =	swait.ge [sflag:s20], $0x280  }
0xb6: {  	[sflag:s20] =	ssyncset.done $0x0  }
0xb7: {  	[sflag:s20] =	ssyncadd.s32 $0xFFFFFD80  }
0xb8: {  	_ =	swait.ge [sflag:s20], $0x280  }
0xb9: {  	[sflag:s20] =	ssyncset.done $0x0  }
0xba: {  	[sflag:s20] =	ssyncadd.s32 $0xFFFFFD80  }
0xbb: {  	_ =	swait.ge [sflag:s20], $0x280  }
0xbc: {  	[sflag:s20] =	ssyncset.done $0x0  }
0xbd: {  	[sflag:s20] =	ssyncadd.s32 $0xFFFFFD80  }
0xbe: {  	_ =	swait.ge [sflag:s20], $0x280  }
0xbf: {  	[sflag:s20] =	ssyncset.done $0x0  }
0xc0: {  	[sflag:s20] =	ssyncadd.s32 $0xFFFFFD80  }
0xc1: {  	_ =	swait.ge [sflag:s20], $0x280  }
0xc2: {  	[sflag:s20] =	ssyncset.done $0x0  }
0xc3: {  	[sflag:s20] =	ssyncadd.s32 $0xFFFFFD80  }
0xc4: {  	_ =	swait.ge [sflag:s20], $0x280  }
0xc5: {  	[sflag:s20] =	ssyncset.done $0x0  }
0xc6: {  	[sflag:s20] =	ssyncadd.s32 $0xFFFFFD80  }
0xc7: {  	_ =	swait.ge [sflag:s20], $0x280  }
0xc8: {  	[sflag:s20] =	ssyncset.done $0x0  }
0xc9: {  	[sflag:s20] =	ssyncadd.s32 $0xFFFFFD80  }
0xca: {  	_ =	swait.ge [sflag:s20], $0x180  }
0xcb: {  	[sflag:s20] =	ssyncset.done $0x0  }
0xcc: {  	s0 =	simm.s32 @!p0 $0x1;
	[sflag:s20] =	ssyncadd.s32 $0xFFFFFE80  }
0xcd: {  	_ =	swait.ge @!p0 [sflag:s0], $0x100  }
0xce: {  	[sflag:s0] =	ssyncset.done @!p0 $0x0  }
0xcf: {  	[sflag:s0] =	ssyncadd.s32 @!p0 $0xFFFFFF00  }
0xd0: {  	_ =	swait.ge [sflag:s20], $0x1400  }
0xd1: {  	[sflag:s20] =	ssyncset.done $0x0  }
0xd2: {  	[sflag:s20] =	ssyncadd.s32 $0xFFFFEC00  }
0xd3: {  	_ =	swait.ge [sflag:s20], $0x1400  }
0xd4: {  	[sflag:s20] =	ssyncset.done $0x0  }
0xd5: {  	[sflag:s20] =	ssyncadd.s32 $0xFFFFEC00  }
0xd6: {  	_ =	swait.ge [sflag:s20], $0x1400  }
0xd7: {  	[sflag:s20] =	ssyncset.done $0x0  }
0xd8: {  	[sflag:s20] =	ssyncadd.s32 $0xFFFFEC00  }
0xd9: {  	_ =	swait.ge [sflag:s20], $0x1400  }
0xda: {  	[sflag:s20] =	ssyncset.done $0x0  }
0xdb: {  	[sflag:s20] =	ssyncadd.s32 $0xFFFFEC00  }
0xdc: {  	_ =	swait.ge [sflag:s20], $0x1400  }
0xdd: {  	[sflag:s20] =	ssyncset.done $0x0  }
0xde: {  	[sflag:s20] =	ssyncadd.s32 $0xFFFFEC00  }
0xdf: {  	_ =	swait.ge [sflag:s20], $0x1400  }
0xe0: {  	[sflag:s20] =	ssyncset.done $0x0  }
0xe1: {  	[sflag:s20] =	ssyncadd.s32 $0xFFFFEC00  }
0xe2: {  	_ =	swait.ge [sflag:s20], $0x1400  }
0xe3: {  	[sflag:s20] =	ssyncset.done $0x0  }
0xe4: {  	[sflag:s20] =	ssyncadd.s32 $0xFFFFEC00  }
0xe5: {  	_ =	swait.ge [sflag:s20], $0x1400  }
0xe6: {  	[sflag:s20] =	ssyncset.done $0x0  }
0xe7: {  	[sflag:s20] =	ssyncadd.s32 $0xFFFFEC00  }
0xe8: {  	_ =	swait.ge [sflag:s20], $0x1400  }
0xe9: {  	[sflag:s20] =	ssyncset.done $0x0  }
0xea: {  	[sflag:s20] =	ssyncadd.s32 $0xFFFFEC00  }
0xeb: {  	_ =	swait.ge [sflag:s20], $0x1400  }
0xec: {  	[sflag:s20] =	ssyncset.done $0x0  }
0xed: {  	[sflag:s20] =	ssyncadd.s32 $0xFFFFEC00  }
0xee: {  	_ =	swait.ge [sflag:s20], $0x1400  }
0xef: {  	[sflag:s20] =	ssyncset.done $0x0  }
0xf0: {  	[sflag:s20] =	ssyncadd.s32 $0xFFFFEC00  }
0xf1: {  	_ =	swait.ge [sflag:s20], $0x1400  }
0xf2: {  	[sflag:s20] =	ssyncset.done $0x0  }
0xf3: {  	[sflag:s20] =	ssyncadd.s32 $0xFFFFEC00  }
0xf4: {  	_ =	swait.ge [sflag:s20], $0x1400  }
0xf5: {  	[sflag:s20] =	ssyncset.done $0x0  }
0xf6: {  	[sflag:s20] =	ssyncadd.s32 $0xFFFFEC00  }
0xf7: {  	_ =	swait.ge [sflag:s20], $0x1400  }
0xf8: {  	[sflag:s20] =	ssyncset.done $0x0  }
0xf9: {  	[sflag:s20] =	ssyncadd.s32 $0xFFFFEC00  }
0xfa: {  	_ =	swait.ge [sflag:s20], $0x1400  }
0xfb: {  	[sflag:s20] =	ssyncset.done $0x0  }
0xfc: {  	[sflag:s20] =	ssyncadd.s32 $0xFFFFEC00  }
0xfd: {  	_ =	swait.ge [sflag:s20], $0xC00  }
0xfe: {  	[sflag:s20] =	ssyncset.done $0x0  }
0xff: {  	[sflag:s20] =	ssyncadd.s32 $0xFFFFF400  }
0x100: {  	_ =	swait.ge @!p0 [sflag:s0], $0x800  }
0x101: {  	[sflag:s0] =	ssyncset.done @!p0 $0x0  }
0x102: {  	[sflag:s0] =	ssyncadd.s32 @!p0 $0xFFFFF800  }
0x103: {  	[bflag:$0x0] =	sbarrier.arrive $0xFFFF  }
0x104: {  	s24 =	sld [smem:$0x7EF];
	_ =	sdelay $0x1  }
0x105: {  	s13 =	simm.s32 $0x0;
	s31 =	sld [smem:$0x7F0]  }
0x106: {  	[tilespmem:s13], [sflag:$0x1] =	stream.linear.gather [hbm4b:s24+s13], $0x28, $0x38;
	[tilespmem:$0x1DE20] =	vst v63  }
0x107: {  	s12 =	simm.s32 $0xC8;
	s24 =	sld [smem:$0x7ED]  }
0x108: {  	[tilespmem:s12], [sflag:$0x1] =	stream.linear.gather [hbm4b:s31+s13], $0x28, $0x38;
	[tilespmem:$0x1DE20] =	vst v63  }
0x109: {  	s31 =	sld [smem:$0x7EE]  }
0x10a: {  	[tilespmem:s22], [sflag:$0x2] =	stream.linear.gather [hbm4b:s24+s13], $0x28, $0x38;
	[tilespmem:$0x1DE20] =	vst v63  }
0x10b: {  	s0 =	sld [smem:$0x7F1];
	s24 =	simm.s32 $0xF0  }
0x10c: {  	[tilespmem:s24], [sflag:$0x2] =	stream.linear.gather [hbm4b:s31+s13], $0x28, $0x38;
	[tilespmem:$0x1DE20] =	vst v63  }
0x10d: {  	s31 =	simm.s32 $0x50  }
0x10e: {  	[tilespmem:s31], [sflag:$0x3] =	stream.linear.gather [hbm4b:s0+s13], $0x28, $0x38;
	[tilespmem:$0x1DE20] =	vst v63  }
0x10f: {  	s31 =	sld [smem:$0x7F2];
	_ =	sdelay $0x2  }
0x110: {  	[tilespmem:s25], [sflag:$0x3] =	stream.linear.gather [hbm4b:s31+s13], $0x28, $0x38;
	[tilespmem:$0x1DE20] =	vst v63  }
0x111: {  	_ =	swait.ge [sflag:s20], $0x28  }
0x112: {  	[sflag:s20] =	ssyncset.done $0x0  }
0x113: {  	[sflag:s20] =	ssyncadd.s32 $0xFFFFFFD8  }
0x114: {  	_ =	swait.ge [sflag:s20], $0x28  }
0x115: {  	[sflag:s20] =	ssyncset.done $0x0  }
0x116: {  	[sflag:s20] =	ssyncadd.s32 $0xFFFFFFD8  }
0x117: {  	[tilespmem:s21], [sflag:$0x6] =	stream.indirect.gather [hbm4b:s5+s22], $0x10, s13, s22, $0xb8;
	[tilespmem:$0x1DE20] =	vst v63  }
0x118: {  	s31 =	simm.s32 $0xE10  }
0x119: {  	[tilespmem:s31], [sflag:$0x6] =	stream.indirect.gather [hbm4b:s7+s22], $0x10, s12, s22, $0xb8;
	[tilespmem:$0x1DE20] =	vst v63  }
0x11a: {  	_ = 	snop  }
0x11b: {  	[tilespmem:s23], [sflag:$0x6] =	stream.indirect.gather [hbm4b:s1+s22], $0x80, s13, s22, $0xb8;
	[tilespmem:$0x1DE20] =	vst v63  }
0x11c: {  	s13 =	simm.s32 $0x2  }
0x11d: {  	_ =	swait.ge [sflag:s13], $0x28  }
0x11e: {  	[sflag:s13] =	ssyncset.done $0x0  }
0x11f: {  	[sflag:s13] =	ssyncadd.s32 $0xFFFFFFD8  }
0x120: {  	_ =	swait.ge [sflag:s13], $0x28  }
0x121: {  	[sflag:s13] =	ssyncset.done $0x0  }
0x122: {  	s21 =	simm.s32 $0x410;
	[sflag:s13] =	ssyncadd.s32 $0xFFFFFFD8  }
0x123: {  	[tilespmem:s21], [sflag:$0x7] =	stream.indirect.gather [hbm4b:s5+s22], $0x10, s22, s22, $0xb8;
	[tilespmem:$0x1DE20] =	vst v63  }
0x124: {  	s23 =	simm.s32 $0x1090  }
0x125: {  	[tilespmem:s23], [sflag:$0x7] =	stream.indirect.gather [hbm4b:s7+s22], $0x10, s24, s22, $0xb8;
	[tilespmem:$0x1DE20] =	vst v63  }
0x126: {  	s31 =	simm.s32 $0x2E90;
	s13 =	simm.s32 $0x78;
	s24 =	simm.s32 $0x0  }
0x127: {  	[tilespmem:s31], [sflag:$0x7] =	stream.indirect.gather [hbm4b:s1+s22], $0x80, s22, s22, $0xb8;
	[tilespmem:$0x1DE20] =	vst v63  }
.LBB2_4:
0x128: {  	p1 =	seq.s32 s24, $0x0  }
0x129: {  	s0 =	simm.s32 @!p1 $0xE  }
0x12a: {  	_ =	swait.ge @!p1 [sflag:s0], $0x280  }
0x12b: {  	[sflag:s0] =	ssyncset.done @!p1 $0x0  }
0x12c: {  	[sflag:s0] =	ssyncadd.s32 @!p1 $0xFFFFFD80  }
0x12d: {  	_ =	swait.ge @!p1 [sflag:s0], $0x1400  }
0x12e: {  	s12 =	sld [smem:$0x7F3]  }
0x12f: {  	s31 =	smul.u32 $0xC8, s24;
	_ =	sdelay $0x1  }
0x130: {  	s21 =	sadd.s32 s31, s12  }
0x131: {  	[sflag:s0] =	ssyncset.done @!p1 $0x0;
	s21 =	sshrl.u32 s21, $0x3  }
0x132: {  	[sflag:s0] =	ssyncadd.s32 @!p1 $0xFFFFEC00;
	s12 =	simm.s32 $0x0;
	s23 =	sadd.s32 s8, s21  }
0x133: {  	[tilespmem:s13], [sflag:$0x4] =	stream.linear.gather [hbm4b:s23+s12], $0x28, $0x38;
	[tilespmem:$0x1DE20] =	vst v63  }
0x134: {  	s23 =	sadd.s32 s9, s21  }
0x135: {  	[tilespmem:s14], [sflag:$0x4] =	stream.linear.gather [hbm4b:s23+s12], $0x28, $0x38;
	[tilespmem:$0x1DE20] =	vst v63  }
0x136: {  	_ =	swait.ge [sflag:s15], $0x28  }
0x137: {  	[sflag:s15] =	ssyncset.done $0x0  }
0x138: {  	[sflag:s15] =	ssyncadd.s32 $0xFFFFFFD8  }
0x139: {  	_ =	swait.ge [sflag:s15], $0x28  }
0x13a: {  	[sflag:s15] =	ssyncset.done $0x0  }
0x13b: {  	s0 =	simm.s32 $0x50;
	s21 =	simm.s32 $0x690;
	[sflag:s15] =	ssyncadd.s32 $0xFFFFFFD8  }
0x13c: {  	[tilespmem:s21], [sflag:$0x8] =	stream.indirect.gather [hbm4b:s5+s22], $0x10, s0, s22, $0xb8;
	[tilespmem:$0x1DE20] =	vst v63  }
0x13d: {  	s23 =	simm.s32 $0x1310  }
0x13e: {  	[tilespmem:s23], [sflag:$0x8] =	stream.indirect.gather [hbm4b:s7+s22], $0x10, s25, s22, $0xb8;
	[tilespmem:$0x1DE20] =	vst v63  }
0x13f: {  	s21 =	simm.s32 $0x4290  }
0x140: {  	[tilespmem:s21], [sflag:$0x8] =	stream.indirect.gather [hbm4b:s1+s22], $0x80, s0, s22, $0xb8;
	[tilespmem:$0x1DE20] =	vst v63  }
0x141: {  	_ =	swait.ge [sflag:s29], $0x280  }
0x142: {  	[sflag:s29] =	ssyncset.done $0x0  }
0x143: {  	[sflag:s29] =	ssyncadd.s32 $0xFFFFFD80  }
0x144: {  	_ =	swait.ge [sflag:s29], $0x280  }
0x145: {  	[sflag:s29] =	ssyncset.done $0x0  }
0x146: {  	[sflag:s29] =	ssyncadd.s32 $0xFFFFFD80  }
0x147: {  	_ =	swait.ge [sflag:s29], $0x1400  }
0x148: {  	[sflag:s29] =	ssyncset.done $0x0  }
0x149: {  	s23 =	simm.s32 $0x0;
	[sflag:s29] =	ssyncadd.s32 $0xFFFFEC00  }
0x14a: {  	v9 =	vld [tilespmem:s23+$0xE10]  }
0x14b: {  	v10 =	vld [tilespmem:s23+$0x190];
	_ =	sdelay $0x4  }
0x14c: {  	v9 =	vadd.f32 v9, v10;
	_ =	sdelay $0x1  }
0x14d: {  	v10 =	vmul.f32 $2.000000030e-01, v9;
	_ =	sdelay $0x1  }
0x14e: {  	v9 =	vmax.f32 v9, v10  }
0x14f: {  	v9 =	vmul.f32 $1.442695020e+00, v9;
	_ =	sdelay $0x1  }
0x150: {  	(erf) = vpow2.f32 v9;
	_ =	sdelay $0x8  }
0x151: {  	v9 =	vpop (erf)  }
0x152: {  	s0 =	simm.s32 $0x1AD0;
	[tilespmem:s23+$0x190] =	vst v9  }
0x153: {  	v10 =	vld [tilespmem:s0+$0xFFFFFFC0]  }
0x154: {  	v13 =	vperm.xlane v9, v1;
	v11 =	vld [tilespmem:s0+$0xFFFFFFD0]  }
0x155: {  	v15 =	vperm.xlane v9, v2;
	v17 =	vperm.xlane v9, v3;
	v61 =	vld [tilespmem:s0+$0x30]  }
0x156: {  	v18 =	vperm.xlane v9, v4;
	v19 =	vperm.xlane v9, v5;
	v12 =	vld [tilespmem:s0+$0xFFFFFFE0]  }
0x157: {  	v62 =	vperm.xlane v9, v6;
	v63 =	vperm.xlane v9, v7;
	v14 =	vld [tilespmem:s0+$0xFFFFFFF0]  }
0x158: {  	v9 =	vperm.xlane v9, v8;
	v16 =	vld [tilespmem:s0+$0x0];
	v10 =	vmul.f32 v10, v13  }
0x159: {  	v59 =	vld [tilespmem:s0+$0x10];
	v11 =	vmul.f32 v11, v15  }
0x15a: {  	v60 =	vld [tilespmem:s0+$0x20];
	v9 =	vmul.f32 v61, v9;
	[tilespmem:s0+$0xFFFFFFC0] =	vst v10  }
0x15b: {  	v10 =	vmul.f32 v12, v17;
	[tilespmem:s0+$0xFFFFFFD0] =	vst v11  }
0x15c: {  	v11 =	vmul.f32 v14, v18;
	[tilespmem:s0+$0x30] =	vst v9  }
0x15d: {  	[tilespmem:s0+$0xFFFFFFE0] =	vst v10;
	v10 =	vmul.f32 v16, v19  }
0x15e: {  	[tilespmem:s0+$0xFFFFFFF0] =	vst v11;
	v11 =	vmul.f32 v59, v62  }
0x15f: {  	[tilespmem:s0+$0x0] =	vst v10;
	v10 =	vmul.f32 v60, v63  }
0x160: {  	[tilespmem:s0+$0x10] =	vst v11  }
0x161: {  	s23 =	simm.s32 $0x10;
	[tilespmem:s0+$0x20] =	vst v10  }
0x162: {  	s21 =	simm.s32 $0x80;
	v9 =	vld [tilespmem:s23+$0xE10]  }
.LBB2_5:
0x163: {  	p2 =	sne.s32 s21, $0x9C0;
	v10 =	vld [tilespmem:s23+$0x190];
	_ =	sdelay $0x4  }
0x164: {  	v9 =	vadd.f32 v9, v10;
	_ =	sdelay $0x1  }
0x165: {  	v10 =	vmul.f32 $2.000000030e-01, v9;
	_ =	sdelay $0x1  }
0x166: {  	v9 =	vmax.f32 v9, v10  }
0x167: {  	v9 =	vmul.f32 $1.442695020e+00, v9;
	_ =	sdelay $0x1  }
0x168: {  	(erf) = vpow2.f32 v9;
	_ =	sdelay $0x8  }
0x169: {  	v9 =	vpop (erf)  }
0x16a: {  	s0 =	sadd.s32 $0x80, s0;
	[tilespmem:s23+$0x190] =	vst v9;
	v10 =	vperm.xlane v9, v2;
	v11 =	vperm.xlane v9, v3  }
0x16b: {  	v13 =	vperm.xlane v9, v4;
	v14 =	vperm.xlane v9, v5;
	v12 =	vld [tilespmem:s0+$0xFFFFFFC0]  }
0x16c: {  	v16 =	vperm.xlane v9, v6;
	v17 =	vperm.xlane v9, v7;
	v15 =	vld [tilespmem:s0+$0xFFFFFFD0]  }
0x16d: {  	v18 =	vperm.xlane v9, v1;
	v9 =	vperm.xlane v9, v8;
	v19 =	vld [tilespmem:s0+$0xFFFFFFE0]  }
0x16e: {  	v20 =	vld [tilespmem:s0+$0xFFFFFFF0]  }
0x16f: {  	v21 =	vld [tilespmem:s0+$0x0]  }
0x170: {  	v12 =	vmul.f32 v12, v18;
	v18 =	vld [tilespmem:s0+$0x10]  }
0x171: {  	v10 =	vmul.f32 v15, v10;
	v15 =	vld [tilespmem:s0+$0x20]  }
0x172: {  	[tilespmem:s0+$0xFFFFFFC0] =	vst v12;
	v11 =	vmul.f32 v19, v11;
	v12 =	vld [tilespmem:s0+$0x30]  }
0x173: {  	[tilespmem:s0+$0xFFFFFFD0] =	vst v10;
	v10 =	vmul.f32 v20, v13  }
0x174: {  	[tilespmem:s0+$0xFFFFFFE0] =	vst v11;
	v11 =	vmul.f32 v21, v14  }
0x175: {  	[tilespmem:s0+$0xFFFFFFF0] =	vst v10;
	v10 =	vmul.f32 v18, v16  }
.Ltmp1:
0x176: {  	[tilespmem:s0+$0x0] =	vst v11;
	v11 =	vmul.f32 v15, v17;
	(pc) =	sbr.rel @p2 .LBB2_5-.Ltmp1, $4  }
0x177: {  	[tilespmem:s0+$0x10] =	vst v10;
	v9 =	vmul.f32 v12, v9  }
0x178: {  	[tilespmem:s0+$0x20] =	vst v11  }
0x179: {  	s23 =	sshra.s32 s21, $0x2;
	[tilespmem:s0+$0x30] =	vst v9  }
0x17a: {  	s21 =	sadd.s32 $0x40, s21;
	v9 =	vld [tilespmem:s23+$0xE10]  }
0x17b: {  	v10 =	vld [tilespmem:s23+$0x190];
	_ =	sdelay $0x4  }
0x17c: {  	v9 =	vadd.f32 v9, v10;
	_ =	sdelay $0x1  }
0x17d: {  	v10 =	vmul.f32 $2.000000030e-01, v9;
	_ =	sdelay $0x1  }
0x17e: {  	v9 =	vmax.f32 v9, v10  }
0x17f: {  	v9 =	vmul.f32 $1.442695020e+00, v9;
	_ =	sdelay $0x1  }
0x180: {  	(erf) = vpow2.f32 v9;
	_ =	sdelay $0x8  }
0x181: {  	v9 =	vpop (erf)  }
0x182: {  	s0 =	sadd.s32 $0x80, s0;
	[tilespmem:s23+$0x190] =	vst v9  }
0x183: {  	v10 =	vld [tilespmem:s0+$0xFFFFFFC0]  }
0x184: {  	v13 =	vperm.xlane v9, v1;
	v11 =	vld [tilespmem:s0+$0xFFFFFFD0]  }
0x185: {  	v15 =	vperm.xlane v9, v2;
	v17 =	vperm.xlane v9, v3;
	v48 =	vld [tilespmem:s0+$0x30]  }
0x186: {  	v18 =	vperm.xlane v9, v4;
	v19 =	vperm.xlane v9, v5;
	v12 =	vld [tilespmem:s0+$0xFFFFFFE0]  }
0x187: {  	v49 =	vperm.xlane v9, v6;
	v50 =	vperm.xlane v9, v7;
	v14 =	vld [tilespmem:s0+$0xFFFFFFF0]  }
0x188: {  	v9 =	vperm.xlane v9, v8;
	v16 =	vld [tilespmem:s0+$0x0];
	v10 =	vmul.f32 v10, v13  }
0x189: {  	v46 =	vld [tilespmem:s0+$0x10];
	v11 =	vmul.f32 v11, v15  }
0x18a: {  	v47 =	vld [tilespmem:s0+$0x20];
	v9 =	vmul.f32 v48, v9;
	[tilespmem:s0+$0xFFFFFFC0] =	vst v10  }
0x18b: {  	v10 =	vmul.f32 v12, v17;
	[tilespmem:s0+$0xFFFFFFD0] =	vst v11  }
0x18c: {  	v11 =	vmul.f32 v14, v18;
	[tilespmem:s0+$0x30] =	vst v9  }
0x18d: {  	[tilespmem:s0+$0xFFFFFFE0] =	vst v10;
	v10 =	vmul.f32 v16, v19  }
0x18e: {  	[tilespmem:s0+$0xFFFFFFF0] =	vst v11;
	v11 =	vmul.f32 v46, v49  }
0x18f: {  	[tilespmem:s0+$0x0] =	vst v10;
	v10 =	vmul.f32 v47, v50  }
0x190: {  	[tilespmem:s0+$0x10] =	vst v11  }
0x191: {  	s21 =	simm.s32 $0x190;
	s12 =	simm.s32 $0xC8;
	[tilespmem:s0+$0x20] =	vst v10  }
0x192: {  	[spmem:s2] =	stream.indirect.scatter.add.f32 [tilespmem:s21], [sflag:$0xB], $0x10, s12, s22, $0xb8;
	[tilespmem:$0x1DE20] =	vst v63  }
0x193: {  	s23 =	simm.s32 $0x1A90;
	s0 =	simm.s32 @!p1 $0xF  }
0x194: {  	[spmem:s3] =	stream.indirect.scatter.add.f32 [tilespmem:s23], [sflag:$0xB], $0x80, s12, s22, $0xb8;
	[tilespmem:$0x1DE20] =	vst v63  }
0x195: {  	_ =	swait.ge @!p1 [sflag:s0], $0x280  }
0x196: {  	[sflag:s0] =	ssyncset.done @!p1 $0x0  }
0x197: {  	[sflag:s0] =	ssyncadd.s32 @!p1 $0xFFFFFD80  }
0x198: {  	_ =	swait.ge @!p1 [sflag:s0], $0x1400  }
0x199: {  	s21 =	sld [smem:$0x7F4];
	_ =	sdelay $0x2  }
0x19a: {  	s21 =	sadd.s32 s31, s21  }
0x19b: {  	[sflag:s0] =	ssyncset.done @!p1 $0x0;
	s21 =	sshrl.u32 s21, $0x3  }
0x19c: {  	s12 =	simm.s32 $0x0;
	[sflag:s0] =	ssyncadd.s32 @!p1 $0xFFFFEC00;
	s23 =	sadd.s32 s8, s21  }
0x19d: {  	[tilespmem:s26], [sflag:$0x5] =	stream.linear.gather [hbm4b:s23+s12], $0x28, $0x38;
	[tilespmem:$0x1DE20] =	vst v63  }
0x19e: {  	s21 =	sadd.s32 s9, s21  }
0x19f: {  	[tilespmem:s4], [sflag:$0x5] =	stream.linear.gather [hbm4b:s21+s12], $0x28, $0x38;
	[tilespmem:$0x1DE20] =	vst v63  }
0x1a0: {  	_ =	swait.ge [sflag:s16], $0x28  }
0x1a1: {  	[sflag:s16] =	ssyncset.done $0x0  }
0x1a2: {  	[sflag:s16] =	ssyncadd.s32 $0xFFFFFFD8  }
0x1a3: {  	_ =	swait.ge [sflag:s16], $0x28  }
0x1a4: {  	[sflag:s16] =	ssyncset.done $0x0  }
0x1a5: {  	s23 =	simm.s32 $0x910;
	[sflag:s16] =	ssyncadd.s32 $0xFFFFFFD8  }
0x1a6: {  	[tilespmem:s23], [sflag:$0x9] =	stream.indirect.gather [hbm4b:s5+s22], $0x10, s13, s22, $0xb8;
	[tilespmem:$0x1DE20] =	vst v63  }
0x1a7: {  	s12 =	simm.s32 $0x1590  }
0x1a8: {  	[tilespmem:s12], [sflag:$0x9] =	stream.indirect.gather [hbm4b:s7+s22], $0x10, s14, s22, $0xb8;
	[tilespmem:$0x1DE20] =	vst v63  }
0x1a9: {  	s21 =	simm.s32 $0x5690  }
0x1aa: {  	[tilespmem:s21], [sflag:$0x9] =	stream.indirect.gather [hbm4b:s1+s22], $0x80, s13, s22, $0xb8;
	[tilespmem:$0x1DE20] =	vst v63  }
0x1ab: {  	_ =	swait.ge [sflag:s18], $0x280  }
0x1ac: {  	[sflag:s18] =	ssyncset.done $0x0  }
0x1ad: {  	[sflag:s18] =	ssyncadd.s32 $0xFFFFFD80  }
0x1ae: {  	_ =	swait.ge [sflag:s18], $0x280  }
0x1af: {  	[sflag:s18] =	ssyncset.done $0x0  }
0x1b0: {  	[sflag:s18] =	ssyncadd.s32 $0xFFFFFD80  }
0x1b1: {  	_ =	swait.ge [sflag:s18], $0x1400  }
0x1b2: {  	[sflag:s18] =	ssyncset.done $0x0  }
0x1b3: {  	s23 =	simm.s32 $0x0;
	[sflag:s18] =	ssyncadd.s32 $0xFFFFEC00  }
0x1b4: {  	v9 =	vld [tilespmem:s23+$0x1090]  }
0x1b5: {  	v10 =	vld [tilespmem:s23+$0x410];
	_ =	sdelay $0x4  }
0x1b6: {  	v9 =	vadd.f32 v9, v10;
	_ =	sdelay $0x1  }
0x1b7: {  	v10 =	vmul.f32 $2.000000030e-01, v9;
	_ =	sdelay $0x1  }
0x1b8: {  	v9 =	vmax.f32 v9, v10  }
0x1b9: {  	v9 =	vmul.f32 $1.442695020e+00, v9;
	_ =	sdelay $0x1  }
0x1ba: {  	(erf) = vpow2.f32 v9;
	_ =	sdelay $0x8  }
0x1bb: {  	v9 =	vpop (erf)  }
0x1bc: {  	s0 =	simm.s32 $0x2ED0;
	[tilespmem:s23+$0x410] =	vst v9  }
0x1bd: {  	v10 =	vld [tilespmem:s0+$0xFFFFFFC0]  }
0x1be: {  	v52 =	vperm.xlane v9, v1;
	v11 =	vld [tilespmem:s0+$0xFFFFFFD0]  }
0x1bf: {  	v54 =	vperm.xlane v9, v2;
	v56 =	vperm.xlane v9, v3;
	v61 =	vld [tilespmem:s0+$0x30]  }
0x1c0: {  	v58 =	vperm.xlane v9, v4;
	v60 =	vperm.xlane v9, v5;
	v51 =	vld [tilespmem:s0+$0xFFFFFFE0]  }
0x1c1: {  	v62 =	vperm.xlane v9, v6;
	v63 =	vperm.xlane v9, v7;
	v53 =	vld [tilespmem:s0+$0xFFFFFFF0]  }
0x1c2: {  	v9 =	vperm.xlane v9, v8;
	v55 =	vld [tilespmem:s0+$0x0];
	v10 =	vmul.f32 v10, v52  }
0x1c3: {  	v57 =	vld [tilespmem:s0+$0x10];
	v11 =	vmul.f32 v11, v54  }
0x1c4: {  	v59 =	vld [tilespmem:s0+$0x20];
	v9 =	vmul.f32 v61, v9;
	[tilespmem:s0+$0xFFFFFFC0] =	vst v10  }
0x1c5: {  	v10 =	vmul.f32 v51, v56;
	[tilespmem:s0+$0xFFFFFFD0] =	vst v11  }
0x1c6: {  	v11 =	vmul.f32 v53, v58;
	[tilespmem:s0+$0x30] =	vst v9  }
0x1c7: {  	[tilespmem:s0+$0xFFFFFFE0] =	vst v10;
	v10 =	vmul.f32 v55, v60  }
0x1c8: {  	[tilespmem:s0+$0xFFFFFFF0] =	vst v11;
	v11 =	vmul.f32 v57, v62  }
0x1c9: {  	[tilespmem:s0+$0x0] =	vst v10;
	v10 =	vmul.f32 v59, v63  }
0x1ca: {  	[tilespmem:s0+$0x10] =	vst v11  }
0x1cb: {  	s23 =	simm.s32 $0x10;
	[tilespmem:s0+$0x20] =	vst v10  }
0x1cc: {  	s21 =	simm.s32 $0x80;
	v9 =	vld [tilespmem:s23+$0x1090]  }
.LBB2_7:
0x1cd: {  	p1 =	sne.s32 s21, $0x9C0;
	v10 =	vld [tilespmem:s23+$0x410];
	_ =	sdelay $0x4  }
0x1ce: {  	v9 =	vadd.f32 v9, v10;
	_ =	sdelay $0x1  }
0x1cf: {  	v10 =	vmul.f32 $2.000000030e-01, v9;
	_ =	sdelay $0x1  }
0x1d0: {  	v9 =	vmax.f32 v9, v10  }
0x1d1: {  	v9 =	vmul.f32 $1.442695020e+00, v9;
	_ =	sdelay $0x1  }
0x1d2: {  	(erf) = vpow2.f32 v9;
	_ =	sdelay $0x8  }
0x1d3: {  	v9 =	vpop (erf)  }
0x1d4: {  	s0 =	sadd.s32 $0x80, s0;
	[tilespmem:s23+$0x410] =	vst v9;
	v10 =	vperm.xlane v9, v2;
	v11 =	vperm.xlane v9, v3  }
0x1d5: {  	v13 =	vperm.xlane v9, v4;
	v14 =	vperm.xlane v9, v5;
	v12 =	vld [tilespmem:s0+$0xFFFFFFC0]  }
0x1d6: {  	v16 =	vperm.xlane v9, v6;
	v17 =	vperm.xlane v9, v7;
	v15 =	vld [tilespmem:s0+$0xFFFFFFD0]  }
0x1d7: {  	v18 =	vperm.xlane v9, v1;
	v9 =	vperm.xlane v9, v8;
	v19 =	vld [tilespmem:s0+$0xFFFFFFE0]  }
0x1d8: {  	v20 =	vld [tilespmem:s0+$0xFFFFFFF0]  }
0x1d9: {  	v21 =	vld [tilespmem:s0+$0x0]  }
0x1da: {  	v12 =	vmul.f32 v12, v18;
	v18 =	vld [tilespmem:s0+$0x10]  }
0x1db: {  	v10 =	vmul.f32 v15, v10;
	v15 =	vld [tilespmem:s0+$0x20]  }
0x1dc: {  	[tilespmem:s0+$0xFFFFFFC0] =	vst v12;
	v11 =	vmul.f32 v19, v11;
	v12 =	vld [tilespmem:s0+$0x30]  }
0x1dd: {  	[tilespmem:s0+$0xFFFFFFD0] =	vst v10;
	v10 =	vmul.f32 v20, v13  }
0x1de: {  	[tilespmem:s0+$0xFFFFFFE0] =	vst v11;
	v11 =	vmul.f32 v21, v14  }
0x1df: {  	[tilespmem:s0+$0xFFFFFFF0] =	vst v10;
	v10 =	vmul.f32 v18, v16  }
.Ltmp2:
0x1e0: {  	[tilespmem:s0+$0x0] =	vst v11;
	v11 =	vmul.f32 v15, v17;
	(pc) =	sbr.rel @p1 .LBB2_7-.Ltmp2, $4  }
0x1e1: {  	[tilespmem:s0+$0x10] =	vst v10;
	v9 =	vmul.f32 v12, v9  }
0x1e2: {  	[tilespmem:s0+$0x20] =	vst v11  }
0x1e3: {  	s23 =	sshra.s32 s21, $0x2;
	[tilespmem:s0+$0x30] =	vst v9  }
0x1e4: {  	s21 =	sadd.s32 $0x40, s21;
	v9 =	vld [tilespmem:s23+$0x1090]  }
0x1e5: {  	v10 =	vld [tilespmem:s23+$0x410];
	_ =	sdelay $0x4  }
0x1e6: {  	v9 =	vadd.f32 v9, v10;
	_ =	sdelay $0x1  }
0x1e7: {  	v10 =	vmul.f32 $2.000000030e-01, v9;
	_ =	sdelay $0x1  }
0x1e8: {  	v9 =	vmax.f32 v9, v10  }
0x1e9: {  	v9 =	vmul.f32 $1.442695020e+00, v9;
	_ =	sdelay $0x1  }
0x1ea: {  	(erf) = vpow2.f32 v9;
	_ =	sdelay $0x8  }
0x1eb: {  	v9 =	vpop (erf)  }
0x1ec: {  	s0 =	sadd.s32 $0x80, s0;
	[tilespmem:s23+$0x410] =	vst v9  }
0x1ed: {  	v10 =	vld [tilespmem:s0+$0xFFFFFFC0]  }
0x1ee: {  	v13 =	vperm.xlane v9, v1;
	v11 =	vld [tilespmem:s0+$0xFFFFFFD0]  }
0x1ef: {  	v15 =	vperm.xlane v9, v2;
	v17 =	vperm.xlane v9, v3;
	v48 =	vld [tilespmem:s0+$0x30]  }
0x1f0: {  	v18 =	vperm.xlane v9, v4;
	v19 =	vperm.xlane v9, v5;
	v12 =	vld [tilespmem:s0+$0xFFFFFFE0]  }
0x1f1: {  	v49 =	vperm.xlane v9, v6;
	v50 =	vperm.xlane v9, v7;
	v14 =	vld [tilespmem:s0+$0xFFFFFFF0]  }
0x1f2: {  	v9 =	vperm.xlane v9, v8;
	v16 =	vld [tilespmem:s0+$0x0];
	v10 =	vmul.f32 v10, v13  }
0x1f3: {  	v46 =	vld [tilespmem:s0+$0x10];
	v11 =	vmul.f32 v11, v15  }
0x1f4: {  	v47 =	vld [tilespmem:s0+$0x20];
	v9 =	vmul.f32 v48, v9;
	[tilespmem:s0+$0xFFFFFFC0] =	vst v10  }
0x1f5: {  	v10 =	vmul.f32 v12, v17;
	[tilespmem:s0+$0xFFFFFFD0] =	vst v11  }
0x1f6: {  	v11 =	vmul.f32 v14, v18;
	[tilespmem:s0+$0x30] =	vst v9  }
0x1f7: {  	[tilespmem:s0+$0xFFFFFFE0] =	vst v10;
	v10 =	vmul.f32 v16, v19  }
0x1f8: {  	[tilespmem:s0+$0xFFFFFFF0] =	vst v11;
	v11 =	vmul.f32 v46, v49  }
0x1f9: {  	[tilespmem:s0+$0x0] =	vst v10;
	v10 =	vmul.f32 v47, v50  }
0x1fa: {  	[tilespmem:s0+$0x10] =	vst v11  }
0x1fb: {  	s12 =	simm.s32 $0x410;
	s23 =	simm.s32 $0xF0;
	[tilespmem:s0+$0x20] =	vst v10  }
0x1fc: {  	[spmem:s2] =	stream.indirect.scatter.add.f32 [tilespmem:s12], [sflag:$0xC], $0x10, s23, s22, $0xb8;
	[tilespmem:$0x1DE20] =	vst v63  }
0x1fd: {  	s21 =	simm.s32 $0x2E90  }
0x1fe: {  	[spmem:s3] =	stream.indirect.scatter.add.f32 [tilespmem:s21], [sflag:$0xC], $0x80, s23, s22, $0xb8;
	[tilespmem:$0x1DE20] =	vst v63  }
0x1ff: {  	_ =	swait.ge [sflag:s19], $0x280  }
0x200: {  	[sflag:s19] =	ssyncset.done $0x0  }
0x201: {  	[sflag:s19] =	ssyncadd.s32 $0xFFFFFD80  }
0x202: {  	_ =	swait.ge [sflag:s19], $0x1400  }
0x203: {  	s0 =	sld [smem:$0x7F5];
	_ =	sdelay $0x1  }
0x204: {  	p1 =	seq.s32 s24, $0x31  }
0x205: {  	s0 =	sadd.s32 @!p1 s31, s0  }
0x206: {  	[sflag:s19] =	ssyncset.done $0x0;
	s0 =	sshrl.u32 @!p1 s0, $0x3  }
0x207: {  	s23 =	simm.s32 @!p1 $0x0;
	[sflag:s19] =	ssyncadd.s32 $0xFFFFEC00;
	s21 =	sadd.s32 @!p1 s8, s0  }
0x208: {  	[tilespmem:s23], [sflag:$0x1] =	stream.linear.gather @!p1 [hbm4b:s21+s23], $0x28, $0x38;
	[tilespmem:$0x1DE20] =	vst v63  }
0x209: {  	s0 =	sadd.s32 @!p1 s9, s0;
	s21 =	simm.s32 @!p1 $0xC8  }
0x20a: {  	[tilespmem:s21], [sflag:$0x1] =	stream.linear.gather @!p1 [hbm4b:s0+s23], $0x28, $0x38;
	[tilespmem:$0x1DE20] =	vst v63  }
0x20b: {  	_ =	swait.ge [sflag:s30], $0x28  }
0x20c: {  	[sflag:s30] =	ssyncset.done $0x0  }
0x20d: {  	[sflag:s30] =	ssyncadd.s32 $0xFFFFFFD8  }
0x20e: {  	_ =	swait.ge [sflag:s30], $0x28  }
0x20f: {  	[sflag:s30] =	ssyncset.done $0x0  }
0x210: {  	s23 =	simm.s32 $0xB90;
	[sflag:s30] =	ssyncadd.s32 $0xFFFFFFD8  }
0x211: {  	[tilespmem:s23], [sflag:$0xA] =	stream.indirect.gather [hbm4b:s5+s22], $0x10, s26, s22, $0xb8;
	[tilespmem:$0x1DE20] =	vst v63  }
0x212: {  	s12 =	simm.s32 $0x1810  }
0x213: {  	[tilespmem:s12], [sflag:$0xA] =	stream.indirect.gather [hbm4b:s7+s22], $0x10, s4, s22, $0xb8;
	[tilespmem:$0x1DE20] =	vst v63  }
0x214: {  	s21 =	simm.s32 $0x6A90  }
0x215: {  	[tilespmem:s21], [sflag:$0xA] =	stream.indirect.gather [hbm4b:s1+s22], $0x80, s26, s22, $0xb8;
	[tilespmem:$0x1DE20] =	vst v63  }
0x216: {  	_ =	swait.ge [sflag:s6], $0x280  }
0x217: {  	[sflag:s6] =	ssyncset.done $0x0  }
0x218: {  	[sflag:s6] =	ssyncadd.s32 $0xFFFFFD80  }
0x219: {  	_ =	swait.ge [sflag:s6], $0x280  }
0x21a: {  	[sflag:s6] =	ssyncset.done $0x0  }
0x21b: {  	[sflag:s6] =	ssyncadd.s32 $0xFFFFFD80  }
0x21c: {  	_ =	swait.ge [sflag:s6], $0x1400  }
0x21d: {  	[sflag:s6] =	ssyncset.done $0x0  }
0x21e: {  	s23 =	simm.s32 $0x0;
	[sflag:s6] =	ssyncadd.s32 $0xFFFFEC00  }
0x21f: {  	v9 =	vld [tilespmem:s23+$0x1310]  }
0x220: {  	v10 =	vld [tilespmem:s23+$0x690];
	_ =	sdelay $0x4  }
0x221: {  	v9 =	vadd.f32 v9, v10;
	_ =	sdelay $0x1  }
0x222: {  	v10 =	vmul.f32 $2.000000030e-01, v9;
	_ =	sdelay $0x1  }
0x223: {  	v9 =	vmax.f32 v9, v10  }
0x224: {  	v9 =	vmul.f32 $1.442695020e+00, v9;
	_ =	sdelay $0x1  }
0x225: {  	(erf) = vpow2.f32 v9;
	_ =	sdelay $0x8  }
0x226: {  	v9 =	vpop (erf)  }
0x227: {  	s0 =	simm.s32 $0x42D0;
	[tilespmem:s23+$0x690] =	vst v9  }
0x228: {  	v10 =	vld [tilespmem:s0+$0xFFFFFFC0]  }
0x229: {  	v52 =	vperm.xlane v9, v1;
	v11 =	vld [tilespmem:s0+$0xFFFFFFD0]  }
0x22a: {  	v54 =	vperm.xlane v9, v2;
	v56 =	vperm.xlane v9, v3;
	v61 =	vld [tilespmem:s0+$0x30]  }
0x22b: {  	v58 =	vperm.xlane v9, v4;
	v60 =	vperm.xlane v9, v5;
	v51 =	vld [tilespmem:s0+$0xFFFFFFE0]  }
0x22c: {  	v62 =	vperm.xlane v9, v6;
	v63 =	vperm.xlane v9, v7;
	v53 =	vld [tilespmem:s0+$0xFFFFFFF0]  }
0x22d: {  	v9 =	vperm.xlane v9, v8;
	v55 =	vld [tilespmem:s0+$0x0];
	v10 =	vmul.f32 v10, v52  }
0x22e: {  	v57 =	vld [tilespmem:s0+$0x10];
	v11 =	vmul.f32 v11, v54  }
0x22f: {  	v59 =	vld [tilespmem:s0+$0x20];
	v9 =	vmul.f32 v61, v9;
	[tilespmem:s0+$0xFFFFFFC0] =	vst v10  }
0x230: {  	v10 =	vmul.f32 v51, v56;
	[tilespmem:s0+$0xFFFFFFD0] =	vst v11  }
0x231: {  	v11 =	vmul.f32 v53, v58;
	[tilespmem:s0+$0x30] =	vst v9  }
0x232: {  	[tilespmem:s0+$0xFFFFFFE0] =	vst v10;
	v10 =	vmul.f32 v55, v60  }
0x233: {  	[tilespmem:s0+$0xFFFFFFF0] =	vst v11;
	v11 =	vmul.f32 v57, v62  }
0x234: {  	[tilespmem:s0+$0x0] =	vst v10;
	v10 =	vmul.f32 v59, v63  }
0x235: {  	[tilespmem:s0+$0x10] =	vst v11  }
0x236: {  	s23 =	simm.s32 $0x10;
	[tilespmem:s0+$0x20] =	vst v10  }
0x237: {  	s21 =	simm.s32 $0x80;
	v9 =	vld [tilespmem:s23+$0x1310]  }
.LBB2_9:
0x238: {  	p2 =	sne.s32 s21, $0x9C0;
	v10 =	vld [tilespmem:s23+$0x690];
	_ =	sdelay $0x4  }
0x239: {  	v9 =	vadd.f32 v9, v10;
	_ =	sdelay $0x1  }
0x23a: {  	v10 =	vmul.f32 $2.000000030e-01, v9;
	_ =	sdelay $0x1  }
0x23b: {  	v9 =	vmax.f32 v9, v10  }
0x23c: {  	v9 =	vmul.f32 $1.442695020e+00, v9;
	_ =	sdelay $0x1  }
0x23d: {  	(erf) = vpow2.f32 v9;
	_ =	sdelay $0x8  }
0x23e: {  	v9 =	vpop (erf)  }
0x23f: {  	s0 =	sadd.s32 $0x80, s0;
	[tilespmem:s23+$0x690] =	vst v9;
	v10 =	vperm.xlane v9, v2;
	v11 =	vperm.xlane v9, v3  }
0x240: {  	v13 =	vperm.xlane v9, v4;
	v14 =	vperm.xlane v9, v5;
	v12 =	vld [tilespmem:s0+$0xFFFFFFC0]  }
0x241: {  	v16 =	vperm.xlane v9, v6;
	v17 =	vperm.xlane v9, v7;
	v15 =	vld [tilespmem:s0+$0xFFFFFFD0]  }
0x242: {  	v18 =	vperm.xlane v9, v1;
	v9 =	vperm.xlane v9, v8;
	v19 =	vld [tilespmem:s0+$0xFFFFFFE0]  }
0x243: {  	v20 =	vld [tilespmem:s0+$0xFFFFFFF0]  }
0x244: {  	v21 =	vld [tilespmem:s0+$0x0]  }
0x245: {  	v12 =	vmul.f32 v12, v18;
	v18 =	vld [tilespmem:s0+$0x10]  }
0x246: {  	v10 =	vmul.f32 v15, v10;
	v15 =	vld [tilespmem:s0+$0x20]  }
0x247: {  	[tilespmem:s0+$0xFFFFFFC0] =	vst v12;
	v11 =	vmul.f32 v19, v11;
	v12 =	vld [tilespmem:s0+$0x30]  }
0x248: {  	[tilespmem:s0+$0xFFFFFFD0] =	vst v10;
	v10 =	vmul.f32 v20, v13  }
0x249: {  	[tilespmem:s0+$0xFFFFFFE0] =	vst v11;
	v11 =	vmul.f32 v21, v14  }
0x24a: {  	[tilespmem:s0+$0xFFFFFFF0] =	vst v10;
	v10 =	vmul.f32 v18, v16  }
.Ltmp3:
0x24b: {  	[tilespmem:s0+$0x0] =	vst v11;
	v11 =	vmul.f32 v15, v17;
	(pc) =	sbr.rel @p2 .LBB2_9-.Ltmp3, $4  }
0x24c: {  	[tilespmem:s0+$0x10] =	vst v10;
	v9 =	vmul.f32 v12, v9  }
0x24d: {  	[tilespmem:s0+$0x20] =	vst v11  }
0x24e: {  	s23 =	sshra.s32 s21, $0x2;
	[tilespmem:s0+$0x30] =	vst v9  }
0x24f: {  	s21 =	sadd.s32 $0x40, s21;
	v9 =	vld [tilespmem:s23+$0x1310]  }
0x250: {  	v10 =	vld [tilespmem:s23+$0x690];
	_ =	sdelay $0x4  }
0x251: {  	v9 =	vadd.f32 v9, v10;
	_ =	sdelay $0x1  }
0x252: {  	v10 =	vmul.f32 $2.000000030e-01, v9;
	_ =	sdelay $0x1  }
0x253: {  	v9 =	vmax.f32 v9, v10  }
0x254: {  	v9 =	vmul.f32 $1.442695020e+00, v9;
	_ =	sdelay $0x1  }
0x255: {  	(erf) = vpow2.f32 v9;
	_ =	sdelay $0x8  }
0x256: {  	v9 =	vpop (erf)  }
0x257: {  	s0 =	sadd.s32 $0x80, s0;
	[tilespmem:s23+$0x690] =	vst v9  }
0x258: {  	v10 =	vld [tilespmem:s0+$0xFFFFFFC0]  }
0x259: {  	v13 =	vperm.xlane v9, v1;
	v11 =	vld [tilespmem:s0+$0xFFFFFFD0]  }
0x25a: {  	v15 =	vperm.xlane v9, v2;
	v17 =	vperm.xlane v9, v3;
	v48 =	vld [tilespmem:s0+$0x30]  }
0x25b: {  	v18 =	vperm.xlane v9, v4;
	v19 =	vperm.xlane v9, v5;
	v12 =	vld [tilespmem:s0+$0xFFFFFFE0]  }
0x25c: {  	v49 =	vperm.xlane v9, v6;
	v50 =	vperm.xlane v9, v7;
	v14 =	vld [tilespmem:s0+$0xFFFFFFF0]  }
0x25d: {  	v9 =	vperm.xlane v9, v8;
	v16 =	vld [tilespmem:s0+$0x0];
	v10 =	vmul.f32 v10, v13  }
0x25e: {  	v46 =	vld [tilespmem:s0+$0x10];
	v11 =	vmul.f32 v11, v15  }
0x25f: {  	v47 =	vld [tilespmem:s0+$0x20];
	v9 =	vmul.f32 v48, v9;
	[tilespmem:s0+$0xFFFFFFC0] =	vst v10  }
0x260: {  	v10 =	vmul.f32 v12, v17;
	[tilespmem:s0+$0xFFFFFFD0] =	vst v11  }
0x261: {  	v11 =	vmul.f32 v14, v18;
	[tilespmem:s0+$0x30] =	vst v9  }
0x262: {  	[tilespmem:s0+$0xFFFFFFE0] =	vst v10;
	v10 =	vmul.f32 v16, v19  }
0x263: {  	[tilespmem:s0+$0xFFFFFFF0] =	vst v11;
	v11 =	vmul.f32 v46, v49  }
0x264: {  	[tilespmem:s0+$0x0] =	vst v10;
	v10 =	vmul.f32 v47, v50  }
0x265: {  	[tilespmem:s0+$0x10] =	vst v11  }
0x266: {  	s12 =	simm.s32 $0x690;
	[tilespmem:s0+$0x20] =	vst v10  }
0x267: {  	[spmem:s2] =	stream.indirect.scatter.add.f32 [tilespmem:s12], [sflag:$0xD], $0x10, s25, s22, $0xb8;
	[tilespmem:$0x1DE20] =	vst v63  }
0x268: {  	s21 =	simm.s32 $0x4290  }
0x269: {  	[spmem:s3] =	stream.indirect.scatter.add.f32 [tilespmem:s21], [sflag:$0xD], $0x80, s25, s22, $0xb8;
	[tilespmem:$0x1DE20] =	vst v63  }
0x26a: {  	_ =	swait.ge [sflag:s11], $0x280  }
0x26b: {  	[sflag:s11] =	ssyncset.done $0x0  }
0x26c: {  	[sflag:s11] =	ssyncadd.s32 $0xFFFFFD80  }
0x26d: {  	_ =	swait.ge [sflag:s11], $0x1400  }
0x26e: {  	s0 =	sld [smem:$0x7F6];
	_ =	sdelay $0x2  }
0x26f: {  	s0 =	sadd.s32 @!p1 s31, s0  }
0x270: {  	s23 =	simm.s32 @!p1 $0x0;
	[sflag:s11] =	ssyncset.done $0x0;
	s0 =	sshrl.u32 @!p1 s0, $0x3  }
0x271: {  	s12 =	simm.s32 @!p1 $0x28;
	[sflag:s11] =	ssyncadd.s32 $0xFFFFEC00;
	s21 =	sadd.s32 @!p1 s8, s0  }
0x272: {  	[tilespmem:s12], [sflag:$0x2] =	stream.linear.gather @!p1 [hbm4b:s21+s23], $0x28, $0x38;
	[tilespmem:$0x1DE20] =	vst v63  }
0x273: {  	s0 =	sadd.s32 @!p1 s9, s0;
	s21 =	simm.s32 @!p1 $0xF0  }
0x274: {  	[tilespmem:s21], [sflag:$0x2] =	stream.linear.gather @!p1 [hbm4b:s0+s23], $0x28, $0x38;
	[tilespmem:$0x1DE20] =	vst v63  }
0x275: {  	s0 =	simm.s32 @!p1 $0x1  }
0x276: {  	_ =	swait.ge @!p1 [sflag:s0], $0x28  }
0x277: {  	[sflag:s0] =	ssyncset.done @!p1 $0x0  }
0x278: {  	[sflag:s0] =	ssyncadd.s32 @!p1 $0xFFFFFFD8  }
0x279: {  	_ =	swait.ge @!p1 [sflag:s0], $0x28  }
0x27a: {  	[sflag:s0] =	ssyncset.done @!p1 $0x0  }
0x27b: {  	[sflag:s0] =	ssyncadd.s32 @!p1 $0xFFFFFFD8;
	s0 =	simm.s32 @!p1 $0x190  }
0x27c: {  	[tilespmem:s0], [sflag:$0x6] =	stream.indirect.gather @!p1 [hbm4b:s5+s12], $0x10, s23, s12, $0xb8;
	[tilespmem:$0x1DE20] =	vst v63  }
0x27d: {  	s21 =	simm.s32 @!p1 $0xE10;
	s0 =	simm.s32 @!p1 $0xC8  }
0x27e: {  	[tilespmem:s21], [sflag:$0x6] =	stream.indirect.gather @!p1 [hbm4b:s7+s12], $0x10, s0, s12, $0xb8;
	[tilespmem:$0x1DE20] =	vst v63  }
0x27f: {  	s0 =	simm.s32 @!p1 $0x1A90  }
0x280: {  	[tilespmem:s0], [sflag:$0x6] =	stream.indirect.gather @!p1 [hbm4b:s1+s12], $0x80, s23, s12, $0xb8;
	[tilespmem:$0x1DE20] =	vst v63  }
0x281: {  	_ =	swait.ge [sflag:s10], $0x280  }
0x282: {  	[sflag:s10] =	ssyncset.done $0x0  }
0x283: {  	[sflag:s10] =	ssyncadd.s32 $0xFFFFFD80  }
0x284: {  	_ =	swait.ge [sflag:s10], $0x280  }
0x285: {  	[sflag:s10] =	ssyncset.done $0x0  }
0x286: {  	[sflag:s10] =	ssyncadd.s32 $0xFFFFFD80  }
0x287: {  	_ =	swait.ge [sflag:s10], $0x1400  }
0x288: {  	[sflag:s10] =	ssyncset.done $0x0  }
0x289: {  	s23 =	simm.s32 $0x0;
	[sflag:s10] =	ssyncadd.s32 $0xFFFFEC00  }
0x28a: {  	v9 =	vld [tilespmem:s23+$0x1590]  }
0x28b: {  	v10 =	vld [tilespmem:s23+$0x910];
	_ =	sdelay $0x4  }
0x28c: {  	v9 =	vadd.f32 v9, v10;
	_ =	sdelay $0x1  }
0x28d: {  	v10 =	vmul.f32 $2.000000030e-01, v9;
	_ =	sdelay $0x1  }
0x28e: {  	v9 =	vmax.f32 v9, v10  }
0x28f: {  	v9 =	vmul.f32 $1.442695020e+00, v9;
	_ =	sdelay $0x1  }
0x290: {  	(erf) = vpow2.f32 v9;
	_ =	sdelay $0x8  }
0x291: {  	v9 =	vpop (erf)  }
0x292: {  	s0 =	simm.s32 $0x56D0;
	[tilespmem:s23+$0x910] =	vst v9  }
0x293: {  	v10 =	vld [tilespmem:s0+$0xFFFFFFC0]  }
0x294: {  	v52 =	vperm.xlane v9, v1;
	v11 =	vld [tilespmem:s0+$0xFFFFFFD0]  }
0x295: {  	v54 =	vperm.xlane v9, v2;
	v56 =	vperm.xlane v9, v3;
	v61 =	vld [tilespmem:s0+$0x30]  }
0x296: {  	v58 =	vperm.xlane v9, v4;
	v60 =	vperm.xlane v9, v5;
	v51 =	vld [tilespmem:s0+$0xFFFFFFE0]  }
0x297: {  	v62 =	vperm.xlane v9, v6;
	v63 =	vperm.xlane v9, v7;
	v53 =	vld [tilespmem:s0+$0xFFFFFFF0]  }
0x298: {  	v9 =	vperm.xlane v9, v8;
	v55 =	vld [tilespmem:s0+$0x0];
	v10 =	vmul.f32 v10, v52  }
0x299: {  	v57 =	vld [tilespmem:s0+$0x10];
	v11 =	vmul.f32 v11, v54  }
0x29a: {  	v59 =	vld [tilespmem:s0+$0x20];
	v9 =	vmul.f32 v61, v9;
	[tilespmem:s0+$0xFFFFFFC0] =	vst v10  }
0x29b: {  	v10 =	vmul.f32 v51, v56;
	[tilespmem:s0+$0xFFFFFFD0] =	vst v11  }
0x29c: {  	v11 =	vmul.f32 v53, v58;
	[tilespmem:s0+$0x30] =	vst v9  }
0x29d: {  	[tilespmem:s0+$0xFFFFFFE0] =	vst v10;
	v10 =	vmul.f32 v55, v60  }
0x29e: {  	[tilespmem:s0+$0xFFFFFFF0] =	vst v11;
	v11 =	vmul.f32 v57, v62  }
0x29f: {  	[tilespmem:s0+$0x0] =	vst v10;
	v10 =	vmul.f32 v59, v63  }
0x2a0: {  	[tilespmem:s0+$0x10] =	vst v11  }
0x2a1: {  	s23 =	simm.s32 $0x10;
	[tilespmem:s0+$0x20] =	vst v10  }
0x2a2: {  	s21 =	simm.s32 $0x80;
	v9 =	vld [tilespmem:s23+$0x1590]  }
.LBB2_11:
0x2a3: {  	p2 =	sne.s32 s21, $0x9C0;
	v10 =	vld [tilespmem:s23+$0x910];
	_ =	sdelay $0x4  }
0x2a4: {  	v9 =	vadd.f32 v9, v10;
	_ =	sdelay $0x1  }
0x2a5: {  	v10 =	vmul.f32 $2.000000030e-01, v9;
	_ =	sdelay $0x1  }
0x2a6: {  	v9 =	vmax.f32 v9, v10  }
0x2a7: {  	v9 =	vmul.f32 $1.442695020e+00, v9;
	_ =	sdelay $0x1  }
0x2a8: {  	(erf) = vpow2.f32 v9;
	_ =	sdelay $0x8  }
0x2a9: {  	v9 =	vpop (erf)  }
0x2aa: {  	s0 =	sadd.s32 $0x80, s0;
	[tilespmem:s23+$0x910] =	vst v9;
	v10 =	vperm.xlane v9, v2;
	v11 =	vperm.xlane v9, v3  }
0x2ab: {  	v13 =	vperm.xlane v9, v4;
	v14 =	vperm.xlane v9, v5;
	v12 =	vld [tilespmem:s0+$0xFFFFFFC0]  }
0x2ac: {  	v16 =	vperm.xlane v9, v6;
	v17 =	vperm.xlane v9, v7;
	v15 =	vld [tilespmem:s0+$0xFFFFFFD0]  }
0x2ad: {  	v18 =	vperm.xlane v9, v1;
	v9 =	vperm.xlane v9, v8;
	v19 =	vld [tilespmem:s0+$0xFFFFFFE0]  }
0x2ae: {  	v20 =	vld [tilespmem:s0+$0xFFFFFFF0]  }
0x2af: {  	v21 =	vld [tilespmem:s0+$0x0]  }
0x2b0: {  	v12 =	vmul.f32 v12, v18;
	v18 =	vld [tilespmem:s0+$0x10]  }
0x2b1: {  	v10 =	vmul.f32 v15, v10;
	v15 =	vld [tilespmem:s0+$0x20]  }
0x2b2: {  	[tilespmem:s0+$0xFFFFFFC0] =	vst v12;
	v11 =	vmul.f32 v19, v11;
	v12 =	vld [tilespmem:s0+$0x30]  }
0x2b3: {  	[tilespmem:s0+$0xFFFFFFD0] =	vst v10;
	v10 =	vmul.f32 v20, v13  }
0x2b4: {  	[tilespmem:s0+$0xFFFFFFE0] =	vst v11;
	v11 =	vmul.f32 v21, v14  }
0x2b5: {  	[tilespmem:s0+$0xFFFFFFF0] =	vst v10;
	v10 =	vmul.f32 v18, v16  }
.Ltmp4:
0x2b6: {  	[tilespmem:s0+$0x0] =	vst v11;
	v11 =	vmul.f32 v15, v17;
	(pc) =	sbr.rel @p2 .LBB2_11-.Ltmp4, $4  }
0x2b7: {  	[tilespmem:s0+$0x10] =	vst v10;
	v9 =	vmul.f32 v12, v9  }
0x2b8: {  	[tilespmem:s0+$0x20] =	vst v11  }
0x2b9: {  	s23 =	sshra.s32 s21, $0x2;
	[tilespmem:s0+$0x30] =	vst v9  }
0x2ba: {  	s21 =	sadd.s32 $0x40, s21;
	v9 =	vld [tilespmem:s23+$0x1590]  }
0x2bb: {  	v10 =	vld [tilespmem:s23+$0x910];
	_ =	sdelay $0x4  }
0x2bc: {  	v9 =	vadd.f32 v9, v10;
	_ =	sdelay $0x1  }
0x2bd: {  	v10 =	vmul.f32 $2.000000030e-01, v9;
	_ =	sdelay $0x1  }
0x2be: {  	v9 =	vmax.f32 v9, v10  }
0x2bf: {  	v9 =	vmul.f32 $1.442695020e+00, v9;
	_ =	sdelay $0x1  }
0x2c0: {  	(erf) = vpow2.f32 v9;
	_ =	sdelay $0x8  }
0x2c1: {  	v9 =	vpop (erf)  }
0x2c2: {  	s0 =	sadd.s32 $0x80, s0;
	[tilespmem:s23+$0x910] =	vst v9  }
0x2c3: {  	v10 =	vld [tilespmem:s0+$0xFFFFFFC0]  }
0x2c4: {  	v13 =	vperm.xlane v9, v1;
	v11 =	vld [tilespmem:s0+$0xFFFFFFD0]  }
0x2c5: {  	v15 =	vperm.xlane v9, v2;
	v17 =	vperm.xlane v9, v3;
	v48 =	vld [tilespmem:s0+$0x30]  }
0x2c6: {  	v18 =	vperm.xlane v9, v4;
	v19 =	vperm.xlane v9, v5;
	v12 =	vld [tilespmem:s0+$0xFFFFFFE0]  }
0x2c7: {  	v49 =	vperm.xlane v9, v6;
	v50 =	vperm.xlane v9, v7;
	v14 =	vld [tilespmem:s0+$0xFFFFFFF0]  }
0x2c8: {  	v9 =	vperm.xlane v9, v8;
	v16 =	vld [tilespmem:s0+$0x0];
	v10 =	vmul.f32 v10, v13  }
0x2c9: {  	v46 =	vld [tilespmem:s0+$0x10];
	v11 =	vmul.f32 v11, v15  }
0x2ca: {  	v47 =	vld [tilespmem:s0+$0x20];
	v9 =	vmul.f32 v48, v9;
	[tilespmem:s0+$0xFFFFFFC0] =	vst v10  }
0x2cb: {  	v10 =	vmul.f32 v12, v17;
	[tilespmem:s0+$0xFFFFFFD0] =	vst v11  }
0x2cc: {  	v11 =	vmul.f32 v14, v18;
	[tilespmem:s0+$0x30] =	vst v9  }
0x2cd: {  	[tilespmem:s0+$0xFFFFFFE0] =	vst v10;
	v10 =	vmul.f32 v16, v19  }
0x2ce: {  	[tilespmem:s0+$0xFFFFFFF0] =	vst v11;
	v11 =	vmul.f32 v46, v49  }
0x2cf: {  	[tilespmem:s0+$0x0] =	vst v10;
	v10 =	vmul.f32 v47, v50  }
0x2d0: {  	[tilespmem:s0+$0x10] =	vst v11  }
0x2d1: {  	s21 =	simm.s32 $0x910;
	[tilespmem:s0+$0x20] =	vst v10  }
0x2d2: {  	[spmem:s2] =	stream.indirect.scatter.add.f32 [tilespmem:s21], [sflag:$0xE], $0x10, s14, s22, $0xb8;
	[tilespmem:$0x1DE20] =	vst v63  }
0x2d3: {  	s23 =	simm.s32 $0x5690  }
0x2d4: {  	[spmem:s3] =	stream.indirect.scatter.add.f32 [tilespmem:s23], [sflag:$0xE], $0x80, s14, s22, $0xb8;
	[tilespmem:$0x1DE20] =	vst v63  }
0x2d5: {  	_ =	swait.ge [sflag:s17], $0x280  }
0x2d6: {  	[sflag:s17] =	ssyncset.done $0x0  }
0x2d7: {  	[sflag:s17] =	ssyncadd.s32 $0xFFFFFD80  }
0x2d8: {  	_ =	swait.ge [sflag:s17], $0x1400  }
0x2d9: {  	s0 =	sld [smem:$0x7F7];
	_ =	sdelay $0x2  }
0x2da: {  	s0 =	sadd.s32 @!p1 s31, s0  }
0x2db: {  	s21 =	simm.s32 @!p1 $0x0;
	[sflag:s17] =	ssyncset.done $0x0;
	s0 =	sshrl.u32 @!p1 s0, $0x3  }
0x2dc: {  	s23 =	simm.s32 @!p1 $0x50;
	[sflag:s17] =	ssyncadd.s32 $0xFFFFEC00;
	s12 =	sadd.s32 @!p1 s8, s0  }
0x2dd: {  	[tilespmem:s23], [sflag:$0x3] =	stream.linear.gather @!p1 [hbm4b:s12+s21], $0x28, $0x38;
	[tilespmem:$0x1DE20] =	vst v63  }
0x2de: {  	s0 =	sadd.s32 @!p1 s9, s0;
	s12 =	simm.s32 @!p1 $0x118  }
0x2df: {  	[tilespmem:s12], [sflag:$0x3] =	stream.linear.gather @!p1 [hbm4b:s0+s21], $0x28, $0x38;
	[tilespmem:$0x1DE20] =	vst v63  }
0x2e0: {  	s0 =	simm.s32 @!p1 $0x2  }
0x2e1: {  	_ =	swait.ge @!p1 [sflag:s0], $0x28  }
0x2e2: {  	[sflag:s0] =	ssyncset.done @!p1 $0x0  }
0x2e3: {  	[sflag:s0] =	ssyncadd.s32 @!p1 $0xFFFFFFD8  }
0x2e4: {  	_ =	swait.ge @!p1 [sflag:s0], $0x28  }
0x2e5: {  	[sflag:s0] =	ssyncset.done @!p1 $0x0  }
0x2e6: {  	s12 =	simm.s32 @!p1 $0x410;
	[sflag:s0] =	ssyncadd.s32 @!p1 $0xFFFFFFD8;
	s0 =	simm.s32 @!p1 $0x28  }
0x2e7: {  	[tilespmem:s12], [sflag:$0x7] =	stream.indirect.gather @!p1 [hbm4b:s5+s0], $0x10, s0, s0, $0xb8;
	[tilespmem:$0x1DE20] =	vst v63  }
0x2e8: {  	s21 =	simm.s32 @!p1 $0x1090;
	s12 =	simm.s32 @!p1 $0xF0  }
0x2e9: {  	[tilespmem:s21], [sflag:$0x7] =	stream.indirect.gather @!p1 [hbm4b:s7+s0], $0x10, s12, s0, $0xb8;
	[tilespmem:$0x1DE20] =	vst v63  }
0x2ea: {  	s12 =	simm.s32 @!p1 $0x2E90  }
0x2eb: {  	[tilespmem:s12], [sflag:$0x7] =	stream.indirect.gather @!p1 [hbm4b:s1+s0], $0x80, s0, s0, $0xb8;
	[tilespmem:$0x1DE20] =	vst v63  }
0x2ec: {  	_ =	swait.ge [sflag:s28], $0x280  }
0x2ed: {  	[sflag:s28] =	ssyncset.done $0x0  }
0x2ee: {  	[sflag:s28] =	ssyncadd.s32 $0xFFFFFD80  }
0x2ef: {  	_ =	swait.ge [sflag:s28], $0x280  }
0x2f0: {  	[sflag:s28] =	ssyncset.done $0x0  }
0x2f1: {  	[sflag:s28] =	ssyncadd.s32 $0xFFFFFD80  }
0x2f2: {  	_ =	swait.ge [sflag:s28], $0x1400  }
0x2f3: {  	[sflag:s28] =	ssyncset.done $0x0  }
0x2f4: {  	s31 =	simm.s32 $0x0;
	[sflag:s28] =	ssyncadd.s32 $0xFFFFEC00  }
0x2f5: {  	v9 =	vld [tilespmem:s31+$0x1810]  }
0x2f6: {  	v10 =	vld [tilespmem:s31+$0xB90];
	_ =	sdelay $0x4  }
0x2f7: {  	v9 =	vadd.f32 v9, v10;
	_ =	sdelay $0x1  }
0x2f8: {  	v10 =	vmul.f32 $2.000000030e-01, v9;
	_ =	sdelay $0x1  }
0x2f9: {  	v9 =	vmax.f32 v9, v10  }
0x2fa: {  	v9 =	vmul.f32 $1.442695020e+00, v9;
	_ =	sdelay $0x1  }
0x2fb: {  	(erf) = vpow2.f32 v9;
	_ =	sdelay $0x8  }
0x2fc: {  	v9 =	vpop (erf)  }
0x2fd: {  	s0 =	simm.s32 $0x6AD0;
	[tilespmem:s31+$0xB90] =	vst v9  }
0x2fe: {  	v10 =	vld [tilespmem:s0+$0xFFFFFFC0]  }
0x2ff: {  	v52 =	vperm.xlane v9, v1;
	v11 =	vld [tilespmem:s0+$0xFFFFFFD0]  }
0x300: {  	v54 =	vperm.xlane v9, v2;
	v56 =	vperm.xlane v9, v3;
	v61 =	vld [tilespmem:s0+$0x30]  }
0x301: {  	v58 =	vperm.xlane v9, v4;
	v60 =	vperm.xlane v9, v5;
	v51 =	vld [tilespmem:s0+$0xFFFFFFE0]  }
0x302: {  	v62 =	vperm.xlane v9, v6;
	v63 =	vperm.xlane v9, v7;
	v53 =	vld [tilespmem:s0+$0xFFFFFFF0]  }
0x303: {  	v9 =	vperm.xlane v9, v8;
	v55 =	vld [tilespmem:s0+$0x0];
	v10 =	vmul.f32 v10, v52  }
0x304: {  	v57 =	vld [tilespmem:s0+$0x10];
	v11 =	vmul.f32 v11, v54  }
0x305: {  	v59 =	vld [tilespmem:s0+$0x20];
	v9 =	vmul.f32 v61, v9;
	[tilespmem:s0+$0xFFFFFFC0] =	vst v10  }
0x306: {  	v10 =	vmul.f32 v51, v56;
	[tilespmem:s0+$0xFFFFFFD0] =	vst v11  }
0x307: {  	v11 =	vmul.f32 v53, v58;
	[tilespmem:s0+$0x30] =	vst v9  }
0x308: {  	[tilespmem:s0+$0xFFFFFFE0] =	vst v10;
	v10 =	vmul.f32 v55, v60  }
0x309: {  	[tilespmem:s0+$0xFFFFFFF0] =	vst v11;
	v11 =	vmul.f32 v57, v62  }
0x30a: {  	[tilespmem:s0+$0x0] =	vst v10;
	v10 =	vmul.f32 v59, v63  }
0x30b: {  	[tilespmem:s0+$0x10] =	vst v11  }
0x30c: {  	s23 =	simm.s32 $0x10;
	[tilespmem:s0+$0x20] =	vst v10  }
0x30d: {  	s21 =	simm.s32 $0x80;
	v9 =	vld [tilespmem:s23+$0x1810]  }
.LBB2_13:
0x30e: {  	p1 =	sne.s32 s21, $0x9C0;
	v10 =	vld [tilespmem:s23+$0xB90];
	_ =	sdelay $0x4  }
0x30f: {  	v9 =	vadd.f32 v9, v10;
	_ =	sdelay $0x1  }
0x310: {  	v10 =	vmul.f32 $2.000000030e-01, v9;
	_ =	sdelay $0x1  }
0x311: {  	v9 =	vmax.f32 v9, v10  }
0x312: {  	v9 =	vmul.f32 $1.442695020e+00, v9;
	_ =	sdelay $0x1  }
0x313: {  	(erf) = vpow2.f32 v9;
	_ =	sdelay $0x8  }
0x314: {  	v9 =	vpop (erf)  }
0x315: {  	s0 =	sadd.s32 $0x80, s0;
	[tilespmem:s23+$0xB90] =	vst v9;
	v10 =	vperm.xlane v9, v2;
	v11 =	vperm.xlane v9, v3  }
0x316: {  	v13 =	vperm.xlane v9, v4;
	v14 =	vperm.xlane v9, v5;
	v12 =	vld [tilespmem:s0+$0xFFFFFFC0]  }
0x317: {  	v16 =	vperm.xlane v9, v6;
	v17 =	vperm.xlane v9, v7;
	v15 =	vld [tilespmem:s0+$0xFFFFFFD0]  }
0x318: {  	v18 =	vperm.xlane v9, v1;
	v9 =	vperm.xlane v9, v8;
	v19 =	vld [tilespmem:s0+$0xFFFFFFE0]  }
0x319: {  	v20 =	vld [tilespmem:s0+$0xFFFFFFF0]  }
0x31a: {  	v21 =	vld [tilespmem:s0+$0x0]  }
0x31b: {  	v12 =	vmul.f32 v12, v18;
	v18 =	vld [tilespmem:s0+$0x10]  }
0x31c: {  	v10 =	vmul.f32 v15, v10;
	v15 =	vld [tilespmem:s0+$0x20]  }
0x31d: {  	[tilespmem:s0+$0xFFFFFFC0] =	vst v12;
	v11 =	vmul.f32 v19, v11;
	v12 =	vld [tilespmem:s0+$0x30]  }
0x31e: {  	[tilespmem:s0+$0xFFFFFFD0] =	vst v10;
	v10 =	vmul.f32 v20, v13  }
0x31f: {  	[tilespmem:s0+$0xFFFFFFE0] =	vst v11;
	v11 =	vmul.f32 v21, v14  }
0x320: {  	[tilespmem:s0+$0xFFFFFFF0] =	vst v10;
	v10 =	vmul.f32 v18, v16  }
.Ltmp5:
0x321: {  	[tilespmem:s0+$0x0] =	vst v11;
	v11 =	vmul.f32 v15, v17;
	(pc) =	sbr.rel @p1 .LBB2_13-.Ltmp5, $4  }
0x322: {  	[tilespmem:s0+$0x10] =	vst v10;
	v9 =	vmul.f32 v12, v9  }
0x323: {  	[tilespmem:s0+$0x20] =	vst v11  }
0x324: {  	s23 =	sshra.s32 s21, $0x2;
	[tilespmem:s0+$0x30] =	vst v9  }
0x325: {  	s21 =	sadd.s32 $0x40, s21;
	v9 =	vld [tilespmem:s23+$0x1810]  }
0x326: {  	v10 =	vld [tilespmem:s23+$0xB90];
	_ =	sdelay $0x4  }
0x327: {  	v9 =	vadd.f32 v9, v10;
	_ =	sdelay $0x1  }
0x328: {  	v10 =	vmul.f32 $2.000000030e-01, v9;
	_ =	sdelay $0x1  }
0x329: {  	v9 =	vmax.f32 v9, v10  }
0x32a: {  	v9 =	vmul.f32 $1.442695020e+00, v9;
	_ =	sdelay $0x1  }
0x32b: {  	(erf) = vpow2.f32 v9;
	_ =	sdelay $0x8  }
0x32c: {  	v9 =	vpop (erf)  }
0x32d: {  	s0 =	sadd.s32 $0x80, s0;
	[tilespmem:s23+$0xB90] =	vst v9  }
0x32e: {  	v10 =	vld [tilespmem:s0+$0xFFFFFFC0]  }
0x32f: {  	v13 =	vperm.xlane v9, v1;
	v11 =	vld [tilespmem:s0+$0xFFFFFFD0]  }
0x330: {  	v15 =	vperm.xlane v9, v2;
	v17 =	vperm.xlane v9, v3;
	v61 =	vld [tilespmem:s0+$0x30]  }
0x331: {  	v18 =	vperm.xlane v9, v4;
	v19 =	vperm.xlane v9, v5;
	v12 =	vld [tilespmem:s0+$0xFFFFFFE0]  }
0x332: {  	v62 =	vperm.xlane v9, v6;
	v63 =	vperm.xlane v9, v7;
	v14 =	vld [tilespmem:s0+$0xFFFFFFF0]  }
0x333: {  	v9 =	vperm.xlane v9, v8;
	v16 =	vld [tilespmem:s0+$0x0];
	v10 =	vmul.f32 v10, v13  }
0x334: {  	v59 =	vld [tilespmem:s0+$0x10];
	v11 =	vmul.f32 v11, v15  }
0x335: {  	v60 =	vld [tilespmem:s0+$0x20];
	v9 =	vmul.f32 v61, v9;
	[tilespmem:s0+$0xFFFFFFC0] =	vst v10  }
0x336: {  	v10 =	vmul.f32 v12, v17;
	[tilespmem:s0+$0xFFFFFFD0] =	vst v11  }
0x337: {  	v11 =	vmul.f32 v14, v18;
	[tilespmem:s0+$0x30] =	vst v9  }
0x338: {  	[tilespmem:s0+$0xFFFFFFE0] =	vst v10;
	v10 =	vmul.f32 v16, v19  }
0x339: {  	s24 =	sadd.s32 $0x1, s24;
	[tilespmem:s0+$0xFFFFFFF0] =	vst v11;
	v11 =	vmul.f32 v59, v62  }
0x33a: {  	p1 =	sne.s32 s24, $0x32;
	[tilespmem:s0+$0x0] =	vst v10;
	v10 =	vmul.f32 v60, v63  }
.Ltmp6:
0x33b: {  	[tilespmem:s0+$0x10] =	vst v11;
	(pc) =	sbr.rel @p1 .LBB2_4-.Ltmp6, $4  }
0x33c: {  	s23 =	simm.s32 $0xB90;
	[tilespmem:s0+$0x20] =	vst v10  }
0x33d: {  	[spmem:s2] =	stream.indirect.scatter.add.f32 [tilespmem:s23], [sflag:$0xF], $0x10, s4, s22, $0xb8;
	[tilespmem:$0x1DE20] =	vst v63  }
0x33e: {  	s31 =	simm.s32 $0x6A90  }
0x33f: {  	[spmem:s3] =	stream.indirect.scatter.add.f32 [tilespmem:s31], [sflag:$0xF], $0x80, s4, s22, $0xb8;
	[tilespmem:$0x1DE20] =	vst v63  }
0x340: {  	s0 =	simm.s32 $0xE  }
0x341: {  	_ =	swait.ge [sflag:s0], $0x280  }
0x342: {  	[sflag:s0] =	ssyncset.done $0x0  }
0x343: {  	[sflag:s0] =	ssyncadd.s32 $0xFFFFFD80  }
0x344: {  	_ =	swait.ge [sflag:s0], $0x1400  }
0x345: {  	[sflag:s0] =	ssyncset.done $0x0  }
0x346: {  	s12 =	simm.s32 $0xF;
	[sflag:s0] =	ssyncadd.s32 $0xFFFFEC00  }
0x347: {  	_ =	swait.ge [sflag:s12], $0x280  }
0x348: {  	[sflag:s12] =	ssyncset.done $0x0  }
0x349: {  	[sflag:s12] =	ssyncadd.s32 $0xFFFFFD80  }
0x34a: {  	_ =	swait.ge [sflag:s12], $0x1400  }
0x34b: {  	[sflag:s12] =	ssyncset.done $0x0  }
0x34c: {  	[sflag:s12] =	ssyncadd.s32 $0xFFFFEC00  }
0x34d: {  	s13 =	stileid.u32;
	[bflag:$0x0] =	sbarrier.arrive $0xFFFF  }
0x34e: {  	s0 =	sshll.u32 s13, $0x6;
	s12 =	rddreg [dreg:$0x6]  }
0x34f: {  	s0 =	sor.u32 $0x1C10, s0;
	s21 =	rddreg [dreg:$0x9];
	s12 =	sshrl.u32 s12, $0x3  }
0x350: {  	[hbm:s21], [sflag:s0] =	dma.local [spmem:s12], $0x4E0  }
0x351: {  	s21 =	simm.s32 $0x10  }
0x352: {  	_ =	swait.ge [sflag:s21], $0x4E0  }
0x353: {  	[sflag:s21] =	ssyncset.done $0x0;
	s23 =	rddreg [dreg:$0x18]  }
0x354: {  	[sflag:s21] =	ssyncadd.s32 $0xFFFFFB20;
	s12 =	sshrl.u32 @p0 s23, $0x3;
	s21 =	rddreg [dreg:$0xb]  }
0x355: {  	[hbm:s21], [sflag:s0] =	dma.local @p0 [spmem:s12], $0x2700  }
0x356: {  	s12 =	simm.s32 @p0 $0x10  }
0x357: {  	_ =	swait.ge @p0 [sflag:s12], $0x2700  }
0x358: {  	s24 =	sld [smem:$0x7FD]  }
0x359: {  	s21 =	sld [smem:$0x7F8]  }
0x35a: {  	[sflag:s12] =	ssyncset.done @p0 $0x0  }
0x35b: {  	[sflag:s12] =	ssyncadd.s32 @p0 $0xFFFFD900;
	s12 =	sshrl.u32 @!p0 s24, $0x3  }
0x35c: {  	[hbm:s21], [sflag:s0] =	dma.local @!p0 [spmem:s12], $0x20  }
0x35d: {  	s12 =	simm.s32 @!p0 $0x10  }
0x35e: {  	_ =	swait.ge @!p0 [sflag:s12], $0x20  }
0x35f: {  	s21 =	sshrl.u32 @!p0 s23, $0x3;
	s23 =	sld [smem:$0x7F9]  }
0x360: {  	[sflag:s12] =	ssyncset.done @!p0 $0x0  }
0x361: {  	[sflag:s12] =	ssyncadd.s32 @!p0 $0xFFFFFFE0  }
0x362: {  	[hbm:s23], [sflag:s0] =	dma.local @!p0 [spmem:s21], $0x2700  }
0x363: {  	_ =	swait.ge @!p0 [sflag:s12], $0x2700  }
0x364: {  	s21 =	sld [smem:$0x7FC]  }
0x365: {  	s23 =	sld [smem:$0x7FA]  }
0x366: {  	[sflag:s12] =	ssyncset.done @!p0 $0x0  }
0x367: {  	[sflag:s12] =	ssyncadd.s32 @!p0 $0xFFFFD900;
	s21 =	sshrl.u32 @!p0 s21, $0x3  }
0x368: {  	[hbm:s23], [sflag:s0] =	dma.local @!p0 [spmem:s21], $0x100  }
0x369: {  	_ =	swait.ge @!p0 [sflag:s12], $0x100  }
0x36a: {  	s23 =	sld [smem:$0x7FB]  }
0x36b: {  	s31 =	rddreg [dreg:$0x5]  }
0x36c: {  	s31 =	sadd.s32 $0x1, s31  }
0x36d: {  	p1 =	sne.s32 s31, s23  }
.Ltmp7:
0x36e: {  	_ = 	snop;
	(pc) =	sbr.rel @p1 .LBB2_1-.Ltmp7, $3  }
0x36f: {  	_ =	sdelay $0x1  }
0x370: {  	[sflag:s12] =	ssyncset.done @!p0 $0x0  }
0x371: {  	[sflag:s12] =	ssyncadd.s32 @!p0 $0xFFFFFF00  }
0x372: {  	_ =	sfence.sel $0x180000  }
0x373: {  	[bflag:$0x0] =	sbarrier.arrive $0xFFFF  }
0x374: {  	_ =	strace $0x90000047  }
0x375: {  	s0 =	stileid.u32;
	[bflag:$0x2] =	sbarrier.arrive $0xFFFF  }
0x376: {  	p0 =	sne.s32 s0, $0x0;
	s0 =	rddreg [dreg:$0x4]  }
0x377: {  	s0 =	sadd.s32 @!p0 $0x100000, s0  }
0x378: {  	[sflag:s0] =	ssyncadd.tile.s32 @!p0 $0x1;
	_ =	shalt  }
.Lfunc_end2:
_tile_overlayer_lowered:
.L_overlay_start_2:
0x379: {  	(tag) =	ssettag $0x2  }
0x37a: {  	s0 =	rddreg [dreg:$0x0];
	s2 =	stileid.u32  }
0x37b: {  	s1 =	rddreg [dreg:$0x1];
	p0 =	sne.s32 s2, $0x0  }
0x37c: {  	s3 =	rddreg [dreg:$0x2];
	[bflag:$0x3] =	sbarrier.arrive $0xFFFF;
	s2 =	simm.s32 @!p0 $0x1C10  }
0x37d: {  	[timem:s3], [sflag:s2] =	dma.local @!p0 [hbm:s0], s1  }
0x37e: {  	s0 =	simm.s32 @!p0 $0x10  }
0x37f: {  	_ =	swait.ge @!p0 [sflag:s0], s1  }
0x380: {  	s1 =	ssub.s32 @!p0 $0x0, s1;
	[sflag:s0] =	ssyncset.done @!p0 $0x0  }
0x381: {  	[sflag:s0] =	ssyncadd.s32 @!p0 s1  }
0x382: {  	[bflag:$0x3] =	sbarrier.arrive $0xFFFF  }
0x383: {  	_ =	shalt  }

</sc_bundles>
